<compile_context>
chip_gen: v7x
topology: tpu7x:2x2x1
jax: 0.10.2.dev20260603
libtpu: 0.0.44.dev20260713+nightly
codegen_flags: <defaults>
</compile_context>

<pallas_src>
import jax
import jax.numpy as jnp
from jax import lax
from jax.experimental import pallas as pl
from jax.experimental.pallas import tpu as pltpu
from jax.experimental.pallas import tpu_sc as plsc

_NC, _NS = 2, 16
_NW = _NC * _NS
_L = 16
_CB = 4


def _sc_lookup(table, x, b, s, v, d):
    bpw = b // _NW
    ipw = bpw * s
    nchunk = bpw // _CB
    mesh = plsc.VectorSubcoreMesh(
        core_axis_name="core", subcore_axis_name="subcore"
    )

    @pl.kernel(
        out_type=jax.ShapeDtypeStruct((b, s, d), jnp.float32),
        mesh=mesh,
        compiler_params=pltpu.CompilerParams(
            use_tc_tiling_on_sc=True, needs_layout_passes=True
        ),
        scratch_types=[
            pltpu.VMEM((v * d,), jnp.float32),
            pltpu.VMEM((bpw, s), jnp.int32),
            pltpu.VMEM((_CB, s, d), jnp.float32),
            pltpu.VMEM((_CB, s, d), jnp.float32),
            pltpu.SemaphoreType.DMA,
            pltpu.SemaphoreType.DMA,
        ],
    )
    def k(t_hbm, i_hbm, o_hbm, tab_v, idx_v, rows0, rows1, sem0, sem1):
        wid = lax.axis_index("subcore") * _NC + lax.axis_index("core")
        base_b = wid * bpw
        pltpu.sync_copy(t_hbm, tab_v)
        pltpu.sync_copy(i_hbm.at[pl.ds(base_b, bpw)], idx_v)

        rows = (rows0, rows1)
        sems = (sem0, sem1)

        def do_chunk(kc, buf):
            rb, sb = rows[buf], sems[buf]

            @pl.when(kc >= 2)
            def _():
                pltpu.make_async_copy(
                    rb, o_hbm.at[pl.ds(0, _CB)], sb
                ).wait()

            @plsc.parallel_loop(0, _CB, unroll=2)
            def _(g):
                ro = kc * _CB + g
                for g3 in range(s // _L):
                    idxv = idx_v[ro, pl.ds(g3 * _L, _L)] * d
                    for jj in range(_L):
                        a = idxv[jj]
                        sc = g3 * _L + jj
                        rb[g, sc, pl.ds(0, _L)] = tab_v[pl.ds(a, _L)]
                        rb[g, sc, pl.ds(_L, _L)] = tab_v[pl.ds(a + _L, _L)]
                rem = s % _L
                if rem:
                    idxv = idx_v[ro, pl.ds(s - _L, _L)] * d
                    for jj in range(_L - rem, _L):
                        a = idxv[jj]
                        sc = s - _L + jj
                        rb[g, sc, pl.ds(0, _L)] = tab_v[pl.ds(a, _L)]
                        rb[g, sc, pl.ds(_L, _L)] = tab_v[pl.ds(a + _L, _L)]

            pltpu.async_copy(
                rb, o_hbm.at[pl.ds(base_b + kc * _CB, _CB)], sb
            )

        @pl.loop(0, nchunk, step=2)
        def _(kc):
            do_chunk(kc, 0)
            do_chunk(kc + 1, 1)

        pltpu.make_async_copy(rows0, o_hbm.at[pl.ds(0, _CB)], sem0).wait()
        pltpu.make_async_copy(rows1, o_hbm.at[pl.ds(0, _CB)], sem1).wait()

    return k(table, x)


def kernel(x, table):
    b, s = x.shape
    v, d = table.shape
    return _sc_lookup(table.reshape(v * d), x, b, s, v, d)

# --- scband reference (transcript-rebuilt; emitter-appended) ---
"""Pipeline reference for scband-tcrembedding-87290915324571 (READ-ONLY COPY).

The authoritative reference and input builder live on the scoring server;
editing this copy changes nothing except your own understanding.
"""

import jax, jax.numpy as jnp
import numpy as np

VOCAB = 22
EMBED_DIM = 32
BATCH = 16384
SEQ_LEN = 50


def setup_inputs(seed: int = 0) -> dict:
    key = jax.random.key(seed)
    k1, k2 = jax.random.split(key)
    x = jax.random.randint(k1, (BATCH, SEQ_LEN), 0, VOCAB, dtype=jnp.int32)
    table = jax.random.normal(k2, (VOCAB, EMBED_DIM), dtype=jnp.float32)
    # padding_idx=0 -> row 0 is zeros, matching nn.Embedding(padding_idx=0)
    table = table.at[0].set(0.0)
    return {"x": x, "table": table}


def reference(x, table):
    # enforce padding row = 0 (faithful to padding_idx=0)
    t = table.at[0].set(0.0)
    return jnp.take(t, x, axis=0)

if __name__ == "__main__":
    import jax
    _d = setup_inputs()
    print(jax.jit(kernel)(*tuple(_d.values())))

</pallas_src>

<mosaic_0001>
#map = affine_map<(d0, d1) -> (0)>
#map1 = affine_map<(d0, d1) -> (0, 0)>
#map2 = affine_map<(d0, d1) -> (0, 0, 0)>
module attributes {stable_mosaic.version = 14 : i64} {
  func.func @k(%arg0: i32, %arg1: i32, %arg2: memref<704xf32, #tpu.memory_space<hbm>>, %arg3: memref<16384x50xi32, #tpu.memory_space<hbm>>, %arg4: memref<16384x50x32xf32, #tpu.memory_space<hbm>>, %arg5: memref<704xf32, #tpu.memory_space<vmem>>, %arg6: memref<512x50xi32, #tpu.memory_space<vmem>>, %arg7: memref<4x50x32xf32, #tpu.memory_space<vmem>>, %arg8: memref<4x50x32xf32, #tpu.memory_space<vmem>>, %arg9: memref<!tpu.dma_semaphore, #tpu.memory_space<semaphore_mem>>, %arg10: memref<!tpu.dma_semaphore, #tpu.memory_space<semaphore_mem>>) attributes {dimension_semantics = [#tpu.dimension_semantics<core_parallel>, #tpu.dimension_semantics<subcore_parallel>], iteration_bounds = array<i64: 2, 16>, scalar_prefetch = 0 : i64, scratch_operands = 6 : i64, tpu.core_type = #tpu.core_type<sc_vector_subcore>, window_params = [{transform_indices = #map}, {transform_indices = #map1}, {transform_indices = #map2}]} {
    %mul3A = arith.constant 2 : i32
    %mul3A_0 = arith.muli %arg1, %mul3A : i32
    %add3A = arith.addi %mul3A_0, %arg0 : i32
    %mul3A_1 = arith.constant 512 : i32
    %mul3A_2 = arith.muli %add3A, %mul3A_1 : i32
    "tpu.region"() ({
      %run_scoped3A = tpu.sem_alloc : memref<!tpu.dma_semaphore, #tpu.memory_space<semaphore_mem>>
      tpu.enqueue_dma source(%arg2 : memref<704xf32, #tpu.memory_space<hbm>>) target(%arg5 : memref<704xf32, #tpu.memory_space<vmem>>) target_semaphore(%run_scoped3A : memref<!tpu.dma_semaphore, #tpu.memory_space<semaphore_mem>>)
      tpu.wait_dma2 semaphore(%run_scoped3A : memref<!tpu.dma_semaphore, #tpu.memory_space<semaphore_mem>>) src(%arg2 : memref<704xf32, #tpu.memory_space<hbm>>) dst(%arg5 : memref<704xf32, #tpu.memory_space<vmem>>)
      tpu.yield
    }) : () -> ()
    "tpu.region"() ({
      %run_scoped3A = tpu.sem_alloc : memref<!tpu.dma_semaphore, #tpu.memory_space<semaphore_mem>>
      %dma_start3A = arith.constant 0 : i32
      %dma_start3A_22 = tpu.memref_slice %arg3[%mul3A_2, %dma_start3A] : memref<16384x50xi32, #tpu.memory_space<hbm>> -> memref<512x50xi32, #tpu.memory_space<hbm>>
      %dma_start3A_23 = arith.constant 0 : i32
      %dma_start3A_24 = tpu.memref_slice %arg3[%mul3A_2, %dma_start3A_23] : memref<16384x50xi32, #tpu.memory_space<hbm>> -> memref<512x50xi32, #tpu.memory_space<hbm>>
      tpu.enqueue_dma source(%dma_start3A_24 : memref<512x50xi32, #tpu.memory_space<hbm>>) target(%arg6 : memref<512x50xi32, #tpu.memory_space<vmem>>) target_semaphore(%run_scoped3A : memref<!tpu.dma_semaphore, #tpu.memory_space<semaphore_mem>>)
      %dma_wait3A_25 = arith.constant 0 : i32
      %dma_wait3A_26 = tpu.memref_slice %arg3[%mul3A_2, %dma_wait3A_25] : memref<16384x50xi32, #tpu.memory_space<hbm>> -> memref<512x50xi32, #tpu.memory_space<hbm>>
      %dma_wait3A_27 = arith.constant 0 : i32
      %dma_wait3A_28 = tpu.memref_slice %arg3[%mul3A_2, %dma_wait3A_27] : memref<16384x50xi32, #tpu.memory_space<hbm>> -> memref<512x50xi32, #tpu.memory_space<hbm>>
      tpu.wait_dma2 semaphore(%run_scoped3A : memref<!tpu.dma_semaphore, #tpu.memory_space<semaphore_mem>>) src(%dma_wait3A_28 : memref<512x50xi32, #tpu.memory_space<hbm>>) dst(%arg6 : memref<512x50xi32, #tpu.memory_space<vmem>>)
      tpu.yield
    }) : () -> ()
    %scan3A = arith.constant 0 : i32
    %scan3A_3 = arith.constant 64 : i32
    %scan3A_4 = arith.addi %scan3A, %scan3A_3 : i32
    %scan3A_5 = arith.constant 1 : i32
    scf.for %scan3A_22 = %scan3A to %scan3A_4 step %scan3A_5  : i32 {
      %mul3A_23 = arith.constant 2 : i32
      %mul3A_24 = arith.muli %scan3A_22, %mul3A_23 : i32
      %add3A_25 = arith.constant 0 : i32
      %add3A_26 = arith.addi %add3A_25, %mul3A_24 : i32
      %ge3A = arith.constant 2 : i32
      %ge3A_27 = arith.cmpi sge, %add3A_26, %ge3A : i32
      %convert_element_type3A = arith.extui %ge3A_27 : i1 to i32
      %cond3A = arith.constant 0 : i32
      %cond3A_28 = arith.cmpi ne, %convert_element_type3A, %cond3A : i32
      scf.if %cond3A_28 {
        %dma_wait3A_58 = arith.constant 0 : i32
        %dma_wait3A_59 = arith.constant 0 : i32
        %dma_wait3A_60 = arith.constant 0 : i32
        %dma_wait3A_61 = tpu.memref_slice %arg4[%dma_wait3A_58, %dma_wait3A_59, %dma_wait3A_60] : memref<16384x50x32xf32, #tpu.memory_space<hbm>> -> memref<4x50x32xf32, #tpu.memory_space<hbm>>
        %dma_wait3A_62 = arith.constant 0 : i32
        %dma_wait3A_63 = arith.constant 0 : i32
        %dma_wait3A_64 = arith.constant 0 : i32
        %dma_wait3A_65 = tpu.memref_slice %arg4[%dma_wait3A_62, %dma_wait3A_63, %dma_wait3A_64] : memref<16384x50x32xf32, #tpu.memory_space<hbm>> -> memref<4x50x32xf32, #tpu.memory_space<hbm>>
        tpu.wait_dma2 semaphore(%arg9 : memref<!tpu.dma_semaphore, #tpu.memory_space<semaphore_mem>>) src(%arg7 : memref<4x50x32xf32, #tpu.memory_space<vmem>>) dst(%dma_wait3A_65 : memref<4x50x32xf32, #tpu.memory_space<hbm>>)
      } else {
      }
      %parallel_loop3A = arith.constant 0 : i32
      %parallel_loop3A_29 = arith.constant 4 : i32
      %parallel_loop3A_30 = arith.constant 1 : i32
      scf.for %parallel_loop3A_58 = %parallel_loop3A to %parallel_loop3A_29 step %parallel_loop3A_30  : i32 {
        %parallel_loop3A_59 = arith.constant 4 : i32
        %parallel_loop3A_60 = arith.muli %add3A_26, %parallel_loop3A_59 : i32
        %parallel_loop3A_61 = arith.addi %parallel_loop3A_60, %parallel_loop3A_58 : i32
        %parallel_loop3A_62 = arith.index_cast %parallel_loop3A_61 : i32 to index
        %parallel_loop3A_63 = arith.constant 0 : index
        %parallel_loop3A_64 = tpu.vector_load %arg6[%parallel_loop3A_62, %parallel_loop3A_63] {strides = array<i32>} : memref<512x50xi32, #tpu.memory_space<vmem>>, vector<1x16xi32>,
        %parallel_loop3A_65 = vector.shape_cast %parallel_loop3A_64 : vector<1x16xi32> to vector<16xi32>
        %parallel_loop3A_66 = arith.constant 32 : i32
        %parallel_loop3A_67 = vector.broadcast %parallel_loop3A_66 : i32 to vector<16xi32>
        %parallel_loop3A_68 = arith.muli %parallel_loop3A_65, %parallel_loop3A_67 : vector<16xi32>
        %parallel_loop3A_69 = vector.extract_strided_slice %parallel_loop3A_68 {offsets = [0], sizes = [1], strides = [1]} : vector<16xi32> to vector<1xi32>
        %parallel_loop3A_70 = vector.extract %parallel_loop3A_69[0] : i32 from vector<1xi32>
        %parallel_loop3A_71 = arith.index_cast %parallel_loop3A_70 : i32 to index
        %parallel_loop3A_72 = tpu.vector_load %arg5[%parallel_loop3A_71] {strides = array<i32>} : memref<704xf32, #tpu.memory_space<vmem>>, vector<16xf32>,
        %parallel_loop3A_73 = vector.shape_cast %parallel_loop3A_72 : vector<16xf32> to vector<16xf32>
        %parallel_loop3A_74 = arith.constant 0 : i32
        %parallel_loop3A_75 = arith.index_cast %parallel_loop3A_58 : i32 to index
        %parallel_loop3A_76 = arith.index_cast %parallel_loop3A_74 : i32 to index
        %parallel_loop3A_77 = arith.constant 0 : index
        %parallel_loop3A_78 = tpu.vector_load %arg7[%parallel_loop3A_75, %parallel_loop3A_76, %parallel_loop3A_77] {strides = array<i32>} : memref<4x50x32xf32, #tpu.memory_space<vmem>>, vector<1x1x16xf32>,
        %parallel_loop3A_79 = vector.shape_cast %parallel_loop3A_78 : vector<1x1x16xf32> to vector<16xf32>
        %parallel_loop3A_80 = vector.shape_cast %parallel_loop3A_73 : vector<16xf32> to vector<1x1x16xf32>
        tpu.vector_store %arg7[%parallel_loop3A_75, %parallel_loop3A_76, %parallel_loop3A_77], %parallel_loop3A_80 {strides = array<i32>} : memref<4x50x32xf32, #tpu.memory_space<vmem>>, vector<1x1x16xf32>,
        %parallel_loop3A_81 = arith.constant 16 : i32
        %parallel_loop3A_82 = arith.addi %parallel_loop3A_70, %parallel_loop3A_81 : i32
        %parallel_loop3A_83 = arith.index_cast %parallel_loop3A_82 : i32 to index
        %parallel_loop3A_84 = tpu.vector_load %arg5[%parallel_loop3A_83] {strides = array<i32>} : memref<704xf32, #tpu.memory_space<vmem>>, vector<16xf32>,
        %parallel_loop3A_85 = vector.shape_cast %parallel_loop3A_84 : vector<16xf32> to vector<16xf32>
        %parallel_loop3A_86 = arith.constant 0 : i32
        %parallel_loop3A_87 = arith.index_cast %parallel_loop3A_58 : i32 to index
        %parallel_loop3A_88 = arith.index_cast %parallel_loop3A_86 : i32 to index
        %parallel_loop3A_89 = arith.constant 16 : index
        %parallel_loop3A_90 = tpu.vector_load %arg7[%parallel_loop3A_87, %parallel_loop3A_88, %parallel_loop3A_89] {strides = array<i32>} : memref<4x50x32xf32, #tpu.memory_space<vmem>>, vector<1x1x16xf32>,
        %parallel_loop3A_91 = vector.shape_cast %parallel_loop3A_90 : vector<1x1x16xf32> to vector<16xf32>
        %parallel_loop3A_92 = vector.shape_cast %parallel_loop3A_85 : vector<16xf32> to vector<1x1x16xf32>
        tpu.vector_store %arg7[%parallel_loop3A_87, %parallel_loop3A_88, %parallel_loop3A_89], %parallel_loop3A_92 {strides = array<i32>} : memref<4x50x32xf32, #tpu.memory_space<vmem>>, vector<1x1x16xf32>,
        %parallel_loop3A_93 = vector.extract_strided_slice %parallel_loop3A_68 {offsets = [1], sizes = [1], strides = [1]} : vector<16xi32> to vector<1xi32>
        %parallel_loop3A_94 = vector.extract %parallel_loop3A_93[0] : i32 from vector<1xi32>
        %parallel_loop3A_95 = arith.index_cast %parallel_loop3A_94 : i32 to index
        %parallel_loop3A_96 = tpu.vector_load %arg5[%parallel_loop3A_95] {strides = array<i32>} : memref<704xf32, #tpu.memory_space<vmem>>, vector<16xf32>,
        %parallel_loop3A_97 = vector.shape_cast %parallel_loop3A_96 : vector<16xf32> to vector<16xf32>
        %parallel_loop3A_98 = arith.constant 1 : i32
        %parallel_loop3A_99 = arith.index_cast %parallel_loop3A_58 : i32 to index
        %parallel_loop3A_100 = arith.index_cast %parallel_loop3A_98 : i32 to index
        %parallel_loop3A_101 = arith.constant 0 : index
        %parallel_loop3A_102 = tpu.vector_load %arg7[%parallel_loop3A_99, %parallel_loop3A_100, %parallel_loop3A_101] {strides = array<i32>} : memref<4x50x32xf32, #tpu.memory_space<vmem>>, vector<1x1x16xf32>,
        %parallel_loop3A_103 = vector.shape_cast %parallel_loop3A_102 : vector<1x1x16xf32> to vector<16xf32>
        %parallel_loop3A_104 = vector.shape_cast %parallel_loop3A_97 : vector<16xf32> to vector<1x1x16xf32>
        tpu.vector_store %arg7[%parallel_loop3A_99, %parallel_loop3A_100, %parallel_loop3A_101], %parallel_loop3A_104 {strides = array<i32>} : memref<4x50x32xf32, #tpu.memory_space<vmem>>, vector<1x1x16xf32>,
        %parallel_loop3A_105 = arith.constant 16 : i32
        %parallel_loop3A_106 = arith.addi %parallel_loop3A_94, %parallel_loop3A_105 : i32
        %parallel_loop3A_107 = arith.index_cast %parallel_loop3A_106 : i32 to index
        %parallel_loop3A_108 = tpu.vector_load %arg5[%parallel_loop3A_107] {strides = array<i32>} : memref<704xf32, #tpu.memory_space<vmem>>, vector<16xf32>,
        %parallel_loop3A_109 = vector.shape_cast %parallel_loop3A_108 : vector<16xf32> to vector<16xf32>
        %parallel_loop3A_110 = arith.constant 1 : i32
        %parallel_loop3A_111 = arith.index_cast %parallel_loop3A_58 : i32 to index
        %parallel_loop3A_112 = arith.index_cast %parallel_loop3A_110 : i32 to index
        %parallel_loop3A_113 = arith.constant 16 : index
        %parallel_loop3A_114 = tpu.vector_load %arg7[%parallel_loop3A_111, %parallel_loop3A_112, %parallel_loop3A_113] {strides = array<i32>} : memref<4x50x32xf32, #tpu.memory_space<vmem>>, vector<1x1x16xf32>,
        %parallel_loop3A_115 = vector.shape_cast %parallel_loop3A_114 : vector<1x1x16xf32> to vector<16xf32>
        %parallel_loop3A_116 = vector.shape_cast %parallel_loop3A_109 : vector<16xf32> to vector<1x1x16xf32>
        tpu.vector_store %arg7[%parallel_loop3A_111, %parallel_loop3A_112, %parallel_loop3A_113], %parallel_loop3A_116 {strides = array<i32>} : memref<4x50x32xf32, #tpu.memory_space<vmem>>, vector<1x1x16xf32>,
        %parallel_loop3A_117 = vector.extract_strided_slice %parallel_loop3A_68 {offsets = [2], sizes = [1], strides = [1]} : vector<16xi32> to vector<1xi32>
        %parallel_loop3A_118 = vector.extract %parallel_loop3A_117[0] : i32 from vector<1xi32>
        %parallel_loop3A_119 = arith.index_cast %parallel_loop3A_118 : i32 to index
        %parallel_loop3A_120 = tpu.vector_load %arg5[%parallel_loop3A_119] {strides = array<i32>} : memref<704xf32, #tpu.memory_space<vmem>>, vector<16xf32>,
        %parallel_loop3A_121 = vector.shape_cast %parallel_loop3A_120 : vector<16xf32> to vector<16xf32>
        %parallel_loop3A_122 = arith.constant 2 : i32
        %parallel_loop3A_123 = arith.index_cast %parallel_loop3A_58 : i32 to index
        %parallel_loop3A_124 = arith.index_cast %parallel_loop3A_122 : i32 to index
        %parallel_loop3A_125 = arith.constant 0 : index
        %parallel_loop3A_126 = tpu.vector_load %arg7[%parallel_loop3A_123, %parallel_loop3A_124, %parallel_loop3A_125] {strides = array<i32>} : memref<4x50x32xf32, #tpu.memory_space<vmem>>, vector<1x1x16xf32>,
        %parallel_loop3A_127 = vector.shape_cast %parallel_loop3A_126 : vector<1x1x16xf32> to vector<16xf32>
        %parallel_loop3A_128 = vector.shape_cast %parallel_loop3A_121 : vector<16xf32> to vector<1x1x16xf32>
        tpu.vector_store %arg7[%parallel_loop3A_123, %parallel_loop3A_124, %parallel_loop3A_125], %parallel_loop3A_128 {strides = array<i32>} : memref<4x50x32xf32, #tpu.memory_space<vmem>>, vector<1x1x16xf32>,
        %parallel_loop3A_129 = arith.constant 16 : i32
        %parallel_loop3A_130 = arith.addi %parallel_loop3A_118, %parallel_loop3A_129 : i32
        %parallel_loop3A_131 = arith.index_cast %parallel_loop3A_130 : i32 to index
        %parallel_loop3A_132 = tpu.vector_load %arg5[%parallel_loop3A_131] {strides = array<i32>} : memref<704xf32, #tpu.memory_space<vmem>>, vector<16xf32>,
        %parallel_loop3A_133 = vector.shape_cast %parallel_loop3A_132 : vector<16xf32> to vector<16xf32>
        %parallel_loop3A_134 = arith.constant 2 : i32
        %parallel_loop3A_135 = arith.index_cast %parallel_loop3A_58 : i32 to index
        %parallel_loop3A_136 = arith.index_cast %parallel_loop3A_134 : i32 to index
        %parallel_loop3A_137 = arith.constant 16 : index
        %parallel_loop3A_138 = tpu.vector_load %arg7[%parallel_loop3A_135, %parallel_loop3A_136, %parallel_loop3A_137] {strides = array<i32>} : memref<4x50x32xf32, #tpu.memory_space<vmem>>, vector<1x1x16xf32>,
        %parallel_loop3A_139 = vector.shape_cast %parallel_loop3A_138 : vector<1x1x16xf32> to vector<16xf32>
        %parallel_loop3A_140 = vector.shape_cast %parallel_loop3A_133 : vector<16xf32> to vector<1x1x16xf32>
        tpu.vector_store %arg7[%parallel_loop3A_135, %parallel_loop3A_136, %parallel_loop3A_137], %parallel_loop3A_140 {strides = array<i32>} : memref<4x50x32xf32, #tpu.memory_space<vmem>>, vector<1x1x16xf32>,
        %parallel_loop3A_141 = vector.extract_strided_slice %parallel_loop3A_68 {offsets = [3], sizes = [1], strides = [1]} : vector<16xi32> to vector<1xi32>
        %parallel_loop3A_142 = vector.extract %parallel_loop3A_141[0] : i32 from vector<1xi32>
        %parallel_loop3A_143 = arith.index_cast %parallel_loop3A_142 : i32 to index
        %parallel_loop3A_144 = tpu.vector_load %arg5[%parallel_loop3A_143] {strides = array<i32>} : memref<704xf32, #tpu.memory_space<vmem>>, vector<16xf32>,
        %parallel_loop3A_145 = vector.shape_cast %parallel_loop3A_144 : vector<16xf32> to vector<16xf32>
        %parallel_loop3A_146 = arith.constant 3 : i32
        %parallel_loop3A_147 = arith.index_cast %parallel_loop3A_58 : i32 to index
        %parallel_loop3A_148 = arith.index_cast %parallel_loop3A_146 : i32 to index
        %parallel_loop3A_149 = arith.constant 0 : index
        %parallel_loop3A_150 = tpu.vector_load %arg7[%parallel_loop3A_147, %parallel_loop3A_148, %parallel_loop3A_149] {strides = array<i32>} : memref<4x50x32xf32, #tpu.memory_space<vmem>>, vector<1x1x16xf32>,
        %parallel_loop3A_151 = vector.shape_cast %parallel_loop3A_150 : vector<1x1x16xf32> to vector<16xf32>
        %parallel_loop3A_152 = vector.shape_cast %parallel_loop3A_145 : vector<16xf32> to vector<1x1x16xf32>
        tpu.vector_store %arg7[%parallel_loop3A_147, %parallel_loop3A_148, %parallel_loop3A_149], %parallel_loop3A_152 {strides = array<i32>} : memref<4x50x32xf32, #tpu.memory_space<vmem>>, vector<1x1x16xf32>,
        %parallel_loop3A_153 = arith.constant 16 : i32
        %parallel_loop3A_154 = arith.addi %parallel_loop3A_142, %parallel_loop3A_153 : i32
        %parallel_loop3A_155 = arith.index_cast %parallel_loop3A_154 : i32 to index
        %parallel_loop3A_156 = tpu.vector_load %arg5[%parallel_loop3A_155] {strides = array<i32>} : memref<704xf32, #tpu.memory_space<vmem>>, vector<16xf32>,
        %parallel_loop3A_157 = vector.shape_cast %parallel_loop3A_156 : vector<16xf32> to vector<16xf32>
        %parallel_loop3A_158 = arith.constant 3 : i32
        %parallel_loop3A_159 = arith.index_cast %parallel_loop3A_58 : i32 to index
        %parallel_loop3A_160 = arith.index_cast %parallel_loop3A_158 : i32 to index
        %parallel_loop3A_161 = arith.constant 16 : index
        %parallel_loop3A_162 = tpu.vector_load %arg7[%parallel_loop3A_159, %parallel_loop3A_160, %parallel_loop3A_161] {strides = array<i32>} : memref<4x50x32xf32, #tpu.memory_space<vmem>>, vector<1x1x16xf32>,
        %parallel_loop3A_163 = vector.shape_cast %parallel_loop3A_162 : vector<1x1x16xf32> to vector<16xf32>
        %parallel_loop3A_164 = vector.shape_cast %parallel_loop3A_157 : vector<16xf32> to vector<1x1x16xf32>
        tpu.vector_store %arg7[%parallel_loop3A_159, %parallel_loop3A_160, %parallel_loop3A_161], %parallel_loop3A_164 {strides = array<i32>} : memref<4x50x32xf32, #tpu.memory_space<vmem>>, vector<1x1x16xf32>,
        %parallel_loop3A_165 = vector.extract_strided_slice %parallel_loop3A_68 {offsets = [4], sizes = [1], strides = [1]} : vector<16xi32> to vector<1xi32>
        %parallel_loop3A_166 = vector.extract %parallel_loop3A_165[0] : i32 from vector<1xi32>
        %parallel_loop3A_167 = arith.index_cast %parallel_loop3A_166 : i32 to index
        %parallel_loop3A_168 = tpu.vector_load %arg5[%parallel_loop3A_167] {strides = array<i32>} : memref<704xf32, #tpu.memory_space<vmem>>, vector<16xf32>,
        %parallel_loop3A_169 = vector.shape_cast %parallel_loop3A_168 : vector<16xf32> to vector<16xf32>
        %parallel_loop3A_170 = arith.constant 4 : i32
        %parallel_loop3A_171 = arith.index_cast %parallel_loop3A_58 : i32 to index
        %parallel_loop3A_172 = arith.index_cast %parallel_loop3A_170 : i32 to index
        %parallel_loop3A_173 = arith.constant 0 : index
        %parallel_loop3A_174 = tpu.vector_load %arg7[%parallel_loop3A_171, %parallel_loop3A_172, %parallel_loop3A_173] {strides = array<i32>} : memref<4x50x32xf32, #tpu.memory_space<vmem>>, vector<1x1x16xf32>,
        %parallel_loop3A_175 = vector.shape_cast %parallel_loop3A_174 : vector<1x1x16xf32> to vector<16xf32>
        %parallel_loop3A_176 = vector.shape_cast %parallel_loop3A_169 : vector<16xf32> to vector<1x1x16xf32>
        tpu.vector_store %arg7[%parallel_loop3A_171, %parallel_loop3A_172, %parallel_loop3A_173], %parallel_loop3A_176 {strides = array<i32>} : memref<4x50x32xf32, #tpu.memory_space<vmem>>, vector<1x1x16xf32>,
        %parallel_loop3A_177 = arith.constant 16 : i32
        %parallel_loop3A_178 = arith.addi %parallel_loop3A_166, %parallel_loop3A_177 : i32
        %parallel_loop3A_179 = arith.index_cast %parallel_loop3A_178 : i32 to index
        %parallel_loop3A_180 = tpu.vector_load %arg5[%parallel_loop3A_179] {strides = array<i32>} : memref<704xf32, #tpu.memory_space<vmem>>, vector<16xf32>,
        %parallel_loop3A_181 = vector.shape_cast %parallel_loop3A_180 : vector<16xf32> to vector<16xf32>
        %parallel_loop3A_182 = arith.constant 4 : i32
        %parallel_loop3A_183 = arith.index_cast %parallel_loop3A_58 : i32 to index
        %parallel_loop3A_184 = arith.index_cast %parallel_loop3A_182 : i32 to index
        %parallel_loop3A_185 = arith.constant 16 : index
        %parallel_loop3A_186 = tpu.vector_load %arg7[%parallel_loop3A_183, %parallel_loop3A_184, %parallel_loop3A_185] {strides = array<i32>} : memref<4x50x32xf32, #tpu.memory_space<vmem>>, vector<1x1x16xf32>,
        %parallel_loop3A_187 = vector.shape_cast %parallel_loop3A_186 : vector<1x1x16xf32> to vector<16xf32>
        %parallel_loop3A_188 = vector.shape_cast %parallel_loop3A_181 : vector<16xf32> to vector<1x1x16xf32>
        tpu.vector_store %arg7[%parallel_loop3A_183, %parallel_loop3A_184, %parallel_loop3A_185], %parallel_loop3A_188 {strides = array<i32>} : memref<4x50x32xf32, #tpu.memory_space<vmem>>, vector<1x1x16xf32>,
        %parallel_loop3A_189 = vector.extract_strided_slice %parallel_loop3A_68 {offsets = [5], sizes = [1], strides = [1]} : vector<16xi32> to vector<1xi32>
        %parallel_loop3A_190 = vector.extract %parallel_loop3A_189[0] : i32 from vector<1xi32>
        %parallel_loop3A_191 = arith.index_cast %parallel_loop3A_190 : i32 to index
        %parallel_loop3A_192 = tpu.vector_load %arg5[%parallel_loop3A_191] {strides = array<i32>} : memref<704xf32, #tpu.memory_space<vmem>>, vector<16xf32>,
        %parallel_loop3A_193 = vector.shape_cast %parallel_loop3A_192 : vector<16xf32> to vector<16xf32>
        %parallel_loop3A_194 = arith.constant 5 : i32
        %parallel_loop3A_195 = arith.index_cast %parallel_loop3A_58 : i32 to index
        %parallel_loop3A_196 = arith.index_cast %parallel_loop3A_194 : i32 to index
        %parallel_loop3A_197 = arith.constant 0 : index
        %parallel_loop3A_198 = tpu.vector_load %arg7[%parallel_loop3A_195, %parallel_loop3A_196, %parallel_loop3A_197] {strides = array<i32>} : memref<4x50x32xf32, #tpu.memory_space<vmem>>, vector<1x1x16xf32>,
        %parallel_loop3A_199 = vector.shape_cast %parallel_loop3A_198 : vector<1x1x16xf32> to vector<16xf32>
        %parallel_loop3A_200 = vector.shape_cast %parallel_loop3A_193 : vector<16xf32> to vector<1x1x16xf32>
        tpu.vector_store %arg7[%parallel_loop3A_195, %parallel_loop3A_196, %parallel_loop3A_197], %parallel_loop3A_200 {strides = array<i32>} : memref<4x50x32xf32, #tpu.memory_space<vmem>>, vector<1x1x16xf32>,
        %parallel_loop3A_201 = arith.constant 16 : i32
        %parallel_loop3A_202 = arith.addi %parallel_loop3A_190, %parallel_loop3A_201 : i32
        %parallel_loop3A_203 = arith.index_cast %parallel_loop3A_202 : i32 to index
        %parallel_loop3A_204 = tpu.vector_load %arg5[%parallel_loop3A_203] {strides = array<i32>} : memref<704xf32, #tpu.memory_space<vmem>>, vector<16xf32>,
        %parallel_loop3A_205 = vector.shape_cast %parallel_loop3A_204 : vector<16xf32> to vector<16xf32>
        %parallel_loop3A_206 = arith.constant 5 : i32
        %parallel_loop3A_207 = arith.index_cast %parallel_loop3A_58 : i32 to index
        %parallel_loop3A_208 = arith.index_cast %parallel_loop3A_206 : i32 to index
        %parallel_loop3A_209 = arith.constant 16 : index
        %parallel_loop3A_210 = tpu.vector_load %arg7[%parallel_loop3A_207, %parallel_loop3A_208, %parallel_loop3A_209] {strides = array<i32>} : memref<4x50x32xf32, #tpu.memory_space<vmem>>, vector<1x1x16xf32>,
        %parallel_loop3A_211 = vector.shape_cast %parallel_loop3A_210 : vector<1x1x16xf32> to vector<16xf32>
        %parallel_loop3A_212 = vector.shape_cast %parallel_loop3A_205 : vector<16xf32> to vector<1x1x16xf32>
        tpu.vector_store %arg7[%parallel_loop3A_207, %parallel_loop3A_208, %parallel_loop3A_209], %parallel_loop3A_212 {strides = array<i32>} : memref<4x50x32xf32, #tpu.memory_space<vmem>>, vector<1x1x16xf32>,
        %parallel_loop3A_213 = vector.extract_strided_slice %parallel_loop3A_68 {offsets = [6], sizes = [1], strides = [1]} : vector<16xi32> to vector<1xi32>
        %parallel_loop3A_214 = vector.extract %parallel_loop3A_213[0] : i32 from vector<1xi32>
        %parallel_loop3A_215 = arith.index_cast %parallel_loop3A_214 : i32 to index
        %parallel_loop3A_216 = tpu.vector_load %arg5[%parallel_loop3A_215] {strides = array<i32>} : memref<704xf32, #tpu.memory_space<vmem>>, vector<16xf32>,
        %parallel_loop3A_217 = vector.shape_cast %parallel_loop3A_216 : vector<16xf32> to vector<16xf32>
        %parallel_loop3A_218 = arith.constant 6 : i32
        %parallel_loop3A_219 = arith.index_cast %parallel_loop3A_58 : i32 to index
        %parallel_loop3A_220 = arith.index_cast %parallel_loop3A_218 : i32 to index
        %parallel_loop3A_221 = arith.constant 0 : index
        %parallel_loop3A_222 = tpu.vector_load %arg7[%parallel_loop3A_219, %parallel_loop3A_220, %parallel_loop3A_221] {strides = array<i32>} : memref<4x50x32xf32, #tpu.memory_space<vmem>>, vector<1x1x16xf32>,
        %parallel_loop3A_223 = vector.shape_cast %parallel_loop3A_222 : vector<1x1x16xf32> to vector<16xf32>
        %parallel_loop3A_224 = vector.shape_cast %parallel_loop3A_217 : vector<16xf32> to vector<1x1x16xf32>
        tpu.vector_store %arg7[%parallel_loop3A_219, %parallel_loop3A_220, %parallel_loop3A_221], %parallel_loop3A_224 {strides = array<i32>} : memref<4x50x32xf32, #tpu.memory_space<vmem>>, vector<1x1x16xf32>,
        %parallel_loop3A_225 = arith.constant 16 : i32
        %parallel_loop3A_226 = arith.addi %parallel_loop3A_214, %parallel_loop3A_225 : i32
        %parallel_loop3A_227 = arith.index_cast %parallel_loop3A_226 : i32 to index
        %parallel_loop3A_228 = tpu.vector_load %arg5[%parallel_loop3A_227] {strides = array<i32>} : memref<704xf32, #tpu.memory_space<vmem>>, vector<16xf32>,
        %parallel_loop3A_229 = vector.shape_cast %parallel_loop3A_228 : vector<16xf32> to vector<16xf32>
        %parallel_loop3A_230 = arith.constant 6 : i32
        %parallel_loop3A_231 = arith.index_cast %parallel_loop3A_58 : i32 to index
        %parallel_loop3A_232 = arith.index_cast %parallel_loop3A_230 : i32 to index
        %parallel_loop3A_233 = arith.constant 16 : index
        %parallel_loop3A_234 = tpu.vector_load %arg7[%parallel_loop3A_231, %parallel_loop3A_232, %parallel_loop3A_233] {strides = array<i32>} : memref<4x50x32xf32, #tpu.memory_space<vmem>>, vector<1x1x16xf32>,
        %parallel_loop3A_235 = vector.shape_cast %parallel_loop3A_234 : vector<1x1x16xf32> to vector<16xf32>
        %parallel_loop3A_236 = vector.shape_cast %parallel_loop3A_229 : vector<16xf32> to vector<1x1x16xf32>
        tpu.vector_store %arg7[%parallel_loop3A_231, %parallel_loop3A_232, %parallel_loop3A_233], %parallel_loop3A_236 {strides = array<i32>} : memref<4x50x32xf32, #tpu.memory_space<vmem>>, vector<1x1x16xf32>,
        %parallel_loop3A_237 = vector.extract_strided_slice %parallel_loop3A_68 {offsets = [7], sizes = [1], strides = [1]} : vector<16xi32> to vector<1xi32>
        %parallel_loop3A_238 = vector.extract %parallel_loop3A_237[0] : i32 from vector<1xi32>
        %parallel_loop3A_239 = arith.index_cast %parallel_loop3A_238 : i32 to index
        %parallel_loop3A_240 = tpu.vector_load %arg5[%parallel_loop3A_239] {strides = array<i32>} : memref<704xf32, #tpu.memory_space<vmem>>, vector<16xf32>,
        %parallel_loop3A_241 = vector.shape_cast %parallel_loop3A_240 : vector<16xf32> to vector<16xf32>
        %parallel_loop3A_242 = arith.constant 7 : i32
        %parallel_loop3A_243 = arith.index_cast %parallel_loop3A_58 : i32 to index
        %parallel_loop3A_244 = arith.index_cast %parallel_loop3A_242 : i32 to index
        %parallel_loop3A_245 = arith.constant 0 : index
        %parallel_loop3A_246 = tpu.vector_load %arg7[%parallel_loop3A_243, %parallel_loop3A_244, %parallel_loop3A_245] {strides = array<i32>} : memref<4x50x32xf32, #tpu.memory_space<vmem>>, vector<1x1x16xf32>,
        %parallel_loop3A_247 = vector.shape_cast %parallel_loop3A_246 : vector<1x1x16xf32> to vector<16xf32>
        %parallel_loop3A_248 = vector.shape_cast %parallel_loop3A_241 : vector<16xf32> to vector<1x1x16xf32>
        tpu.vector_store %arg7[%parallel_loop3A_243, %parallel_loop3A_244, %parallel_loop3A_245], %parallel_loop3A_248 {strides = array<i32>} : memref<4x50x32xf32, #tpu.memory_space<vmem>>, vector<1x1x16xf32>,
        %parallel_loop3A_249 = arith.constant 16 : i32
        %parallel_loop3A_250 = arith.addi %parallel_loop3A_238, %parallel_loop3A_249 : i32
        %parallel_loop3A_251 = arith.index_cast %parallel_loop3A_250 : i32 to index
        %parallel_loop3A_252 = tpu.vector_load %arg5[%parallel_loop3A_251] {strides = array<i32>} : memref<704xf32, #tpu.memory_space<vmem>>, vector<16xf32>,
        %parallel_loop3A_253 = vector.shape_cast %parallel_loop3A_252 : vector<16xf32> to vector<16xf32>
        %parallel_loop3A_254 = arith.constant 7 : i32
        %parallel_loop3A_255 = arith.index_cast %parallel_loop3A_58 : i32 to index
        %parallel_loop3A_256 = arith.index_cast %parallel_loop3A_254 : i32 to index
        %parallel_loop3A_257 = arith.constant 16 : index
        %parallel_loop3A_258 = tpu.vector_load %arg7[%parallel_loop3A_255, %parallel_loop3A_256, %parallel_loop3A_257] {strides = array<i32>} : memref<4x50x32xf32, #tpu.memory_space<vmem>>, vector<1x1x16xf32>,
        %parallel_loop3A_259 = vector.shape_cast %parallel_loop3A_258 : vector<1x1x16xf32> to vector<16xf32>
        %parallel_loop3A_260 = vector.shape_cast %parallel_loop3A_253 : vector<16xf32> to vector<1x1x16xf32>
        tpu.vector_store %arg7[%parallel_loop3A_255, %parallel_loop3A_256, %parallel_loop3A_257], %parallel_loop3A_260 {strides = array<i32>} : memref<4x50x32xf32, #tpu.memory_space<vmem>>, vector<1x1x16xf32>,
        %parallel_loop3A_261 = vector.extract_strided_slice %parallel_loop3A_68 {offsets = [8], sizes = [1], strides = [1]} : vector<16xi32> to vector<1xi32>
        %parallel_loop3A_262 = vector.extract %parallel_loop3A_261[0] : i32 from vector<1xi32>
        %parallel_loop3A_263 = arith.index_cast %parallel_loop3A_262 : i32 to index
        %parallel_loop3A_264 = tpu.vector_load %arg5[%parallel_loop3A_263] {strides = array<i32>} : memref<704xf32, #tpu.memory_space<vmem>>, vector<16xf32>,
        %parallel_loop3A_265 = vector.shape_cast %parallel_loop3A_264 : vector<16xf32> to vector<16xf32>
        %parallel_loop3A_266 = arith.constant 8 : i32
        %parallel_loop3A_267 = arith.index_cast %parallel_loop3A_58 : i32 to index
        %parallel_loop3A_268 = arith.index_cast %parallel_loop3A_266 : i32 to index
        %parallel_loop3A_269 = arith.constant 0 : index
        %parallel_loop3A_270 = tpu.vector_load %arg7[%parallel_loop3A_267, %parallel_loop3A_268, %parallel_loop3A_269] {strides = array<i32>} : memref<4x50x32xf32, #tpu.memory_space<vmem>>, vector<1x1x16xf32>,
        %parallel_loop3A_271 = vector.shape_cast %parallel_loop3A_270 : vector<1x1x16xf32> to vector<16xf32>
        %parallel_loop3A_272 = vector.shape_cast %parallel_loop3A_265 : vector<16xf32> to vector<1x1x16xf32>
        tpu.vector_store %arg7[%parallel_loop3A_267, %parallel_loop3A_268, %parallel_loop3A_269], %parallel_loop3A_272 {strides = array<i32>} : memref<4x50x32xf32, #tpu.memory_space<vmem>>, vector<1x1x16xf32>,
        %parallel_loop3A_273 = arith.constant 16 : i32
        %parallel_loop3A_274 = arith.addi %parallel_loop3A_262, %parallel_loop3A_273 : i32
        %parallel_loop3A_275 = arith.index_cast %parallel_loop3A_274 : i32 to index
        %parallel_loop3A_276 = tpu.vector_load %arg5[%parallel_loop3A_275] {strides = array<i32>} : memref<704xf32, #tpu.memory_space<vmem>>, vector<16xf32>,
        %parallel_loop3A_277 = vector.shape_cast %parallel_loop3A_276 : vector<16xf32> to vector<16xf32>
        %parallel_loop3A_278 = arith.constant 8 : i32
        %parallel_loop3A_279 = arith.index_cast %parallel_loop3A_58 : i32 to index
        %parallel_loop3A_280 = arith.index_cast %parallel_loop3A_278 : i32 to index
        %parallel_loop3A_281 = arith.constant 16 : index
        %parallel_loop3A_282 = tpu.vector_load %arg7[%parallel_loop3A_279, %parallel_loop3A_280, %parallel_loop3A_281] {strides = array<i32>} : memref<4x50x32xf32, #tpu.memory_space<vmem>>, vector<1x1x16xf32>,
        %parallel_loop3A_283 = vector.shape_cast %parallel_loop3A_282 : vector<1x1x16xf32> to vector<16xf32>
        %parallel_loop3A_284 = vector.shape_cast %parallel_loop3A_277 : vector<16xf32> to vector<1x1x16xf32>
        tpu.vector_store %arg7[%parallel_loop3A_279, %parallel_loop3A_280, %parallel_loop3A_281], %parallel_loop3A_284 {strides = array<i32>} : memref<4x50x32xf32, #tpu.memory_space<vmem>>, vector<1x1x16xf32>,
        %parallel_loop3A_285 = vector.extract_strided_slice %parallel_loop3A_68 {offsets = [9], sizes = [1], strides = [1]} : vector<16xi32> to vector<1xi32>
        %parallel_loop3A_286 = vector.extract %parallel_loop3A_285[0] : i32 from vector<1xi32>
        %parallel_loop3A_287 = arith.index_cast %parallel_loop3A_286 : i32 to index
        %parallel_loop3A_288 = tpu.vector_load %arg5[%parallel_loop3A_287] {strides = array<i32>} : memref<704xf32, #tpu.memory_space<vmem>>, vector<16xf32>,
        %parallel_loop3A_289 = vector.shape_cast %parallel_loop3A_288 : vector<16xf32> to vector<16xf32>
        %parallel_loop3A_290 = arith.constant 9 : i32
        %parallel_loop3A_291 = arith.index_cast %parallel_loop3A_58 : i32 to index
        %parallel_loop3A_292 = arith.index_cast %parallel_loop3A_290 : i32 to index
        %parallel_loop3A_293 = arith.constant 0 : index
        %parallel_loop3A_294 = tpu.vector_load %arg7[%parallel_loop3A_291, %parallel_loop3A_292, %parallel_loop3A_293] {strides = array<i32>} : memref<4x50x32xf32, #tpu.memory_space<vmem>>, vector<1x1x16xf32>,
        %parallel_loop3A_295 = vector.shape_cast %parallel_loop3A_294 : vector<1x1x16xf32> to vector<16xf32>
        %parallel_loop3A_296 = vector.shape_cast %parallel_loop3A_289 : vector<16xf32> to vector<1x1x16xf32>
        tpu.vector_store %arg7[%parallel_loop3A_291, %parallel_loop3A_292, %parallel_loop3A_293], %parallel_loop3A_296 {strides = array<i32>} : memref<4x50x32xf32, #tpu.memory_space<vmem>>, vector<1x1x16xf32>,
        %parallel_loop3A_297 = arith.constant 16 : i32
        %parallel_loop3A_298 = arith.addi %parallel_loop3A_286, %parallel_loop3A_297 : i32
        %parallel_loop3A_299 = arith.index_cast %parallel_loop3A_298 : i32 to index
        %parallel_loop3A_300 = tpu.vector_load %arg5[%parallel_loop3A_299] {strides = array<i32>} : memref<704xf32, #tpu.memory_space<vmem>>, vector<16xf32>,
        %parallel_loop3A_301 = vector.shape_cast %parallel_loop3A_300 : vector<16xf32> to vector<16xf32>
        %parallel_loop3A_302 = arith.constant 9 : i32
        %parallel_loop3A_303 = arith.index_cast %parallel_loop3A_58 : i32 to index
        %parallel_loop3A_304 = arith.index_cast %parallel_loop3A_302 : i32 to index
        %parallel_loop3A_305 = arith.constant 16 : index
        %parallel_loop3A_306 = tpu.vector_load %arg7[%parallel_loop3A_303, %parallel_loop3A_304, %parallel_loop3A_305] {strides = array<i32>} : memref<4x50x32xf32, #tpu.memory_space<vmem>>, vector<1x1x16xf32>,
        %parallel_loop3A_307 = vector.shape_cast %parallel_loop3A_306 : vector<1x1x16xf32> to vector<16xf32>
        %parallel_loop3A_308 = vector.shape_cast %parallel_loop3A_301 : vector<16xf32> to vector<1x1x16xf32>
        tpu.vector_store %arg7[%parallel_loop3A_303, %parallel_loop3A_304, %parallel_loop3A_305], %parallel_loop3A_308 {strides = array<i32>} : memref<4x50x32xf32, #tpu.memory_space<vmem>>, vector<1x1x16xf32>,
        %parallel_loop3A_309 = vector.extract_strided_slice %parallel_loop3A_68 {offsets = [10], sizes = [1], strides = [1]} : vector<16xi32> to vector<1xi32>
        %parallel_loop3A_310 = vector.extract %parallel_loop3A_309[0] : i32 from vector<1xi32>
        %parallel_loop3A_311 = arith.index_cast %parallel_loop3A_310 : i32 to index
        %parallel_loop3A_312 = tpu.vector_load %arg5[%parallel_loop3A_311] {strides = array<i32>} : memref<704xf32, #tpu.memory_space<vmem>>, vector<16xf32>,
        %parallel_loop3A_313 = vector.shape_cast %parallel_loop3A_312 : vector<16xf32> to vector<16xf32>
        %parallel_loop3A_314 = arith.constant 10 : i32
        %parallel_loop3A_315 = arith.index_cast %parallel_loop3A_58 : i32 to index
        %parallel_loop3A_316 = arith.index_cast %parallel_loop3A_314 : i32 to index
        %parallel_loop3A_317 = arith.constant 0 : index
        %parallel_loop3A_318 = tpu.vector_load %arg7[%parallel_loop3A_315, %parallel_loop3A_316, %parallel_loop3A_317] {strides = array<i32>} : memref<4x50x32xf32, #tpu.memory_space<vmem>>, vector<1x1x16xf32>,
        %parallel_loop3A_319 = vector.shape_cast %parallel_loop3A_318 : vector<1x1x16xf32> to vector<16xf32>
        %parallel_loop3A_320 = vector.shape_cast %parallel_loop3A_313 : vector<16xf32> to vector<1x1x16xf32>
        tpu.vector_store %arg7[%parallel_loop3A_315, %parallel_loop3A_316, %parallel_loop3A_317], %parallel_loop3A_320 {strides = array<i32>} : memref<4x50x32xf32, #tpu.memory_space<vmem>>, vector<1x1x16xf32>,
        %parallel_loop3A_321 = arith.constant 16 : i32
        %parallel_loop3A_322 = arith.addi %parallel_loop3A_310, %parallel_loop3A_321 : i32
        %parallel_loop3A_323 = arith.index_cast %parallel_loop3A_322 : i32 to index
        %parallel_loop3A_324 = tpu.vector_load %arg5[%parallel_loop3A_323] {strides = array<i32>} : memref<704xf32, #tpu.memory_space<vmem>>, vector<16xf32>,
        %parallel_loop3A_325 = vector.shape_cast %parallel_loop3A_324 : vector<16xf32> to vector<16xf32>
        %parallel_loop3A_326 = arith.constant 10 : i32
        %parallel_loop3A_327 = arith.index_cast %parallel_loop3A_58 : i32 to index
        %parallel_loop3A_328 = arith.index_cast %parallel_loop3A_326 : i32 to index
        %parallel_loop3A_329 = arith.constant 16 : index
        %parallel_loop3A_330 = tpu.vector_load %arg7[%parallel_loop3A_327, %parallel_loop3A_328, %parallel_loop3A_329] {strides = array<i32>} : memref<4x50x32xf32, #tpu.memory_space<vmem>>, vector<1x1x16xf32>,
        %parallel_loop3A_331 = vector.shape_cast %parallel_loop3A_330 : vector<1x1x16xf32> to vector<16xf32>
        %parallel_loop3A_332 = vector.shape_cast %parallel_loop3A_325 : vector<16xf32> to vector<1x1x16xf32>
        tpu.vector_store %arg7[%parallel_loop3A_327, %parallel_loop3A_328, %parallel_loop3A_329], %parallel_loop3A_332 {strides = array<i32>} : memref<4x50x32xf32, #tpu.memory_space<vmem>>, vector<1x1x16xf32>,
        %parallel_loop3A_333 = vector.extract_strided_slice %parallel_loop3A_68 {offsets = [11], sizes = [1], strides = [1]} : vector<16xi32> to vector<1xi32>
        %parallel_loop3A_334 = vector.extract %parallel_loop3A_333[0] : i32 from vector<1xi32>
        %parallel_loop3A_335 = arith.index_cast %parallel_loop3A_334 : i32 to index
        %parallel_loop3A_336 = tpu.vector_load %arg5[%parallel_loop3A_335] {strides = array<i32>} : memref<704xf32, #tpu.memory_space<vmem>>, vector<16xf32>,
        %parallel_loop3A_337 = vector.shape_cast %parallel_loop3A_336 : vector<16xf32> to vector<16xf32>
        %parallel_loop3A_338 = arith.constant 11 : i32
        %parallel_loop3A_339 = arith.index_cast %parallel_loop3A_58 : i32 to index
        %parallel_loop3A_340 = arith.index_cast %parallel_loop3A_338 : i32 to index
        %parallel_loop3A_341 = arith.constant 0 : index
        %parallel_loop3A_342 = tpu.vector_load %arg7[%parallel_loop3A_339, %parallel_loop3A_340, %parallel_loop3A_341] {strides = array<i32>} : memref<4x50x32xf32, #tpu.memory_space<vmem>>, vector<1x1x16xf32>,
        %parallel_loop3A_343 = vector.shape_cast %parallel_loop3A_342 : vector<1x1x16xf32> to vector<16xf32>
        %parallel_loop3A_344 = vector.shape_cast %parallel_loop3A_337 : vector<16xf32> to vector<1x1x16xf32>
        tpu.vector_store %arg7[%parallel_loop3A_339, %parallel_loop3A_340, %parallel_loop3A_341], %parallel_loop3A_344 {strides = array<i32>} : memref<4x50x32xf32, #tpu.memory_space<vmem>>, vector<1x1x16xf32>,
        %parallel_loop3A_345 = arith.constant 16 : i32
        %parallel_loop3A_346 = arith.addi %parallel_loop3A_334, %parallel_loop3A_345 : i32
        %parallel_loop3A_347 = arith.index_cast %parallel_loop3A_346 : i32 to index
        %parallel_loop3A_348 = tpu.vector_load %arg5[%parallel_loop3A_347] {strides = array<i32>} : memref<704xf32, #tpu.memory_space<vmem>>, vector<16xf32>,
        %parallel_loop3A_349 = vector.shape_cast %parallel_loop3A_348 : vector<16xf32> to vector<16xf32>
        %parallel_loop3A_350 = arith.constant 11 : i32
        %parallel_loop3A_351 = arith.index_cast %parallel_loop3A_58 : i32 to index
        %parallel_loop3A_352 = arith.index_cast %parallel_loop3A_350 : i32 to index
        %parallel_loop3A_353 = arith.constant 16 : index
        %parallel_loop3A_354 = tpu.vector_load %arg7[%parallel_loop3A_351, %parallel_loop3A_352, %parallel_loop3A_353] {strides = array<i32>} : memref<4x50x32xf32, #tpu.memory_space<vmem>>, vector<1x1x16xf32>,
        %parallel_loop3A_355 = vector.shape_cast %parallel_loop3A_354 : vector<1x1x16xf32> to vector<16xf32>
        %parallel_loop3A_356 = vector.shape_cast %parallel_loop3A_349 : vector<16xf32> to vector<1x1x16xf32>
        tpu.vector_store %arg7[%parallel_loop3A_351, %parallel_loop3A_352, %parallel_loop3A_353], %parallel_loop3A_356 {strides = array<i32>} : memref<4x50x32xf32, #tpu.memory_space<vmem>>, vector<1x1x16xf32>,
        %parallel_loop3A_357 = vector.extract_strided_slice %parallel_loop3A_68 {offsets = [12], sizes = [1], strides = [1]} : vector<16xi32> to vector<1xi32>
        %parallel_loop3A_358 = vector.extract %parallel_loop3A_357[0] : i32 from vector<1xi32>
        %parallel_loop3A_359 = arith.index_cast %parallel_loop3A_358 : i32 to index
        %parallel_loop3A_360 = tpu.vector_load %arg5[%parallel_loop3A_359] {strides = array<i32>} : memref<704xf32, #tpu.memory_space<vmem>>, vector<16xf32>,
        %parallel_loop3A_361 = vector.shape_cast %parallel_loop3A_360 : vector<16xf32> to vector<16xf32>
        %parallel_loop3A_362 = arith.constant 12 : i32
        %parallel_loop3A_363 = arith.index_cast %parallel_loop3A_58 : i32 to index
        %parallel_loop3A_364 = arith.index_cast %parallel_loop3A_362 : i32 to index
        %parallel_loop3A_365 = arith.constant 0 : index
        %parallel_loop3A_366 = tpu.vector_load %arg7[%parallel_loop3A_363, %parallel_loop3A_364, %parallel_loop3A_365] {strides = array<i32>} : memref<4x50x32xf32, #tpu.memory_space<vmem>>, vector<1x1x16xf32>,
        %parallel_loop3A_367 = vector.shape_cast %parallel_loop3A_366 : vector<1x1x16xf32> to vector<16xf32>
        %parallel_loop3A_368 = vector.shape_cast %parallel_loop3A_361 : vector<16xf32> to vector<1x1x16xf32>
        tpu.vector_store %arg7[%parallel_loop3A_363, %parallel_loop3A_364, %parallel_loop3A_365], %parallel_loop3A_368 {strides = array<i32>} : memref<4x50x32xf32, #tpu.memory_space<vmem>>, vector<1x1x16xf32>,
        %parallel_loop3A_369 = arith.constant 16 : i32
        %parallel_loop3A_370 = arith.addi %parallel_loop3A_358, %parallel_loop3A_369 : i32
        %parallel_loop3A_371 = arith.index_cast %parallel_loop3A_370 : i32 to index
        %parallel_loop3A_372 = tpu.vector_load %arg5[%parallel_loop3A_371] {strides = array<i32>} : memref<704xf32, #tpu.memory_space<vmem>>, vector<16xf32>,
        %parallel_loop3A_373 = vector.shape_cast %parallel_loop3A_372 : vector<16xf32> to vector<16xf32>
        %parallel_loop3A_374 = arith.constant 12 : i32
        %parallel_loop3A_375 = arith.index_cast %parallel_loop3A_58 : i32 to index
        %parallel_loop3A_376 = arith.index_cast %parallel_loop3A_374 : i32 to index
        %parallel_loop3A_377 = arith.constant 16 : index
        %parallel_loop3A_378 = tpu.vector_load %arg7[%parallel_loop3A_375, %parallel_loop3A_376, %parallel_loop3A_377] {strides = array<i32>} : memref<4x50x32xf32, #tpu.memory_space<vmem>>, vector<1x1x16xf32>,
        %parallel_loop3A_379 = vector.shape_cast %parallel_loop3A_378 : vector<1x1x16xf32> to vector<16xf32>
        %parallel_loop3A_380 = vector.shape_cast %parallel_loop3A_373 : vector<16xf32> to vector<1x1x16xf32>
        tpu.vector_store %arg7[%parallel_loop3A_375, %parallel_loop3A_376, %parallel_loop3A_377], %parallel_loop3A_380 {strides = array<i32>} : memref<4x50x32xf32, #tpu.memory_space<vmem>>, vector<1x1x16xf32>,
        %parallel_loop3A_381 = vector.extract_strided_slice %parallel_loop3A_68 {offsets = [13], sizes = [1], strides = [1]} : vector<16xi32> to vector<1xi32>
        %parallel_loop3A_382 = vector.extract %parallel_loop3A_381[0] : i32 from vector<1xi32>
        %parallel_loop3A_383 = arith.index_cast %parallel_loop3A_382 : i32 to index
        %parallel_loop3A_384 = tpu.vector_load %arg5[%parallel_loop3A_383] {strides = array<i32>} : memref<704xf32, #tpu.memory_space<vmem>>, vector<16xf32>,
        %parallel_loop3A_385 = vector.shape_cast %parallel_loop3A_384 : vector<16xf32> to vector<16xf32>
        %parallel_loop3A_386 = arith.constant 13 : i32
        %parallel_loop3A_387 = arith.index_cast %parallel_loop3A_58 : i32 to index
        %parallel_loop3A_388 = arith.index_cast %parallel_loop3A_386 : i32 to index
        %parallel_loop3A_389 = arith.constant 0 : index
        %parallel_loop3A_390 = tpu.vector_load %arg7[%parallel_loop3A_387, %parallel_loop3A_388, %parallel_loop3A_389] {strides = array<i32>} : memref<4x50x32xf32, #tpu.memory_space<vmem>>, vector<1x1x16xf32>,
        %parallel_loop3A_391 = vector.shape_cast %parallel_loop3A_390 : vector<1x1x16xf32> to vector<16xf32>
        %parallel_loop3A_392 = vector.shape_cast %parallel_loop3A_385 : vector<16xf32> to vector<1x1x16xf32>
        tpu.vector_store %arg7[%parallel_loop3A_387, %parallel_loop3A_388, %parallel_loop3A_389], %parallel_loop3A_392 {strides = array<i32>} : memref<4x50x32xf32, #tpu.memory_space<vmem>>, vector<1x1x16xf32>,
        %parallel_loop3A_393 = arith.constant 16 : i32
        %parallel_loop3A_394 = arith.addi %parallel_loop3A_382, %parallel_loop3A_393 : i32
        %parallel_loop3A_395 = arith.index_cast %parallel_loop3A_394 : i32 to index
        %parallel_loop3A_396 = tpu.vector_load %arg5[%parallel_loop3A_395] {strides = array<i32>} : memref<704xf32, #tpu.memory_space<vmem>>, vector<16xf32>,
        %parallel_loop3A_397 = vector.shape_cast %parallel_loop3A_396 : vector<16xf32> to vector<16xf32>
        %parallel_loop3A_398 = arith.constant 13 : i32
        %parallel_loop3A_399 = arith.index_cast %parallel_loop3A_58 : i32 to index
        %parallel_loop3A_400 = arith.index_cast %parallel_loop3A_398 : i32 to index
        %parallel_loop3A_401 = arith.constant 16 : index
        %parallel_loop3A_402 = tpu.vector_load %arg7[%parallel_loop3A_399, %parallel_loop3A_400, %parallel_loop3A_401] {strides = array<i32>} : memref<4x50x32xf32, #tpu.memory_space<vmem>>, vector<1x1x16xf32>,
        %parallel_loop3A_403 = vector.shape_cast %parallel_loop3A_402 : vector<1x1x16xf32> to vector<16xf32>
        %parallel_loop3A_404 = vector.shape_cast %parallel_loop3A_397 : vector<16xf32> to vector<1x1x16xf32>
        tpu.vector_store %arg7[%parallel_loop3A_399, %parallel_loop3A_400, %parallel_loop3A_401], %parallel_loop3A_404 {strides = array<i32>} : memref<4x50x32xf32, #tpu.memory_space<vmem>>, vector<1x1x16xf32>,
        %parallel_loop3A_405 = vector.extract_strided_slice %parallel_loop3A_68 {offsets = [14], sizes = [1], strides = [1]} : vector<16xi32> to vector<1xi32>
        %parallel_loop3A_406 = vector.extract %parallel_loop3A_405[0] : i32 from vector<1xi32>
        %parallel_loop3A_407 = arith.index_cast %parallel_loop3A_406 : i32 to index
        %parallel_loop3A_408 = tpu.vector_load %arg5[%parallel_loop3A_407] {strides = array<i32>} : memref<704xf32, #tpu.memory_space<vmem>>, vector<16xf32>,
        %parallel_loop3A_409 = vector.shape_cast %parallel_loop3A_408 : vector<16xf32> to vector<16xf32>
        %parallel_loop3A_410 = arith.constant 14 : i32
        %parallel_loop3A_411 = arith.index_cast %parallel_loop3A_58 : i32 to index
        %parallel_loop3A_412 = arith.index_cast %parallel_loop3A_410 : i32 to index
        %parallel_loop3A_413 = arith.constant 0 : index
        %parallel_loop3A_414 = tpu.vector_load %arg7[%parallel_loop3A_411, %parallel_loop3A_412, %parallel_loop3A_413] {strides = array<i32>} : memref<4x50x32xf32, #tpu.memory_space<vmem>>, vector<1x1x16xf32>,
        %parallel_loop3A_415 = vector.shape_cast %parallel_loop3A_414 : vector<1x1x16xf32> to vector<16xf32>
        %parallel_loop3A_416 = vector.shape_cast %parallel_loop3A_409 : vector<16xf32> to vector<1x1x16xf32>
        tpu.vector_store %arg7[%parallel_loop3A_411, %parallel_loop3A_412, %parallel_loop3A_413], %parallel_loop3A_416 {strides = array<i32>} : memref<4x50x32xf32, #tpu.memory_space<vmem>>, vector<1x1x16xf32>,
        %parallel_loop3A_417 = arith.constant 16 : i32
        %parallel_loop3A_418 = arith.addi %parallel_loop3A_406, %parallel_loop3A_417 : i32
        %parallel_loop3A_419 = arith.index_cast %parallel_loop3A_418 : i32 to index
        %parallel_loop3A_420 = tpu.vector_load %arg5[%parallel_loop3A_419] {strides = array<i32>} : memref<704xf32, #tpu.memory_space<vmem>>, vector<16xf32>,
        %parallel_loop3A_421 = vector.shape_cast %parallel_loop3A_420 : vector<16xf32> to vector<16xf32>
        %parallel_loop3A_422 = arith.constant 14 : i32
        %parallel_loop3A_423 = arith.index_cast %parallel_loop3A_58 : i32 to index
        %parallel_loop3A_424 = arith.index_cast %parallel_loop3A_422 : i32 to index
        %parallel_loop3A_425 = arith.constant 16 : index
        %parallel_loop3A_426 = tpu.vector_load %arg7[%parallel_loop3A_423, %parallel_loop3A_424, %parallel_loop3A_425] {strides = array<i32>} : memref<4x50x32xf32, #tpu.memory_space<vmem>>, vector<1x1x16xf32>,
        %parallel_loop3A_427 = vector.shape_cast %parallel_loop3A_426 : vector<1x1x16xf32> to vector<16xf32>
        %parallel_loop3A_428 = vector.shape_cast %parallel_loop3A_421 : vector<16xf32> to vector<1x1x16xf32>
        tpu.vector_store %arg7[%parallel_loop3A_423, %parallel_loop3A_424, %parallel_loop3A_425], %parallel_loop3A_428 {strides = array<i32>} : memref<4x50x32xf32, #tpu.memory_space<vmem>>, vector<1x1x16xf32>,
        %parallel_loop3A_429 = vector.extract_strided_slice %parallel_loop3A_68 {offsets = [15], sizes = [1], strides = [1]} : vector<16xi32> to vector<1xi32>
        %parallel_loop3A_430 = vector.extract %parallel_loop3A_429[0] : i32 from vector<1xi32>
        %parallel_loop3A_431 = arith.index_cast %parallel_loop3A_430 : i32 to index
        %parallel_loop3A_432 = tpu.vector_load %arg5[%parallel_loop3A_431] {strides = array<i32>} : memref<704xf32, #tpu.memory_space<vmem>>, vector<16xf32>,
        %parallel_loop3A_433 = vector.shape_cast %parallel_loop3A_432 : vector<16xf32> to vector<16xf32>
        %parallel_loop3A_434 = arith.constant 15 : i32
        %parallel_loop3A_435 = arith.index_cast %parallel_loop3A_58 : i32 to index
        %parallel_loop3A_436 = arith.index_cast %parallel_loop3A_434 : i32 to index
        %parallel_loop3A_437 = arith.constant 0 : index
        %parallel_loop3A_438 = tpu.vector_load %arg7[%parallel_loop3A_435, %parallel_loop3A_436, %parallel_loop3A_437] {strides = array<i32>} : memref<4x50x32xf32, #tpu.memory_space<vmem>>, vector<1x1x16xf32>,
        %parallel_loop3A_439 = vector.shape_cast %parallel_loop3A_438 : vector<1x1x16xf32> to vector<16xf32>
        %parallel_loop3A_440 = vector.shape_cast %parallel_loop3A_433 : vector<16xf32> to vector<1x1x16xf32>
        tpu.vector_store %arg7[%parallel_loop3A_435, %parallel_loop3A_436, %parallel_loop3A_437], %parallel_loop3A_440 {strides = array<i32>} : memref<4x50x32xf32, #tpu.memory_space<vmem>>, vector<1x1x16xf32>,
        %parallel_loop3A_441 = arith.constant 16 : i32
        %parallel_loop3A_442 = arith.addi %parallel_loop3A_430, %parallel_loop3A_441 : i32
        %parallel_loop3A_443 = arith.index_cast %parallel_loop3A_442 : i32 to index
        %parallel_loop3A_444 = tpu.vector_load %arg5[%parallel_loop3A_443] {strides = array<i32>} : memref<704xf32, #tpu.memory_space<vmem>>, vector<16xf32>,
        %parallel_loop3A_445 = vector.shape_cast %parallel_loop3A_444 : vector<16xf32> to vector<16xf32>
        %parallel_loop3A_446 = arith.constant 15 : i32
        %parallel_loop3A_447 = arith.index_cast %parallel_loop3A_58 : i32 to index
        %parallel_loop3A_448 = arith.index_cast %parallel_loop3A_446 : i32 to index
        %parallel_loop3A_449 = arith.constant 16 : index
        %parallel_loop3A_450 = tpu.vector_load %arg7[%parallel_loop3A_447, %parallel_loop3A_448, %parallel_loop3A_449] {strides = array<i32>} : memref<4x50x32xf32, #tpu.memory_space<vmem>>, vector<1x1x16xf32>,
        %parallel_loop3A_451 = vector.shape_cast %parallel_loop3A_450 : vector<1x1x16xf32> to vector<16xf32>
        %parallel_loop3A_452 = vector.shape_cast %parallel_loop3A_445 : vector<16xf32> to vector<1x1x16xf32>
        tpu.vector_store %arg7[%parallel_loop3A_447, %parallel_loop3A_448, %parallel_loop3A_449], %parallel_loop3A_452 {strides = array<i32>} : memref<4x50x32xf32, #tpu.memory_space<vmem>>, vector<1x1x16xf32>,
        %parallel_loop3A_453 = arith.index_cast %parallel_loop3A_61 : i32 to index
        %parallel_loop3A_454 = arith.constant 16 : index
        %parallel_loop3A_455 = tpu.vector_load %arg6[%parallel_loop3A_453, %parallel_loop3A_454] {strides = array<i32>} : memref<512x50xi32, #tpu.memory_space<vmem>>, vector<1x16xi32>,
        %parallel_loop3A_456 = vector.shape_cast %parallel_loop3A_455 : vector<1x16xi32> to vector<16xi32>
        %parallel_loop3A_457 = arith.constant 32 : i32
        %parallel_loop3A_458 = vector.broadcast %parallel_loop3A_457 : i32 to vector<16xi32>
        %parallel_loop3A_459 = arith.muli %parallel_loop3A_456, %parallel_loop3A_458 : vector<16xi32>
        %parallel_loop3A_460 = vector.extract_strided_slice %parallel_loop3A_459 {offsets = [0], sizes = [1], strides = [1]} : vector<16xi32> to vector<1xi32>
        %parallel_loop3A_461 = vector.extract %parallel_loop3A_460[0] : i32 from vector<1xi32>
        %parallel_loop3A_462 = arith.index_cast %parallel_loop3A_461 : i32 to index
        %parallel_loop3A_463 = tpu.vector_load %arg5[%parallel_loop3A_462] {strides = array<i32>} : memref<704xf32, #tpu.memory_space<vmem>>, vector<16xf32>,
        %parallel_loop3A_464 = vector.shape_cast %parallel_loop3A_463 : vector<16xf32> to vector<16xf32>
        %parallel_loop3A_465 = arith.constant 16 : i32
        %parallel_loop3A_466 = arith.index_cast %parallel_loop3A_58 : i32 to index
        %parallel_loop3A_467 = arith.index_cast %parallel_loop3A_465 : i32 to index
        %parallel_loop3A_468 = arith.constant 0 : index
        %parallel_loop3A_469 = tpu.vector_load %arg7[%parallel_loop3A_466, %parallel_loop3A_467, %parallel_loop3A_468] {strides = array<i32>} : memref<4x50x32xf32, #tpu.memory_space<vmem>>, vector<1x1x16xf32>,
        %parallel_loop3A_470 = vector.shape_cast %parallel_loop3A_469 : vector<1x1x16xf32> to vector<16xf32>
        %parallel_loop3A_471 = vector.shape_cast %parallel_loop3A_464 : vector<16xf32> to vector<1x1x16xf32>
        tpu.vector_store %arg7[%parallel_loop3A_466, %parallel_loop3A_467, %parallel_loop3A_468], %parallel_loop3A_471 {strides = array<i32>} : memref<4x50x32xf32, #tpu.memory_space<vmem>>, vector<1x1x16xf32>,
        %parallel_loop3A_472 = arith.constant 16 : i32
        %parallel_loop3A_473 = arith.addi %parallel_loop3A_461, %parallel_loop3A_472 : i32
        %parallel_loop3A_474 = arith.index_cast %parallel_loop3A_473 : i32 to index
        %parallel_loop3A_475 = tpu.vector_load %arg5[%parallel_loop3A_474] {strides = array<i32>} : memref<704xf32, #tpu.memory_space<vmem>>, vector<16xf32>,
        %parallel_loop3A_476 = vector.shape_cast %parallel_loop3A_475 : vector<16xf32> to vector<16xf32>
        %parallel_loop3A_477 = arith.constant 16 : i32
        %parallel_loop3A_478 = arith.index_cast %parallel_loop3A_58 : i32 to index
        %parallel_loop3A_479 = arith.index_cast %parallel_loop3A_477 : i32 to index
        %parallel_loop3A_480 = arith.constant 16 : index
        %parallel_loop3A_481 = tpu.vector_load %arg7[%parallel_loop3A_478, %parallel_loop3A_479, %parallel_loop3A_480] {strides = array<i32>} : memref<4x50x32xf32, #tpu.memory_space<vmem>>, vector<1x1x16xf32>,
        %parallel_loop3A_482 = vector.shape_cast %parallel_loop3A_481 : vector<1x1x16xf32> to vector<16xf32>
        %parallel_loop3A_483 = vector.shape_cast %parallel_loop3A_476 : vector<16xf32> to vector<1x1x16xf32>
        tpu.vector_store %arg7[%parallel_loop3A_478, %parallel_loop3A_479, %parallel_loop3A_480], %parallel_loop3A_483 {strides = array<i32>} : memref<4x50x32xf32, #tpu.memory_space<vmem>>, vector<1x1x16xf32>,
        %parallel_loop3A_484 = vector.extract_strided_slice %parallel_loop3A_459 {offsets = [1], sizes = [1], strides = [1]} : vector<16xi32> to vector<1xi32>
        %parallel_loop3A_485 = vector.extract %parallel_loop3A_484[0] : i32 from vector<1xi32>
        %parallel_loop3A_486 = arith.index_cast %parallel_loop3A_485 : i32 to index
        %parallel_loop3A_487 = tpu.vector_load %arg5[%parallel_loop3A_486] {strides = array<i32>} : memref<704xf32, #tpu.memory_space<vmem>>, vector<16xf32>,
        %parallel_loop3A_488 = vector.shape_cast %parallel_loop3A_487 : vector<16xf32> to vector<16xf32>
        %parallel_loop3A_489 = arith.constant 17 : i32
        %parallel_loop3A_490 = arith.index_cast %parallel_loop3A_58 : i32 to index
        %parallel_loop3A_491 = arith.index_cast %parallel_loop3A_489 : i32 to index
        %parallel_loop3A_492 = arith.constant 0 : index
        %parallel_loop3A_493 = tpu.vector_load %arg7[%parallel_loop3A_490, %parallel_loop3A_491, %parallel_loop3A_492] {strides = array<i32>} : memref<4x50x32xf32, #tpu.memory_space<vmem>>, vector<1x1x16xf32>,
        %parallel_loop3A_494 = vector.shape_cast %parallel_loop3A_493 : vector<1x1x16xf32> to vector<16xf32>
        %parallel_loop3A_495 = vector.shape_cast %parallel_loop3A_488 : vector<16xf32> to vector<1x1x16xf32>
        tpu.vector_store %arg7[%parallel_loop3A_490, %parallel_loop3A_491, %parallel_loop3A_492], %parallel_loop3A_495 {strides = array<i32>} : memref<4x50x32xf32, #tpu.memory_space<vmem>>, vector<1x1x16xf32>,
        %parallel_loop3A_496 = arith.constant 16 : i32
        %parallel_loop3A_497 = arith.addi %parallel_loop3A_485, %parallel_loop3A_496 : i32
        %parallel_loop3A_498 = arith.index_cast %parallel_loop3A_497 : i32 to index
        %parallel_loop3A_499 = tpu.vector_load %arg5[%parallel_loop3A_498] {strides = array<i32>} : memref<704xf32, #tpu.memory_space<vmem>>, vector<16xf32>,
        %parallel_loop3A_500 = vector.shape_cast %parallel_loop3A_499 : vector<16xf32> to vector<16xf32>
        %parallel_loop3A_501 = arith.constant 17 : i32
        %parallel_loop3A_502 = arith.index_cast %parallel_loop3A_58 : i32 to index
        %parallel_loop3A_503 = arith.index_cast %parallel_loop3A_501 : i32 to index
        %parallel_loop3A_504 = arith.constant 16 : index
        %parallel_loop3A_505 = tpu.vector_load %arg7[%parallel_loop3A_502, %parallel_loop3A_503, %parallel_loop3A_504] {strides = array<i32>} : memref<4x50x32xf32, #tpu.memory_space<vmem>>, vector<1x1x16xf32>,
        %parallel_loop3A_506 = vector.shape_cast %parallel_loop3A_505 : vector<1x1x16xf32> to vector<16xf32>
        %parallel_loop3A_507 = vector.shape_cast %parallel_loop3A_500 : vector<16xf32> to vector<1x1x16xf32>
        tpu.vector_store %arg7[%parallel_loop3A_502, %parallel_loop3A_503, %parallel_loop3A_504], %parallel_loop3A_507 {strides = array<i32>} : memref<4x50x32xf32, #tpu.memory_space<vmem>>, vector<1x1x16xf32>,
        %parallel_loop3A_508 = vector.extract_strided_slice %parallel_loop3A_459 {offsets = [2], sizes = [1], strides = [1]} : vector<16xi32> to vector<1xi32>
        %parallel_loop3A_509 = vector.extract %parallel_loop3A_508[0] : i32 from vector<1xi32>
        %parallel_loop3A_510 = arith.index_cast %parallel_loop3A_509 : i32 to index
        %parallel_loop3A_511 = tpu.vector_load %arg5[%parallel_loop3A_510] {strides = array<i32>} : memref<704xf32, #tpu.memory_space<vmem>>, vector<16xf32>,
        %parallel_loop3A_512 = vector.shape_cast %parallel_loop3A_511 : vector<16xf32> to vector<16xf32>
        %parallel_loop3A_513 = arith.constant 18 : i32
        %parallel_loop3A_514 = arith.index_cast %parallel_loop3A_58 : i32 to index
        %parallel_loop3A_515 = arith.index_cast %parallel_loop3A_513 : i32 to index
        %parallel_loop3A_516 = arith.constant 0 : index
        %parallel_loop3A_517 = tpu.vector_load %arg7[%parallel_loop3A_514, %parallel_loop3A_515, %parallel_loop3A_516] {strides = array<i32>} : memref<4x50x32xf32, #tpu.memory_space<vmem>>, vector<1x1x16xf32>,
        %parallel_loop3A_518 = vector.shape_cast %parallel_loop3A_517 : vector<1x1x16xf32> to vector<16xf32>
        %parallel_loop3A_519 = vector.shape_cast %parallel_loop3A_512 : vector<16xf32> to vector<1x1x16xf32>
        tpu.vector_store %arg7[%parallel_loop3A_514, %parallel_loop3A_515, %parallel_loop3A_516], %parallel_loop3A_519 {strides = array<i32>} : memref<4x50x32xf32, #tpu.memory_space<vmem>>, vector<1x1x16xf32>,
        %parallel_loop3A_520 = arith.constant 16 : i32
        %parallel_loop3A_521 = arith.addi %parallel_loop3A_509, %parallel_loop3A_520 : i32
        %parallel_loop3A_522 = arith.index_cast %parallel_loop3A_521 : i32 to index
        %parallel_loop3A_523 = tpu.vector_load %arg5[%parallel_loop3A_522] {strides = array<i32>} : memref<704xf32, #tpu.memory_space<vmem>>, vector<16xf32>,
        %parallel_loop3A_524 = vector.shape_cast %parallel_loop3A_523 : vector<16xf32> to vector<16xf32>
        %parallel_loop3A_525 = arith.constant 18 : i32
        %parallel_loop3A_526 = arith.index_cast %parallel_loop3A_58 : i32 to index
        %parallel_loop3A_527 = arith.index_cast %parallel_loop3A_525 : i32 to index
        %parallel_loop3A_528 = arith.constant 16 : index
        %parallel_loop3A_529 = tpu.vector_load %arg7[%parallel_loop3A_526, %parallel_loop3A_527, %parallel_loop3A_528] {strides = array<i32>} : memref<4x50x32xf32, #tpu.memory_space<vmem>>, vector<1x1x16xf32>,
        %parallel_loop3A_530 = vector.shape_cast %parallel_loop3A_529 : vector<1x1x16xf32> to vector<16xf32>
        %parallel_loop3A_531 = vector.shape_cast %parallel_loop3A_524 : vector<16xf32> to vector<1x1x16xf32>
        tpu.vector_store %arg7[%parallel_loop3A_526, %parallel_loop3A_527, %parallel_loop3A_528], %parallel_loop3A_531 {strides = array<i32>} : memref<4x50x32xf32, #tpu.memory_space<vmem>>, vector<1x1x16xf32>,
        %parallel_loop3A_532 = vector.extract_strided_slice %parallel_loop3A_459 {offsets = [3], sizes = [1], strides = [1]} : vector<16xi32> to vector<1xi32>
        %parallel_loop3A_533 = vector.extract %parallel_loop3A_532[0] : i32 from vector<1xi32>
        %parallel_loop3A_534 = arith.index_cast %parallel_loop3A_533 : i32 to index
        %parallel_loop3A_535 = tpu.vector_load %arg5[%parallel_loop3A_534] {strides = array<i32>} : memref<704xf32, #tpu.memory_space<vmem>>, vector<16xf32>,
        %parallel_loop3A_536 = vector.shape_cast %parallel_loop3A_535 : vector<16xf32> to vector<16xf32>
        %parallel_loop3A_537 = arith.constant 19 : i32
        %parallel_loop3A_538 = arith.index_cast %parallel_loop3A_58 : i32 to index
        %parallel_loop3A_539 = arith.index_cast %parallel_loop3A_537 : i32 to index
        %parallel_loop3A_540 = arith.constant 0 : index
        %parallel_loop3A_541 = tpu.vector_load %arg7[%parallel_loop3A_538, %parallel_loop3A_539, %parallel_loop3A_540] {strides = array<i32>} : memref<4x50x32xf32, #tpu.memory_space<vmem>>, vector<1x1x16xf32>,
        %parallel_loop3A_542 = vector.shape_cast %parallel_loop3A_541 : vector<1x1x16xf32> to vector<16xf32>
        %parallel_loop3A_543 = vector.shape_cast %parallel_loop3A_536 : vector<16xf32> to vector<1x1x16xf32>
        tpu.vector_store %arg7[%parallel_loop3A_538, %parallel_loop3A_539, %parallel_loop3A_540], %parallel_loop3A_543 {strides = array<i32>} : memref<4x50x32xf32, #tpu.memory_space<vmem>>, vector<1x1x16xf32>,
        %parallel_loop3A_544 = arith.constant 16 : i32
        %parallel_loop3A_545 = arith.addi %parallel_loop3A_533, %parallel_loop3A_544 : i32
        %parallel_loop3A_546 = arith.index_cast %parallel_loop3A_545 : i32 to index
        %parallel_loop3A_547 = tpu.vector_load %arg5[%parallel_loop3A_546] {strides = array<i32>} : memref<704xf32, #tpu.memory_space<vmem>>, vector<16xf32>,
        %parallel_loop3A_548 = vector.shape_cast %parallel_loop3A_547 : vector<16xf32> to vector<16xf32>
        %parallel_loop3A_549 = arith.constant 19 : i32
        %parallel_loop3A_550 = arith.index_cast %parallel_loop3A_58 : i32 to index
        %parallel_loop3A_551 = arith.index_cast %parallel_loop3A_549 : i32 to index
        %parallel_loop3A_552 = arith.constant 16 : index
        %parallel_loop3A_553 = tpu.vector_load %arg7[%parallel_loop3A_550, %parallel_loop3A_551, %parallel_loop3A_552] {strides = array<i32>} : memref<4x50x32xf32, #tpu.memory_space<vmem>>, vector<1x1x16xf32>,
        %parallel_loop3A_554 = vector.shape_cast %parallel_loop3A_553 : vector<1x1x16xf32> to vector<16xf32>
        %parallel_loop3A_555 = vector.shape_cast %parallel_loop3A_548 : vector<16xf32> to vector<1x1x16xf32>
        tpu.vector_store %arg7[%parallel_loop3A_550, %parallel_loop3A_551, %parallel_loop3A_552], %parallel_loop3A_555 {strides = array<i32>} : memref<4x50x32xf32, #tpu.memory_space<vmem>>, vector<1x1x16xf32>,
        %parallel_loop3A_556 = vector.extract_strided_slice %parallel_loop3A_459 {offsets = [4], sizes = [1], strides = [1]} : vector<16xi32> to vector<1xi32>
        %parallel_loop3A_557 = vector.extract %parallel_loop3A_556[0] : i32 from vector<1xi32>
        %parallel_loop3A_558 = arith.index_cast %parallel_loop3A_557 : i32 to index
        %parallel_loop3A_559 = tpu.vector_load %arg5[%parallel_loop3A_558] {strides = array<i32>} : memref<704xf32, #tpu.memory_space<vmem>>, vector<16xf32>,
        %parallel_loop3A_560 = vector.shape_cast %parallel_loop3A_559 : vector<16xf32> to vector<16xf32>
        %parallel_loop3A_561 = arith.constant 20 : i32
        %parallel_loop3A_562 = arith.index_cast %parallel_loop3A_58 : i32 to index
        %parallel_loop3A_563 = arith.index_cast %parallel_loop3A_561 : i32 to index
        %parallel_loop3A_564 = arith.constant 0 : index
        %parallel_loop3A_565 = tpu.vector_load %arg7[%parallel_loop3A_562, %parallel_loop3A_563, %parallel_loop3A_564] {strides = array<i32>} : memref<4x50x32xf32, #tpu.memory_space<vmem>>, vector<1x1x16xf32>,
        %parallel_loop3A_566 = vector.shape_cast %parallel_loop3A_565 : vector<1x1x16xf32> to vector<16xf32>
        %parallel_loop3A_567 = vector.shape_cast %parallel_loop3A_560 : vector<16xf32> to vector<1x1x16xf32>
        tpu.vector_store %arg7[%parallel_loop3A_562, %parallel_loop3A_563, %parallel_loop3A_564], %parallel_loop3A_567 {strides = array<i32>} : memref<4x50x32xf32, #tpu.memory_space<vmem>>, vector<1x1x16xf32>,
        %parallel_loop3A_568 = arith.constant 16 : i32
        %parallel_loop3A_569 = arith.addi %parallel_loop3A_557, %parallel_loop3A_568 : i32
        %parallel_loop3A_570 = arith.index_cast %parallel_loop3A_569 : i32 to index
        %parallel_loop3A_571 = tpu.vector_load %arg5[%parallel_loop3A_570] {strides = array<i32>} : memref<704xf32, #tpu.memory_space<vmem>>, vector<16xf32>,
        %parallel_loop3A_572 = vector.shape_cast %parallel_loop3A_571 : vector<16xf32> to vector<16xf32>
        %parallel_loop3A_573 = arith.constant 20 : i32
        %parallel_loop3A_574 = arith.index_cast %parallel_loop3A_58 : i32 to index
        %parallel_loop3A_575 = arith.index_cast %parallel_loop3A_573 : i32 to index
        %parallel_loop3A_576 = arith.constant 16 : index
        %parallel_loop3A_577 = tpu.vector_load %arg7[%parallel_loop3A_574, %parallel_loop3A_575, %parallel_loop3A_576] {strides = array<i32>} : memref<4x50x32xf32, #tpu.memory_space<vmem>>, vector<1x1x16xf32>,
        %parallel_loop3A_578 = vector.shape_cast %parallel_loop3A_577 : vector<1x1x16xf32> to vector<16xf32>
        %parallel_loop3A_579 = vector.shape_cast %parallel_loop3A_572 : vector<16xf32> to vector<1x1x16xf32>
        tpu.vector_store %arg7[%parallel_loop3A_574, %parallel_loop3A_575, %parallel_loop3A_576], %parallel_loop3A_579 {strides = array<i32>} : memref<4x50x32xf32, #tpu.memory_space<vmem>>, vector<1x1x16xf32>,
        %parallel_loop3A_580 = vector.extract_strided_slice %parallel_loop3A_459 {offsets = [5], sizes = [1], strides = [1]} : vector<16xi32> to vector<1xi32>
        %parallel_loop3A_581 = vector.extract %parallel_loop3A_580[0] : i32 from vector<1xi32>
        %parallel_loop3A_582 = arith.index_cast %parallel_loop3A_581 : i32 to index
        %parallel_loop3A_583 = tpu.vector_load %arg5[%parallel_loop3A_582] {strides = array<i32>} : memref<704xf32, #tpu.memory_space<vmem>>, vector<16xf32>,
        %parallel_loop3A_584 = vector.shape_cast %parallel_loop3A_583 : vector<16xf32> to vector<16xf32>
        %parallel_loop3A_585 = arith.constant 21 : i32
        %parallel_loop3A_586 = arith.index_cast %parallel_loop3A_58 : i32 to index
        %parallel_loop3A_587 = arith.index_cast %parallel_loop3A_585 : i32 to index
        %parallel_loop3A_588 = arith.constant 0 : index
        %parallel_loop3A_589 = tpu.vector_load %arg7[%parallel_loop3A_586, %parallel_loop3A_587, %parallel_loop3A_588] {strides = array<i32>} : memref<4x50x32xf32, #tpu.memory_space<vmem>>, vector<1x1x16xf32>,
        %parallel_loop3A_590 = vector.shape_cast %parallel_loop3A_589 : vector<1x1x16xf32> to vector<16xf32>
        %parallel_loop3A_591 = vector.shape_cast %parallel_loop3A_584 : vector<16xf32> to vector<1x1x16xf32>
        tpu.vector_store %arg7[%parallel_loop3A_586, %parallel_loop3A_587, %parallel_loop3A_588], %parallel_loop3A_591 {strides = array<i32>} : memref<4x50x32xf32, #tpu.memory_space<vmem>>, vector<1x1x16xf32>,
        %parallel_loop3A_592 = arith.constant 16 : i32
        %parallel_loop3A_593 = arith.addi %parallel_loop3A_581, %parallel_loop3A_592 : i32
        %parallel_loop3A_594 = arith.index_cast %parallel_loop3A_593 : i32 to index
        %parallel_loop3A_595 = tpu.vector_load %arg5[%parallel_loop3A_594] {strides = array<i32>} : memref<704xf32, #tpu.memory_space<vmem>>, vector<16xf32>,
        %parallel_loop3A_596 = vector.shape_cast %parallel_loop3A_595 : vector<16xf32> to vector<16xf32>
        %parallel_loop3A_597 = arith.constant 21 : i32
        %parallel_loop3A_598 = arith.index_cast %parallel_loop3A_58 : i32 to index
        %parallel_loop3A_599 = arith.index_cast %parallel_loop3A_597 : i32 to index
        %parallel_loop3A_600 = arith.constant 16 : index
        %parallel_loop3A_601 = tpu.vector_load %arg7[%parallel_loop3A_598, %parallel_loop3A_599, %parallel_loop3A_600] {strides = array<i32>} : memref<4x50x32xf32, #tpu.memory_space<vmem>>, vector<1x1x16xf32>,
        %parallel_loop3A_602 = vector.shape_cast %parallel_loop3A_601 : vector<1x1x16xf32> to vector<16xf32>
        %parallel_loop3A_603 = vector.shape_cast %parallel_loop3A_596 : vector<16xf32> to vector<1x1x16xf32>
        tpu.vector_store %arg7[%parallel_loop3A_598, %parallel_loop3A_599, %parallel_loop3A_600], %parallel_loop3A_603 {strides = array<i32>} : memref<4x50x32xf32, #tpu.memory_space<vmem>>, vector<1x1x16xf32>,
        %parallel_loop3A_604 = vector.extract_strided_slice %parallel_loop3A_459 {offsets = [6], sizes = [1], strides = [1]} : vector<16xi32> to vector<1xi32>
        %parallel_loop3A_605 = vector.extract %parallel_loop3A_604[0] : i32 from vector<1xi32>
        %parallel_loop3A_606 = arith.index_cast %parallel_loop3A_605 : i32 to index
        %parallel_loop3A_607 = tpu.vector_load %arg5[%parallel_loop3A_606] {strides = array<i32>} : memref<704xf32, #tpu.memory_space<vmem>>, vector<16xf32>,
        %parallel_loop3A_608 = vector.shape_cast %parallel_loop3A_607 : vector<16xf32> to vector<16xf32>
        %parallel_loop3A_609 = arith.constant 22 : i32
        %parallel_loop3A_610 = arith.index_cast %parallel_loop3A_58 : i32 to index
        %parallel_loop3A_611 = arith.index_cast %parallel_loop3A_609 : i32 to index
        %parallel_loop3A_612 = arith.constant 0 : index
        %parallel_loop3A_613 = tpu.vector_load %arg7[%parallel_loop3A_610, %parallel_loop3A_611, %parallel_loop3A_612] {strides = array<i32>} : memref<4x50x32xf32, #tpu.memory_space<vmem>>, vector<1x1x16xf32>,
        %parallel_loop3A_614 = vector.shape_cast %parallel_loop3A_613 : vector<1x1x16xf32> to vector<16xf32>
        %parallel_loop3A_615 = vector.shape_cast %parallel_loop3A_608 : vector<16xf32> to vector<1x1x16xf32>
        tpu.vector_store %arg7[%parallel_loop3A_610, %parallel_loop3A_611, %parallel_loop3A_612], %parallel_loop3A_615 {strides = array<i32>} : memref<4x50x32xf32, #tpu.memory_space<vmem>>, vector<1x1x16xf32>,
        %parallel_loop3A_616 = arith.constant 16 : i32
        %parallel_loop3A_617 = arith.addi %parallel_loop3A_605, %parallel_loop3A_616 : i32
        %parallel_loop3A_618 = arith.index_cast %parallel_loop3A_617 : i32 to index
        %parallel_loop3A_619 = tpu.vector_load %arg5[%parallel_loop3A_618] {strides = array<i32>} : memref<704xf32, #tpu.memory_space<vmem>>, vector<16xf32>,
        %parallel_loop3A_620 = vector.shape_cast %parallel_loop3A_619 : vector<16xf32> to vector<16xf32>
        %parallel_loop3A_621 = arith.constant 22 : i32
        %parallel_loop3A_622 = arith.index_cast %parallel_loop3A_58 : i32 to index
        %parallel_loop3A_623 = arith.index_cast %parallel_loop3A_621 : i32 to index
        %parallel_loop3A_624 = arith.constant 16 : index
        %parallel_loop3A_625 = tpu.vector_load %arg7[%parallel_loop3A_622, %parallel_loop3A_623, %parallel_loop3A_624] {strides = array<i32>} : memref<4x50x32xf32, #tpu.memory_space<vmem>>, vector<1x1x16xf32>,
        %parallel_loop3A_626 = vector.shape_cast %parallel_loop3A_625 : vector<1x1x16xf32> to vector<16xf32>
        %parallel_loop3A_627 = vector.shape_cast %parallel_loop3A_620 : vector<16xf32> to vector<1x1x16xf32>
        tpu.vector_store %arg7[%parallel_loop3A_622, %parallel_loop3A_623, %parallel_loop3A_624], %parallel_loop3A_627 {strides = array<i32>} : memref<4x50x32xf32, #tpu.memory_space<vmem>>, vector<1x1x16xf32>,
        %parallel_loop3A_628 = vector.extract_strided_slice %parallel_loop3A_459 {offsets = [7], sizes = [1], strides = [1]} : vector<16xi32> to vector<1xi32>
        %parallel_loop3A_629 = vector.extract %parallel_loop3A_628[0] : i32 from vector<1xi32>
        %parallel_loop3A_630 = arith.index_cast %parallel_loop3A_629 : i32 to index
        %parallel_loop3A_631 = tpu.vector_load %arg5[%parallel_loop3A_630] {strides = array<i32>} : memref<704xf32, #tpu.memory_space<vmem>>, vector<16xf32>,
        %parallel_loop3A_632 = vector.shape_cast %parallel_loop3A_631 : vector<16xf32> to vector<16xf32>
        %parallel_loop3A_633 = arith.constant 23 : i32
        %parallel_loop3A_634 = arith.index_cast %parallel_loop3A_58 : i32 to index
        %parallel_loop3A_635 = arith.index_cast %parallel_loop3A_633 : i32 to index
        %parallel_loop3A_636 = arith.constant 0 : index
        %parallel_loop3A_637 = tpu.vector_load %arg7[%parallel_loop3A_634, %parallel_loop3A_635, %parallel_loop3A_636] {strides = array<i32>} : memref<4x50x32xf32, #tpu.memory_space<vmem>>, vector<1x1x16xf32>,
        %parallel_loop3A_638 = vector.shape_cast %parallel_loop3A_637 : vector<1x1x16xf32> to vector<16xf32>
        %parallel_loop3A_639 = vector.shape_cast %parallel_loop3A_632 : vector<16xf32> to vector<1x1x16xf32>
        tpu.vector_store %arg7[%parallel_loop3A_634, %parallel_loop3A_635, %parallel_loop3A_636], %parallel_loop3A_639 {strides = array<i32>} : memref<4x50x32xf32, #tpu.memory_space<vmem>>, vector<1x1x16xf32>,
        %parallel_loop3A_640 = arith.constant 16 : i32
        %parallel_loop3A_641 = arith.addi %parallel_loop3A_629, %parallel_loop3A_640 : i32
        %parallel_loop3A_642 = arith.index_cast %parallel_loop3A_641 : i32 to index
        %parallel_loop3A_643 = tpu.vector_load %arg5[%parallel_loop3A_642] {strides = array<i32>} : memref<704xf32, #tpu.memory_space<vmem>>, vector<16xf32>,
        %parallel_loop3A_644 = vector.shape_cast %parallel_loop3A_643 : vector<16xf32> to vector<16xf32>
        %parallel_loop3A_645 = arith.constant 23 : i32
        %parallel_loop3A_646 = arith.index_cast %parallel_loop3A_58 : i32 to index
        %parallel_loop3A_647 = arith.index_cast %parallel_loop3A_645 : i32 to index
        %parallel_loop3A_648 = arith.constant 16 : index
        %parallel_loop3A_649 = tpu.vector_load %arg7[%parallel_loop3A_646, %parallel_loop3A_647, %parallel_loop3A_648] {strides = array<i32>} : memref<4x50x32xf32, #tpu.memory_space<vmem>>, vector<1x1x16xf32>,
        %parallel_loop3A_650 = vector.shape_cast %parallel_loop3A_649 : vector<1x1x16xf32> to vector<16xf32>
        %parallel_loop3A_651 = vector.shape_cast %parallel_loop3A_644 : vector<16xf32> to vector<1x1x16xf32>
        tpu.vector_store %arg7[%parallel_loop3A_646, %parallel_loop3A_647, %parallel_loop3A_648], %parallel_loop3A_651 {strides = array<i32>} : memref<4x50x32xf32, #tpu.memory_space<vmem>>, vector<1x1x16xf32>,
        %parallel_loop3A_652 = vector.extract_strided_slice %parallel_loop3A_459 {offsets = [8], sizes = [1], strides = [1]} : vector<16xi32> to vector<1xi32>
        %parallel_loop3A_653 = vector.extract %parallel_loop3A_652[0] : i32 from vector<1xi32>
        %parallel_loop3A_654 = arith.index_cast %parallel_loop3A_653 : i32 to index
        %parallel_loop3A_655 = tpu.vector_load %arg5[%parallel_loop3A_654] {strides = array<i32>} : memref<704xf32, #tpu.memory_space<vmem>>, vector<16xf32>,
        %parallel_loop3A_656 = vector.shape_cast %parallel_loop3A_655 : vector<16xf32> to vector<16xf32>
        %parallel_loop3A_657 = arith.constant 24 : i32
        %parallel_loop3A_658 = arith.index_cast %parallel_loop3A_58 : i32 to index
        %parallel_loop3A_659 = arith.index_cast %parallel_loop3A_657 : i32 to index
        %parallel_loop3A_660 = arith.constant 0 : index
        %parallel_loop3A_661 = tpu.vector_load %arg7[%parallel_loop3A_658, %parallel_loop3A_659, %parallel_loop3A_660] {strides = array<i32>} : memref<4x50x32xf32, #tpu.memory_space<vmem>>, vector<1x1x16xf32>,
        %parallel_loop3A_662 = vector.shape_cast %parallel_loop3A_661 : vector<1x1x16xf32> to vector<16xf32>
        %parallel_loop3A_663 = vector.shape_cast %parallel_loop3A_656 : vector<16xf32> to vector<1x1x16xf32>
        tpu.vector_store %arg7[%parallel_loop3A_658, %parallel_loop3A_659, %parallel_loop3A_660], %parallel_loop3A_663 {strides = array<i32>} : memref<4x50x32xf32, #tpu.memory_space<vmem>>, vector<1x1x16xf32>,
        %parallel_loop3A_664 = arith.constant 16 : i32
        %parallel_loop3A_665 = arith.addi %parallel_loop3A_653, %parallel_loop3A_664 : i32
        %parallel_loop3A_666 = arith.index_cast %parallel_loop3A_665 : i32 to index
        %parallel_loop3A_667 = tpu.vector_load %arg5[%parallel_loop3A_666] {strides = array<i32>} : memref<704xf32, #tpu.memory_space<vmem>>, vector<16xf32>,
        %parallel_loop3A_668 = vector.shape_cast %parallel_loop3A_667 : vector<16xf32> to vector<16xf32>
        %parallel_loop3A_669 = arith.constant 24 : i32
        %parallel_loop3A_670 = arith.index_cast %parallel_loop3A_58 : i32 to index
        %parallel_loop3A_671 = arith.index_cast %parallel_loop3A_669 : i32 to index
        %parallel_loop3A_672 = arith.constant 16 : index
        %parallel_loop3A_673 = tpu.vector_load %arg7[%parallel_loop3A_670, %parallel_loop3A_671, %parallel_loop3A_672] {strides = array<i32>} : memref<4x50x32xf32, #tpu.memory_space<vmem>>, vector<1x1x16xf32>,
        %parallel_loop3A_674 = vector.shape_cast %parallel_loop3A_673 : vector<1x1x16xf32> to vector<16xf32>
        %parallel_loop3A_675 = vector.shape_cast %parallel_loop3A_668 : vector<16xf32> to vector<1x1x16xf32>
        tpu.vector_store %arg7[%parallel_loop3A_670, %parallel_loop3A_671, %parallel_loop3A_672], %parallel_loop3A_675 {strides = array<i32>} : memref<4x50x32xf32, #tpu.memory_space<vmem>>, vector<1x1x16xf32>,
        %parallel_loop3A_676 = vector.extract_strided_slice %parallel_loop3A_459 {offsets = [9], sizes = [1], strides = [1]} : vector<16xi32> to vector<1xi32>
        %parallel_loop3A_677 = vector.extract %parallel_loop3A_676[0] : i32 from vector<1xi32>
        %parallel_loop3A_678 = arith.index_cast %parallel_loop3A_677 : i32 to index
        %parallel_loop3A_679 = tpu.vector_load %arg5[%parallel_loop3A_678] {strides = array<i32>} : memref<704xf32, #tpu.memory_space<vmem>>, vector<16xf32>,
        %parallel_loop3A_680 = vector.shape_cast %parallel_loop3A_679 : vector<16xf32> to vector<16xf32>
        %parallel_loop3A_681 = arith.constant 25 : i32
        %parallel_loop3A_682 = arith.index_cast %parallel_loop3A_58 : i32 to index
        %parallel_loop3A_683 = arith.index_cast %parallel_loop3A_681 : i32 to index
        %parallel_loop3A_684 = arith.constant 0 : index
        %parallel_loop3A_685 = tpu.vector_load %arg7[%parallel_loop3A_682, %parallel_loop3A_683, %parallel_loop3A_684] {strides = array<i32>} : memref<4x50x32xf32, #tpu.memory_space<vmem>>, vector<1x1x16xf32>,
        %parallel_loop3A_686 = vector.shape_cast %parallel_loop3A_685 : vector<1x1x16xf32> to vector<16xf32>
        %parallel_loop3A_687 = vector.shape_cast %parallel_loop3A_680 : vector<16xf32> to vector<1x1x16xf32>
        tpu.vector_store %arg7[%parallel_loop3A_682, %parallel_loop3A_683, %parallel_loop3A_684], %parallel_loop3A_687 {strides = array<i32>} : memref<4x50x32xf32, #tpu.memory_space<vmem>>, vector<1x1x16xf32>,
        %parallel_loop3A_688 = arith.constant 16 : i32
        %parallel_loop3A_689 = arith.addi %parallel_loop3A_677, %parallel_loop3A_688 : i32
        %parallel_loop3A_690 = arith.index_cast %parallel_loop3A_689 : i32 to index
        %parallel_loop3A_691 = tpu.vector_load %arg5[%parallel_loop3A_690] {strides = array<i32>} : memref<704xf32, #tpu.memory_space<vmem>>, vector<16xf32>,
        %parallel_loop3A_692 = vector.shape_cast %parallel_loop3A_691 : vector<16xf32> to vector<16xf32>
        %parallel_loop3A_693 = arith.constant 25 : i32
        %parallel_loop3A_694 = arith.index_cast %parallel_loop3A_58 : i32 to index
        %parallel_loop3A_695 = arith.index_cast %parallel_loop3A_693 : i32 to index
        %parallel_loop3A_696 = arith.constant 16 : index
        %parallel_loop3A_697 = tpu.vector_load %arg7[%parallel_loop3A_694, %parallel_loop3A_695, %parallel_loop3A_696] {strides = array<i32>} : memref<4x50x32xf32, #tpu.memory_space<vmem>>, vector<1x1x16xf32>,
        %parallel_loop3A_698 = vector.shape_cast %parallel_loop3A_697 : vector<1x1x16xf32> to vector<16xf32>
        %parallel_loop3A_699 = vector.shape_cast %parallel_loop3A_692 : vector<16xf32> to vector<1x1x16xf32>
        tpu.vector_store %arg7[%parallel_loop3A_694, %parallel_loop3A_695, %parallel_loop3A_696], %parallel_loop3A_699 {strides = array<i32>} : memref<4x50x32xf32, #tpu.memory_space<vmem>>, vector<1x1x16xf32>,
        %parallel_loop3A_700 = vector.extract_strided_slice %parallel_loop3A_459 {offsets = [10], sizes = [1], strides = [1]} : vector<16xi32> to vector<1xi32>
        %parallel_loop3A_701 = vector.extract %parallel_loop3A_700[0] : i32 from vector<1xi32>
        %parallel_loop3A_702 = arith.index_cast %parallel_loop3A_701 : i32 to index
        %parallel_loop3A_703 = tpu.vector_load %arg5[%parallel_loop3A_702] {strides = array<i32>} : memref<704xf32, #tpu.memory_space<vmem>>, vector<16xf32>,
        %parallel_loop3A_704 = vector.shape_cast %parallel_loop3A_703 : vector<16xf32> to vector<16xf32>
        %parallel_loop3A_705 = arith.constant 26 : i32
        %parallel_loop3A_706 = arith.index_cast %parallel_loop3A_58 : i32 to index
        %parallel_loop3A_707 = arith.index_cast %parallel_loop3A_705 : i32 to index
        %parallel_loop3A_708 = arith.constant 0 : index
        %parallel_loop3A_709 = tpu.vector_load %arg7[%parallel_loop3A_706, %parallel_loop3A_707, %parallel_loop3A_708] {strides = array<i32>} : memref<4x50x32xf32, #tpu.memory_space<vmem>>, vector<1x1x16xf32>,
        %parallel_loop3A_710 = vector.shape_cast %parallel_loop3A_709 : vector<1x1x16xf32> to vector<16xf32>
        %parallel_loop3A_711 = vector.shape_cast %parallel_loop3A_704 : vector<16xf32> to vector<1x1x16xf32>
        tpu.vector_store %arg7[%parallel_loop3A_706, %parallel_loop3A_707, %parallel_loop3A_708], %parallel_loop3A_711 {strides = array<i32>} : memref<4x50x32xf32, #tpu.memory_space<vmem>>, vector<1x1x16xf32>,
        %parallel_loop3A_712 = arith.constant 16 : i32
        %parallel_loop3A_713 = arith.addi %parallel_loop3A_701, %parallel_loop3A_712 : i32
        %parallel_loop3A_714 = arith.index_cast %parallel_loop3A_713 : i32 to index
        %parallel_loop3A_715 = tpu.vector_load %arg5[%parallel_loop3A_714] {strides = array<i32>} : memref<704xf32, #tpu.memory_space<vmem>>, vector<16xf32>,
        %parallel_loop3A_716 = vector.shape_cast %parallel_loop3A_715 : vector<16xf32> to vector<16xf32>
        %parallel_loop3A_717 = arith.constant 26 : i32
        %parallel_loop3A_718 = arith.index_cast %parallel_loop3A_58 : i32 to index
        %parallel_loop3A_719 = arith.index_cast %parallel_loop3A_717 : i32 to index
        %parallel_loop3A_720 = arith.constant 16 : index
        %parallel_loop3A_721 = tpu.vector_load %arg7[%parallel_loop3A_718, %parallel_loop3A_719, %parallel_loop3A_720] {strides = array<i32>} : memref<4x50x32xf32, #tpu.memory_space<vmem>>, vector<1x1x16xf32>,
        %parallel_loop3A_722 = vector.shape_cast %parallel_loop3A_721 : vector<1x1x16xf32> to vector<16xf32>
        %parallel_loop3A_723 = vector.shape_cast %parallel_loop3A_716 : vector<16xf32> to vector<1x1x16xf32>
        tpu.vector_store %arg7[%parallel_loop3A_718, %parallel_loop3A_719, %parallel_loop3A_720], %parallel_loop3A_723 {strides = array<i32>} : memref<4x50x32xf32, #tpu.memory_space<vmem>>, vector<1x1x16xf32>,
        %parallel_loop3A_724 = vector.extract_strided_slice %parallel_loop3A_459 {offsets = [11], sizes = [1], strides = [1]} : vector<16xi32> to vector<1xi32>
        %parallel_loop3A_725 = vector.extract %parallel_loop3A_724[0] : i32 from vector<1xi32>
        %parallel_loop3A_726 = arith.index_cast %parallel_loop3A_725 : i32 to index
        %parallel_loop3A_727 = tpu.vector_load %arg5[%parallel_loop3A_726] {strides = array<i32>} : memref<704xf32, #tpu.memory_space<vmem>>, vector<16xf32>,
        %parallel_loop3A_728 = vector.shape_cast %parallel_loop3A_727 : vector<16xf32> to vector<16xf32>
        %parallel_loop3A_729 = arith.constant 27 : i32
        %parallel_loop3A_730 = arith.index_cast %parallel_loop3A_58 : i32 to index
        %parallel_loop3A_731 = arith.index_cast %parallel_loop3A_729 : i32 to index
        %parallel_loop3A_732 = arith.constant 0 : index
        %parallel_loop3A_733 = tpu.vector_load %arg7[%parallel_loop3A_730, %parallel_loop3A_731, %parallel_loop3A_732] {strides = array<i32>} : memref<4x50x32xf32, #tpu.memory_space<vmem>>, vector<1x1x16xf32>,
        %parallel_loop3A_734 = vector.shape_cast %parallel_loop3A_733 : vector<1x1x16xf32> to vector<16xf32>
        %parallel_loop3A_735 = vector.shape_cast %parallel_loop3A_728 : vector<16xf32> to vector<1x1x16xf32>
        tpu.vector_store %arg7[%parallel_loop3A_730, %parallel_loop3A_731, %parallel_loop3A_732], %parallel_loop3A_735 {strides = array<i32>} : memref<4x50x32xf32, #tpu.memory_space<vmem>>, vector<1x1x16xf32>,
        %parallel_loop3A_736 = arith.constant 16 : i32
        %parallel_loop3A_737 = arith.addi %parallel_loop3A_725, %parallel_loop3A_736 : i32
        %parallel_loop3A_738 = arith.index_cast %parallel_loop3A_737 : i32 to index
        %parallel_loop3A_739 = tpu.vector_load %arg5[%parallel_loop3A_738] {strides = array<i32>} : memref<704xf32, #tpu.memory_space<vmem>>, vector<16xf32>,
        %parallel_loop3A_740 = vector.shape_cast %parallel_loop3A_739 : vector<16xf32> to vector<16xf32>
        %parallel_loop3A_741 = arith.constant 27 : i32
        %parallel_loop3A_742 = arith.index_cast %parallel_loop3A_58 : i32 to index
        %parallel_loop3A_743 = arith.index_cast %parallel_loop3A_741 : i32 to index
        %parallel_loop3A_744 = arith.constant 16 : index
        %parallel_loop3A_745 = tpu.vector_load %arg7[%parallel_loop3A_742, %parallel_loop3A_743, %parallel_loop3A_744] {strides = array<i32>} : memref<4x50x32xf32, #tpu.memory_space<vmem>>, vector<1x1x16xf32>,
        %parallel_loop3A_746 = vector.shape_cast %parallel_loop3A_745 : vector<1x1x16xf32> to vector<16xf32>
        %parallel_loop3A_747 = vector.shape_cast %parallel_loop3A_740 : vector<16xf32> to vector<1x1x16xf32>
        tpu.vector_store %arg7[%parallel_loop3A_742, %parallel_loop3A_743, %parallel_loop3A_744], %parallel_loop3A_747 {strides = array<i32>} : memref<4x50x32xf32, #tpu.memory_space<vmem>>, vector<1x1x16xf32>,
        %parallel_loop3A_748 = vector.extract_strided_slice %parallel_loop3A_459 {offsets = [12], sizes = [1], strides = [1]} : vector<16xi32> to vector<1xi32>
        %parallel_loop3A_749 = vector.extract %parallel_loop3A_748[0] : i32 from vector<1xi32>
        %parallel_loop3A_750 = arith.index_cast %parallel_loop3A_749 : i32 to index
        %parallel_loop3A_751 = tpu.vector_load %arg5[%parallel_loop3A_750] {strides = array<i32>} : memref<704xf32, #tpu.memory_space<vmem>>, vector<16xf32>,
        %parallel_loop3A_752 = vector.shape_cast %parallel_loop3A_751 : vector<16xf32> to vector<16xf32>
        %parallel_loop3A_753 = arith.constant 28 : i32
        %parallel_loop3A_754 = arith.index_cast %parallel_loop3A_58 : i32 to index
        %parallel_loop3A_755 = arith.index_cast %parallel_loop3A_753 : i32 to index
        %parallel_loop3A_756 = arith.constant 0 : index
        %parallel_loop3A_757 = tpu.vector_load %arg7[%parallel_loop3A_754, %parallel_loop3A_755, %parallel_loop3A_756] {strides = array<i32>} : memref<4x50x32xf32, #tpu.memory_space<vmem>>, vector<1x1x16xf32>,
        %parallel_loop3A_758 = vector.shape_cast %parallel_loop3A_757 : vector<1x1x16xf32> to vector<16xf32>
        %parallel_loop3A_759 = vector.shape_cast %parallel_loop3A_752 : vector<16xf32> to vector<1x1x16xf32>
        tpu.vector_store %arg7[%parallel_loop3A_754, %parallel_loop3A_755, %parallel_loop3A_756], %parallel_loop3A_759 {strides = array<i32>} : memref<4x50x32xf32, #tpu.memory_space<vmem>>, vector<1x1x16xf32>,
        %parallel_loop3A_760 = arith.constant 16 : i32
        %parallel_loop3A_761 = arith.addi %parallel_loop3A_749, %parallel_loop3A_760 : i32
        %parallel_loop3A_762 = arith.index_cast %parallel_loop3A_761 : i32 to index
        %parallel_loop3A_763 = tpu.vector_load %arg5[%parallel_loop3A_762] {strides = array<i32>} : memref<704xf32, #tpu.memory_space<vmem>>, vector<16xf32>,
        %parallel_loop3A_764 = vector.shape_cast %parallel_loop3A_763 : vector<16xf32> to vector<16xf32>
        %parallel_loop3A_765 = arith.constant 28 : i32
        %parallel_loop3A_766 = arith.index_cast %parallel_loop3A_58 : i32 to index
        %parallel_loop3A_767 = arith.index_cast %parallel_loop3A_765 : i32 to index
        %parallel_loop3A_768 = arith.constant 16 : index
        %parallel_loop3A_769 = tpu.vector_load %arg7[%parallel_loop3A_766, %parallel_loop3A_767, %parallel_loop3A_768] {strides = array<i32>} : memref<4x50x32xf32, #tpu.memory_space<vmem>>, vector<1x1x16xf32>,
        %parallel_loop3A_770 = vector.shape_cast %parallel_loop3A_769 : vector<1x1x16xf32> to vector<16xf32>
        %parallel_loop3A_771 = vector.shape_cast %parallel_loop3A_764 : vector<16xf32> to vector<1x1x16xf32>
        tpu.vector_store %arg7[%parallel_loop3A_766, %parallel_loop3A_767, %parallel_loop3A_768], %parallel_loop3A_771 {strides = array<i32>} : memref<4x50x32xf32, #tpu.memory_space<vmem>>, vector<1x1x16xf32>,
        %parallel_loop3A_772 = vector.extract_strided_slice %parallel_loop3A_459 {offsets = [13], sizes = [1], strides = [1]} : vector<16xi32> to vector<1xi32>
        %parallel_loop3A_773 = vector.extract %parallel_loop3A_772[0] : i32 from vector<1xi32>
        %parallel_loop3A_774 = arith.index_cast %parallel_loop3A_773 : i32 to index
        %parallel_loop3A_775 = tpu.vector_load %arg5[%parallel_loop3A_774] {strides = array<i32>} : memref<704xf32, #tpu.memory_space<vmem>>, vector<16xf32>,
        %parallel_loop3A_776 = vector.shape_cast %parallel_loop3A_775 : vector<16xf32> to vector<16xf32>
        %parallel_loop3A_777 = arith.constant 29 : i32
        %parallel_loop3A_778 = arith.index_cast %parallel_loop3A_58 : i32 to index
        %parallel_loop3A_779 = arith.index_cast %parallel_loop3A_777 : i32 to index
        %parallel_loop3A_780 = arith.constant 0 : index
        %parallel_loop3A_781 = tpu.vector_load %arg7[%parallel_loop3A_778, %parallel_loop3A_779, %parallel_loop3A_780] {strides = array<i32>} : memref<4x50x32xf32, #tpu.memory_space<vmem>>, vector<1x1x16xf32>,
        %parallel_loop3A_782 = vector.shape_cast %parallel_loop3A_781 : vector<1x1x16xf32> to vector<16xf32>
        %parallel_loop3A_783 = vector.shape_cast %parallel_loop3A_776 : vector<16xf32> to vector<1x1x16xf32>
        tpu.vector_store %arg7[%parallel_loop3A_778, %parallel_loop3A_779, %parallel_loop3A_780], %parallel_loop3A_783 {strides = array<i32>} : memref<4x50x32xf32, #tpu.memory_space<vmem>>, vector<1x1x16xf32>,
        %parallel_loop3A_784 = arith.constant 16 : i32
        %parallel_loop3A_785 = arith.addi %parallel_loop3A_773, %parallel_loop3A_784 : i32
        %parallel_loop3A_786 = arith.index_cast %parallel_loop3A_785 : i32 to index
        %parallel_loop3A_787 = tpu.vector_load %arg5[%parallel_loop3A_786] {strides = array<i32>} : memref<704xf32, #tpu.memory_space<vmem>>, vector<16xf32>,
        %parallel_loop3A_788 = vector.shape_cast %parallel_loop3A_787 : vector<16xf32> to vector<16xf32>
        %parallel_loop3A_789 = arith.constant 29 : i32
        %parallel_loop3A_790 = arith.index_cast %parallel_loop3A_58 : i32 to index
        %parallel_loop3A_791 = arith.index_cast %parallel_loop3A_789 : i32 to index
        %parallel_loop3A_792 = arith.constant 16 : index
        %parallel_loop3A_793 = tpu.vector_load %arg7[%parallel_loop3A_790, %parallel_loop3A_791, %parallel_loop3A_792] {strides = array<i32>} : memref<4x50x32xf32, #tpu.memory_space<vmem>>, vector<1x1x16xf32>,
        %parallel_loop3A_794 = vector.shape_cast %parallel_loop3A_793 : vector<1x1x16xf32> to vector<16xf32>
        %parallel_loop3A_795 = vector.shape_cast %parallel_loop3A_788 : vector<16xf32> to vector<1x1x16xf32>
        tpu.vector_store %arg7[%parallel_loop3A_790, %parallel_loop3A_791, %parallel_loop3A_792], %parallel_loop3A_795 {strides = array<i32>} : memref<4x50x32xf32, #tpu.memory_space<vmem>>, vector<1x1x16xf32>,
        %parallel_loop3A_796 = vector.extract_strided_slice %parallel_loop3A_459 {offsets = [14], sizes = [1], strides = [1]} : vector<16xi32> to vector<1xi32>
        %parallel_loop3A_797 = vector.extract %parallel_loop3A_796[0] : i32 from vector<1xi32>
        %parallel_loop3A_798 = arith.index_cast %parallel_loop3A_797 : i32 to index
        %parallel_loop3A_799 = tpu.vector_load %arg5[%parallel_loop3A_798] {strides = array<i32>} : memref<704xf32, #tpu.memory_space<vmem>>, vector<16xf32>,
        %parallel_loop3A_800 = vector.shape_cast %parallel_loop3A_799 : vector<16xf32> to vector<16xf32>
        %parallel_loop3A_801 = arith.constant 30 : i32
        %parallel_loop3A_802 = arith.index_cast %parallel_loop3A_58 : i32 to index
        %parallel_loop3A_803 = arith.index_cast %parallel_loop3A_801 : i32 to index
        %parallel_loop3A_804 = arith.constant 0 : index
        %parallel_loop3A_805 = tpu.vector_load %arg7[%parallel_loop3A_802, %parallel_loop3A_803, %parallel_loop3A_804] {strides = array<i32>} : memref<4x50x32xf32, #tpu.memory_space<vmem>>, vector<1x1x16xf32>,
        %parallel_loop3A_806 = vector.shape_cast %parallel_loop3A_805 : vector<1x1x16xf32> to vector<16xf32>
        %parallel_loop3A_807 = vector.shape_cast %parallel_loop3A_800 : vector<16xf32> to vector<1x1x16xf32>
        tpu.vector_store %arg7[%parallel_loop3A_802, %parallel_loop3A_803, %parallel_loop3A_804], %parallel_loop3A_807 {strides = array<i32>} : memref<4x50x32xf32, #tpu.memory_space<vmem>>, vector<1x1x16xf32>,
        %parallel_loop3A_808 = arith.constant 16 : i32
        %parallel_loop3A_809 = arith.addi %parallel_loop3A_797, %parallel_loop3A_808 : i32
        %parallel_loop3A_810 = arith.index_cast %parallel_loop3A_809 : i32 to index
        %parallel_loop3A_811 = tpu.vector_load %arg5[%parallel_loop3A_810] {strides = array<i32>} : memref<704xf32, #tpu.memory_space<vmem>>, vector<16xf32>,
        %parallel_loop3A_812 = vector.shape_cast %parallel_loop3A_811 : vector<16xf32> to vector<16xf32>
        %parallel_loop3A_813 = arith.constant 30 : i32
        %parallel_loop3A_814 = arith.index_cast %parallel_loop3A_58 : i32 to index
        %parallel_loop3A_815 = arith.index_cast %parallel_loop3A_813 : i32 to index
        %parallel_loop3A_816 = arith.constant 16 : index
        %parallel_loop3A_817 = tpu.vector_load %arg7[%parallel_loop3A_814, %parallel_loop3A_815, %parallel_loop3A_816] {strides = array<i32>} : memref<4x50x32xf32, #tpu.memory_space<vmem>>, vector<1x1x16xf32>,
        %parallel_loop3A_818 = vector.shape_cast %parallel_loop3A_817 : vector<1x1x16xf32> to vector<16xf32>
        %parallel_loop3A_819 = vector.shape_cast %parallel_loop3A_812 : vector<16xf32> to vector<1x1x16xf32>
        tpu.vector_store %arg7[%parallel_loop3A_814, %parallel_loop3A_815, %parallel_loop3A_816], %parallel_loop3A_819 {strides = array<i32>} : memref<4x50x32xf32, #tpu.memory_space<vmem>>, vector<1x1x16xf32>,
        %parallel_loop3A_820 = vector.extract_strided_slice %parallel_loop3A_459 {offsets = [15], sizes = [1], strides = [1]} : vector<16xi32> to vector<1xi32>
        %parallel_loop3A_821 = vector.extract %parallel_loop3A_820[0] : i32 from vector<1xi32>
        %parallel_loop3A_822 = arith.index_cast %parallel_loop3A_821 : i32 to index
        %parallel_loop3A_823 = tpu.vector_load %arg5[%parallel_loop3A_822] {strides = array<i32>} : memref<704xf32, #tpu.memory_space<vmem>>, vector<16xf32>,
        %parallel_loop3A_824 = vector.shape_cast %parallel_loop3A_823 : vector<16xf32> to vector<16xf32>
        %parallel_loop3A_825 = arith.constant 31 : i32
        %parallel_loop3A_826 = arith.index_cast %parallel_loop3A_58 : i32 to index
        %parallel_loop3A_827 = arith.index_cast %parallel_loop3A_825 : i32 to index
        %parallel_loop3A_828 = arith.constant 0 : index
        %parallel_loop3A_829 = tpu.vector_load %arg7[%parallel_loop3A_826, %parallel_loop3A_827, %parallel_loop3A_828] {strides = array<i32>} : memref<4x50x32xf32, #tpu.memory_space<vmem>>, vector<1x1x16xf32>,
        %parallel_loop3A_830 = vector.shape_cast %parallel_loop3A_829 : vector<1x1x16xf32> to vector<16xf32>
        %parallel_loop3A_831 = vector.shape_cast %parallel_loop3A_824 : vector<16xf32> to vector<1x1x16xf32>
        tpu.vector_store %arg7[%parallel_loop3A_826, %parallel_loop3A_827, %parallel_loop3A_828], %parallel_loop3A_831 {strides = array<i32>} : memref<4x50x32xf32, #tpu.memory_space<vmem>>, vector<1x1x16xf32>,
        %parallel_loop3A_832 = arith.constant 16 : i32
        %parallel_loop3A_833 = arith.addi %parallel_loop3A_821, %parallel_loop3A_832 : i32
        %parallel_loop3A_834 = arith.index_cast %parallel_loop3A_833 : i32 to index
        %parallel_loop3A_835 = tpu.vector_load %arg5[%parallel_loop3A_834] {strides = array<i32>} : memref<704xf32, #tpu.memory_space<vmem>>, vector<16xf32>,
        %parallel_loop3A_836 = vector.shape_cast %parallel_loop3A_835 : vector<16xf32> to vector<16xf32>
        %parallel_loop3A_837 = arith.constant 31 : i32
        %parallel_loop3A_838 = arith.index_cast %parallel_loop3A_58 : i32 to index
        %parallel_loop3A_839 = arith.index_cast %parallel_loop3A_837 : i32 to index
        %parallel_loop3A_840 = arith.constant 16 : index
        %parallel_loop3A_841 = tpu.vector_load %arg7[%parallel_loop3A_838, %parallel_loop3A_839, %parallel_loop3A_840] {strides = array<i32>} : memref<4x50x32xf32, #tpu.memory_space<vmem>>, vector<1x1x16xf32>,
        %parallel_loop3A_842 = vector.shape_cast %parallel_loop3A_841 : vector<1x1x16xf32> to vector<16xf32>
        %parallel_loop3A_843 = vector.shape_cast %parallel_loop3A_836 : vector<16xf32> to vector<1x1x16xf32>
        tpu.vector_store %arg7[%parallel_loop3A_838, %parallel_loop3A_839, %parallel_loop3A_840], %parallel_loop3A_843 {strides = array<i32>} : memref<4x50x32xf32, #tpu.memory_space<vmem>>, vector<1x1x16xf32>,
        %parallel_loop3A_844 = arith.index_cast %parallel_loop3A_61 : i32 to index
        %parallel_loop3A_845 = arith.constant 32 : index
        %parallel_loop3A_846 = tpu.vector_load %arg6[%parallel_loop3A_844, %parallel_loop3A_845] {strides = array<i32>} : memref<512x50xi32, #tpu.memory_space<vmem>>, vector<1x16xi32>,
        %parallel_loop3A_847 = vector.shape_cast %parallel_loop3A_846 : vector<1x16xi32> to vector<16xi32>
        %parallel_loop3A_848 = arith.constant 32 : i32
        %parallel_loop3A_849 = vector.broadcast %parallel_loop3A_848 : i32 to vector<16xi32>
        %parallel_loop3A_850 = arith.muli %parallel_loop3A_847, %parallel_loop3A_849 : vector<16xi32>
        %parallel_loop3A_851 = vector.extract_strided_slice %parallel_loop3A_850 {offsets = [0], sizes = [1], strides = [1]} : vector<16xi32> to vector<1xi32>
        %parallel_loop3A_852 = vector.extract %parallel_loop3A_851[0] : i32 from vector<1xi32>
        %parallel_loop3A_853 = arith.index_cast %parallel_loop3A_852 : i32 to index
        %parallel_loop3A_854 = tpu.vector_load %arg5[%parallel_loop3A_853] {strides = array<i32>} : memref<704xf32, #tpu.memory_space<vmem>>, vector<16xf32>,
        %parallel_loop3A_855 = vector.shape_cast %parallel_loop3A_854 : vector<16xf32> to vector<16xf32>
        %parallel_loop3A_856 = arith.constant 32 : i32
        %parallel_loop3A_857 = arith.index_cast %parallel_loop3A_58 : i32 to index
        %parallel_loop3A_858 = arith.index_cast %parallel_loop3A_856 : i32 to index
        %parallel_loop3A_859 = arith.constant 0 : index
        %parallel_loop3A_860 = tpu.vector_load %arg7[%parallel_loop3A_857, %parallel_loop3A_858, %parallel_loop3A_859] {strides = array<i32>} : memref<4x50x32xf32, #tpu.memory_space<vmem>>, vector<1x1x16xf32>,
        %parallel_loop3A_861 = vector.shape_cast %parallel_loop3A_860 : vector<1x1x16xf32> to vector<16xf32>
        %parallel_loop3A_862 = vector.shape_cast %parallel_loop3A_855 : vector<16xf32> to vector<1x1x16xf32>
        tpu.vector_store %arg7[%parallel_loop3A_857, %parallel_loop3A_858, %parallel_loop3A_859], %parallel_loop3A_862 {strides = array<i32>} : memref<4x50x32xf32, #tpu.memory_space<vmem>>, vector<1x1x16xf32>,
        %parallel_loop3A_863 = arith.constant 16 : i32
        %parallel_loop3A_864 = arith.addi %parallel_loop3A_852, %parallel_loop3A_863 : i32
        %parallel_loop3A_865 = arith.index_cast %parallel_loop3A_864 : i32 to index
        %parallel_loop3A_866 = tpu.vector_load %arg5[%parallel_loop3A_865] {strides = array<i32>} : memref<704xf32, #tpu.memory_space<vmem>>, vector<16xf32>,
        %parallel_loop3A_867 = vector.shape_cast %parallel_loop3A_866 : vector<16xf32> to vector<16xf32>
        %parallel_loop3A_868 = arith.constant 32 : i32
        %parallel_loop3A_869 = arith.index_cast %parallel_loop3A_58 : i32 to index
        %parallel_loop3A_870 = arith.index_cast %parallel_loop3A_868 : i32 to index
        %parallel_loop3A_871 = arith.constant 16 : index
        %parallel_loop3A_872 = tpu.vector_load %arg7[%parallel_loop3A_869, %parallel_loop3A_870, %parallel_loop3A_871] {strides = array<i32>} : memref<4x50x32xf32, #tpu.memory_space<vmem>>, vector<1x1x16xf32>,
        %parallel_loop3A_873 = vector.shape_cast %parallel_loop3A_872 : vector<1x1x16xf32> to vector<16xf32>
        %parallel_loop3A_874 = vector.shape_cast %parallel_loop3A_867 : vector<16xf32> to vector<1x1x16xf32>
        tpu.vector_store %arg7[%parallel_loop3A_869, %parallel_loop3A_870, %parallel_loop3A_871], %parallel_loop3A_874 {strides = array<i32>} : memref<4x50x32xf32, #tpu.memory_space<vmem>>, vector<1x1x16xf32>,
        %parallel_loop3A_875 = vector.extract_strided_slice %parallel_loop3A_850 {offsets = [1], sizes = [1], strides = [1]} : vector<16xi32> to vector<1xi32>
        %parallel_loop3A_876 = vector.extract %parallel_loop3A_875[0] : i32 from vector<1xi32>
        %parallel_loop3A_877 = arith.index_cast %parallel_loop3A_876 : i32 to index
        %parallel_loop3A_878 = tpu.vector_load %arg5[%parallel_loop3A_877] {strides = array<i32>} : memref<704xf32, #tpu.memory_space<vmem>>, vector<16xf32>,
        %parallel_loop3A_879 = vector.shape_cast %parallel_loop3A_878 : vector<16xf32> to vector<16xf32>
        %parallel_loop3A_880 = arith.constant 33 : i32
        %parallel_loop3A_881 = arith.index_cast %parallel_loop3A_58 : i32 to index
        %parallel_loop3A_882 = arith.index_cast %parallel_loop3A_880 : i32 to index
        %parallel_loop3A_883 = arith.constant 0 : index
        %parallel_loop3A_884 = tpu.vector_load %arg7[%parallel_loop3A_881, %parallel_loop3A_882, %parallel_loop3A_883] {strides = array<i32>} : memref<4x50x32xf32, #tpu.memory_space<vmem>>, vector<1x1x16xf32>,
        %parallel_loop3A_885 = vector.shape_cast %parallel_loop3A_884 : vector<1x1x16xf32> to vector<16xf32>
        %parallel_loop3A_886 = vector.shape_cast %parallel_loop3A_879 : vector<16xf32> to vector<1x1x16xf32>
        tpu.vector_store %arg7[%parallel_loop3A_881, %parallel_loop3A_882, %parallel_loop3A_883], %parallel_loop3A_886 {strides = array<i32>} : memref<4x50x32xf32, #tpu.memory_space<vmem>>, vector<1x1x16xf32>,
        %parallel_loop3A_887 = arith.constant 16 : i32
        %parallel_loop3A_888 = arith.addi %parallel_loop3A_876, %parallel_loop3A_887 : i32
        %parallel_loop3A_889 = arith.index_cast %parallel_loop3A_888 : i32 to index
        %parallel_loop3A_890 = tpu.vector_load %arg5[%parallel_loop3A_889] {strides = array<i32>} : memref<704xf32, #tpu.memory_space<vmem>>, vector<16xf32>,
        %parallel_loop3A_891 = vector.shape_cast %parallel_loop3A_890 : vector<16xf32> to vector<16xf32>
        %parallel_loop3A_892 = arith.constant 33 : i32
        %parallel_loop3A_893 = arith.index_cast %parallel_loop3A_58 : i32 to index
        %parallel_loop3A_894 = arith.index_cast %parallel_loop3A_892 : i32 to index
        %parallel_loop3A_895 = arith.constant 16 : index
        %parallel_loop3A_896 = tpu.vector_load %arg7[%parallel_loop3A_893, %parallel_loop3A_894, %parallel_loop3A_895] {strides = array<i32>} : memref<4x50x32xf32, #tpu.memory_space<vmem>>, vector<1x1x16xf32>,
        %parallel_loop3A_897 = vector.shape_cast %parallel_loop3A_896 : vector<1x1x16xf32> to vector<16xf32>
        %parallel_loop3A_898 = vector.shape_cast %parallel_loop3A_891 : vector<16xf32> to vector<1x1x16xf32>
        tpu.vector_store %arg7[%parallel_loop3A_893, %parallel_loop3A_894, %parallel_loop3A_895], %parallel_loop3A_898 {strides = array<i32>} : memref<4x50x32xf32, #tpu.memory_space<vmem>>, vector<1x1x16xf32>,
        %parallel_loop3A_899 = vector.extract_strided_slice %parallel_loop3A_850 {offsets = [2], sizes = [1], strides = [1]} : vector<16xi32> to vector<1xi32>
        %parallel_loop3A_900 = vector.extract %parallel_loop3A_899[0] : i32 from vector<1xi32>
        %parallel_loop3A_901 = arith.index_cast %parallel_loop3A_900 : i32 to index
        %parallel_loop3A_902 = tpu.vector_load %arg5[%parallel_loop3A_901] {strides = array<i32>} : memref<704xf32, #tpu.memory_space<vmem>>, vector<16xf32>,
        %parallel_loop3A_903 = vector.shape_cast %parallel_loop3A_902 : vector<16xf32> to vector<16xf32>
        %parallel_loop3A_904 = arith.constant 34 : i32
        %parallel_loop3A_905 = arith.index_cast %parallel_loop3A_58 : i32 to index
        %parallel_loop3A_906 = arith.index_cast %parallel_loop3A_904 : i32 to index
        %parallel_loop3A_907 = arith.constant 0 : index
        %parallel_loop3A_908 = tpu.vector_load %arg7[%parallel_loop3A_905, %parallel_loop3A_906, %parallel_loop3A_907] {strides = array<i32>} : memref<4x50x32xf32, #tpu.memory_space<vmem>>, vector<1x1x16xf32>,
        %parallel_loop3A_909 = vector.shape_cast %parallel_loop3A_908 : vector<1x1x16xf32> to vector<16xf32>
        %parallel_loop3A_910 = vector.shape_cast %parallel_loop3A_903 : vector<16xf32> to vector<1x1x16xf32>
        tpu.vector_store %arg7[%parallel_loop3A_905, %parallel_loop3A_906, %parallel_loop3A_907], %parallel_loop3A_910 {strides = array<i32>} : memref<4x50x32xf32, #tpu.memory_space<vmem>>, vector<1x1x16xf32>,
        %parallel_loop3A_911 = arith.constant 16 : i32
        %parallel_loop3A_912 = arith.addi %parallel_loop3A_900, %parallel_loop3A_911 : i32
        %parallel_loop3A_913 = arith.index_cast %parallel_loop3A_912 : i32 to index
        %parallel_loop3A_914 = tpu.vector_load %arg5[%parallel_loop3A_913] {strides = array<i32>} : memref<704xf32, #tpu.memory_space<vmem>>, vector<16xf32>,
        %parallel_loop3A_915 = vector.shape_cast %parallel_loop3A_914 : vector<16xf32> to vector<16xf32>
        %parallel_loop3A_916 = arith.constant 34 : i32
        %parallel_loop3A_917 = arith.index_cast %parallel_loop3A_58 : i32 to index
        %parallel_loop3A_918 = arith.index_cast %parallel_loop3A_916 : i32 to index
        %parallel_loop3A_919 = arith.constant 16 : index
        %parallel_loop3A_920 = tpu.vector_load %arg7[%parallel_loop3A_917, %parallel_loop3A_918, %parallel_loop3A_919] {strides = array<i32>} : memref<4x50x32xf32, #tpu.memory_space<vmem>>, vector<1x1x16xf32>,
        %parallel_loop3A_921 = vector.shape_cast %parallel_loop3A_920 : vector<1x1x16xf32> to vector<16xf32>
        %parallel_loop3A_922 = vector.shape_cast %parallel_loop3A_915 : vector<16xf32> to vector<1x1x16xf32>
        tpu.vector_store %arg7[%parallel_loop3A_917, %parallel_loop3A_918, %parallel_loop3A_919], %parallel_loop3A_922 {strides = array<i32>} : memref<4x50x32xf32, #tpu.memory_space<vmem>>, vector<1x1x16xf32>,
        %parallel_loop3A_923 = vector.extract_strided_slice %parallel_loop3A_850 {offsets = [3], sizes = [1], strides = [1]} : vector<16xi32> to vector<1xi32>
        %parallel_loop3A_924 = vector.extract %parallel_loop3A_923[0] : i32 from vector<1xi32>
        %parallel_loop3A_925 = arith.index_cast %parallel_loop3A_924 : i32 to index
        %parallel_loop3A_926 = tpu.vector_load %arg5[%parallel_loop3A_925] {strides = array<i32>} : memref<704xf32, #tpu.memory_space<vmem>>, vector<16xf32>,
        %parallel_loop3A_927 = vector.shape_cast %parallel_loop3A_926 : vector<16xf32> to vector<16xf32>
        %parallel_loop3A_928 = arith.constant 35 : i32
        %parallel_loop3A_929 = arith.index_cast %parallel_loop3A_58 : i32 to index
        %parallel_loop3A_930 = arith.index_cast %parallel_loop3A_928 : i32 to index
        %parallel_loop3A_931 = arith.constant 0 : index
        %parallel_loop3A_932 = tpu.vector_load %arg7[%parallel_loop3A_929, %parallel_loop3A_930, %parallel_loop3A_931] {strides = array<i32>} : memref<4x50x32xf32, #tpu.memory_space<vmem>>, vector<1x1x16xf32>,
        %parallel_loop3A_933 = vector.shape_cast %parallel_loop3A_932 : vector<1x1x16xf32> to vector<16xf32>
        %parallel_loop3A_934 = vector.shape_cast %parallel_loop3A_927 : vector<16xf32> to vector<1x1x16xf32>
        tpu.vector_store %arg7[%parallel_loop3A_929, %parallel_loop3A_930, %parallel_loop3A_931], %parallel_loop3A_934 {strides = array<i32>} : memref<4x50x32xf32, #tpu.memory_space<vmem>>, vector<1x1x16xf32>,
        %parallel_loop3A_935 = arith.constant 16 : i32
        %parallel_loop3A_936 = arith.addi %parallel_loop3A_924, %parallel_loop3A_935 : i32
        %parallel_loop3A_937 = arith.index_cast %parallel_loop3A_936 : i32 to index
        %parallel_loop3A_938 = tpu.vector_load %arg5[%parallel_loop3A_937] {strides = array<i32>} : memref<704xf32, #tpu.memory_space<vmem>>, vector<16xf32>,
        %parallel_loop3A_939 = vector.shape_cast %parallel_loop3A_938 : vector<16xf32> to vector<16xf32>
        %parallel_loop3A_940 = arith.constant 35 : i32
        %parallel_loop3A_941 = arith.index_cast %parallel_loop3A_58 : i32 to index
        %parallel_loop3A_942 = arith.index_cast %parallel_loop3A_940 : i32 to index
        %parallel_loop3A_943 = arith.constant 16 : index
        %parallel_loop3A_944 = tpu.vector_load %arg7[%parallel_loop3A_941, %parallel_loop3A_942, %parallel_loop3A_943] {strides = array<i32>} : memref<4x50x32xf32, #tpu.memory_space<vmem>>, vector<1x1x16xf32>,
        %parallel_loop3A_945 = vector.shape_cast %parallel_loop3A_944 : vector<1x1x16xf32> to vector<16xf32>
        %parallel_loop3A_946 = vector.shape_cast %parallel_loop3A_939 : vector<16xf32> to vector<1x1x16xf32>
        tpu.vector_store %arg7[%parallel_loop3A_941, %parallel_loop3A_942, %parallel_loop3A_943], %parallel_loop3A_946 {strides = array<i32>} : memref<4x50x32xf32, #tpu.memory_space<vmem>>, vector<1x1x16xf32>,
        %parallel_loop3A_947 = vector.extract_strided_slice %parallel_loop3A_850 {offsets = [4], sizes = [1], strides = [1]} : vector<16xi32> to vector<1xi32>
        %parallel_loop3A_948 = vector.extract %parallel_loop3A_947[0] : i32 from vector<1xi32>
        %parallel_loop3A_949 = arith.index_cast %parallel_loop3A_948 : i32 to index
        %parallel_loop3A_950 = tpu.vector_load %arg5[%parallel_loop3A_949] {strides = array<i32>} : memref<704xf32, #tpu.memory_space<vmem>>, vector<16xf32>,
        %parallel_loop3A_951 = vector.shape_cast %parallel_loop3A_950 : vector<16xf32> to vector<16xf32>
        %parallel_loop3A_952 = arith.constant 36 : i32
        %parallel_loop3A_953 = arith.index_cast %parallel_loop3A_58 : i32 to index
        %parallel_loop3A_954 = arith.index_cast %parallel_loop3A_952 : i32 to index
        %parallel_loop3A_955 = arith.constant 0 : index
        %parallel_loop3A_956 = tpu.vector_load %arg7[%parallel_loop3A_953, %parallel_loop3A_954, %parallel_loop3A_955] {strides = array<i32>} : memref<4x50x32xf32, #tpu.memory_space<vmem>>, vector<1x1x16xf32>,
        %parallel_loop3A_957 = vector.shape_cast %parallel_loop3A_956 : vector<1x1x16xf32> to vector<16xf32>
        %parallel_loop3A_958 = vector.shape_cast %parallel_loop3A_951 : vector<16xf32> to vector<1x1x16xf32>
        tpu.vector_store %arg7[%parallel_loop3A_953, %parallel_loop3A_954, %parallel_loop3A_955], %parallel_loop3A_958 {strides = array<i32>} : memref<4x50x32xf32, #tpu.memory_space<vmem>>, vector<1x1x16xf32>,
        %parallel_loop3A_959 = arith.constant 16 : i32
        %parallel_loop3A_960 = arith.addi %parallel_loop3A_948, %parallel_loop3A_959 : i32
        %parallel_loop3A_961 = arith.index_cast %parallel_loop3A_960 : i32 to index
        %parallel_loop3A_962 = tpu.vector_load %arg5[%parallel_loop3A_961] {strides = array<i32>} : memref<704xf32, #tpu.memory_space<vmem>>, vector<16xf32>,
        %parallel_loop3A_963 = vector.shape_cast %parallel_loop3A_962 : vector<16xf32> to vector<16xf32>
        %parallel_loop3A_964 = arith.constant 36 : i32
        %parallel_loop3A_965 = arith.index_cast %parallel_loop3A_58 : i32 to index
        %parallel_loop3A_966 = arith.index_cast %parallel_loop3A_964 : i32 to index
        %parallel_loop3A_967 = arith.constant 16 : index
        %parallel_loop3A_968 = tpu.vector_load %arg7[%parallel_loop3A_965, %parallel_loop3A_966, %parallel_loop3A_967] {strides = array<i32>} : memref<4x50x32xf32, #tpu.memory_space<vmem>>, vector<1x1x16xf32>,
        %parallel_loop3A_969 = vector.shape_cast %parallel_loop3A_968 : vector<1x1x16xf32> to vector<16xf32>
        %parallel_loop3A_970 = vector.shape_cast %parallel_loop3A_963 : vector<16xf32> to vector<1x1x16xf32>
        tpu.vector_store %arg7[%parallel_loop3A_965, %parallel_loop3A_966, %parallel_loop3A_967], %parallel_loop3A_970 {strides = array<i32>} : memref<4x50x32xf32, #tpu.memory_space<vmem>>, vector<1x1x16xf32>,
        %parallel_loop3A_971 = vector.extract_strided_slice %parallel_loop3A_850 {offsets = [5], sizes = [1], strides = [1]} : vector<16xi32> to vector<1xi32>
        %parallel_loop3A_972 = vector.extract %parallel_loop3A_971[0] : i32 from vector<1xi32>
        %parallel_loop3A_973 = arith.index_cast %parallel_loop3A_972 : i32 to index
        %parallel_loop3A_974 = tpu.vector_load %arg5[%parallel_loop3A_973] {strides = array<i32>} : memref<704xf32, #tpu.memory_space<vmem>>, vector<16xf32>,
        %parallel_loop3A_975 = vector.shape_cast %parallel_loop3A_974 : vector<16xf32> to vector<16xf32>
        %parallel_loop3A_976 = arith.constant 37 : i32
        %parallel_loop3A_977 = arith.index_cast %parallel_loop3A_58 : i32 to index
        %parallel_loop3A_978 = arith.index_cast %parallel_loop3A_976 : i32 to index
        %parallel_loop3A_979 = arith.constant 0 : index
        %parallel_loop3A_980 = tpu.vector_load %arg7[%parallel_loop3A_977, %parallel_loop3A_978, %parallel_loop3A_979] {strides = array<i32>} : memref<4x50x32xf32, #tpu.memory_space<vmem>>, vector<1x1x16xf32>,
        %parallel_loop3A_981 = vector.shape_cast %parallel_loop3A_980 : vector<1x1x16xf32> to vector<16xf32>
        %parallel_loop3A_982 = vector.shape_cast %parallel_loop3A_975 : vector<16xf32> to vector<1x1x16xf32>
        tpu.vector_store %arg7[%parallel_loop3A_977, %parallel_loop3A_978, %parallel_loop3A_979], %parallel_loop3A_982 {strides = array<i32>} : memref<4x50x32xf32, #tpu.memory_space<vmem>>, vector<1x1x16xf32>,
        %parallel_loop3A_983 = arith.constant 16 : i32
        %parallel_loop3A_984 = arith.addi %parallel_loop3A_972, %parallel_loop3A_983 : i32
        %parallel_loop3A_985 = arith.index_cast %parallel_loop3A_984 : i32 to index
        %parallel_loop3A_986 = tpu.vector_load %arg5[%parallel_loop3A_985] {strides = array<i32>} : memref<704xf32, #tpu.memory_space<vmem>>, vector<16xf32>,
        %parallel_loop3A_987 = vector.shape_cast %parallel_loop3A_986 : vector<16xf32> to vector<16xf32>
        %parallel_loop3A_988 = arith.constant 37 : i32
        %parallel_loop3A_989 = arith.index_cast %parallel_loop3A_58 : i32 to index
        %parallel_loop3A_990 = arith.index_cast %parallel_loop3A_988 : i32 to index
        %parallel_loop3A_991 = arith.constant 16 : index
        %parallel_loop3A_992 = tpu.vector_load %arg7[%parallel_loop3A_989, %parallel_loop3A_990, %parallel_loop3A_991] {strides = array<i32>} : memref<4x50x32xf32, #tpu.memory_space<vmem>>, vector<1x1x16xf32>,
        %parallel_loop3A_993 = vector.shape_cast %parallel_loop3A_992 : vector<1x1x16xf32> to vector<16xf32>
        %parallel_loop3A_994 = vector.shape_cast %parallel_loop3A_987 : vector<16xf32> to vector<1x1x16xf32>
        tpu.vector_store %arg7[%parallel_loop3A_989, %parallel_loop3A_990, %parallel_loop3A_991], %parallel_loop3A_994 {strides = array<i32>} : memref<4x50x32xf32, #tpu.memory_space<vmem>>, vector<1x1x16xf32>,
        %parallel_loop3A_995 = vector.extract_strided_slice %parallel_loop3A_850 {offsets = [6], sizes = [1], strides = [1]} : vector<16xi32> to vector<1xi32>
        %parallel_loop3A_996 = vector.extract %parallel_loop3A_995[0] : i32 from vector<1xi32>
        %parallel_loop3A_997 = arith.index_cast %parallel_loop3A_996 : i32 to index
        %parallel_loop3A_998 = tpu.vector_load %arg5[%parallel_loop3A_997] {strides = array<i32>} : memref<704xf32, #tpu.memory_space<vmem>>, vector<16xf32>,
        %parallel_loop3A_999 = vector.shape_cast %parallel_loop3A_998 : vector<16xf32> to vector<16xf32>
        %parallel_loop3A_1000 = arith.constant 38 : i32
        %parallel_loop3A_1001 = arith.index_cast %parallel_loop3A_58 : i32 to index
        %parallel_loop3A_1002 = arith.index_cast %parallel_loop3A_1000 : i32 to index
        %parallel_loop3A_1003 = arith.constant 0 : index
        %parallel_loop3A_1004 = tpu.vector_load %arg7[%parallel_loop3A_1001, %parallel_loop3A_1002, %parallel_loop3A_1003] {strides = array<i32>} : memref<4x50x32xf32, #tpu.memory_space<vmem>>, vector<1x1x16xf32>,
        %parallel_loop3A_1005 = vector.shape_cast %parallel_loop3A_1004 : vector<1x1x16xf32> to vector<16xf32>
        %parallel_loop3A_1006 = vector.shape_cast %parallel_loop3A_999 : vector<16xf32> to vector<1x1x16xf32>
        tpu.vector_store %arg7[%parallel_loop3A_1001, %parallel_loop3A_1002, %parallel_loop3A_1003], %parallel_loop3A_1006 {strides = array<i32>} : memref<4x50x32xf32, #tpu.memory_space<vmem>>, vector<1x1x16xf32>,
        %parallel_loop3A_1007 = arith.constant 16 : i32
        %parallel_loop3A_1008 = arith.addi %parallel_loop3A_996, %parallel_loop3A_1007 : i32
        %parallel_loop3A_1009 = arith.index_cast %parallel_loop3A_1008 : i32 to index
        %parallel_loop3A_1010 = tpu.vector_load %arg5[%parallel_loop3A_1009] {strides = array<i32>} : memref<704xf32, #tpu.memory_space<vmem>>, vector<16xf32>,
        %parallel_loop3A_1011 = vector.shape_cast %parallel_loop3A_1010 : vector<16xf32> to vector<16xf32>
        %parallel_loop3A_1012 = arith.constant 38 : i32
        %parallel_loop3A_1013 = arith.index_cast %parallel_loop3A_58 : i32 to index
        %parallel_loop3A_1014 = arith.index_cast %parallel_loop3A_1012 : i32 to index
        %parallel_loop3A_1015 = arith.constant 16 : index
        %parallel_loop3A_1016 = tpu.vector_load %arg7[%parallel_loop3A_1013, %parallel_loop3A_1014, %parallel_loop3A_1015] {strides = array<i32>} : memref<4x50x32xf32, #tpu.memory_space<vmem>>, vector<1x1x16xf32>,
        %parallel_loop3A_1017 = vector.shape_cast %parallel_loop3A_1016 : vector<1x1x16xf32> to vector<16xf32>
        %parallel_loop3A_1018 = vector.shape_cast %parallel_loop3A_1011 : vector<16xf32> to vector<1x1x16xf32>
        tpu.vector_store %arg7[%parallel_loop3A_1013, %parallel_loop3A_1014, %parallel_loop3A_1015], %parallel_loop3A_1018 {strides = array<i32>} : memref<4x50x32xf32, #tpu.memory_space<vmem>>, vector<1x1x16xf32>,
        %parallel_loop3A_1019 = vector.extract_strided_slice %parallel_loop3A_850 {offsets = [7], sizes = [1], strides = [1]} : vector<16xi32> to vector<1xi32>
        %parallel_loop3A_1020 = vector.extract %parallel_loop3A_1019[0] : i32 from vector<1xi32>
        %parallel_loop3A_1021 = arith.index_cast %parallel_loop3A_1020 : i32 to index
        %parallel_loop3A_1022 = tpu.vector_load %arg5[%parallel_loop3A_1021] {strides = array<i32>} : memref<704xf32, #tpu.memory_space<vmem>>, vector<16xf32>,
        %parallel_loop3A_1023 = vector.shape_cast %parallel_loop3A_1022 : vector<16xf32> to vector<16xf32>
        %parallel_loop3A_1024 = arith.constant 39 : i32
        %parallel_loop3A_1025 = arith.index_cast %parallel_loop3A_58 : i32 to index
        %parallel_loop3A_1026 = arith.index_cast %parallel_loop3A_1024 : i32 to index
        %parallel_loop3A_1027 = arith.constant 0 : index
        %parallel_loop3A_1028 = tpu.vector_load %arg7[%parallel_loop3A_1025, %parallel_loop3A_1026, %parallel_loop3A_1027] {strides = array<i32>} : memref<4x50x32xf32, #tpu.memory_space<vmem>>, vector<1x1x16xf32>,
        %parallel_loop3A_1029 = vector.shape_cast %parallel_loop3A_1028 : vector<1x1x16xf32> to vector<16xf32>
        %parallel_loop3A_1030 = vector.shape_cast %parallel_loop3A_1023 : vector<16xf32> to vector<1x1x16xf32>
        tpu.vector_store %arg7[%parallel_loop3A_1025, %parallel_loop3A_1026, %parallel_loop3A_1027], %parallel_loop3A_1030 {strides = array<i32>} : memref<4x50x32xf32, #tpu.memory_space<vmem>>, vector<1x1x16xf32>,
        %parallel_loop3A_1031 = arith.constant 16 : i32
        %parallel_loop3A_1032 = arith.addi %parallel_loop3A_1020, %parallel_loop3A_1031 : i32
        %parallel_loop3A_1033 = arith.index_cast %parallel_loop3A_1032 : i32 to index
        %parallel_loop3A_1034 = tpu.vector_load %arg5[%parallel_loop3A_1033] {strides = array<i32>} : memref<704xf32, #tpu.memory_space<vmem>>, vector<16xf32>,
        %parallel_loop3A_1035 = vector.shape_cast %parallel_loop3A_1034 : vector<16xf32> to vector<16xf32>
        %parallel_loop3A_1036 = arith.constant 39 : i32
        %parallel_loop3A_1037 = arith.index_cast %parallel_loop3A_58 : i32 to index
        %parallel_loop3A_1038 = arith.index_cast %parallel_loop3A_1036 : i32 to index
        %parallel_loop3A_1039 = arith.constant 16 : index
        %parallel_loop3A_1040 = tpu.vector_load %arg7[%parallel_loop3A_1037, %parallel_loop3A_1038, %parallel_loop3A_1039] {strides = array<i32>} : memref<4x50x32xf32, #tpu.memory_space<vmem>>, vector<1x1x16xf32>,
        %parallel_loop3A_1041 = vector.shape_cast %parallel_loop3A_1040 : vector<1x1x16xf32> to vector<16xf32>
        %parallel_loop3A_1042 = vector.shape_cast %parallel_loop3A_1035 : vector<16xf32> to vector<1x1x16xf32>
        tpu.vector_store %arg7[%parallel_loop3A_1037, %parallel_loop3A_1038, %parallel_loop3A_1039], %parallel_loop3A_1042 {strides = array<i32>} : memref<4x50x32xf32, #tpu.memory_space<vmem>>, vector<1x1x16xf32>,
        %parallel_loop3A_1043 = vector.extract_strided_slice %parallel_loop3A_850 {offsets = [8], sizes = [1], strides = [1]} : vector<16xi32> to vector<1xi32>
        %parallel_loop3A_1044 = vector.extract %parallel_loop3A_1043[0] : i32 from vector<1xi32>
        %parallel_loop3A_1045 = arith.index_cast %parallel_loop3A_1044 : i32 to index
        %parallel_loop3A_1046 = tpu.vector_load %arg5[%parallel_loop3A_1045] {strides = array<i32>} : memref<704xf32, #tpu.memory_space<vmem>>, vector<16xf32>,
        %parallel_loop3A_1047 = vector.shape_cast %parallel_loop3A_1046 : vector<16xf32> to vector<16xf32>
        %parallel_loop3A_1048 = arith.constant 40 : i32
        %parallel_loop3A_1049 = arith.index_cast %parallel_loop3A_58 : i32 to index
        %parallel_loop3A_1050 = arith.index_cast %parallel_loop3A_1048 : i32 to index
        %parallel_loop3A_1051 = arith.constant 0 : index
        %parallel_loop3A_1052 = tpu.vector_load %arg7[%parallel_loop3A_1049, %parallel_loop3A_1050, %parallel_loop3A_1051] {strides = array<i32>} : memref<4x50x32xf32, #tpu.memory_space<vmem>>, vector<1x1x16xf32>,
        %parallel_loop3A_1053 = vector.shape_cast %parallel_loop3A_1052 : vector<1x1x16xf32> to vector<16xf32>
        %parallel_loop3A_1054 = vector.shape_cast %parallel_loop3A_1047 : vector<16xf32> to vector<1x1x16xf32>
        tpu.vector_store %arg7[%parallel_loop3A_1049, %parallel_loop3A_1050, %parallel_loop3A_1051], %parallel_loop3A_1054 {strides = array<i32>} : memref<4x50x32xf32, #tpu.memory_space<vmem>>, vector<1x1x16xf32>,
        %parallel_loop3A_1055 = arith.constant 16 : i32
        %parallel_loop3A_1056 = arith.addi %parallel_loop3A_1044, %parallel_loop3A_1055 : i32
        %parallel_loop3A_1057 = arith.index_cast %parallel_loop3A_1056 : i32 to index
        %parallel_loop3A_1058 = tpu.vector_load %arg5[%parallel_loop3A_1057] {strides = array<i32>} : memref<704xf32, #tpu.memory_space<vmem>>, vector<16xf32>,
        %parallel_loop3A_1059 = vector.shape_cast %parallel_loop3A_1058 : vector<16xf32> to vector<16xf32>
        %parallel_loop3A_1060 = arith.constant 40 : i32
        %parallel_loop3A_1061 = arith.index_cast %parallel_loop3A_58 : i32 to index
        %parallel_loop3A_1062 = arith.index_cast %parallel_loop3A_1060 : i32 to index
        %parallel_loop3A_1063 = arith.constant 16 : index
        %parallel_loop3A_1064 = tpu.vector_load %arg7[%parallel_loop3A_1061, %parallel_loop3A_1062, %parallel_loop3A_1063] {strides = array<i32>} : memref<4x50x32xf32, #tpu.memory_space<vmem>>, vector<1x1x16xf32>,
        %parallel_loop3A_1065 = vector.shape_cast %parallel_loop3A_1064 : vector<1x1x16xf32> to vector<16xf32>
        %parallel_loop3A_1066 = vector.shape_cast %parallel_loop3A_1059 : vector<16xf32> to vector<1x1x16xf32>
        tpu.vector_store %arg7[%parallel_loop3A_1061, %parallel_loop3A_1062, %parallel_loop3A_1063], %parallel_loop3A_1066 {strides = array<i32>} : memref<4x50x32xf32, #tpu.memory_space<vmem>>, vector<1x1x16xf32>,
        %parallel_loop3A_1067 = vector.extract_strided_slice %parallel_loop3A_850 {offsets = [9], sizes = [1], strides = [1]} : vector<16xi32> to vector<1xi32>
        %parallel_loop3A_1068 = vector.extract %parallel_loop3A_1067[0] : i32 from vector<1xi32>
        %parallel_loop3A_1069 = arith.index_cast %parallel_loop3A_1068 : i32 to index
        %parallel_loop3A_1070 = tpu.vector_load %arg5[%parallel_loop3A_1069] {strides = array<i32>} : memref<704xf32, #tpu.memory_space<vmem>>, vector<16xf32>,
        %parallel_loop3A_1071 = vector.shape_cast %parallel_loop3A_1070 : vector<16xf32> to vector<16xf32>
        %parallel_loop3A_1072 = arith.constant 41 : i32
        %parallel_loop3A_1073 = arith.index_cast %parallel_loop3A_58 : i32 to index
        %parallel_loop3A_1074 = arith.index_cast %parallel_loop3A_1072 : i32 to index
        %parallel_loop3A_1075 = arith.constant 0 : index
        %parallel_loop3A_1076 = tpu.vector_load %arg7[%parallel_loop3A_1073, %parallel_loop3A_1074, %parallel_loop3A_1075] {strides = array<i32>} : memref<4x50x32xf32, #tpu.memory_space<vmem>>, vector<1x1x16xf32>,
        %parallel_loop3A_1077 = vector.shape_cast %parallel_loop3A_1076 : vector<1x1x16xf32> to vector<16xf32>
        %parallel_loop3A_1078 = vector.shape_cast %parallel_loop3A_1071 : vector<16xf32> to vector<1x1x16xf32>
        tpu.vector_store %arg7[%parallel_loop3A_1073, %parallel_loop3A_1074, %parallel_loop3A_1075], %parallel_loop3A_1078 {strides = array<i32>} : memref<4x50x32xf32, #tpu.memory_space<vmem>>, vector<1x1x16xf32>,
        %parallel_loop3A_1079 = arith.constant 16 : i32
        %parallel_loop3A_1080 = arith.addi %parallel_loop3A_1068, %parallel_loop3A_1079 : i32
        %parallel_loop3A_1081 = arith.index_cast %parallel_loop3A_1080 : i32 to index
        %parallel_loop3A_1082 = tpu.vector_load %arg5[%parallel_loop3A_1081] {strides = array<i32>} : memref<704xf32, #tpu.memory_space<vmem>>, vector<16xf32>,
        %parallel_loop3A_1083 = vector.shape_cast %parallel_loop3A_1082 : vector<16xf32> to vector<16xf32>
        %parallel_loop3A_1084 = arith.constant 41 : i32
        %parallel_loop3A_1085 = arith.index_cast %parallel_loop3A_58 : i32 to index
        %parallel_loop3A_1086 = arith.index_cast %parallel_loop3A_1084 : i32 to index
        %parallel_loop3A_1087 = arith.constant 16 : index
        %parallel_loop3A_1088 = tpu.vector_load %arg7[%parallel_loop3A_1085, %parallel_loop3A_1086, %parallel_loop3A_1087] {strides = array<i32>} : memref<4x50x32xf32, #tpu.memory_space<vmem>>, vector<1x1x16xf32>,
        %parallel_loop3A_1089 = vector.shape_cast %parallel_loop3A_1088 : vector<1x1x16xf32> to vector<16xf32>
        %parallel_loop3A_1090 = vector.shape_cast %parallel_loop3A_1083 : vector<16xf32> to vector<1x1x16xf32>
        tpu.vector_store %arg7[%parallel_loop3A_1085, %parallel_loop3A_1086, %parallel_loop3A_1087], %parallel_loop3A_1090 {strides = array<i32>} : memref<4x50x32xf32, #tpu.memory_space<vmem>>, vector<1x1x16xf32>,
        %parallel_loop3A_1091 = vector.extract_strided_slice %parallel_loop3A_850 {offsets = [10], sizes = [1], strides = [1]} : vector<16xi32> to vector<1xi32>
        %parallel_loop3A_1092 = vector.extract %parallel_loop3A_1091[0] : i32 from vector<1xi32>
        %parallel_loop3A_1093 = arith.index_cast %parallel_loop3A_1092 : i32 to index
        %parallel_loop3A_1094 = tpu.vector_load %arg5[%parallel_loop3A_1093] {strides = array<i32>} : memref<704xf32, #tpu.memory_space<vmem>>, vector<16xf32>,
        %parallel_loop3A_1095 = vector.shape_cast %parallel_loop3A_1094 : vector<16xf32> to vector<16xf32>
        %parallel_loop3A_1096 = arith.constant 42 : i32
        %parallel_loop3A_1097 = arith.index_cast %parallel_loop3A_58 : i32 to index
        %parallel_loop3A_1098 = arith.index_cast %parallel_loop3A_1096 : i32 to index
        %parallel_loop3A_1099 = arith.constant 0 : index
        %parallel_loop3A_1100 = tpu.vector_load %arg7[%parallel_loop3A_1097, %parallel_loop3A_1098, %parallel_loop3A_1099] {strides = array<i32>} : memref<4x50x32xf32, #tpu.memory_space<vmem>>, vector<1x1x16xf32>,
        %parallel_loop3A_1101 = vector.shape_cast %parallel_loop3A_1100 : vector<1x1x16xf32> to vector<16xf32>
        %parallel_loop3A_1102 = vector.shape_cast %parallel_loop3A_1095 : vector<16xf32> to vector<1x1x16xf32>
        tpu.vector_store %arg7[%parallel_loop3A_1097, %parallel_loop3A_1098, %parallel_loop3A_1099], %parallel_loop3A_1102 {strides = array<i32>} : memref<4x50x32xf32, #tpu.memory_space<vmem>>, vector<1x1x16xf32>,
        %parallel_loop3A_1103 = arith.constant 16 : i32
        %parallel_loop3A_1104 = arith.addi %parallel_loop3A_1092, %parallel_loop3A_1103 : i32
        %parallel_loop3A_1105 = arith.index_cast %parallel_loop3A_1104 : i32 to index
        %parallel_loop3A_1106 = tpu.vector_load %arg5[%parallel_loop3A_1105] {strides = array<i32>} : memref<704xf32, #tpu.memory_space<vmem>>, vector<16xf32>,
        %parallel_loop3A_1107 = vector.shape_cast %parallel_loop3A_1106 : vector<16xf32> to vector<16xf32>
        %parallel_loop3A_1108 = arith.constant 42 : i32
        %parallel_loop3A_1109 = arith.index_cast %parallel_loop3A_58 : i32 to index
        %parallel_loop3A_1110 = arith.index_cast %parallel_loop3A_1108 : i32 to index
        %parallel_loop3A_1111 = arith.constant 16 : index
        %parallel_loop3A_1112 = tpu.vector_load %arg7[%parallel_loop3A_1109, %parallel_loop3A_1110, %parallel_loop3A_1111] {strides = array<i32>} : memref<4x50x32xf32, #tpu.memory_space<vmem>>, vector<1x1x16xf32>,
        %parallel_loop3A_1113 = vector.shape_cast %parallel_loop3A_1112 : vector<1x1x16xf32> to vector<16xf32>
        %parallel_loop3A_1114 = vector.shape_cast %parallel_loop3A_1107 : vector<16xf32> to vector<1x1x16xf32>
        tpu.vector_store %arg7[%parallel_loop3A_1109, %parallel_loop3A_1110, %parallel_loop3A_1111], %parallel_loop3A_1114 {strides = array<i32>} : memref<4x50x32xf32, #tpu.memory_space<vmem>>, vector<1x1x16xf32>,
        %parallel_loop3A_1115 = vector.extract_strided_slice %parallel_loop3A_850 {offsets = [11], sizes = [1], strides = [1]} : vector<16xi32> to vector<1xi32>
        %parallel_loop3A_1116 = vector.extract %parallel_loop3A_1115[0] : i32 from vector<1xi32>
        %parallel_loop3A_1117 = arith.index_cast %parallel_loop3A_1116 : i32 to index
        %parallel_loop3A_1118 = tpu.vector_load %arg5[%parallel_loop3A_1117] {strides = array<i32>} : memref<704xf32, #tpu.memory_space<vmem>>, vector<16xf32>,
        %parallel_loop3A_1119 = vector.shape_cast %parallel_loop3A_1118 : vector<16xf32> to vector<16xf32>
        %parallel_loop3A_1120 = arith.constant 43 : i32
        %parallel_loop3A_1121 = arith.index_cast %parallel_loop3A_58 : i32 to index
        %parallel_loop3A_1122 = arith.index_cast %parallel_loop3A_1120 : i32 to index
        %parallel_loop3A_1123 = arith.constant 0 : index
        %parallel_loop3A_1124 = tpu.vector_load %arg7[%parallel_loop3A_1121, %parallel_loop3A_1122, %parallel_loop3A_1123] {strides = array<i32>} : memref<4x50x32xf32, #tpu.memory_space<vmem>>, vector<1x1x16xf32>,
        %parallel_loop3A_1125 = vector.shape_cast %parallel_loop3A_1124 : vector<1x1x16xf32> to vector<16xf32>
        %parallel_loop3A_1126 = vector.shape_cast %parallel_loop3A_1119 : vector<16xf32> to vector<1x1x16xf32>
        tpu.vector_store %arg7[%parallel_loop3A_1121, %parallel_loop3A_1122, %parallel_loop3A_1123], %parallel_loop3A_1126 {strides = array<i32>} : memref<4x50x32xf32, #tpu.memory_space<vmem>>, vector<1x1x16xf32>,
        %parallel_loop3A_1127 = arith.constant 16 : i32
        %parallel_loop3A_1128 = arith.addi %parallel_loop3A_1116, %parallel_loop3A_1127 : i32
        %parallel_loop3A_1129 = arith.index_cast %parallel_loop3A_1128 : i32 to index
        %parallel_loop3A_1130 = tpu.vector_load %arg5[%parallel_loop3A_1129] {strides = array<i32>} : memref<704xf32, #tpu.memory_space<vmem>>, vector<16xf32>,
        %parallel_loop3A_1131 = vector.shape_cast %parallel_loop3A_1130 : vector<16xf32> to vector<16xf32>
        %parallel_loop3A_1132 = arith.constant 43 : i32
        %parallel_loop3A_1133 = arith.index_cast %parallel_loop3A_58 : i32 to index
        %parallel_loop3A_1134 = arith.index_cast %parallel_loop3A_1132 : i32 to index
        %parallel_loop3A_1135 = arith.constant 16 : index
        %parallel_loop3A_1136 = tpu.vector_load %arg7[%parallel_loop3A_1133, %parallel_loop3A_1134, %parallel_loop3A_1135] {strides = array<i32>} : memref<4x50x32xf32, #tpu.memory_space<vmem>>, vector<1x1x16xf32>,
        %parallel_loop3A_1137 = vector.shape_cast %parallel_loop3A_1136 : vector<1x1x16xf32> to vector<16xf32>
        %parallel_loop3A_1138 = vector.shape_cast %parallel_loop3A_1131 : vector<16xf32> to vector<1x1x16xf32>
        tpu.vector_store %arg7[%parallel_loop3A_1133, %parallel_loop3A_1134, %parallel_loop3A_1135], %parallel_loop3A_1138 {strides = array<i32>} : memref<4x50x32xf32, #tpu.memory_space<vmem>>, vector<1x1x16xf32>,
        %parallel_loop3A_1139 = vector.extract_strided_slice %parallel_loop3A_850 {offsets = [12], sizes = [1], strides = [1]} : vector<16xi32> to vector<1xi32>
        %parallel_loop3A_1140 = vector.extract %parallel_loop3A_1139[0] : i32 from vector<1xi32>
        %parallel_loop3A_1141 = arith.index_cast %parallel_loop3A_1140 : i32 to index
        %parallel_loop3A_1142 = tpu.vector_load %arg5[%parallel_loop3A_1141] {strides = array<i32>} : memref<704xf32, #tpu.memory_space<vmem>>, vector<16xf32>,
        %parallel_loop3A_1143 = vector.shape_cast %parallel_loop3A_1142 : vector<16xf32> to vector<16xf32>
        %parallel_loop3A_1144 = arith.constant 44 : i32
        %parallel_loop3A_1145 = arith.index_cast %parallel_loop3A_58 : i32 to index
        %parallel_loop3A_1146 = arith.index_cast %parallel_loop3A_1144 : i32 to index
        %parallel_loop3A_1147 = arith.constant 0 : index
        %parallel_loop3A_1148 = tpu.vector_load %arg7[%parallel_loop3A_1145, %parallel_loop3A_1146, %parallel_loop3A_1147] {strides = array<i32>} : memref<4x50x32xf32, #tpu.memory_space<vmem>>, vector<1x1x16xf32>,
        %parallel_loop3A_1149 = vector.shape_cast %parallel_loop3A_1148 : vector<1x1x16xf32> to vector<16xf32>
        %parallel_loop3A_1150 = vector.shape_cast %parallel_loop3A_1143 : vector<16xf32> to vector<1x1x16xf32>
        tpu.vector_store %arg7[%parallel_loop3A_1145, %parallel_loop3A_1146, %parallel_loop3A_1147], %parallel_loop3A_1150 {strides = array<i32>} : memref<4x50x32xf32, #tpu.memory_space<vmem>>, vector<1x1x16xf32>,
        %parallel_loop3A_1151 = arith.constant 16 : i32
        %parallel_loop3A_1152 = arith.addi %parallel_loop3A_1140, %parallel_loop3A_1151 : i32
        %parallel_loop3A_1153 = arith.index_cast %parallel_loop3A_1152 : i32 to index
        %parallel_loop3A_1154 = tpu.vector_load %arg5[%parallel_loop3A_1153] {strides = array<i32>} : memref<704xf32, #tpu.memory_space<vmem>>, vector<16xf32>,
        %parallel_loop3A_1155 = vector.shape_cast %parallel_loop3A_1154 : vector<16xf32> to vector<16xf32>
        %parallel_loop3A_1156 = arith.constant 44 : i32
        %parallel_loop3A_1157 = arith.index_cast %parallel_loop3A_58 : i32 to index
        %parallel_loop3A_1158 = arith.index_cast %parallel_loop3A_1156 : i32 to index
        %parallel_loop3A_1159 = arith.constant 16 : index
        %parallel_loop3A_1160 = tpu.vector_load %arg7[%parallel_loop3A_1157, %parallel_loop3A_1158, %parallel_loop3A_1159] {strides = array<i32>} : memref<4x50x32xf32, #tpu.memory_space<vmem>>, vector<1x1x16xf32>,
        %parallel_loop3A_1161 = vector.shape_cast %parallel_loop3A_1160 : vector<1x1x16xf32> to vector<16xf32>
        %parallel_loop3A_1162 = vector.shape_cast %parallel_loop3A_1155 : vector<16xf32> to vector<1x1x16xf32>
        tpu.vector_store %arg7[%parallel_loop3A_1157, %parallel_loop3A_1158, %parallel_loop3A_1159], %parallel_loop3A_1162 {strides = array<i32>} : memref<4x50x32xf32, #tpu.memory_space<vmem>>, vector<1x1x16xf32>,
        %parallel_loop3A_1163 = vector.extract_strided_slice %parallel_loop3A_850 {offsets = [13], sizes = [1], strides = [1]} : vector<16xi32> to vector<1xi32>
        %parallel_loop3A_1164 = vector.extract %parallel_loop3A_1163[0] : i32 from vector<1xi32>
        %parallel_loop3A_1165 = arith.index_cast %parallel_loop3A_1164 : i32 to index
        %parallel_loop3A_1166 = tpu.vector_load %arg5[%parallel_loop3A_1165] {strides = array<i32>} : memref<704xf32, #tpu.memory_space<vmem>>, vector<16xf32>,
        %parallel_loop3A_1167 = vector.shape_cast %parallel_loop3A_1166 : vector<16xf32> to vector<16xf32>
        %parallel_loop3A_1168 = arith.constant 45 : i32
        %parallel_loop3A_1169 = arith.index_cast %parallel_loop3A_58 : i32 to index
        %parallel_loop3A_1170 = arith.index_cast %parallel_loop3A_1168 : i32 to index
        %parallel_loop3A_1171 = arith.constant 0 : index
        %parallel_loop3A_1172 = tpu.vector_load %arg7[%parallel_loop3A_1169, %parallel_loop3A_1170, %parallel_loop3A_1171] {strides = array<i32>} : memref<4x50x32xf32, #tpu.memory_space<vmem>>, vector<1x1x16xf32>,
        %parallel_loop3A_1173 = vector.shape_cast %parallel_loop3A_1172 : vector<1x1x16xf32> to vector<16xf32>
        %parallel_loop3A_1174 = vector.shape_cast %parallel_loop3A_1167 : vector<16xf32> to vector<1x1x16xf32>
        tpu.vector_store %arg7[%parallel_loop3A_1169, %parallel_loop3A_1170, %parallel_loop3A_1171], %parallel_loop3A_1174 {strides = array<i32>} : memref<4x50x32xf32, #tpu.memory_space<vmem>>, vector<1x1x16xf32>,
        %parallel_loop3A_1175 = arith.constant 16 : i32
        %parallel_loop3A_1176 = arith.addi %parallel_loop3A_1164, %parallel_loop3A_1175 : i32
        %parallel_loop3A_1177 = arith.index_cast %parallel_loop3A_1176 : i32 to index
        %parallel_loop3A_1178 = tpu.vector_load %arg5[%parallel_loop3A_1177] {strides = array<i32>} : memref<704xf32, #tpu.memory_space<vmem>>, vector<16xf32>,
        %parallel_loop3A_1179 = vector.shape_cast %parallel_loop3A_1178 : vector<16xf32> to vector<16xf32>
        %parallel_loop3A_1180 = arith.constant 45 : i32
        %parallel_loop3A_1181 = arith.index_cast %parallel_loop3A_58 : i32 to index
        %parallel_loop3A_1182 = arith.index_cast %parallel_loop3A_1180 : i32 to index
        %parallel_loop3A_1183 = arith.constant 16 : index
        %parallel_loop3A_1184 = tpu.vector_load %arg7[%parallel_loop3A_1181, %parallel_loop3A_1182, %parallel_loop3A_1183] {strides = array<i32>} : memref<4x50x32xf32, #tpu.memory_space<vmem>>, vector<1x1x16xf32>,
        %parallel_loop3A_1185 = vector.shape_cast %parallel_loop3A_1184 : vector<1x1x16xf32> to vector<16xf32>
        %parallel_loop3A_1186 = vector.shape_cast %parallel_loop3A_1179 : vector<16xf32> to vector<1x1x16xf32>
        tpu.vector_store %arg7[%parallel_loop3A_1181, %parallel_loop3A_1182, %parallel_loop3A_1183], %parallel_loop3A_1186 {strides = array<i32>} : memref<4x50x32xf32, #tpu.memory_space<vmem>>, vector<1x1x16xf32>,
        %parallel_loop3A_1187 = vector.extract_strided_slice %parallel_loop3A_850 {offsets = [14], sizes = [1], strides = [1]} : vector<16xi32> to vector<1xi32>
        %parallel_loop3A_1188 = vector.extract %parallel_loop3A_1187[0] : i32 from vector<1xi32>
        %parallel_loop3A_1189 = arith.index_cast %parallel_loop3A_1188 : i32 to index
        %parallel_loop3A_1190 = tpu.vector_load %arg5[%parallel_loop3A_1189] {strides = array<i32>} : memref<704xf32, #tpu.memory_space<vmem>>, vector<16xf32>,
        %parallel_loop3A_1191 = vector.shape_cast %parallel_loop3A_1190 : vector<16xf32> to vector<16xf32>
        %parallel_loop3A_1192 = arith.constant 46 : i32
        %parallel_loop3A_1193 = arith.index_cast %parallel_loop3A_58 : i32 to index
        %parallel_loop3A_1194 = arith.index_cast %parallel_loop3A_1192 : i32 to index
        %parallel_loop3A_1195 = arith.constant 0 : index
        %parallel_loop3A_1196 = tpu.vector_load %arg7[%parallel_loop3A_1193, %parallel_loop3A_1194, %parallel_loop3A_1195] {strides = array<i32>} : memref<4x50x32xf32, #tpu.memory_space<vmem>>, vector<1x1x16xf32>,
        %parallel_loop3A_1197 = vector.shape_cast %parallel_loop3A_1196 : vector<1x1x16xf32> to vector<16xf32>
        %parallel_loop3A_1198 = vector.shape_cast %parallel_loop3A_1191 : vector<16xf32> to vector<1x1x16xf32>
        tpu.vector_store %arg7[%parallel_loop3A_1193, %parallel_loop3A_1194, %parallel_loop3A_1195], %parallel_loop3A_1198 {strides = array<i32>} : memref<4x50x32xf32, #tpu.memory_space<vmem>>, vector<1x1x16xf32>,
        %parallel_loop3A_1199 = arith.constant 16 : i32
        %parallel_loop3A_1200 = arith.addi %parallel_loop3A_1188, %parallel_loop3A_1199 : i32
        %parallel_loop3A_1201 = arith.index_cast %parallel_loop3A_1200 : i32 to index
        %parallel_loop3A_1202 = tpu.vector_load %arg5[%parallel_loop3A_1201] {strides = array<i32>} : memref<704xf32, #tpu.memory_space<vmem>>, vector<16xf32>,
        %parallel_loop3A_1203 = vector.shape_cast %parallel_loop3A_1202 : vector<16xf32> to vector<16xf32>
        %parallel_loop3A_1204 = arith.constant 46 : i32
        %parallel_loop3A_1205 = arith.index_cast %parallel_loop3A_58 : i32 to index
        %parallel_loop3A_1206 = arith.index_cast %parallel_loop3A_1204 : i32 to index
        %parallel_loop3A_1207 = arith.constant 16 : index
        %parallel_loop3A_1208 = tpu.vector_load %arg7[%parallel_loop3A_1205, %parallel_loop3A_1206, %parallel_loop3A_1207] {strides = array<i32>} : memref<4x50x32xf32, #tpu.memory_space<vmem>>, vector<1x1x16xf32>,
        %parallel_loop3A_1209 = vector.shape_cast %parallel_loop3A_1208 : vector<1x1x16xf32> to vector<16xf32>
        %parallel_loop3A_1210 = vector.shape_cast %parallel_loop3A_1203 : vector<16xf32> to vector<1x1x16xf32>
        tpu.vector_store %arg7[%parallel_loop3A_1205, %parallel_loop3A_1206, %parallel_loop3A_1207], %parallel_loop3A_1210 {strides = array<i32>} : memref<4x50x32xf32, #tpu.memory_space<vmem>>, vector<1x1x16xf32>,
        %parallel_loop3A_1211 = vector.extract_strided_slice %parallel_loop3A_850 {offsets = [15], sizes = [1], strides = [1]} : vector<16xi32> to vector<1xi32>
        %parallel_loop3A_1212 = vector.extract %parallel_loop3A_1211[0] : i32 from vector<1xi32>
        %parallel_loop3A_1213 = arith.index_cast %parallel_loop3A_1212 : i32 to index
        %parallel_loop3A_1214 = tpu.vector_load %arg5[%parallel_loop3A_1213] {strides = array<i32>} : memref<704xf32, #tpu.memory_space<vmem>>, vector<16xf32>,
        %parallel_loop3A_1215 = vector.shape_cast %parallel_loop3A_1214 : vector<16xf32> to vector<16xf32>
        %parallel_loop3A_1216 = arith.constant 47 : i32
        %parallel_loop3A_1217 = arith.index_cast %parallel_loop3A_58 : i32 to index
        %parallel_loop3A_1218 = arith.index_cast %parallel_loop3A_1216 : i32 to index
        %parallel_loop3A_1219 = arith.constant 0 : index
        %parallel_loop3A_1220 = tpu.vector_load %arg7[%parallel_loop3A_1217, %parallel_loop3A_1218, %parallel_loop3A_1219] {strides = array<i32>} : memref<4x50x32xf32, #tpu.memory_space<vmem>>, vector<1x1x16xf32>,
        %parallel_loop3A_1221 = vector.shape_cast %parallel_loop3A_1220 : vector<1x1x16xf32> to vector<16xf32>
        %parallel_loop3A_1222 = vector.shape_cast %parallel_loop3A_1215 : vector<16xf32> to vector<1x1x16xf32>
        tpu.vector_store %arg7[%parallel_loop3A_1217, %parallel_loop3A_1218, %parallel_loop3A_1219], %parallel_loop3A_1222 {strides = array<i32>} : memref<4x50x32xf32, #tpu.memory_space<vmem>>, vector<1x1x16xf32>,
        %parallel_loop3A_1223 = arith.constant 16 : i32
        %parallel_loop3A_1224 = arith.addi %parallel_loop3A_1212, %parallel_loop3A_1223 : i32
        %parallel_loop3A_1225 = arith.index_cast %parallel_loop3A_1224 : i32 to index
        %parallel_loop3A_1226 = tpu.vector_load %arg5[%parallel_loop3A_1225] {strides = array<i32>} : memref<704xf32, #tpu.memory_space<vmem>>, vector<16xf32>,
        %parallel_loop3A_1227 = vector.shape_cast %parallel_loop3A_1226 : vector<16xf32> to vector<16xf32>
        %parallel_loop3A_1228 = arith.constant 47 : i32
        %parallel_loop3A_1229 = arith.index_cast %parallel_loop3A_58 : i32 to index
        %parallel_loop3A_1230 = arith.index_cast %parallel_loop3A_1228 : i32 to index
        %parallel_loop3A_1231 = arith.constant 16 : index
        %parallel_loop3A_1232 = tpu.vector_load %arg7[%parallel_loop3A_1229, %parallel_loop3A_1230, %parallel_loop3A_1231] {strides = array<i32>} : memref<4x50x32xf32, #tpu.memory_space<vmem>>, vector<1x1x16xf32>,
        %parallel_loop3A_1233 = vector.shape_cast %parallel_loop3A_1232 : vector<1x1x16xf32> to vector<16xf32>
        %parallel_loop3A_1234 = vector.shape_cast %parallel_loop3A_1227 : vector<16xf32> to vector<1x1x16xf32>
        tpu.vector_store %arg7[%parallel_loop3A_1229, %parallel_loop3A_1230, %parallel_loop3A_1231], %parallel_loop3A_1234 {strides = array<i32>} : memref<4x50x32xf32, #tpu.memory_space<vmem>>, vector<1x1x16xf32>,
        %parallel_loop3A_1235 = arith.index_cast %parallel_loop3A_61 : i32 to index
        %parallel_loop3A_1236 = arith.constant 34 : index
        %parallel_loop3A_1237 = tpu.vector_load %arg6[%parallel_loop3A_1235, %parallel_loop3A_1236] {strides = array<i32>} : memref<512x50xi32, #tpu.memory_space<vmem>>, vector<1x16xi32>,
        %parallel_loop3A_1238 = vector.shape_cast %parallel_loop3A_1237 : vector<1x16xi32> to vector<16xi32>
        %parallel_loop3A_1239 = arith.constant 32 : i32
        %parallel_loop3A_1240 = vector.broadcast %parallel_loop3A_1239 : i32 to vector<16xi32>
        %parallel_loop3A_1241 = arith.muli %parallel_loop3A_1238, %parallel_loop3A_1240 : vector<16xi32>
        %parallel_loop3A_1242 = vector.extract_strided_slice %parallel_loop3A_1241 {offsets = [14], sizes = [1], strides = [1]} : vector<16xi32> to vector<1xi32>
        %parallel_loop3A_1243 = vector.extract %parallel_loop3A_1242[0] : i32 from vector<1xi32>
        %parallel_loop3A_1244 = arith.index_cast %parallel_loop3A_1243 : i32 to index
        %parallel_loop3A_1245 = tpu.vector_load %arg5[%parallel_loop3A_1244] {strides = array<i32>} : memref<704xf32, #tpu.memory_space<vmem>>, vector<16xf32>,
        %parallel_loop3A_1246 = vector.shape_cast %parallel_loop3A_1245 : vector<16xf32> to vector<16xf32>
        %parallel_loop3A_1247 = arith.constant 48 : i32
        %parallel_loop3A_1248 = arith.index_cast %parallel_loop3A_58 : i32 to index
        %parallel_loop3A_1249 = arith.index_cast %parallel_loop3A_1247 : i32 to index
        %parallel_loop3A_1250 = arith.constant 0 : index
        %parallel_loop3A_1251 = tpu.vector_load %arg7[%parallel_loop3A_1248, %parallel_loop3A_1249, %parallel_loop3A_1250] {strides = array<i32>} : memref<4x50x32xf32, #tpu.memory_space<vmem>>, vector<1x1x16xf32>,
        %parallel_loop3A_1252 = vector.shape_cast %parallel_loop3A_1251 : vector<1x1x16xf32> to vector<16xf32>
        %parallel_loop3A_1253 = vector.shape_cast %parallel_loop3A_1246 : vector<16xf32> to vector<1x1x16xf32>
        tpu.vector_store %arg7[%parallel_loop3A_1248, %parallel_loop3A_1249, %parallel_loop3A_1250], %parallel_loop3A_1253 {strides = array<i32>} : memref<4x50x32xf32, #tpu.memory_space<vmem>>, vector<1x1x16xf32>,
        %parallel_loop3A_1254 = arith.constant 16 : i32
        %parallel_loop3A_1255 = arith.addi %parallel_loop3A_1243, %parallel_loop3A_1254 : i32
        %parallel_loop3A_1256 = arith.index_cast %parallel_loop3A_1255 : i32 to index
        %parallel_loop3A_1257 = tpu.vector_load %arg5[%parallel_loop3A_1256] {strides = array<i32>} : memref<704xf32, #tpu.memory_space<vmem>>, vector<16xf32>,
        %parallel_loop3A_1258 = vector.shape_cast %parallel_loop3A_1257 : vector<16xf32> to vector<16xf32>
        %parallel_loop3A_1259 = arith.constant 48 : i32
        %parallel_loop3A_1260 = arith.index_cast %parallel_loop3A_58 : i32 to index
        %parallel_loop3A_1261 = arith.index_cast %parallel_loop3A_1259 : i32 to index
        %parallel_loop3A_1262 = arith.constant 16 : index
        %parallel_loop3A_1263 = tpu.vector_load %arg7[%parallel_loop3A_1260, %parallel_loop3A_1261, %parallel_loop3A_1262] {strides = array<i32>} : memref<4x50x32xf32, #tpu.memory_space<vmem>>, vector<1x1x16xf32>,
        %parallel_loop3A_1264 = vector.shape_cast %parallel_loop3A_1263 : vector<1x1x16xf32> to vector<16xf32>
        %parallel_loop3A_1265 = vector.shape_cast %parallel_loop3A_1258 : vector<16xf32> to vector<1x1x16xf32>
        tpu.vector_store %arg7[%parallel_loop3A_1260, %parallel_loop3A_1261, %parallel_loop3A_1262], %parallel_loop3A_1265 {strides = array<i32>} : memref<4x50x32xf32, #tpu.memory_space<vmem>>, vector<1x1x16xf32>,
        %parallel_loop3A_1266 = vector.extract_strided_slice %parallel_loop3A_1241 {offsets = [15], sizes = [1], strides = [1]} : vector<16xi32> to vector<1xi32>
        %parallel_loop3A_1267 = vector.extract %parallel_loop3A_1266[0] : i32 from vector<1xi32>
        %parallel_loop3A_1268 = arith.index_cast %parallel_loop3A_1267 : i32 to index
        %parallel_loop3A_1269 = tpu.vector_load %arg5[%parallel_loop3A_1268] {strides = array<i32>} : memref<704xf32, #tpu.memory_space<vmem>>, vector<16xf32>,
        %parallel_loop3A_1270 = vector.shape_cast %parallel_loop3A_1269 : vector<16xf32> to vector<16xf32>
        %parallel_loop3A_1271 = arith.constant 49 : i32
        %parallel_loop3A_1272 = arith.index_cast %parallel_loop3A_58 : i32 to index
        %parallel_loop3A_1273 = arith.index_cast %parallel_loop3A_1271 : i32 to index
        %parallel_loop3A_1274 = arith.constant 0 : index
        %parallel_loop3A_1275 = tpu.vector_load %arg7[%parallel_loop3A_1272, %parallel_loop3A_1273, %parallel_loop3A_1274] {strides = array<i32>} : memref<4x50x32xf32, #tpu.memory_space<vmem>>, vector<1x1x16xf32>,
        %parallel_loop3A_1276 = vector.shape_cast %parallel_loop3A_1275 : vector<1x1x16xf32> to vector<16xf32>
        %parallel_loop3A_1277 = vector.shape_cast %parallel_loop3A_1270 : vector<16xf32> to vector<1x1x16xf32>
        tpu.vector_store %arg7[%parallel_loop3A_1272, %parallel_loop3A_1273, %parallel_loop3A_1274], %parallel_loop3A_1277 {strides = array<i32>} : memref<4x50x32xf32, #tpu.memory_space<vmem>>, vector<1x1x16xf32>,
        %parallel_loop3A_1278 = arith.constant 16 : i32
        %parallel_loop3A_1279 = arith.addi %parallel_loop3A_1267, %parallel_loop3A_1278 : i32
        %parallel_loop3A_1280 = arith.index_cast %parallel_loop3A_1279 : i32 to index
        %parallel_loop3A_1281 = tpu.vector_load %arg5[%parallel_loop3A_1280] {strides = array<i32>} : memref<704xf32, #tpu.memory_space<vmem>>, vector<16xf32>,
        %parallel_loop3A_1282 = vector.shape_cast %parallel_loop3A_1281 : vector<16xf32> to vector<16xf32>
        %parallel_loop3A_1283 = arith.constant 49 : i32
        %parallel_loop3A_1284 = arith.index_cast %parallel_loop3A_58 : i32 to index
        %parallel_loop3A_1285 = arith.index_cast %parallel_loop3A_1283 : i32 to index
        %parallel_loop3A_1286 = arith.constant 16 : index
        %parallel_loop3A_1287 = tpu.vector_load %arg7[%parallel_loop3A_1284, %parallel_loop3A_1285, %parallel_loop3A_1286] {strides = array<i32>} : memref<4x50x32xf32, #tpu.memory_space<vmem>>, vector<1x1x16xf32>,
        %parallel_loop3A_1288 = vector.shape_cast %parallel_loop3A_1287 : vector<1x1x16xf32> to vector<16xf32>
        %parallel_loop3A_1289 = vector.shape_cast %parallel_loop3A_1282 : vector<16xf32> to vector<1x1x16xf32>
        tpu.vector_store %arg7[%parallel_loop3A_1284, %parallel_loop3A_1285, %parallel_loop3A_1286], %parallel_loop3A_1289 {strides = array<i32>} : memref<4x50x32xf32, #tpu.memory_space<vmem>>, vector<1x1x16xf32>,
      } {sc.loop_unroll_factor = 2 : i64, sc.parallel_access}
      %mul3A_31 = arith.constant 4 : i32
      %mul3A_32 = arith.muli %add3A_26, %mul3A_31 : i32
      %add3A_33 = arith.addi %mul3A_2, %mul3A_32 : i32
      %dma_start3A = arith.constant 0 : i32
      %dma_start3A_34 = arith.constant 0 : i32
      %dma_start3A_35 = tpu.memref_slice %arg4[%add3A_33, %dma_start3A, %dma_start3A_34] : memref<16384x50x32xf32, #tpu.memory_space<hbm>> -> memref<4x50x32xf32, #tpu.memory_space<hbm>>
      %dma_start3A_36 = arith.constant 0 : i32
      %dma_start3A_37 = arith.constant 0 : i32
      %dma_start3A_38 = tpu.memref_slice %arg4[%add3A_33, %dma_start3A_36, %dma_start3A_37] : memref<16384x50x32xf32, #tpu.memory_space<hbm>> -> memref<4x50x32xf32, #tpu.memory_space<hbm>>
      tpu.enqueue_dma source(%arg7 : memref<4x50x32xf32, #tpu.memory_space<vmem>>) target(%dma_start3A_38 : memref<4x50x32xf32, #tpu.memory_space<hbm>>) target_semaphore(%arg9 : memref<!tpu.dma_semaphore, #tpu.memory_space<semaphore_mem>>)
      %add3A_39 = arith.constant 1 : i32
      %add3A_40 = arith.addi %add3A_26, %add3A_39 : i32
      %ge3A_41 = arith.constant 2 : i32
      %ge3A_42 = arith.cmpi sge, %add3A_40, %ge3A_41 : i32
      %convert_element_type3A_43 = arith.extui %ge3A_42 : i1 to i32
      %cond3A_44 = arith.constant 0 : i32
      %cond3A_45 = arith.cmpi ne, %convert_element_type3A_43, %cond3A_44 : i32
      scf.if %cond3A_45 {
        %dma_wait3A_58 = arith.constant 0 : i32
        %dma_wait3A_59 = arith.constant 0 : i32
        %dma_wait3A_60 = arith.constant 0 : i32
        %dma_wait3A_61 = tpu.memref_slice %arg4[%dma_wait3A_58, %dma_wait3A_59, %dma_wait3A_60] : memref<16384x50x32xf32, #tpu.memory_space<hbm>> -> memref<4x50x32xf32, #tpu.memory_space<hbm>>
        %dma_wait3A_62 = arith.constant 0 : i32
        %dma_wait3A_63 = arith.constant 0 : i32
        %dma_wait3A_64 = arith.constant 0 : i32
        %dma_wait3A_65 = tpu.memref_slice %arg4[%dma_wait3A_62, %dma_wait3A_63, %dma_wait3A_64] : memref<16384x50x32xf32, #tpu.memory_space<hbm>> -> memref<4x50x32xf32, #tpu.memory_space<hbm>>
        tpu.wait_dma2 semaphore(%arg10 : memref<!tpu.dma_semaphore, #tpu.memory_space<semaphore_mem>>) src(%arg8 : memref<4x50x32xf32, #tpu.memory_space<vmem>>) dst(%dma_wait3A_65 : memref<4x50x32xf32, #tpu.memory_space<hbm>>)
      } else {
      }
      %parallel_loop3A_46 = arith.constant 0 : i32
      %parallel_loop3A_47 = arith.constant 4 : i32
      %parallel_loop3A_48 = arith.constant 1 : i32
      scf.for %parallel_loop3A_58 = %parallel_loop3A_46 to %parallel_loop3A_47 step %parallel_loop3A_48  : i32 {
        %parallel_loop3A_59 = arith.constant 4 : i32
        %parallel_loop3A_60 = arith.muli %add3A_40, %parallel_loop3A_59 : i32
        %parallel_loop3A_61 = arith.addi %parallel_loop3A_60, %parallel_loop3A_58 : i32
        %parallel_loop3A_62 = arith.index_cast %parallel_loop3A_61 : i32 to index
        %parallel_loop3A_63 = arith.constant 0 : index
        %parallel_loop3A_64 = tpu.vector_load %arg6[%parallel_loop3A_62, %parallel_loop3A_63] {strides = array<i32>} : memref<512x50xi32, #tpu.memory_space<vmem>>, vector<1x16xi32>,
        %parallel_loop3A_65 = vector.shape_cast %parallel_loop3A_64 : vector<1x16xi32> to vector<16xi32>
        %parallel_loop3A_66 = arith.constant 32 : i32
        %parallel_loop3A_67 = vector.broadcast %parallel_loop3A_66 : i32 to vector<16xi32>
        %parallel_loop3A_68 = arith.muli %parallel_loop3A_65, %parallel_loop3A_67 : vector<16xi32>
        %parallel_loop3A_69 = vector.extract_strided_slice %parallel_loop3A_68 {offsets = [0], sizes = [1], strides = [1]} : vector<16xi32> to vector<1xi32>
        %parallel_loop3A_70 = vector.extract %parallel_loop3A_69[0] : i32 from vector<1xi32>
        %parallel_loop3A_71 = arith.index_cast %parallel_loop3A_70 : i32 to index
        %parallel_loop3A_72 = tpu.vector_load %arg5[%parallel_loop3A_71] {strides = array<i32>} : memref<704xf32, #tpu.memory_space<vmem>>, vector<16xf32>,
        %parallel_loop3A_73 = vector.shape_cast %parallel_loop3A_72 : vector<16xf32> to vector<16xf32>
        %parallel_loop3A_74 = arith.constant 0 : i32
        %parallel_loop3A_75 = arith.index_cast %parallel_loop3A_58 : i32 to index
        %parallel_loop3A_76 = arith.index_cast %parallel_loop3A_74 : i32 to index
        %parallel_loop3A_77 = arith.constant 0 : index
        %parallel_loop3A_78 = tpu.vector_load %arg8[%parallel_loop3A_75, %parallel_loop3A_76, %parallel_loop3A_77] {strides = array<i32>} : memref<4x50x32xf32, #tpu.memory_space<vmem>>, vector<1x1x16xf32>,
        %parallel_loop3A_79 = vector.shape_cast %parallel_loop3A_78 : vector<1x1x16xf32> to vector<16xf32>
        %parallel_loop3A_80 = vector.shape_cast %parallel_loop3A_73 : vector<16xf32> to vector<1x1x16xf32>
        tpu.vector_store %arg8[%parallel_loop3A_75, %parallel_loop3A_76, %parallel_loop3A_77], %parallel_loop3A_80 {strides = array<i32>} : memref<4x50x32xf32, #tpu.memory_space<vmem>>, vector<1x1x16xf32>,
        %parallel_loop3A_81 = arith.constant 16 : i32
        %parallel_loop3A_82 = arith.addi %parallel_loop3A_70, %parallel_loop3A_81 : i32
        %parallel_loop3A_83 = arith.index_cast %parallel_loop3A_82 : i32 to index
        %parallel_loop3A_84 = tpu.vector_load %arg5[%parallel_loop3A_83] {strides = array<i32>} : memref<704xf32, #tpu.memory_space<vmem>>, vector<16xf32>,
        %parallel_loop3A_85 = vector.shape_cast %parallel_loop3A_84 : vector<16xf32> to vector<16xf32>
        %parallel_loop3A_86 = arith.constant 0 : i32
        %parallel_loop3A_87 = arith.index_cast %parallel_loop3A_58 : i32 to index
        %parallel_loop3A_88 = arith.index_cast %parallel_loop3A_86 : i32 to index
        %parallel_loop3A_89 = arith.constant 16 : index
        %parallel_loop3A_90 = tpu.vector_load %arg8[%parallel_loop3A_87, %parallel_loop3A_88, %parallel_loop3A_89] {strides = array<i32>} : memref<4x50x32xf32, #tpu.memory_space<vmem>>, vector<1x1x16xf32>,
        %parallel_loop3A_91 = vector.shape_cast %parallel_loop3A_90 : vector<1x1x16xf32> to vector<16xf32>
        %parallel_loop3A_92 = vector.shape_cast %parallel_loop3A_85 : vector<16xf32> to vector<1x1x16xf32>
        tpu.vector_store %arg8[%parallel_loop3A_87, %parallel_loop3A_88, %parallel_loop3A_89], %parallel_loop3A_92 {strides = array<i32>} : memref<4x50x32xf32, #tpu.memory_space<vmem>>, vector<1x1x16xf32>,
        %parallel_loop3A_93 = vector.extract_strided_slice %parallel_loop3A_68 {offsets = [1], sizes = [1], strides = [1]} : vector<16xi32> to vector<1xi32>
        %parallel_loop3A_94 = vector.extract %parallel_loop3A_93[0] : i32 from vector<1xi32>
        %parallel_loop3A_95 = arith.index_cast %parallel_loop3A_94 : i32 to index
        %parallel_loop3A_96 = tpu.vector_load %arg5[%parallel_loop3A_95] {strides = array<i32>} : memref<704xf32, #tpu.memory_space<vmem>>, vector<16xf32>,
        %parallel_loop3A_97 = vector.shape_cast %parallel_loop3A_96 : vector<16xf32> to vector<16xf32>
        %parallel_loop3A_98 = arith.constant 1 : i32
        %parallel_loop3A_99 = arith.index_cast %parallel_loop3A_58 : i32 to index
        %parallel_loop3A_100 = arith.index_cast %parallel_loop3A_98 : i32 to index
        %parallel_loop3A_101 = arith.constant 0 : index
        %parallel_loop3A_102 = tpu.vector_load %arg8[%parallel_loop3A_99, %parallel_loop3A_100, %parallel_loop3A_101] {strides = array<i32>} : memref<4x50x32xf32, #tpu.memory_space<vmem>>, vector<1x1x16xf32>,
        %parallel_loop3A_103 = vector.shape_cast %parallel_loop3A_102 : vector<1x1x16xf32> to vector<16xf32>
        %parallel_loop3A_104 = vector.shape_cast %parallel_loop3A_97 : vector<16xf32> to vector<1x1x16xf32>
        tpu.vector_store %arg8[%parallel_loop3A_99, %parallel_loop3A_100, %parallel_loop3A_101], %parallel_loop3A_104 {strides = array<i32>} : memref<4x50x32xf32, #tpu.memory_space<vmem>>, vector<1x1x16xf32>,
        %parallel_loop3A_105 = arith.constant 16 : i32
        %parallel_loop3A_106 = arith.addi %parallel_loop3A_94, %parallel_loop3A_105 : i32
        %parallel_loop3A_107 = arith.index_cast %parallel_loop3A_106 : i32 to index
        %parallel_loop3A_108 = tpu.vector_load %arg5[%parallel_loop3A_107] {strides = array<i32>} : memref<704xf32, #tpu.memory_space<vmem>>, vector<16xf32>,
        %parallel_loop3A_109 = vector.shape_cast %parallel_loop3A_108 : vector<16xf32> to vector<16xf32>
        %parallel_loop3A_110 = arith.constant 1 : i32
        %parallel_loop3A_111 = arith.index_cast %parallel_loop3A_58 : i32 to index
        %parallel_loop3A_112 = arith.index_cast %parallel_loop3A_110 : i32 to index
        %parallel_loop3A_113 = arith.constant 16 : index
        %parallel_loop3A_114 = tpu.vector_load %arg8[%parallel_loop3A_111, %parallel_loop3A_112, %parallel_loop3A_113] {strides = array<i32>} : memref<4x50x32xf32, #tpu.memory_space<vmem>>, vector<1x1x16xf32>,
        %parallel_loop3A_115 = vector.shape_cast %parallel_loop3A_114 : vector<1x1x16xf32> to vector<16xf32>
        %parallel_loop3A_116 = vector.shape_cast %parallel_loop3A_109 : vector<16xf32> to vector<1x1x16xf32>
        tpu.vector_store %arg8[%parallel_loop3A_111, %parallel_loop3A_112, %parallel_loop3A_113], %parallel_loop3A_116 {strides = array<i32>} : memref<4x50x32xf32, #tpu.memory_space<vmem>>, vector<1x1x16xf32>,
        %parallel_loop3A_117 = vector.extract_strided_slice %parallel_loop3A_68 {offsets = [2], sizes = [1], strides = [1]} : vector<16xi32> to vector<1xi32>
        %parallel_loop3A_118 = vector.extract %parallel_loop3A_117[0] : i32 from vector<1xi32>
        %parallel_loop3A_119 = arith.index_cast %parallel_loop3A_118 : i32 to index
        %parallel_loop3A_120 = tpu.vector_load %arg5[%parallel_loop3A_119] {strides = array<i32>} : memref<704xf32, #tpu.memory_space<vmem>>, vector<16xf32>,
        %parallel_loop3A_121 = vector.shape_cast %parallel_loop3A_120 : vector<16xf32> to vector<16xf32>
        %parallel_loop3A_122 = arith.constant 2 : i32
        %parallel_loop3A_123 = arith.index_cast %parallel_loop3A_58 : i32 to index
        %parallel_loop3A_124 = arith.index_cast %parallel_loop3A_122 : i32 to index
        %parallel_loop3A_125 = arith.constant 0 : index
        %parallel_loop3A_126 = tpu.vector_load %arg8[%parallel_loop3A_123, %parallel_loop3A_124, %parallel_loop3A_125] {strides = array<i32>} : memref<4x50x32xf32, #tpu.memory_space<vmem>>, vector<1x1x16xf32>,
        %parallel_loop3A_127 = vector.shape_cast %parallel_loop3A_126 : vector<1x1x16xf32> to vector<16xf32>
        %parallel_loop3A_128 = vector.shape_cast %parallel_loop3A_121 : vector<16xf32> to vector<1x1x16xf32>
        tpu.vector_store %arg8[%parallel_loop3A_123, %parallel_loop3A_124, %parallel_loop3A_125], %parallel_loop3A_128 {strides = array<i32>} : memref<4x50x32xf32, #tpu.memory_space<vmem>>, vector<1x1x16xf32>,
        %parallel_loop3A_129 = arith.constant 16 : i32
        %parallel_loop3A_130 = arith.addi %parallel_loop3A_118, %parallel_loop3A_129 : i32
        %parallel_loop3A_131 = arith.index_cast %parallel_loop3A_130 : i32 to index
        %parallel_loop3A_132 = tpu.vector_load %arg5[%parallel_loop3A_131] {strides = array<i32>} : memref<704xf32, #tpu.memory_space<vmem>>, vector<16xf32>,
        %parallel_loop3A_133 = vector.shape_cast %parallel_loop3A_132 : vector<16xf32> to vector<16xf32>
        %parallel_loop3A_134 = arith.constant 2 : i32
        %parallel_loop3A_135 = arith.index_cast %parallel_loop3A_58 : i32 to index
        %parallel_loop3A_136 = arith.index_cast %parallel_loop3A_134 : i32 to index
        %parallel_loop3A_137 = arith.constant 16 : index
        %parallel_loop3A_138 = tpu.vector_load %arg8[%parallel_loop3A_135, %parallel_loop3A_136, %parallel_loop3A_137] {strides = array<i32>} : memref<4x50x32xf32, #tpu.memory_space<vmem>>, vector<1x1x16xf32>,
        %parallel_loop3A_139 = vector.shape_cast %parallel_loop3A_138 : vector<1x1x16xf32> to vector<16xf32>
        %parallel_loop3A_140 = vector.shape_cast %parallel_loop3A_133 : vector<16xf32> to vector<1x1x16xf32>
        tpu.vector_store %arg8[%parallel_loop3A_135, %parallel_loop3A_136, %parallel_loop3A_137], %parallel_loop3A_140 {strides = array<i32>} : memref<4x50x32xf32, #tpu.memory_space<vmem>>, vector<1x1x16xf32>,
        %parallel_loop3A_141 = vector.extract_strided_slice %parallel_loop3A_68 {offsets = [3], sizes = [1], strides = [1]} : vector<16xi32> to vector<1xi32>
        %parallel_loop3A_142 = vector.extract %parallel_loop3A_141[0] : i32 from vector<1xi32>
        %parallel_loop3A_143 = arith.index_cast %parallel_loop3A_142 : i32 to index
        %parallel_loop3A_144 = tpu.vector_load %arg5[%parallel_loop3A_143] {strides = array<i32>} : memref<704xf32, #tpu.memory_space<vmem>>, vector<16xf32>,
        %parallel_loop3A_145 = vector.shape_cast %parallel_loop3A_144 : vector<16xf32> to vector<16xf32>
        %parallel_loop3A_146 = arith.constant 3 : i32
        %parallel_loop3A_147 = arith.index_cast %parallel_loop3A_58 : i32 to index
        %parallel_loop3A_148 = arith.index_cast %parallel_loop3A_146 : i32 to index
        %parallel_loop3A_149 = arith.constant 0 : index
        %parallel_loop3A_150 = tpu.vector_load %arg8[%parallel_loop3A_147, %parallel_loop3A_148, %parallel_loop3A_149] {strides = array<i32>} : memref<4x50x32xf32, #tpu.memory_space<vmem>>, vector<1x1x16xf32>,
        %parallel_loop3A_151 = vector.shape_cast %parallel_loop3A_150 : vector<1x1x16xf32> to vector<16xf32>
        %parallel_loop3A_152 = vector.shape_cast %parallel_loop3A_145 : vector<16xf32> to vector<1x1x16xf32>
        tpu.vector_store %arg8[%parallel_loop3A_147, %parallel_loop3A_148, %parallel_loop3A_149], %parallel_loop3A_152 {strides = array<i32>} : memref<4x50x32xf32, #tpu.memory_space<vmem>>, vector<1x1x16xf32>,
        %parallel_loop3A_153 = arith.constant 16 : i32
        %parallel_loop3A_154 = arith.addi %parallel_loop3A_142, %parallel_loop3A_153 : i32
        %parallel_loop3A_155 = arith.index_cast %parallel_loop3A_154 : i32 to index
        %parallel_loop3A_156 = tpu.vector_load %arg5[%parallel_loop3A_155] {strides = array<i32>} : memref<704xf32, #tpu.memory_space<vmem>>, vector<16xf32>,
        %parallel_loop3A_157 = vector.shape_cast %parallel_loop3A_156 : vector<16xf32> to vector<16xf32>
        %parallel_loop3A_158 = arith.constant 3 : i32
        %parallel_loop3A_159 = arith.index_cast %parallel_loop3A_58 : i32 to index
        %parallel_loop3A_160 = arith.index_cast %parallel_loop3A_158 : i32 to index
        %parallel_loop3A_161 = arith.constant 16 : index
        %parallel_loop3A_162 = tpu.vector_load %arg8[%parallel_loop3A_159, %parallel_loop3A_160, %parallel_loop3A_161] {strides = array<i32>} : memref<4x50x32xf32, #tpu.memory_space<vmem>>, vector<1x1x16xf32>,
        %parallel_loop3A_163 = vector.shape_cast %parallel_loop3A_162 : vector<1x1x16xf32> to vector<16xf32>
        %parallel_loop3A_164 = vector.shape_cast %parallel_loop3A_157 : vector<16xf32> to vector<1x1x16xf32>
        tpu.vector_store %arg8[%parallel_loop3A_159, %parallel_loop3A_160, %parallel_loop3A_161], %parallel_loop3A_164 {strides = array<i32>} : memref<4x50x32xf32, #tpu.memory_space<vmem>>, vector<1x1x16xf32>,
        %parallel_loop3A_165 = vector.extract_strided_slice %parallel_loop3A_68 {offsets = [4], sizes = [1], strides = [1]} : vector<16xi32> to vector<1xi32>
        %parallel_loop3A_166 = vector.extract %parallel_loop3A_165[0] : i32 from vector<1xi32>
        %parallel_loop3A_167 = arith.index_cast %parallel_loop3A_166 : i32 to index
        %parallel_loop3A_168 = tpu.vector_load %arg5[%parallel_loop3A_167] {strides = array<i32>} : memref<704xf32, #tpu.memory_space<vmem>>, vector<16xf32>,
        %parallel_loop3A_169 = vector.shape_cast %parallel_loop3A_168 : vector<16xf32> to vector<16xf32>
        %parallel_loop3A_170 = arith.constant 4 : i32
        %parallel_loop3A_171 = arith.index_cast %parallel_loop3A_58 : i32 to index
        %parallel_loop3A_172 = arith.index_cast %parallel_loop3A_170 : i32 to index
        %parallel_loop3A_173 = arith.constant 0 : index
        %parallel_loop3A_174 = tpu.vector_load %arg8[%parallel_loop3A_171, %parallel_loop3A_172, %parallel_loop3A_173] {strides = array<i32>} : memref<4x50x32xf32, #tpu.memory_space<vmem>>, vector<1x1x16xf32>,
        %parallel_loop3A_175 = vector.shape_cast %parallel_loop3A_174 : vector<1x1x16xf32> to vector<16xf32>
        %parallel_loop3A_176 = vector.shape_cast %parallel_loop3A_169 : vector<16xf32> to vector<1x1x16xf32>
        tpu.vector_store %arg8[%parallel_loop3A_171, %parallel_loop3A_172, %parallel_loop3A_173], %parallel_loop3A_176 {strides = array<i32>} : memref<4x50x32xf32, #tpu.memory_space<vmem>>, vector<1x1x16xf32>,
        %parallel_loop3A_177 = arith.constant 16 : i32
        %parallel_loop3A_178 = arith.addi %parallel_loop3A_166, %parallel_loop3A_177 : i32
        %parallel_loop3A_179 = arith.index_cast %parallel_loop3A_178 : i32 to index
        %parallel_loop3A_180 = tpu.vector_load %arg5[%parallel_loop3A_179] {strides = array<i32>} : memref<704xf32, #tpu.memory_space<vmem>>, vector<16xf32>,
        %parallel_loop3A_181 = vector.shape_cast %parallel_loop3A_180 : vector<16xf32> to vector<16xf32>
        %parallel_loop3A_182 = arith.constant 4 : i32
        %parallel_loop3A_183 = arith.index_cast %parallel_loop3A_58 : i32 to index
        %parallel_loop3A_184 = arith.index_cast %parallel_loop3A_182 : i32 to index
        %parallel_loop3A_185 = arith.constant 16 : index
        %parallel_loop3A_186 = tpu.vector_load %arg8[%parallel_loop3A_183, %parallel_loop3A_184, %parallel_loop3A_185] {strides = array<i32>} : memref<4x50x32xf32, #tpu.memory_space<vmem>>, vector<1x1x16xf32>,
        %parallel_loop3A_187 = vector.shape_cast %parallel_loop3A_186 : vector<1x1x16xf32> to vector<16xf32>
        %parallel_loop3A_188 = vector.shape_cast %parallel_loop3A_181 : vector<16xf32> to vector<1x1x16xf32>
        tpu.vector_store %arg8[%parallel_loop3A_183, %parallel_loop3A_184, %parallel_loop3A_185], %parallel_loop3A_188 {strides = array<i32>} : memref<4x50x32xf32, #tpu.memory_space<vmem>>, vector<1x1x16xf32>,
        %parallel_loop3A_189 = vector.extract_strided_slice %parallel_loop3A_68 {offsets = [5], sizes = [1], strides = [1]} : vector<16xi32> to vector<1xi32>
        %parallel_loop3A_190 = vector.extract %parallel_loop3A_189[0] : i32 from vector<1xi32>
        %parallel_loop3A_191 = arith.index_cast %parallel_loop3A_190 : i32 to index
        %parallel_loop3A_192 = tpu.vector_load %arg5[%parallel_loop3A_191] {strides = array<i32>} : memref<704xf32, #tpu.memory_space<vmem>>, vector<16xf32>,
        %parallel_loop3A_193 = vector.shape_cast %parallel_loop3A_192 : vector<16xf32> to vector<16xf32>
        %parallel_loop3A_194 = arith.constant 5 : i32
        %parallel_loop3A_195 = arith.index_cast %parallel_loop3A_58 : i32 to index
        %parallel_loop3A_196 = arith.index_cast %parallel_loop3A_194 : i32 to index
        %parallel_loop3A_197 = arith.constant 0 : index
        %parallel_loop3A_198 = tpu.vector_load %arg8[%parallel_loop3A_195, %parallel_loop3A_196, %parallel_loop3A_197] {strides = array<i32>} : memref<4x50x32xf32, #tpu.memory_space<vmem>>, vector<1x1x16xf32>,
        %parallel_loop3A_199 = vector.shape_cast %parallel_loop3A_198 : vector<1x1x16xf32> to vector<16xf32>
        %parallel_loop3A_200 = vector.shape_cast %parallel_loop3A_193 : vector<16xf32> to vector<1x1x16xf32>
        tpu.vector_store %arg8[%parallel_loop3A_195, %parallel_loop3A_196, %parallel_loop3A_197], %parallel_loop3A_200 {strides = array<i32>} : memref<4x50x32xf32, #tpu.memory_space<vmem>>, vector<1x1x16xf32>,
        %parallel_loop3A_201 = arith.constant 16 : i32
        %parallel_loop3A_202 = arith.addi %parallel_loop3A_190, %parallel_loop3A_201 : i32
        %parallel_loop3A_203 = arith.index_cast %parallel_loop3A_202 : i32 to index
        %parallel_loop3A_204 = tpu.vector_load %arg5[%parallel_loop3A_203] {strides = array<i32>} : memref<704xf32, #tpu.memory_space<vmem>>, vector<16xf32>,
        %parallel_loop3A_205 = vector.shape_cast %parallel_loop3A_204 : vector<16xf32> to vector<16xf32>
        %parallel_loop3A_206 = arith.constant 5 : i32
        %parallel_loop3A_207 = arith.index_cast %parallel_loop3A_58 : i32 to index
        %parallel_loop3A_208 = arith.index_cast %parallel_loop3A_206 : i32 to index
        %parallel_loop3A_209 = arith.constant 16 : index
        %parallel_loop3A_210 = tpu.vector_load %arg8[%parallel_loop3A_207, %parallel_loop3A_208, %parallel_loop3A_209] {strides = array<i32>} : memref<4x50x32xf32, #tpu.memory_space<vmem>>, vector<1x1x16xf32>,
        %parallel_loop3A_211 = vector.shape_cast %parallel_loop3A_210 : vector<1x1x16xf32> to vector<16xf32>
        %parallel_loop3A_212 = vector.shape_cast %parallel_loop3A_205 : vector<16xf32> to vector<1x1x16xf32>
        tpu.vector_store %arg8[%parallel_loop3A_207, %parallel_loop3A_208, %parallel_loop3A_209], %parallel_loop3A_212 {strides = array<i32>} : memref<4x50x32xf32, #tpu.memory_space<vmem>>, vector<1x1x16xf32>,
        %parallel_loop3A_213 = vector.extract_strided_slice %parallel_loop3A_68 {offsets = [6], sizes = [1], strides = [1]} : vector<16xi32> to vector<1xi32>
        %parallel_loop3A_214 = vector.extract %parallel_loop3A_213[0] : i32 from vector<1xi32>
        %parallel_loop3A_215 = arith.index_cast %parallel_loop3A_214 : i32 to index
        %parallel_loop3A_216 = tpu.vector_load %arg5[%parallel_loop3A_215] {strides = array<i32>} : memref<704xf32, #tpu.memory_space<vmem>>, vector<16xf32>,
        %parallel_loop3A_217 = vector.shape_cast %parallel_loop3A_216 : vector<16xf32> to vector<16xf32>
        %parallel_loop3A_218 = arith.constant 6 : i32
        %parallel_loop3A_219 = arith.index_cast %parallel_loop3A_58 : i32 to index
        %parallel_loop3A_220 = arith.index_cast %parallel_loop3A_218 : i32 to index
        %parallel_loop3A_221 = arith.constant 0 : index
        %parallel_loop3A_222 = tpu.vector_load %arg8[%parallel_loop3A_219, %parallel_loop3A_220, %parallel_loop3A_221] {strides = array<i32>} : memref<4x50x32xf32, #tpu.memory_space<vmem>>, vector<1x1x16xf32>,
        %parallel_loop3A_223 = vector.shape_cast %parallel_loop3A_222 : vector<1x1x16xf32> to vector<16xf32>
        %parallel_loop3A_224 = vector.shape_cast %parallel_loop3A_217 : vector<16xf32> to vector<1x1x16xf32>
        tpu.vector_store %arg8[%parallel_loop3A_219, %parallel_loop3A_220, %parallel_loop3A_221], %parallel_loop3A_224 {strides = array<i32>} : memref<4x50x32xf32, #tpu.memory_space<vmem>>, vector<1x1x16xf32>,
        %parallel_loop3A_225 = arith.constant 16 : i32
        %parallel_loop3A_226 = arith.addi %parallel_loop3A_214, %parallel_loop3A_225 : i32
        %parallel_loop3A_227 = arith.index_cast %parallel_loop3A_226 : i32 to index
        %parallel_loop3A_228 = tpu.vector_load %arg5[%parallel_loop3A_227] {strides = array<i32>} : memref<704xf32, #tpu.memory_space<vmem>>, vector<16xf32>,
        %parallel_loop3A_229 = vector.shape_cast %parallel_loop3A_228 : vector<16xf32> to vector<16xf32>
        %parallel_loop3A_230 = arith.constant 6 : i32
        %parallel_loop3A_231 = arith.index_cast %parallel_loop3A_58 : i32 to index
        %parallel_loop3A_232 = arith.index_cast %parallel_loop3A_230 : i32 to index
        %parallel_loop3A_233 = arith.constant 16 : index
        %parallel_loop3A_234 = tpu.vector_load %arg8[%parallel_loop3A_231, %parallel_loop3A_232, %parallel_loop3A_233] {strides = array<i32>} : memref<4x50x32xf32, #tpu.memory_space<vmem>>, vector<1x1x16xf32>,
        %parallel_loop3A_235 = vector.shape_cast %parallel_loop3A_234 : vector<1x1x16xf32> to vector<16xf32>
        %parallel_loop3A_236 = vector.shape_cast %parallel_loop3A_229 : vector<16xf32> to vector<1x1x16xf32>
        tpu.vector_store %arg8[%parallel_loop3A_231, %parallel_loop3A_232, %parallel_loop3A_233], %parallel_loop3A_236 {strides = array<i32>} : memref<4x50x32xf32, #tpu.memory_space<vmem>>, vector<1x1x16xf32>,
        %parallel_loop3A_237 = vector.extract_strided_slice %parallel_loop3A_68 {offsets = [7], sizes = [1], strides = [1]} : vector<16xi32> to vector<1xi32>
        %parallel_loop3A_238 = vector.extract %parallel_loop3A_237[0] : i32 from vector<1xi32>
        %parallel_loop3A_239 = arith.index_cast %parallel_loop3A_238 : i32 to index
        %parallel_loop3A_240 = tpu.vector_load %arg5[%parallel_loop3A_239] {strides = array<i32>} : memref<704xf32, #tpu.memory_space<vmem>>, vector<16xf32>,
        %parallel_loop3A_241 = vector.shape_cast %parallel_loop3A_240 : vector<16xf32> to vector<16xf32>
        %parallel_loop3A_242 = arith.constant 7 : i32
        %parallel_loop3A_243 = arith.index_cast %parallel_loop3A_58 : i32 to index
        %parallel_loop3A_244 = arith.index_cast %parallel_loop3A_242 : i32 to index
        %parallel_loop3A_245 = arith.constant 0 : index
        %parallel_loop3A_246 = tpu.vector_load %arg8[%parallel_loop3A_243, %parallel_loop3A_244, %parallel_loop3A_245] {strides = array<i32>} : memref<4x50x32xf32, #tpu.memory_space<vmem>>, vector<1x1x16xf32>,
        %parallel_loop3A_247 = vector.shape_cast %parallel_loop3A_246 : vector<1x1x16xf32> to vector<16xf32>
        %parallel_loop3A_248 = vector.shape_cast %parallel_loop3A_241 : vector<16xf32> to vector<1x1x16xf32>
        tpu.vector_store %arg8[%parallel_loop3A_243, %parallel_loop3A_244, %parallel_loop3A_245], %parallel_loop3A_248 {strides = array<i32>} : memref<4x50x32xf32, #tpu.memory_space<vmem>>, vector<1x1x16xf32>,
        %parallel_loop3A_249 = arith.constant 16 : i32
        %parallel_loop3A_250 = arith.addi %parallel_loop3A_238, %parallel_loop3A_249 : i32
        %parallel_loop3A_251 = arith.index_cast %parallel_loop3A_250 : i32 to index
        %parallel_loop3A_252 = tpu.vector_load %arg5[%parallel_loop3A_251] {strides = array<i32>} : memref<704xf32, #tpu.memory_space<vmem>>, vector<16xf32>,
        %parallel_loop3A_253 = vector.shape_cast %parallel_loop3A_252 : vector<16xf32> to vector<16xf32>
        %parallel_loop3A_254 = arith.constant 7 : i32
        %parallel_loop3A_255 = arith.index_cast %parallel_loop3A_58 : i32 to index
        %parallel_loop3A_256 = arith.index_cast %parallel_loop3A_254 : i32 to index
        %parallel_loop3A_257 = arith.constant 16 : index
        %parallel_loop3A_258 = tpu.vector_load %arg8[%parallel_loop3A_255, %parallel_loop3A_256, %parallel_loop3A_257] {strides = array<i32>} : memref<4x50x32xf32, #tpu.memory_space<vmem>>, vector<1x1x16xf32>,
        %parallel_loop3A_259 = vector.shape_cast %parallel_loop3A_258 : vector<1x1x16xf32> to vector<16xf32>
        %parallel_loop3A_260 = vector.shape_cast %parallel_loop3A_253 : vector<16xf32> to vector<1x1x16xf32>
        tpu.vector_store %arg8[%parallel_loop3A_255, %parallel_loop3A_256, %parallel_loop3A_257], %parallel_loop3A_260 {strides = array<i32>} : memref<4x50x32xf32, #tpu.memory_space<vmem>>, vector<1x1x16xf32>,
        %parallel_loop3A_261 = vector.extract_strided_slice %parallel_loop3A_68 {offsets = [8], sizes = [1], strides = [1]} : vector<16xi32> to vector<1xi32>
        %parallel_loop3A_262 = vector.extract %parallel_loop3A_261[0] : i32 from vector<1xi32>
        %parallel_loop3A_263 = arith.index_cast %parallel_loop3A_262 : i32 to index
        %parallel_loop3A_264 = tpu.vector_load %arg5[%parallel_loop3A_263] {strides = array<i32>} : memref<704xf32, #tpu.memory_space<vmem>>, vector<16xf32>,
        %parallel_loop3A_265 = vector.shape_cast %parallel_loop3A_264 : vector<16xf32> to vector<16xf32>
        %parallel_loop3A_266 = arith.constant 8 : i32
        %parallel_loop3A_267 = arith.index_cast %parallel_loop3A_58 : i32 to index
        %parallel_loop3A_268 = arith.index_cast %parallel_loop3A_266 : i32 to index
        %parallel_loop3A_269 = arith.constant 0 : index
        %parallel_loop3A_270 = tpu.vector_load %arg8[%parallel_loop3A_267, %parallel_loop3A_268, %parallel_loop3A_269] {strides = array<i32>} : memref<4x50x32xf32, #tpu.memory_space<vmem>>, vector<1x1x16xf32>,
        %parallel_loop3A_271 = vector.shape_cast %parallel_loop3A_270 : vector<1x1x16xf32> to vector<16xf32>
        %parallel_loop3A_272 = vector.shape_cast %parallel_loop3A_265 : vector<16xf32> to vector<1x1x16xf32>
        tpu.vector_store %arg8[%parallel_loop3A_267, %parallel_loop3A_268, %parallel_loop3A_269], %parallel_loop3A_272 {strides = array<i32>} : memref<4x50x32xf32, #tpu.memory_space<vmem>>, vector<1x1x16xf32>,
        %parallel_loop3A_273 = arith.constant 16 : i32
        %parallel_loop3A_274 = arith.addi %parallel_loop3A_262, %parallel_loop3A_273 : i32
        %parallel_loop3A_275 = arith.index_cast %parallel_loop3A_274 : i32 to index
        %parallel_loop3A_276 = tpu.vector_load %arg5[%parallel_loop3A_275] {strides = array<i32>} : memref<704xf32, #tpu.memory_space<vmem>>, vector<16xf32>,
        %parallel_loop3A_277 = vector.shape_cast %parallel_loop3A_276 : vector<16xf32> to vector<16xf32>
        %parallel_loop3A_278 = arith.constant 8 : i32
        %parallel_loop3A_279 = arith.index_cast %parallel_loop3A_58 : i32 to index
        %parallel_loop3A_280 = arith.index_cast %parallel_loop3A_278 : i32 to index
        %parallel_loop3A_281 = arith.constant 16 : index
        %parallel_loop3A_282 = tpu.vector_load %arg8[%parallel_loop3A_279, %parallel_loop3A_280, %parallel_loop3A_281] {strides = array<i32>} : memref<4x50x32xf32, #tpu.memory_space<vmem>>, vector<1x1x16xf32>,
        %parallel_loop3A_283 = vector.shape_cast %parallel_loop3A_282 : vector<1x1x16xf32> to vector<16xf32>
        %parallel_loop3A_284 = vector.shape_cast %parallel_loop3A_277 : vector<16xf32> to vector<1x1x16xf32>
        tpu.vector_store %arg8[%parallel_loop3A_279, %parallel_loop3A_280, %parallel_loop3A_281], %parallel_loop3A_284 {strides = array<i32>} : memref<4x50x32xf32, #tpu.memory_space<vmem>>, vector<1x1x16xf32>,
        %parallel_loop3A_285 = vector.extract_strided_slice %parallel_loop3A_68 {offsets = [9], sizes = [1], strides = [1]} : vector<16xi32> to vector<1xi32>
        %parallel_loop3A_286 = vector.extract %parallel_loop3A_285[0] : i32 from vector<1xi32>
        %parallel_loop3A_287 = arith.index_cast %parallel_loop3A_286 : i32 to index
        %parallel_loop3A_288 = tpu.vector_load %arg5[%parallel_loop3A_287] {strides = array<i32>} : memref<704xf32, #tpu.memory_space<vmem>>, vector<16xf32>,
        %parallel_loop3A_289 = vector.shape_cast %parallel_loop3A_288 : vector<16xf32> to vector<16xf32>
        %parallel_loop3A_290 = arith.constant 9 : i32
        %parallel_loop3A_291 = arith.index_cast %parallel_loop3A_58 : i32 to index
        %parallel_loop3A_292 = arith.index_cast %parallel_loop3A_290 : i32 to index
        %parallel_loop3A_293 = arith.constant 0 : index
        %parallel_loop3A_294 = tpu.vector_load %arg8[%parallel_loop3A_291, %parallel_loop3A_292, %parallel_loop3A_293] {strides = array<i32>} : memref<4x50x32xf32, #tpu.memory_space<vmem>>, vector<1x1x16xf32>,
        %parallel_loop3A_295 = vector.shape_cast %parallel_loop3A_294 : vector<1x1x16xf32> to vector<16xf32>
        %parallel_loop3A_296 = vector.shape_cast %parallel_loop3A_289 : vector<16xf32> to vector<1x1x16xf32>
        tpu.vector_store %arg8[%parallel_loop3A_291, %parallel_loop3A_292, %parallel_loop3A_293], %parallel_loop3A_296 {strides = array<i32>} : memref<4x50x32xf32, #tpu.memory_space<vmem>>, vector<1x1x16xf32>,
        %parallel_loop3A_297 = arith.constant 16 : i32
        %parallel_loop3A_298 = arith.addi %parallel_loop3A_286, %parallel_loop3A_297 : i32
        %parallel_loop3A_299 = arith.index_cast %parallel_loop3A_298 : i32 to index
        %parallel_loop3A_300 = tpu.vector_load %arg5[%parallel_loop3A_299] {strides = array<i32>} : memref<704xf32, #tpu.memory_space<vmem>>, vector<16xf32>,
        %parallel_loop3A_301 = vector.shape_cast %parallel_loop3A_300 : vector<16xf32> to vector<16xf32>
        %parallel_loop3A_302 = arith.constant 9 : i32
        %parallel_loop3A_303 = arith.index_cast %parallel_loop3A_58 : i32 to index
        %parallel_loop3A_304 = arith.index_cast %parallel_loop3A_302 : i32 to index
        %parallel_loop3A_305 = arith.constant 16 : index
        %parallel_loop3A_306 = tpu.vector_load %arg8[%parallel_loop3A_303, %parallel_loop3A_304, %parallel_loop3A_305] {strides = array<i32>} : memref<4x50x32xf32, #tpu.memory_space<vmem>>, vector<1x1x16xf32>,
        %parallel_loop3A_307 = vector.shape_cast %parallel_loop3A_306 : vector<1x1x16xf32> to vector<16xf32>
        %parallel_loop3A_308 = vector.shape_cast %parallel_loop3A_301 : vector<16xf32> to vector<1x1x16xf32>
        tpu.vector_store %arg8[%parallel_loop3A_303, %parallel_loop3A_304, %parallel_loop3A_305], %parallel_loop3A_308 {strides = array<i32>} : memref<4x50x32xf32, #tpu.memory_space<vmem>>, vector<1x1x16xf32>,
        %parallel_loop3A_309 = vector.extract_strided_slice %parallel_loop3A_68 {offsets = [10], sizes = [1], strides = [1]} : vector<16xi32> to vector<1xi32>
        %parallel_loop3A_310 = vector.extract %parallel_loop3A_309[0] : i32 from vector<1xi32>
        %parallel_loop3A_311 = arith.index_cast %parallel_loop3A_310 : i32 to index
        %parallel_loop3A_312 = tpu.vector_load %arg5[%parallel_loop3A_311] {strides = array<i32>} : memref<704xf32, #tpu.memory_space<vmem>>, vector<16xf32>,
        %parallel_loop3A_313 = vector.shape_cast %parallel_loop3A_312 : vector<16xf32> to vector<16xf32>
        %parallel_loop3A_314 = arith.constant 10 : i32
        %parallel_loop3A_315 = arith.index_cast %parallel_loop3A_58 : i32 to index
        %parallel_loop3A_316 = arith.index_cast %parallel_loop3A_314 : i32 to index
        %parallel_loop3A_317 = arith.constant 0 : index
        %parallel_loop3A_318 = tpu.vector_load %arg8[%parallel_loop3A_315, %parallel_loop3A_316, %parallel_loop3A_317] {strides = array<i32>} : memref<4x50x32xf32, #tpu.memory_space<vmem>>, vector<1x1x16xf32>,
        %parallel_loop3A_319 = vector.shape_cast %parallel_loop3A_318 : vector<1x1x16xf32> to vector<16xf32>
        %parallel_loop3A_320 = vector.shape_cast %parallel_loop3A_313 : vector<16xf32> to vector<1x1x16xf32>
        tpu.vector_store %arg8[%parallel_loop3A_315, %parallel_loop3A_316, %parallel_loop3A_317], %parallel_loop3A_320 {strides = array<i32>} : memref<4x50x32xf32, #tpu.memory_space<vmem>>, vector<1x1x16xf32>,
        %parallel_loop3A_321 = arith.constant 16 : i32
        %parallel_loop3A_322 = arith.addi %parallel_loop3A_310, %parallel_loop3A_321 : i32
        %parallel_loop3A_323 = arith.index_cast %parallel_loop3A_322 : i32 to index
        %parallel_loop3A_324 = tpu.vector_load %arg5[%parallel_loop3A_323] {strides = array<i32>} : memref<704xf32, #tpu.memory_space<vmem>>, vector<16xf32>,
        %parallel_loop3A_325 = vector.shape_cast %parallel_loop3A_324 : vector<16xf32> to vector<16xf32>
        %parallel_loop3A_326 = arith.constant 10 : i32
        %parallel_loop3A_327 = arith.index_cast %parallel_loop3A_58 : i32 to index
        %parallel_loop3A_328 = arith.index_cast %parallel_loop3A_326 : i32 to index
        %parallel_loop3A_329 = arith.constant 16 : index
        %parallel_loop3A_330 = tpu.vector_load %arg8[%parallel_loop3A_327, %parallel_loop3A_328, %parallel_loop3A_329] {strides = array<i32>} : memref<4x50x32xf32, #tpu.memory_space<vmem>>, vector<1x1x16xf32>,
        %parallel_loop3A_331 = vector.shape_cast %parallel_loop3A_330 : vector<1x1x16xf32> to vector<16xf32>
        %parallel_loop3A_332 = vector.shape_cast %parallel_loop3A_325 : vector<16xf32> to vector<1x1x16xf32>
        tpu.vector_store %arg8[%parallel_loop3A_327, %parallel_loop3A_328, %parallel_loop3A_329], %parallel_loop3A_332 {strides = array<i32>} : memref<4x50x32xf32, #tpu.memory_space<vmem>>, vector<1x1x16xf32>,
        %parallel_loop3A_333 = vector.extract_strided_slice %parallel_loop3A_68 {offsets = [11], sizes = [1], strides = [1]} : vector<16xi32> to vector<1xi32>
        %parallel_loop3A_334 = vector.extract %parallel_loop3A_333[0] : i32 from vector<1xi32>
        %parallel_loop3A_335 = arith.index_cast %parallel_loop3A_334 : i32 to index
        %parallel_loop3A_336 = tpu.vector_load %arg5[%parallel_loop3A_335] {strides = array<i32>} : memref<704xf32, #tpu.memory_space<vmem>>, vector<16xf32>,
        %parallel_loop3A_337 = vector.shape_cast %parallel_loop3A_336 : vector<16xf32> to vector<16xf32>
        %parallel_loop3A_338 = arith.constant 11 : i32
        %parallel_loop3A_339 = arith.index_cast %parallel_loop3A_58 : i32 to index
        %parallel_loop3A_340 = arith.index_cast %parallel_loop3A_338 : i32 to index
        %parallel_loop3A_341 = arith.constant 0 : index
        %parallel_loop3A_342 = tpu.vector_load %arg8[%parallel_loop3A_339, %parallel_loop3A_340, %parallel_loop3A_341] {strides = array<i32>} : memref<4x50x32xf32, #tpu.memory_space<vmem>>, vector<1x1x16xf32>,
        %parallel_loop3A_343 = vector.shape_cast %parallel_loop3A_342 : vector<1x1x16xf32> to vector<16xf32>
        %parallel_loop3A_344 = vector.shape_cast %parallel_loop3A_337 : vector<16xf32> to vector<1x1x16xf32>
        tpu.vector_store %arg8[%parallel_loop3A_339, %parallel_loop3A_340, %parallel_loop3A_341], %parallel_loop3A_344 {strides = array<i32>} : memref<4x50x32xf32, #tpu.memory_space<vmem>>, vector<1x1x16xf32>,
        %parallel_loop3A_345 = arith.constant 16 : i32
        %parallel_loop3A_346 = arith.addi %parallel_loop3A_334, %parallel_loop3A_345 : i32
        %parallel_loop3A_347 = arith.index_cast %parallel_loop3A_346 : i32 to index
        %parallel_loop3A_348 = tpu.vector_load %arg5[%parallel_loop3A_347] {strides = array<i32>} : memref<704xf32, #tpu.memory_space<vmem>>, vector<16xf32>,
        %parallel_loop3A_349 = vector.shape_cast %parallel_loop3A_348 : vector<16xf32> to vector<16xf32>
        %parallel_loop3A_350 = arith.constant 11 : i32
        %parallel_loop3A_351 = arith.index_cast %parallel_loop3A_58 : i32 to index
        %parallel_loop3A_352 = arith.index_cast %parallel_loop3A_350 : i32 to index
        %parallel_loop3A_353 = arith.constant 16 : index
        %parallel_loop3A_354 = tpu.vector_load %arg8[%parallel_loop3A_351, %parallel_loop3A_352, %parallel_loop3A_353] {strides = array<i32>} : memref<4x50x32xf32, #tpu.memory_space<vmem>>, vector<1x1x16xf32>,
        %parallel_loop3A_355 = vector.shape_cast %parallel_loop3A_354 : vector<1x1x16xf32> to vector<16xf32>
        %parallel_loop3A_356 = vector.shape_cast %parallel_loop3A_349 : vector<16xf32> to vector<1x1x16xf32>
        tpu.vector_store %arg8[%parallel_loop3A_351, %parallel_loop3A_352, %parallel_loop3A_353], %parallel_loop3A_356 {strides = array<i32>} : memref<4x50x32xf32, #tpu.memory_space<vmem>>, vector<1x1x16xf32>,
        %parallel_loop3A_357 = vector.extract_strided_slice %parallel_loop3A_68 {offsets = [12], sizes = [1], strides = [1]} : vector<16xi32> to vector<1xi32>
        %parallel_loop3A_358 = vector.extract %parallel_loop3A_357[0] : i32 from vector<1xi32>
        %parallel_loop3A_359 = arith.index_cast %parallel_loop3A_358 : i32 to index
        %parallel_loop3A_360 = tpu.vector_load %arg5[%parallel_loop3A_359] {strides = array<i32>} : memref<704xf32, #tpu.memory_space<vmem>>, vector<16xf32>,
        %parallel_loop3A_361 = vector.shape_cast %parallel_loop3A_360 : vector<16xf32> to vector<16xf32>
        %parallel_loop3A_362 = arith.constant 12 : i32
        %parallel_loop3A_363 = arith.index_cast %parallel_loop3A_58 : i32 to index
        %parallel_loop3A_364 = arith.index_cast %parallel_loop3A_362 : i32 to index
        %parallel_loop3A_365 = arith.constant 0 : index
        %parallel_loop3A_366 = tpu.vector_load %arg8[%parallel_loop3A_363, %parallel_loop3A_364, %parallel_loop3A_365] {strides = array<i32>} : memref<4x50x32xf32, #tpu.memory_space<vmem>>, vector<1x1x16xf32>,
        %parallel_loop3A_367 = vector.shape_cast %parallel_loop3A_366 : vector<1x1x16xf32> to vector<16xf32>
        %parallel_loop3A_368 = vector.shape_cast %parallel_loop3A_361 : vector<16xf32> to vector<1x1x16xf32>
        tpu.vector_store %arg8[%parallel_loop3A_363, %parallel_loop3A_364, %parallel_loop3A_365], %parallel_loop3A_368 {strides = array<i32>} : memref<4x50x32xf32, #tpu.memory_space<vmem>>, vector<1x1x16xf32>,
        %parallel_loop3A_369 = arith.constant 16 : i32
        %parallel_loop3A_370 = arith.addi %parallel_loop3A_358, %parallel_loop3A_369 : i32
        %parallel_loop3A_371 = arith.index_cast %parallel_loop3A_370 : i32 to index
        %parallel_loop3A_372 = tpu.vector_load %arg5[%parallel_loop3A_371] {strides = array<i32>} : memref<704xf32, #tpu.memory_space<vmem>>, vector<16xf32>,
        %parallel_loop3A_373 = vector.shape_cast %parallel_loop3A_372 : vector<16xf32> to vector<16xf32>
        %parallel_loop3A_374 = arith.constant 12 : i32
        %parallel_loop3A_375 = arith.index_cast %parallel_loop3A_58 : i32 to index
        %parallel_loop3A_376 = arith.index_cast %parallel_loop3A_374 : i32 to index
        %parallel_loop3A_377 = arith.constant 16 : index
        %parallel_loop3A_378 = tpu.vector_load %arg8[%parallel_loop3A_375, %parallel_loop3A_376, %parallel_loop3A_377] {strides = array<i32>} : memref<4x50x32xf32, #tpu.memory_space<vmem>>, vector<1x1x16xf32>,
        %parallel_loop3A_379 = vector.shape_cast %parallel_loop3A_378 : vector<1x1x16xf32> to vector<16xf32>
        %parallel_loop3A_380 = vector.shape_cast %parallel_loop3A_373 : vector<16xf32> to vector<1x1x16xf32>
        tpu.vector_store %arg8[%parallel_loop3A_375, %parallel_loop3A_376, %parallel_loop3A_377], %parallel_loop3A_380 {strides = array<i32>} : memref<4x50x32xf32, #tpu.memory_space<vmem>>, vector<1x1x16xf32>,
        %parallel_loop3A_381 = vector.extract_strided_slice %parallel_loop3A_68 {offsets = [13], sizes = [1], strides = [1]} : vector<16xi32> to vector<1xi32>
        %parallel_loop3A_382 = vector.extract %parallel_loop3A_381[0] : i32 from vector<1xi32>
        %parallel_loop3A_383 = arith.index_cast %parallel_loop3A_382 : i32 to index
        %parallel_loop3A_384 = tpu.vector_load %arg5[%parallel_loop3A_383] {strides = array<i32>} : memref<704xf32, #tpu.memory_space<vmem>>, vector<16xf32>,
        %parallel_loop3A_385 = vector.shape_cast %parallel_loop3A_384 : vector<16xf32> to vector<16xf32>
        %parallel_loop3A_386 = arith.constant 13 : i32
        %parallel_loop3A_387 = arith.index_cast %parallel_loop3A_58 : i32 to index
        %parallel_loop3A_388 = arith.index_cast %parallel_loop3A_386 : i32 to index
        %parallel_loop3A_389 = arith.constant 0 : index
        %parallel_loop3A_390 = tpu.vector_load %arg8[%parallel_loop3A_387, %parallel_loop3A_388, %parallel_loop3A_389] {strides = array<i32>} : memref<4x50x32xf32, #tpu.memory_space<vmem>>, vector<1x1x16xf32>,
        %parallel_loop3A_391 = vector.shape_cast %parallel_loop3A_390 : vector<1x1x16xf32> to vector<16xf32>
        %parallel_loop3A_392 = vector.shape_cast %parallel_loop3A_385 : vector<16xf32> to vector<1x1x16xf32>
        tpu.vector_store %arg8[%parallel_loop3A_387, %parallel_loop3A_388, %parallel_loop3A_389], %parallel_loop3A_392 {strides = array<i32>} : memref<4x50x32xf32, #tpu.memory_space<vmem>>, vector<1x1x16xf32>,
        %parallel_loop3A_393 = arith.constant 16 : i32
        %parallel_loop3A_394 = arith.addi %parallel_loop3A_382, %parallel_loop3A_393 : i32
        %parallel_loop3A_395 = arith.index_cast %parallel_loop3A_394 : i32 to index
        %parallel_loop3A_396 = tpu.vector_load %arg5[%parallel_loop3A_395] {strides = array<i32>} : memref<704xf32, #tpu.memory_space<vmem>>, vector<16xf32>,
        %parallel_loop3A_397 = vector.shape_cast %parallel_loop3A_396 : vector<16xf32> to vector<16xf32>
        %parallel_loop3A_398 = arith.constant 13 : i32
        %parallel_loop3A_399 = arith.index_cast %parallel_loop3A_58 : i32 to index
        %parallel_loop3A_400 = arith.index_cast %parallel_loop3A_398 : i32 to index
        %parallel_loop3A_401 = arith.constant 16 : index
        %parallel_loop3A_402 = tpu.vector_load %arg8[%parallel_loop3A_399, %parallel_loop3A_400, %parallel_loop3A_401] {strides = array<i32>} : memref<4x50x32xf32, #tpu.memory_space<vmem>>, vector<1x1x16xf32>,
        %parallel_loop3A_403 = vector.shape_cast %parallel_loop3A_402 : vector<1x1x16xf32> to vector<16xf32>
        %parallel_loop3A_404 = vector.shape_cast %parallel_loop3A_397 : vector<16xf32> to vector<1x1x16xf32>
        tpu.vector_store %arg8[%parallel_loop3A_399, %parallel_loop3A_400, %parallel_loop3A_401], %parallel_loop3A_404 {strides = array<i32>} : memref<4x50x32xf32, #tpu.memory_space<vmem>>, vector<1x1x16xf32>,
        %parallel_loop3A_405 = vector.extract_strided_slice %parallel_loop3A_68 {offsets = [14], sizes = [1], strides = [1]} : vector<16xi32> to vector<1xi32>
        %parallel_loop3A_406 = vector.extract %parallel_loop3A_405[0] : i32 from vector<1xi32>
        %parallel_loop3A_407 = arith.index_cast %parallel_loop3A_406 : i32 to index
        %parallel_loop3A_408 = tpu.vector_load %arg5[%parallel_loop3A_407] {strides = array<i32>} : memref<704xf32, #tpu.memory_space<vmem>>, vector<16xf32>,
        %parallel_loop3A_409 = vector.shape_cast %parallel_loop3A_408 : vector<16xf32> to vector<16xf32>
        %parallel_loop3A_410 = arith.constant 14 : i32
        %parallel_loop3A_411 = arith.index_cast %parallel_loop3A_58 : i32 to index
        %parallel_loop3A_412 = arith.index_cast %parallel_loop3A_410 : i32 to index
        %parallel_loop3A_413 = arith.constant 0 : index
        %parallel_loop3A_414 = tpu.vector_load %arg8[%parallel_loop3A_411, %parallel_loop3A_412, %parallel_loop3A_413] {strides = array<i32>} : memref<4x50x32xf32, #tpu.memory_space<vmem>>, vector<1x1x16xf32>,
        %parallel_loop3A_415 = vector.shape_cast %parallel_loop3A_414 : vector<1x1x16xf32> to vector<16xf32>
        %parallel_loop3A_416 = vector.shape_cast %parallel_loop3A_409 : vector<16xf32> to vector<1x1x16xf32>
        tpu.vector_store %arg8[%parallel_loop3A_411, %parallel_loop3A_412, %parallel_loop3A_413], %parallel_loop3A_416 {strides = array<i32>} : memref<4x50x32xf32, #tpu.memory_space<vmem>>, vector<1x1x16xf32>,
        %parallel_loop3A_417 = arith.constant 16 : i32
        %parallel_loop3A_418 = arith.addi %parallel_loop3A_406, %parallel_loop3A_417 : i32
        %parallel_loop3A_419 = arith.index_cast %parallel_loop3A_418 : i32 to index
        %parallel_loop3A_420 = tpu.vector_load %arg5[%parallel_loop3A_419] {strides = array<i32>} : memref<704xf32, #tpu.memory_space<vmem>>, vector<16xf32>,
        %parallel_loop3A_421 = vector.shape_cast %parallel_loop3A_420 : vector<16xf32> to vector<16xf32>
        %parallel_loop3A_422 = arith.constant 14 : i32
        %parallel_loop3A_423 = arith.index_cast %parallel_loop3A_58 : i32 to index
        %parallel_loop3A_424 = arith.index_cast %parallel_loop3A_422 : i32 to index
        %parallel_loop3A_425 = arith.constant 16 : index
        %parallel_loop3A_426 = tpu.vector_load %arg8[%parallel_loop3A_423, %parallel_loop3A_424, %parallel_loop3A_425] {strides = array<i32>} : memref<4x50x32xf32, #tpu.memory_space<vmem>>, vector<1x1x16xf32>,
        %parallel_loop3A_427 = vector.shape_cast %parallel_loop3A_426 : vector<1x1x16xf32> to vector<16xf32>
        %parallel_loop3A_428 = vector.shape_cast %parallel_loop3A_421 : vector<16xf32> to vector<1x1x16xf32>
        tpu.vector_store %arg8[%parallel_loop3A_423, %parallel_loop3A_424, %parallel_loop3A_425], %parallel_loop3A_428 {strides = array<i32>} : memref<4x50x32xf32, #tpu.memory_space<vmem>>, vector<1x1x16xf32>,
        %parallel_loop3A_429 = vector.extract_strided_slice %parallel_loop3A_68 {offsets = [15], sizes = [1], strides = [1]} : vector<16xi32> to vector<1xi32>
        %parallel_loop3A_430 = vector.extract %parallel_loop3A_429[0] : i32 from vector<1xi32>
        %parallel_loop3A_431 = arith.index_cast %parallel_loop3A_430 : i32 to index
        %parallel_loop3A_432 = tpu.vector_load %arg5[%parallel_loop3A_431] {strides = array<i32>} : memref<704xf32, #tpu.memory_space<vmem>>, vector<16xf32>,
        %parallel_loop3A_433 = vector.shape_cast %parallel_loop3A_432 : vector<16xf32> to vector<16xf32>
        %parallel_loop3A_434 = arith.constant 15 : i32
        %parallel_loop3A_435 = arith.index_cast %parallel_loop3A_58 : i32 to index
        %parallel_loop3A_436 = arith.index_cast %parallel_loop3A_434 : i32 to index
        %parallel_loop3A_437 = arith.constant 0 : index
        %parallel_loop3A_438 = tpu.vector_load %arg8[%parallel_loop3A_435, %parallel_loop3A_436, %parallel_loop3A_437] {strides = array<i32>} : memref<4x50x32xf32, #tpu.memory_space<vmem>>, vector<1x1x16xf32>,
        %parallel_loop3A_439 = vector.shape_cast %parallel_loop3A_438 : vector<1x1x16xf32> to vector<16xf32>
        %parallel_loop3A_440 = vector.shape_cast %parallel_loop3A_433 : vector<16xf32> to vector<1x1x16xf32>
        tpu.vector_store %arg8[%parallel_loop3A_435, %parallel_loop3A_436, %parallel_loop3A_437], %parallel_loop3A_440 {strides = array<i32>} : memref<4x50x32xf32, #tpu.memory_space<vmem>>, vector<1x1x16xf32>,
        %parallel_loop3A_441 = arith.constant 16 : i32
        %parallel_loop3A_442 = arith.addi %parallel_loop3A_430, %parallel_loop3A_441 : i32
        %parallel_loop3A_443 = arith.index_cast %parallel_loop3A_442 : i32 to index
        %parallel_loop3A_444 = tpu.vector_load %arg5[%parallel_loop3A_443] {strides = array<i32>} : memref<704xf32, #tpu.memory_space<vmem>>, vector<16xf32>,
        %parallel_loop3A_445 = vector.shape_cast %parallel_loop3A_444 : vector<16xf32> to vector<16xf32>
        %parallel_loop3A_446 = arith.constant 15 : i32
        %parallel_loop3A_447 = arith.index_cast %parallel_loop3A_58 : i32 to index
        %parallel_loop3A_448 = arith.index_cast %parallel_loop3A_446 : i32 to index
        %parallel_loop3A_449 = arith.constant 16 : index
        %parallel_loop3A_450 = tpu.vector_load %arg8[%parallel_loop3A_447, %parallel_loop3A_448, %parallel_loop3A_449] {strides = array<i32>} : memref<4x50x32xf32, #tpu.memory_space<vmem>>, vector<1x1x16xf32>,
        %parallel_loop3A_451 = vector.shape_cast %parallel_loop3A_450 : vector<1x1x16xf32> to vector<16xf32>
        %parallel_loop3A_452 = vector.shape_cast %parallel_loop3A_445 : vector<16xf32> to vector<1x1x16xf32>
        tpu.vector_store %arg8[%parallel_loop3A_447, %parallel_loop3A_448, %parallel_loop3A_449], %parallel_loop3A_452 {strides = array<i32>} : memref<4x50x32xf32, #tpu.memory_space<vmem>>, vector<1x1x16xf32>,
        %parallel_loop3A_453 = arith.index_cast %parallel_loop3A_61 : i32 to index
        %parallel_loop3A_454 = arith.constant 16 : index
        %parallel_loop3A_455 = tpu.vector_load %arg6[%parallel_loop3A_453, %parallel_loop3A_454] {strides = array<i32>} : memref<512x50xi32, #tpu.memory_space<vmem>>, vector<1x16xi32>,
        %parallel_loop3A_456 = vector.shape_cast %parallel_loop3A_455 : vector<1x16xi32> to vector<16xi32>
        %parallel_loop3A_457 = arith.constant 32 : i32
        %parallel_loop3A_458 = vector.broadcast %parallel_loop3A_457 : i32 to vector<16xi32>
        %parallel_loop3A_459 = arith.muli %parallel_loop3A_456, %parallel_loop3A_458 : vector<16xi32>
        %parallel_loop3A_460 = vector.extract_strided_slice %parallel_loop3A_459 {offsets = [0], sizes = [1], strides = [1]} : vector<16xi32> to vector<1xi32>
        %parallel_loop3A_461 = vector.extract %parallel_loop3A_460[0] : i32 from vector<1xi32>
        %parallel_loop3A_462 = arith.index_cast %parallel_loop3A_461 : i32 to index
        %parallel_loop3A_463 = tpu.vector_load %arg5[%parallel_loop3A_462] {strides = array<i32>} : memref<704xf32, #tpu.memory_space<vmem>>, vector<16xf32>,
        %parallel_loop3A_464 = vector.shape_cast %parallel_loop3A_463 : vector<16xf32> to vector<16xf32>
        %parallel_loop3A_465 = arith.constant 16 : i32
        %parallel_loop3A_466 = arith.index_cast %parallel_loop3A_58 : i32 to index
        %parallel_loop3A_467 = arith.index_cast %parallel_loop3A_465 : i32 to index
        %parallel_loop3A_468 = arith.constant 0 : index
        %parallel_loop3A_469 = tpu.vector_load %arg8[%parallel_loop3A_466, %parallel_loop3A_467, %parallel_loop3A_468] {strides = array<i32>} : memref<4x50x32xf32, #tpu.memory_space<vmem>>, vector<1x1x16xf32>,
        %parallel_loop3A_470 = vector.shape_cast %parallel_loop3A_469 : vector<1x1x16xf32> to vector<16xf32>
        %parallel_loop3A_471 = vector.shape_cast %parallel_loop3A_464 : vector<16xf32> to vector<1x1x16xf32>
        tpu.vector_store %arg8[%parallel_loop3A_466, %parallel_loop3A_467, %parallel_loop3A_468], %parallel_loop3A_471 {strides = array<i32>} : memref<4x50x32xf32, #tpu.memory_space<vmem>>, vector<1x1x16xf32>,
        %parallel_loop3A_472 = arith.constant 16 : i32
        %parallel_loop3A_473 = arith.addi %parallel_loop3A_461, %parallel_loop3A_472 : i32
        %parallel_loop3A_474 = arith.index_cast %parallel_loop3A_473 : i32 to index
        %parallel_loop3A_475 = tpu.vector_load %arg5[%parallel_loop3A_474] {strides = array<i32>} : memref<704xf32, #tpu.memory_space<vmem>>, vector<16xf32>,
        %parallel_loop3A_476 = vector.shape_cast %parallel_loop3A_475 : vector<16xf32> to vector<16xf32>
        %parallel_loop3A_477 = arith.constant 16 : i32
        %parallel_loop3A_478 = arith.index_cast %parallel_loop3A_58 : i32 to index
        %parallel_loop3A_479 = arith.index_cast %parallel_loop3A_477 : i32 to index
        %parallel_loop3A_480 = arith.constant 16 : index
        %parallel_loop3A_481 = tpu.vector_load %arg8[%parallel_loop3A_478, %parallel_loop3A_479, %parallel_loop3A_480] {strides = array<i32>} : memref<4x50x32xf32, #tpu.memory_space<vmem>>, vector<1x1x16xf32>,
        %parallel_loop3A_482 = vector.shape_cast %parallel_loop3A_481 : vector<1x1x16xf32> to vector<16xf32>
        %parallel_loop3A_483 = vector.shape_cast %parallel_loop3A_476 : vector<16xf32> to vector<1x1x16xf32>
        tpu.vector_store %arg8[%parallel_loop3A_478, %parallel_loop3A_479, %parallel_loop3A_480], %parallel_loop3A_483 {strides = array<i32>} : memref<4x50x32xf32, #tpu.memory_space<vmem>>, vector<1x1x16xf32>,
        %parallel_loop3A_484 = vector.extract_strided_slice %parallel_loop3A_459 {offsets = [1], sizes = [1], strides = [1]} : vector<16xi32> to vector<1xi32>
        %parallel_loop3A_485 = vector.extract %parallel_loop3A_484[0] : i32 from vector<1xi32>
        %parallel_loop3A_486 = arith.index_cast %parallel_loop3A_485 : i32 to index
        %parallel_loop3A_487 = tpu.vector_load %arg5[%parallel_loop3A_486] {strides = array<i32>} : memref<704xf32, #tpu.memory_space<vmem>>, vector<16xf32>,
        %parallel_loop3A_488 = vector.shape_cast %parallel_loop3A_487 : vector<16xf32> to vector<16xf32>
        %parallel_loop3A_489 = arith.constant 17 : i32
        %parallel_loop3A_490 = arith.index_cast %parallel_loop3A_58 : i32 to index
        %parallel_loop3A_491 = arith.index_cast %parallel_loop3A_489 : i32 to index
        %parallel_loop3A_492 = arith.constant 0 : index
        %parallel_loop3A_493 = tpu.vector_load %arg8[%parallel_loop3A_490, %parallel_loop3A_491, %parallel_loop3A_492] {strides = array<i32>} : memref<4x50x32xf32, #tpu.memory_space<vmem>>, vector<1x1x16xf32>,
        %parallel_loop3A_494 = vector.shape_cast %parallel_loop3A_493 : vector<1x1x16xf32> to vector<16xf32>
        %parallel_loop3A_495 = vector.shape_cast %parallel_loop3A_488 : vector<16xf32> to vector<1x1x16xf32>
        tpu.vector_store %arg8[%parallel_loop3A_490, %parallel_loop3A_491, %parallel_loop3A_492], %parallel_loop3A_495 {strides = array<i32>} : memref<4x50x32xf32, #tpu.memory_space<vmem>>, vector<1x1x16xf32>,
        %parallel_loop3A_496 = arith.constant 16 : i32
        %parallel_loop3A_497 = arith.addi %parallel_loop3A_485, %parallel_loop3A_496 : i32
        %parallel_loop3A_498 = arith.index_cast %parallel_loop3A_497 : i32 to index
        %parallel_loop3A_499 = tpu.vector_load %arg5[%parallel_loop3A_498] {strides = array<i32>} : memref<704xf32, #tpu.memory_space<vmem>>, vector<16xf32>,
        %parallel_loop3A_500 = vector.shape_cast %parallel_loop3A_499 : vector<16xf32> to vector<16xf32>
        %parallel_loop3A_501 = arith.constant 17 : i32
        %parallel_loop3A_502 = arith.index_cast %parallel_loop3A_58 : i32 to index
        %parallel_loop3A_503 = arith.index_cast %parallel_loop3A_501 : i32 to index
        %parallel_loop3A_504 = arith.constant 16 : index
        %parallel_loop3A_505 = tpu.vector_load %arg8[%parallel_loop3A_502, %parallel_loop3A_503, %parallel_loop3A_504] {strides = array<i32>} : memref<4x50x32xf32, #tpu.memory_space<vmem>>, vector<1x1x16xf32>,
        %parallel_loop3A_506 = vector.shape_cast %parallel_loop3A_505 : vector<1x1x16xf32> to vector<16xf32>
        %parallel_loop3A_507 = vector.shape_cast %parallel_loop3A_500 : vector<16xf32> to vector<1x1x16xf32>
        tpu.vector_store %arg8[%parallel_loop3A_502, %parallel_loop3A_503, %parallel_loop3A_504], %parallel_loop3A_507 {strides = array<i32>} : memref<4x50x32xf32, #tpu.memory_space<vmem>>, vector<1x1x16xf32>,
        %parallel_loop3A_508 = vector.extract_strided_slice %parallel_loop3A_459 {offsets = [2], sizes = [1], strides = [1]} : vector<16xi32> to vector<1xi32>
        %parallel_loop3A_509 = vector.extract %parallel_loop3A_508[0] : i32 from vector<1xi32>
        %parallel_loop3A_510 = arith.index_cast %parallel_loop3A_509 : i32 to index
        %parallel_loop3A_511 = tpu.vector_load %arg5[%parallel_loop3A_510] {strides = array<i32>} : memref<704xf32, #tpu.memory_space<vmem>>, vector<16xf32>,
        %parallel_loop3A_512 = vector.shape_cast %parallel_loop3A_511 : vector<16xf32> to vector<16xf32>
        %parallel_loop3A_513 = arith.constant 18 : i32
        %parallel_loop3A_514 = arith.index_cast %parallel_loop3A_58 : i32 to index
        %parallel_loop3A_515 = arith.index_cast %parallel_loop3A_513 : i32 to index
        %parallel_loop3A_516 = arith.constant 0 : index
        %parallel_loop3A_517 = tpu.vector_load %arg8[%parallel_loop3A_514, %parallel_loop3A_515, %parallel_loop3A_516] {strides = array<i32>} : memref<4x50x32xf32, #tpu.memory_space<vmem>>, vector<1x1x16xf32>,
        %parallel_loop3A_518 = vector.shape_cast %parallel_loop3A_517 : vector<1x1x16xf32> to vector<16xf32>
        %parallel_loop3A_519 = vector.shape_cast %parallel_loop3A_512 : vector<16xf32> to vector<1x1x16xf32>
        tpu.vector_store %arg8[%parallel_loop3A_514, %parallel_loop3A_515, %parallel_loop3A_516], %parallel_loop3A_519 {strides = array<i32>} : memref<4x50x32xf32, #tpu.memory_space<vmem>>, vector<1x1x16xf32>,
        %parallel_loop3A_520 = arith.constant 16 : i32
        %parallel_loop3A_521 = arith.addi %parallel_loop3A_509, %parallel_loop3A_520 : i32
        %parallel_loop3A_522 = arith.index_cast %parallel_loop3A_521 : i32 to index
        %parallel_loop3A_523 = tpu.vector_load %arg5[%parallel_loop3A_522] {strides = array<i32>} : memref<704xf32, #tpu.memory_space<vmem>>, vector<16xf32>,
        %parallel_loop3A_524 = vector.shape_cast %parallel_loop3A_523 : vector<16xf32> to vector<16xf32>
        %parallel_loop3A_525 = arith.constant 18 : i32
        %parallel_loop3A_526 = arith.index_cast %parallel_loop3A_58 : i32 to index
        %parallel_loop3A_527 = arith.index_cast %parallel_loop3A_525 : i32 to index
        %parallel_loop3A_528 = arith.constant 16 : index
        %parallel_loop3A_529 = tpu.vector_load %arg8[%parallel_loop3A_526, %parallel_loop3A_527, %parallel_loop3A_528] {strides = array<i32>} : memref<4x50x32xf32, #tpu.memory_space<vmem>>, vector<1x1x16xf32>,
        %parallel_loop3A_530 = vector.shape_cast %parallel_loop3A_529 : vector<1x1x16xf32> to vector<16xf32>
        %parallel_loop3A_531 = vector.shape_cast %parallel_loop3A_524 : vector<16xf32> to vector<1x1x16xf32>
        tpu.vector_store %arg8[%parallel_loop3A_526, %parallel_loop3A_527, %parallel_loop3A_528], %parallel_loop3A_531 {strides = array<i32>} : memref<4x50x32xf32, #tpu.memory_space<vmem>>, vector<1x1x16xf32>,
        %parallel_loop3A_532 = vector.extract_strided_slice %parallel_loop3A_459 {offsets = [3], sizes = [1], strides = [1]} : vector<16xi32> to vector<1xi32>
        %parallel_loop3A_533 = vector.extract %parallel_loop3A_532[0] : i32 from vector<1xi32>
        %parallel_loop3A_534 = arith.index_cast %parallel_loop3A_533 : i32 to index
        %parallel_loop3A_535 = tpu.vector_load %arg5[%parallel_loop3A_534] {strides = array<i32>} : memref<704xf32, #tpu.memory_space<vmem>>, vector<16xf32>,
        %parallel_loop3A_536 = vector.shape_cast %parallel_loop3A_535 : vector<16xf32> to vector<16xf32>
        %parallel_loop3A_537 = arith.constant 19 : i32
        %parallel_loop3A_538 = arith.index_cast %parallel_loop3A_58 : i32 to index
        %parallel_loop3A_539 = arith.index_cast %parallel_loop3A_537 : i32 to index
        %parallel_loop3A_540 = arith.constant 0 : index
        %parallel_loop3A_541 = tpu.vector_load %arg8[%parallel_loop3A_538, %parallel_loop3A_539, %parallel_loop3A_540] {strides = array<i32>} : memref<4x50x32xf32, #tpu.memory_space<vmem>>, vector<1x1x16xf32>,
        %parallel_loop3A_542 = vector.shape_cast %parallel_loop3A_541 : vector<1x1x16xf32> to vector<16xf32>
        %parallel_loop3A_543 = vector.shape_cast %parallel_loop3A_536 : vector<16xf32> to vector<1x1x16xf32>
        tpu.vector_store %arg8[%parallel_loop3A_538, %parallel_loop3A_539, %parallel_loop3A_540], %parallel_loop3A_543 {strides = array<i32>} : memref<4x50x32xf32, #tpu.memory_space<vmem>>, vector<1x1x16xf32>,
        %parallel_loop3A_544 = arith.constant 16 : i32
        %parallel_loop3A_545 = arith.addi %parallel_loop3A_533, %parallel_loop3A_544 : i32
        %parallel_loop3A_546 = arith.index_cast %parallel_loop3A_545 : i32 to index
        %parallel_loop3A_547 = tpu.vector_load %arg5[%parallel_loop3A_546] {strides = array<i32>} : memref<704xf32, #tpu.memory_space<vmem>>, vector<16xf32>,
        %parallel_loop3A_548 = vector.shape_cast %parallel_loop3A_547 : vector<16xf32> to vector<16xf32>
        %parallel_loop3A_549 = arith.constant 19 : i32
        %parallel_loop3A_550 = arith.index_cast %parallel_loop3A_58 : i32 to index
        %parallel_loop3A_551 = arith.index_cast %parallel_loop3A_549 : i32 to index
        %parallel_loop3A_552 = arith.constant 16 : index
        %parallel_loop3A_553 = tpu.vector_load %arg8[%parallel_loop3A_550, %parallel_loop3A_551, %parallel_loop3A_552] {strides = array<i32>} : memref<4x50x32xf32, #tpu.memory_space<vmem>>, vector<1x1x16xf32>,
        %parallel_loop3A_554 = vector.shape_cast %parallel_loop3A_553 : vector<1x1x16xf32> to vector<16xf32>
        %parallel_loop3A_555 = vector.shape_cast %parallel_loop3A_548 : vector<16xf32> to vector<1x1x16xf32>
        tpu.vector_store %arg8[%parallel_loop3A_550, %parallel_loop3A_551, %parallel_loop3A_552], %parallel_loop3A_555 {strides = array<i32>} : memref<4x50x32xf32, #tpu.memory_space<vmem>>, vector<1x1x16xf32>,
        %parallel_loop3A_556 = vector.extract_strided_slice %parallel_loop3A_459 {offsets = [4], sizes = [1], strides = [1]} : vector<16xi32> to vector<1xi32>
        %parallel_loop3A_557 = vector.extract %parallel_loop3A_556[0] : i32 from vector<1xi32>
        %parallel_loop3A_558 = arith.index_cast %parallel_loop3A_557 : i32 to index
        %parallel_loop3A_559 = tpu.vector_load %arg5[%parallel_loop3A_558] {strides = array<i32>} : memref<704xf32, #tpu.memory_space<vmem>>, vector<16xf32>,
        %parallel_loop3A_560 = vector.shape_cast %parallel_loop3A_559 : vector<16xf32> to vector<16xf32>
        %parallel_loop3A_561 = arith.constant 20 : i32
        %parallel_loop3A_562 = arith.index_cast %parallel_loop3A_58 : i32 to index
        %parallel_loop3A_563 = arith.index_cast %parallel_loop3A_561 : i32 to index
        %parallel_loop3A_564 = arith.constant 0 : index
        %parallel_loop3A_565 = tpu.vector_load %arg8[%parallel_loop3A_562, %parallel_loop3A_563, %parallel_loop3A_564] {strides = array<i32>} : memref<4x50x32xf32, #tpu.memory_space<vmem>>, vector<1x1x16xf32>,
        %parallel_loop3A_566 = vector.shape_cast %parallel_loop3A_565 : vector<1x1x16xf32> to vector<16xf32>
        %parallel_loop3A_567 = vector.shape_cast %parallel_loop3A_560 : vector<16xf32> to vector<1x1x16xf32>
        tpu.vector_store %arg8[%parallel_loop3A_562, %parallel_loop3A_563, %parallel_loop3A_564], %parallel_loop3A_567 {strides = array<i32>} : memref<4x50x32xf32, #tpu.memory_space<vmem>>, vector<1x1x16xf32>,
        %parallel_loop3A_568 = arith.constant 16 : i32
        %parallel_loop3A_569 = arith.addi %parallel_loop3A_557, %parallel_loop3A_568 : i32
        %parallel_loop3A_570 = arith.index_cast %parallel_loop3A_569 : i32 to index
        %parallel_loop3A_571 = tpu.vector_load %arg5[%parallel_loop3A_570] {strides = array<i32>} : memref<704xf32, #tpu.memory_space<vmem>>, vector<16xf32>,
        %parallel_loop3A_572 = vector.shape_cast %parallel_loop3A_571 : vector<16xf32> to vector<16xf32>
        %parallel_loop3A_573 = arith.constant 20 : i32
        %parallel_loop3A_574 = arith.index_cast %parallel_loop3A_58 : i32 to index
        %parallel_loop3A_575 = arith.index_cast %parallel_loop3A_573 : i32 to index
        %parallel_loop3A_576 = arith.constant 16 : index
        %parallel_loop3A_577 = tpu.vector_load %arg8[%parallel_loop3A_574, %parallel_loop3A_575, %parallel_loop3A_576] {strides = array<i32>} : memref<4x50x32xf32, #tpu.memory_space<vmem>>, vector<1x1x16xf32>,
        %parallel_loop3A_578 = vector.shape_cast %parallel_loop3A_577 : vector<1x1x16xf32> to vector<16xf32>
        %parallel_loop3A_579 = vector.shape_cast %parallel_loop3A_572 : vector<16xf32> to vector<1x1x16xf32>
        tpu.vector_store %arg8[%parallel_loop3A_574, %parallel_loop3A_575, %parallel_loop3A_576], %parallel_loop3A_579 {strides = array<i32>} : memref<4x50x32xf32, #tpu.memory_space<vmem>>, vector<1x1x16xf32>,
        %parallel_loop3A_580 = vector.extract_strided_slice %parallel_loop3A_459 {offsets = [5], sizes = [1], strides = [1]} : vector<16xi32> to vector<1xi32>
        %parallel_loop3A_581 = vector.extract %parallel_loop3A_580[0] : i32 from vector<1xi32>
        %parallel_loop3A_582 = arith.index_cast %parallel_loop3A_581 : i32 to index
        %parallel_loop3A_583 = tpu.vector_load %arg5[%parallel_loop3A_582] {strides = array<i32>} : memref<704xf32, #tpu.memory_space<vmem>>, vector<16xf32>,
        %parallel_loop3A_584 = vector.shape_cast %parallel_loop3A_583 : vector<16xf32> to vector<16xf32>
        %parallel_loop3A_585 = arith.constant 21 : i32
        %parallel_loop3A_586 = arith.index_cast %parallel_loop3A_58 : i32 to index
        %parallel_loop3A_587 = arith.index_cast %parallel_loop3A_585 : i32 to index
        %parallel_loop3A_588 = arith.constant 0 : index
        %parallel_loop3A_589 = tpu.vector_load %arg8[%parallel_loop3A_586, %parallel_loop3A_587, %parallel_loop3A_588] {strides = array<i32>} : memref<4x50x32xf32, #tpu.memory_space<vmem>>, vector<1x1x16xf32>,
        %parallel_loop3A_590 = vector.shape_cast %parallel_loop3A_589 : vector<1x1x16xf32> to vector<16xf32>
        %parallel_loop3A_591 = vector.shape_cast %parallel_loop3A_584 : vector<16xf32> to vector<1x1x16xf32>
        tpu.vector_store %arg8[%parallel_loop3A_586, %parallel_loop3A_587, %parallel_loop3A_588], %parallel_loop3A_591 {strides = array<i32>} : memref<4x50x32xf32, #tpu.memory_space<vmem>>, vector<1x1x16xf32>,
        %parallel_loop3A_592 = arith.constant 16 : i32
        %parallel_loop3A_593 = arith.addi %parallel_loop3A_581, %parallel_loop3A_592 : i32
        %parallel_loop3A_594 = arith.index_cast %parallel_loop3A_593 : i32 to index
        %parallel_loop3A_595 = tpu.vector_load %arg5[%parallel_loop3A_594] {strides = array<i32>} : memref<704xf32, #tpu.memory_space<vmem>>, vector<16xf32>,
        %parallel_loop3A_596 = vector.shape_cast %parallel_loop3A_595 : vector<16xf32> to vector<16xf32>
        %parallel_loop3A_597 = arith.constant 21 : i32
        %parallel_loop3A_598 = arith.index_cast %parallel_loop3A_58 : i32 to index
        %parallel_loop3A_599 = arith.index_cast %parallel_loop3A_597 : i32 to index
        %parallel_loop3A_600 = arith.constant 16 : index
        %parallel_loop3A_601 = tpu.vector_load %arg8[%parallel_loop3A_598, %parallel_loop3A_599, %parallel_loop3A_600] {strides = array<i32>} : memref<4x50x32xf32, #tpu.memory_space<vmem>>, vector<1x1x16xf32>,
        %parallel_loop3A_602 = vector.shape_cast %parallel_loop3A_601 : vector<1x1x16xf32> to vector<16xf32>
        %parallel_loop3A_603 = vector.shape_cast %parallel_loop3A_596 : vector<16xf32> to vector<1x1x16xf32>
        tpu.vector_store %arg8[%parallel_loop3A_598, %parallel_loop3A_599, %parallel_loop3A_600], %parallel_loop3A_603 {strides = array<i32>} : memref<4x50x32xf32, #tpu.memory_space<vmem>>, vector<1x1x16xf32>,
        %parallel_loop3A_604 = vector.extract_strided_slice %parallel_loop3A_459 {offsets = [6], sizes = [1], strides = [1]} : vector<16xi32> to vector<1xi32>
        %parallel_loop3A_605 = vector.extract %parallel_loop3A_604[0] : i32 from vector<1xi32>
        %parallel_loop3A_606 = arith.index_cast %parallel_loop3A_605 : i32 to index
        %parallel_loop3A_607 = tpu.vector_load %arg5[%parallel_loop3A_606] {strides = array<i32>} : memref<704xf32, #tpu.memory_space<vmem>>, vector<16xf32>,
        %parallel_loop3A_608 = vector.shape_cast %parallel_loop3A_607 : vector<16xf32> to vector<16xf32>
        %parallel_loop3A_609 = arith.constant 22 : i32
        %parallel_loop3A_610 = arith.index_cast %parallel_loop3A_58 : i32 to index
        %parallel_loop3A_611 = arith.index_cast %parallel_loop3A_609 : i32 to index
        %parallel_loop3A_612 = arith.constant 0 : index
        %parallel_loop3A_613 = tpu.vector_load %arg8[%parallel_loop3A_610, %parallel_loop3A_611, %parallel_loop3A_612] {strides = array<i32>} : memref<4x50x32xf32, #tpu.memory_space<vmem>>, vector<1x1x16xf32>,
        %parallel_loop3A_614 = vector.shape_cast %parallel_loop3A_613 : vector<1x1x16xf32> to vector<16xf32>
        %parallel_loop3A_615 = vector.shape_cast %parallel_loop3A_608 : vector<16xf32> to vector<1x1x16xf32>
        tpu.vector_store %arg8[%parallel_loop3A_610, %parallel_loop3A_611, %parallel_loop3A_612], %parallel_loop3A_615 {strides = array<i32>} : memref<4x50x32xf32, #tpu.memory_space<vmem>>, vector<1x1x16xf32>,
        %parallel_loop3A_616 = arith.constant 16 : i32
        %parallel_loop3A_617 = arith.addi %parallel_loop3A_605, %parallel_loop3A_616 : i32
        %parallel_loop3A_618 = arith.index_cast %parallel_loop3A_617 : i32 to index
        %parallel_loop3A_619 = tpu.vector_load %arg5[%parallel_loop3A_618] {strides = array<i32>} : memref<704xf32, #tpu.memory_space<vmem>>, vector<16xf32>,
        %parallel_loop3A_620 = vector.shape_cast %parallel_loop3A_619 : vector<16xf32> to vector<16xf32>
        %parallel_loop3A_621 = arith.constant 22 : i32
        %parallel_loop3A_622 = arith.index_cast %parallel_loop3A_58 : i32 to index
        %parallel_loop3A_623 = arith.index_cast %parallel_loop3A_621 : i32 to index
        %parallel_loop3A_624 = arith.constant 16 : index
        %parallel_loop3A_625 = tpu.vector_load %arg8[%parallel_loop3A_622, %parallel_loop3A_623, %parallel_loop3A_624] {strides = array<i32>} : memref<4x50x32xf32, #tpu.memory_space<vmem>>, vector<1x1x16xf32>,
        %parallel_loop3A_626 = vector.shape_cast %parallel_loop3A_625 : vector<1x1x16xf32> to vector<16xf32>
        %parallel_loop3A_627 = vector.shape_cast %parallel_loop3A_620 : vector<16xf32> to vector<1x1x16xf32>
        tpu.vector_store %arg8[%parallel_loop3A_622, %parallel_loop3A_623, %parallel_loop3A_624], %parallel_loop3A_627 {strides = array<i32>} : memref<4x50x32xf32, #tpu.memory_space<vmem>>, vector<1x1x16xf32>,
        %parallel_loop3A_628 = vector.extract_strided_slice %parallel_loop3A_459 {offsets = [7], sizes = [1], strides = [1]} : vector<16xi32> to vector<1xi32>
        %parallel_loop3A_629 = vector.extract %parallel_loop3A_628[0] : i32 from vector<1xi32>
        %parallel_loop3A_630 = arith.index_cast %parallel_loop3A_629 : i32 to index
        %parallel_loop3A_631 = tpu.vector_load %arg5[%parallel_loop3A_630] {strides = array<i32>} : memref<704xf32, #tpu.memory_space<vmem>>, vector<16xf32>,
        %parallel_loop3A_632 = vector.shape_cast %parallel_loop3A_631 : vector<16xf32> to vector<16xf32>
        %parallel_loop3A_633 = arith.constant 23 : i32
        %parallel_loop3A_634 = arith.index_cast %parallel_loop3A_58 : i32 to index
        %parallel_loop3A_635 = arith.index_cast %parallel_loop3A_633 : i32 to index
        %parallel_loop3A_636 = arith.constant 0 : index
        %parallel_loop3A_637 = tpu.vector_load %arg8[%parallel_loop3A_634, %parallel_loop3A_635, %parallel_loop3A_636] {strides = array<i32>} : memref<4x50x32xf32, #tpu.memory_space<vmem>>, vector<1x1x16xf32>,
        %parallel_loop3A_638 = vector.shape_cast %parallel_loop3A_637 : vector<1x1x16xf32> to vector<16xf32>
        %parallel_loop3A_639 = vector.shape_cast %parallel_loop3A_632 : vector<16xf32> to vector<1x1x16xf32>
        tpu.vector_store %arg8[%parallel_loop3A_634, %parallel_loop3A_635, %parallel_loop3A_636], %parallel_loop3A_639 {strides = array<i32>} : memref<4x50x32xf32, #tpu.memory_space<vmem>>, vector<1x1x16xf32>,
        %parallel_loop3A_640 = arith.constant 16 : i32
        %parallel_loop3A_641 = arith.addi %parallel_loop3A_629, %parallel_loop3A_640 : i32
        %parallel_loop3A_642 = arith.index_cast %parallel_loop3A_641 : i32 to index
        %parallel_loop3A_643 = tpu.vector_load %arg5[%parallel_loop3A_642] {strides = array<i32>} : memref<704xf32, #tpu.memory_space<vmem>>, vector<16xf32>,
        %parallel_loop3A_644 = vector.shape_cast %parallel_loop3A_643 : vector<16xf32> to vector<16xf32>
        %parallel_loop3A_645 = arith.constant 23 : i32
        %parallel_loop3A_646 = arith.index_cast %parallel_loop3A_58 : i32 to index
        %parallel_loop3A_647 = arith.index_cast %parallel_loop3A_645 : i32 to index
        %parallel_loop3A_648 = arith.constant 16 : index
        %parallel_loop3A_649 = tpu.vector_load %arg8[%parallel_loop3A_646, %parallel_loop3A_647, %parallel_loop3A_648] {strides = array<i32>} : memref<4x50x32xf32, #tpu.memory_space<vmem>>, vector<1x1x16xf32>,
        %parallel_loop3A_650 = vector.shape_cast %parallel_loop3A_649 : vector<1x1x16xf32> to vector<16xf32>
        %parallel_loop3A_651 = vector.shape_cast %parallel_loop3A_644 : vector<16xf32> to vector<1x1x16xf32>
        tpu.vector_store %arg8[%parallel_loop3A_646, %parallel_loop3A_647, %parallel_loop3A_648], %parallel_loop3A_651 {strides = array<i32>} : memref<4x50x32xf32, #tpu.memory_space<vmem>>, vector<1x1x16xf32>,
        %parallel_loop3A_652 = vector.extract_strided_slice %parallel_loop3A_459 {offsets = [8], sizes = [1], strides = [1]} : vector<16xi32> to vector<1xi32>
        %parallel_loop3A_653 = vector.extract %parallel_loop3A_652[0] : i32 from vector<1xi32>
        %parallel_loop3A_654 = arith.index_cast %parallel_loop3A_653 : i32 to index
        %parallel_loop3A_655 = tpu.vector_load %arg5[%parallel_loop3A_654] {strides = array<i32>} : memref<704xf32, #tpu.memory_space<vmem>>, vector<16xf32>,
        %parallel_loop3A_656 = vector.shape_cast %parallel_loop3A_655 : vector<16xf32> to vector<16xf32>
        %parallel_loop3A_657 = arith.constant 24 : i32
        %parallel_loop3A_658 = arith.index_cast %parallel_loop3A_58 : i32 to index
        %parallel_loop3A_659 = arith.index_cast %parallel_loop3A_657 : i32 to index
        %parallel_loop3A_660 = arith.constant 0 : index
        %parallel_loop3A_661 = tpu.vector_load %arg8[%parallel_loop3A_658, %parallel_loop3A_659, %parallel_loop3A_660] {strides = array<i32>} : memref<4x50x32xf32, #tpu.memory_space<vmem>>, vector<1x1x16xf32>,
        %parallel_loop3A_662 = vector.shape_cast %parallel_loop3A_661 : vector<1x1x16xf32> to vector<16xf32>
        %parallel_loop3A_663 = vector.shape_cast %parallel_loop3A_656 : vector<16xf32> to vector<1x1x16xf32>
        tpu.vector_store %arg8[%parallel_loop3A_658, %parallel_loop3A_659, %parallel_loop3A_660], %parallel_loop3A_663 {strides = array<i32>} : memref<4x50x32xf32, #tpu.memory_space<vmem>>, vector<1x1x16xf32>,
        %parallel_loop3A_664 = arith.constant 16 : i32
        %parallel_loop3A_665 = arith.addi %parallel_loop3A_653, %parallel_loop3A_664 : i32
        %parallel_loop3A_666 = arith.index_cast %parallel_loop3A_665 : i32 to index
        %parallel_loop3A_667 = tpu.vector_load %arg5[%parallel_loop3A_666] {strides = array<i32>} : memref<704xf32, #tpu.memory_space<vmem>>, vector<16xf32>,
        %parallel_loop3A_668 = vector.shape_cast %parallel_loop3A_667 : vector<16xf32> to vector<16xf32>
        %parallel_loop3A_669 = arith.constant 24 : i32
        %parallel_loop3A_670 = arith.index_cast %parallel_loop3A_58 : i32 to index
        %parallel_loop3A_671 = arith.index_cast %parallel_loop3A_669 : i32 to index
        %parallel_loop3A_672 = arith.constant 16 : index
        %parallel_loop3A_673 = tpu.vector_load %arg8[%parallel_loop3A_670, %parallel_loop3A_671, %parallel_loop3A_672] {strides = array<i32>} : memref<4x50x32xf32, #tpu.memory_space<vmem>>, vector<1x1x16xf32>,
        %parallel_loop3A_674 = vector.shape_cast %parallel_loop3A_673 : vector<1x1x16xf32> to vector<16xf32>
        %parallel_loop3A_675 = vector.shape_cast %parallel_loop3A_668 : vector<16xf32> to vector<1x1x16xf32>
        tpu.vector_store %arg8[%parallel_loop3A_670, %parallel_loop3A_671, %parallel_loop3A_672], %parallel_loop3A_675 {strides = array<i32>} : memref<4x50x32xf32, #tpu.memory_space<vmem>>, vector<1x1x16xf32>,
        %parallel_loop3A_676 = vector.extract_strided_slice %parallel_loop3A_459 {offsets = [9], sizes = [1], strides = [1]} : vector<16xi32> to vector<1xi32>
        %parallel_loop3A_677 = vector.extract %parallel_loop3A_676[0] : i32 from vector<1xi32>
        %parallel_loop3A_678 = arith.index_cast %parallel_loop3A_677 : i32 to index
        %parallel_loop3A_679 = tpu.vector_load %arg5[%parallel_loop3A_678] {strides = array<i32>} : memref<704xf32, #tpu.memory_space<vmem>>, vector<16xf32>,
        %parallel_loop3A_680 = vector.shape_cast %parallel_loop3A_679 : vector<16xf32> to vector<16xf32>
        %parallel_loop3A_681 = arith.constant 25 : i32
        %parallel_loop3A_682 = arith.index_cast %parallel_loop3A_58 : i32 to index
        %parallel_loop3A_683 = arith.index_cast %parallel_loop3A_681 : i32 to index
        %parallel_loop3A_684 = arith.constant 0 : index
        %parallel_loop3A_685 = tpu.vector_load %arg8[%parallel_loop3A_682, %parallel_loop3A_683, %parallel_loop3A_684] {strides = array<i32>} : memref<4x50x32xf32, #tpu.memory_space<vmem>>, vector<1x1x16xf32>,
        %parallel_loop3A_686 = vector.shape_cast %parallel_loop3A_685 : vector<1x1x16xf32> to vector<16xf32>
        %parallel_loop3A_687 = vector.shape_cast %parallel_loop3A_680 : vector<16xf32> to vector<1x1x16xf32>
        tpu.vector_store %arg8[%parallel_loop3A_682, %parallel_loop3A_683, %parallel_loop3A_684], %parallel_loop3A_687 {strides = array<i32>} : memref<4x50x32xf32, #tpu.memory_space<vmem>>, vector<1x1x16xf32>,
        %parallel_loop3A_688 = arith.constant 16 : i32
        %parallel_loop3A_689 = arith.addi %parallel_loop3A_677, %parallel_loop3A_688 : i32
        %parallel_loop3A_690 = arith.index_cast %parallel_loop3A_689 : i32 to index
        %parallel_loop3A_691 = tpu.vector_load %arg5[%parallel_loop3A_690] {strides = array<i32>} : memref<704xf32, #tpu.memory_space<vmem>>, vector<16xf32>,
        %parallel_loop3A_692 = vector.shape_cast %parallel_loop3A_691 : vector<16xf32> to vector<16xf32>
        %parallel_loop3A_693 = arith.constant 25 : i32
        %parallel_loop3A_694 = arith.index_cast %parallel_loop3A_58 : i32 to index
        %parallel_loop3A_695 = arith.index_cast %parallel_loop3A_693 : i32 to index
        %parallel_loop3A_696 = arith.constant 16 : index
        %parallel_loop3A_697 = tpu.vector_load %arg8[%parallel_loop3A_694, %parallel_loop3A_695, %parallel_loop3A_696] {strides = array<i32>} : memref<4x50x32xf32, #tpu.memory_space<vmem>>, vector<1x1x16xf32>,
        %parallel_loop3A_698 = vector.shape_cast %parallel_loop3A_697 : vector<1x1x16xf32> to vector<16xf32>
        %parallel_loop3A_699 = vector.shape_cast %parallel_loop3A_692 : vector<16xf32> to vector<1x1x16xf32>
        tpu.vector_store %arg8[%parallel_loop3A_694, %parallel_loop3A_695, %parallel_loop3A_696], %parallel_loop3A_699 {strides = array<i32>} : memref<4x50x32xf32, #tpu.memory_space<vmem>>, vector<1x1x16xf32>,
        %parallel_loop3A_700 = vector.extract_strided_slice %parallel_loop3A_459 {offsets = [10], sizes = [1], strides = [1]} : vector<16xi32> to vector<1xi32>
        %parallel_loop3A_701 = vector.extract %parallel_loop3A_700[0] : i32 from vector<1xi32>
        %parallel_loop3A_702 = arith.index_cast %parallel_loop3A_701 : i32 to index
        %parallel_loop3A_703 = tpu.vector_load %arg5[%parallel_loop3A_702] {strides = array<i32>} : memref<704xf32, #tpu.memory_space<vmem>>, vector<16xf32>,
        %parallel_loop3A_704 = vector.shape_cast %parallel_loop3A_703 : vector<16xf32> to vector<16xf32>
        %parallel_loop3A_705 = arith.constant 26 : i32
        %parallel_loop3A_706 = arith.index_cast %parallel_loop3A_58 : i32 to index
        %parallel_loop3A_707 = arith.index_cast %parallel_loop3A_705 : i32 to index
        %parallel_loop3A_708 = arith.constant 0 : index
        %parallel_loop3A_709 = tpu.vector_load %arg8[%parallel_loop3A_706, %parallel_loop3A_707, %parallel_loop3A_708] {strides = array<i32>} : memref<4x50x32xf32, #tpu.memory_space<vmem>>, vector<1x1x16xf32>,
        %parallel_loop3A_710 = vector.shape_cast %parallel_loop3A_709 : vector<1x1x16xf32> to vector<16xf32>
        %parallel_loop3A_711 = vector.shape_cast %parallel_loop3A_704 : vector<16xf32> to vector<1x1x16xf32>
        tpu.vector_store %arg8[%parallel_loop3A_706, %parallel_loop3A_707, %parallel_loop3A_708], %parallel_loop3A_711 {strides = array<i32>} : memref<4x50x32xf32, #tpu.memory_space<vmem>>, vector<1x1x16xf32>,
        %parallel_loop3A_712 = arith.constant 16 : i32
        %parallel_loop3A_713 = arith.addi %parallel_loop3A_701, %parallel_loop3A_712 : i32
        %parallel_loop3A_714 = arith.index_cast %parallel_loop3A_713 : i32 to index
        %parallel_loop3A_715 = tpu.vector_load %arg5[%parallel_loop3A_714] {strides = array<i32>} : memref<704xf32, #tpu.memory_space<vmem>>, vector<16xf32>,
        %parallel_loop3A_716 = vector.shape_cast %parallel_loop3A_715 : vector<16xf32> to vector<16xf32>
        %parallel_loop3A_717 = arith.constant 26 : i32
        %parallel_loop3A_718 = arith.index_cast %parallel_loop3A_58 : i32 to index
        %parallel_loop3A_719 = arith.index_cast %parallel_loop3A_717 : i32 to index
        %parallel_loop3A_720 = arith.constant 16 : index
        %parallel_loop3A_721 = tpu.vector_load %arg8[%parallel_loop3A_718, %parallel_loop3A_719, %parallel_loop3A_720] {strides = array<i32>} : memref<4x50x32xf32, #tpu.memory_space<vmem>>, vector<1x1x16xf32>,
        %parallel_loop3A_722 = vector.shape_cast %parallel_loop3A_721 : vector<1x1x16xf32> to vector<16xf32>
        %parallel_loop3A_723 = vector.shape_cast %parallel_loop3A_716 : vector<16xf32> to vector<1x1x16xf32>
        tpu.vector_store %arg8[%parallel_loop3A_718, %parallel_loop3A_719, %parallel_loop3A_720], %parallel_loop3A_723 {strides = array<i32>} : memref<4x50x32xf32, #tpu.memory_space<vmem>>, vector<1x1x16xf32>,
        %parallel_loop3A_724 = vector.extract_strided_slice %parallel_loop3A_459 {offsets = [11], sizes = [1], strides = [1]} : vector<16xi32> to vector<1xi32>
        %parallel_loop3A_725 = vector.extract %parallel_loop3A_724[0] : i32 from vector<1xi32>
        %parallel_loop3A_726 = arith.index_cast %parallel_loop3A_725 : i32 to index
        %parallel_loop3A_727 = tpu.vector_load %arg5[%parallel_loop3A_726] {strides = array<i32>} : memref<704xf32, #tpu.memory_space<vmem>>, vector<16xf32>,
        %parallel_loop3A_728 = vector.shape_cast %parallel_loop3A_727 : vector<16xf32> to vector<16xf32>
        %parallel_loop3A_729 = arith.constant 27 : i32
        %parallel_loop3A_730 = arith.index_cast %parallel_loop3A_58 : i32 to index
        %parallel_loop3A_731 = arith.index_cast %parallel_loop3A_729 : i32 to index
        %parallel_loop3A_732 = arith.constant 0 : index
        %parallel_loop3A_733 = tpu.vector_load %arg8[%parallel_loop3A_730, %parallel_loop3A_731, %parallel_loop3A_732] {strides = array<i32>} : memref<4x50x32xf32, #tpu.memory_space<vmem>>, vector<1x1x16xf32>,
        %parallel_loop3A_734 = vector.shape_cast %parallel_loop3A_733 : vector<1x1x16xf32> to vector<16xf32>
        %parallel_loop3A_735 = vector.shape_cast %parallel_loop3A_728 : vector<16xf32> to vector<1x1x16xf32>
        tpu.vector_store %arg8[%parallel_loop3A_730, %parallel_loop3A_731, %parallel_loop3A_732], %parallel_loop3A_735 {strides = array<i32>} : memref<4x50x32xf32, #tpu.memory_space<vmem>>, vector<1x1x16xf32>,
        %parallel_loop3A_736 = arith.constant 16 : i32
        %parallel_loop3A_737 = arith.addi %parallel_loop3A_725, %parallel_loop3A_736 : i32
        %parallel_loop3A_738 = arith.index_cast %parallel_loop3A_737 : i32 to index
        %parallel_loop3A_739 = tpu.vector_load %arg5[%parallel_loop3A_738] {strides = array<i32>} : memref<704xf32, #tpu.memory_space<vmem>>, vector<16xf32>,
        %parallel_loop3A_740 = vector.shape_cast %parallel_loop3A_739 : vector<16xf32> to vector<16xf32>
        %parallel_loop3A_741 = arith.constant 27 : i32
        %parallel_loop3A_742 = arith.index_cast %parallel_loop3A_58 : i32 to index
        %parallel_loop3A_743 = arith.index_cast %parallel_loop3A_741 : i32 to index
        %parallel_loop3A_744 = arith.constant 16 : index
        %parallel_loop3A_745 = tpu.vector_load %arg8[%parallel_loop3A_742, %parallel_loop3A_743, %parallel_loop3A_744] {strides = array<i32>} : memref<4x50x32xf32, #tpu.memory_space<vmem>>, vector<1x1x16xf32>,
        %parallel_loop3A_746 = vector.shape_cast %parallel_loop3A_745 : vector<1x1x16xf32> to vector<16xf32>
        %parallel_loop3A_747 = vector.shape_cast %parallel_loop3A_740 : vector<16xf32> to vector<1x1x16xf32>
        tpu.vector_store %arg8[%parallel_loop3A_742, %parallel_loop3A_743, %parallel_loop3A_744], %parallel_loop3A_747 {strides = array<i32>} : memref<4x50x32xf32, #tpu.memory_space<vmem>>, vector<1x1x16xf32>,
        %parallel_loop3A_748 = vector.extract_strided_slice %parallel_loop3A_459 {offsets = [12], sizes = [1], strides = [1]} : vector<16xi32> to vector<1xi32>
        %parallel_loop3A_749 = vector.extract %parallel_loop3A_748[0] : i32 from vector<1xi32>
        %parallel_loop3A_750 = arith.index_cast %parallel_loop3A_749 : i32 to index
        %parallel_loop3A_751 = tpu.vector_load %arg5[%parallel_loop3A_750] {strides = array<i32>} : memref<704xf32, #tpu.memory_space<vmem>>, vector<16xf32>,
        %parallel_loop3A_752 = vector.shape_cast %parallel_loop3A_751 : vector<16xf32> to vector<16xf32>
        %parallel_loop3A_753 = arith.constant 28 : i32
        %parallel_loop3A_754 = arith.index_cast %parallel_loop3A_58 : i32 to index
        %parallel_loop3A_755 = arith.index_cast %parallel_loop3A_753 : i32 to index
        %parallel_loop3A_756 = arith.constant 0 : index
        %parallel_loop3A_757 = tpu.vector_load %arg8[%parallel_loop3A_754, %parallel_loop3A_755, %parallel_loop3A_756] {strides = array<i32>} : memref<4x50x32xf32, #tpu.memory_space<vmem>>, vector<1x1x16xf32>,
        %parallel_loop3A_758 = vector.shape_cast %parallel_loop3A_757 : vector<1x1x16xf32> to vector<16xf32>
        %parallel_loop3A_759 = vector.shape_cast %parallel_loop3A_752 : vector<16xf32> to vector<1x1x16xf32>
        tpu.vector_store %arg8[%parallel_loop3A_754, %parallel_loop3A_755, %parallel_loop3A_756], %parallel_loop3A_759 {strides = array<i32>} : memref<4x50x32xf32, #tpu.memory_space<vmem>>, vector<1x1x16xf32>,
        %parallel_loop3A_760 = arith.constant 16 : i32
        %parallel_loop3A_761 = arith.addi %parallel_loop3A_749, %parallel_loop3A_760 : i32
        %parallel_loop3A_762 = arith.index_cast %parallel_loop3A_761 : i32 to index
        %parallel_loop3A_763 = tpu.vector_load %arg5[%parallel_loop3A_762] {strides = array<i32>} : memref<704xf32, #tpu.memory_space<vmem>>, vector<16xf32>,
        %parallel_loop3A_764 = vector.shape_cast %parallel_loop3A_763 : vector<16xf32> to vector<16xf32>
        %parallel_loop3A_765 = arith.constant 28 : i32
        %parallel_loop3A_766 = arith.index_cast %parallel_loop3A_58 : i32 to index
        %parallel_loop3A_767 = arith.index_cast %parallel_loop3A_765 : i32 to index
        %parallel_loop3A_768 = arith.constant 16 : index
        %parallel_loop3A_769 = tpu.vector_load %arg8[%parallel_loop3A_766, %parallel_loop3A_767, %parallel_loop3A_768] {strides = array<i32>} : memref<4x50x32xf32, #tpu.memory_space<vmem>>, vector<1x1x16xf32>,
        %parallel_loop3A_770 = vector.shape_cast %parallel_loop3A_769 : vector<1x1x16xf32> to vector<16xf32>
        %parallel_loop3A_771 = vector.shape_cast %parallel_loop3A_764 : vector<16xf32> to vector<1x1x16xf32>
        tpu.vector_store %arg8[%parallel_loop3A_766, %parallel_loop3A_767, %parallel_loop3A_768], %parallel_loop3A_771 {strides = array<i32>} : memref<4x50x32xf32, #tpu.memory_space<vmem>>, vector<1x1x16xf32>,
        %parallel_loop3A_772 = vector.extract_strided_slice %parallel_loop3A_459 {offsets = [13], sizes = [1], strides = [1]} : vector<16xi32> to vector<1xi32>
        %parallel_loop3A_773 = vector.extract %parallel_loop3A_772[0] : i32 from vector<1xi32>
        %parallel_loop3A_774 = arith.index_cast %parallel_loop3A_773 : i32 to index
        %parallel_loop3A_775 = tpu.vector_load %arg5[%parallel_loop3A_774] {strides = array<i32>} : memref<704xf32, #tpu.memory_space<vmem>>, vector<16xf32>,
        %parallel_loop3A_776 = vector.shape_cast %parallel_loop3A_775 : vector<16xf32> to vector<16xf32>
        %parallel_loop3A_777 = arith.constant 29 : i32
        %parallel_loop3A_778 = arith.index_cast %parallel_loop3A_58 : i32 to index
        %parallel_loop3A_779 = arith.index_cast %parallel_loop3A_777 : i32 to index
        %parallel_loop3A_780 = arith.constant 0 : index
        %parallel_loop3A_781 = tpu.vector_load %arg8[%parallel_loop3A_778, %parallel_loop3A_779, %parallel_loop3A_780] {strides = array<i32>} : memref<4x50x32xf32, #tpu.memory_space<vmem>>, vector<1x1x16xf32>,
        %parallel_loop3A_782 = vector.shape_cast %parallel_loop3A_781 : vector<1x1x16xf32> to vector<16xf32>
        %parallel_loop3A_783 = vector.shape_cast %parallel_loop3A_776 : vector<16xf32> to vector<1x1x16xf32>
        tpu.vector_store %arg8[%parallel_loop3A_778, %parallel_loop3A_779, %parallel_loop3A_780], %parallel_loop3A_783 {strides = array<i32>} : memref<4x50x32xf32, #tpu.memory_space<vmem>>, vector<1x1x16xf32>,
        %parallel_loop3A_784 = arith.constant 16 : i32
        %parallel_loop3A_785 = arith.addi %parallel_loop3A_773, %parallel_loop3A_784 : i32
        %parallel_loop3A_786 = arith.index_cast %parallel_loop3A_785 : i32 to index
        %parallel_loop3A_787 = tpu.vector_load %arg5[%parallel_loop3A_786] {strides = array<i32>} : memref<704xf32, #tpu.memory_space<vmem>>, vector<16xf32>,
        %parallel_loop3A_788 = vector.shape_cast %parallel_loop3A_787 : vector<16xf32> to vector<16xf32>
        %parallel_loop3A_789 = arith.constant 29 : i32
        %parallel_loop3A_790 = arith.index_cast %parallel_loop3A_58 : i32 to index
        %parallel_loop3A_791 = arith.index_cast %parallel_loop3A_789 : i32 to index
        %parallel_loop3A_792 = arith.constant 16 : index
        %parallel_loop3A_793 = tpu.vector_load %arg8[%parallel_loop3A_790, %parallel_loop3A_791, %parallel_loop3A_792] {strides = array<i32>} : memref<4x50x32xf32, #tpu.memory_space<vmem>>, vector<1x1x16xf32>,
        %parallel_loop3A_794 = vector.shape_cast %parallel_loop3A_793 : vector<1x1x16xf32> to vector<16xf32>
        %parallel_loop3A_795 = vector.shape_cast %parallel_loop3A_788 : vector<16xf32> to vector<1x1x16xf32>
        tpu.vector_store %arg8[%parallel_loop3A_790, %parallel_loop3A_791, %parallel_loop3A_792], %parallel_loop3A_795 {strides = array<i32>} : memref<4x50x32xf32, #tpu.memory_space<vmem>>, vector<1x1x16xf32>,
        %parallel_loop3A_796 = vector.extract_strided_slice %parallel_loop3A_459 {offsets = [14], sizes = [1], strides = [1]} : vector<16xi32> to vector<1xi32>
        %parallel_loop3A_797 = vector.extract %parallel_loop3A_796[0] : i32 from vector<1xi32>
        %parallel_loop3A_798 = arith.index_cast %parallel_loop3A_797 : i32 to index
        %parallel_loop3A_799 = tpu.vector_load %arg5[%parallel_loop3A_798] {strides = array<i32>} : memref<704xf32, #tpu.memory_space<vmem>>, vector<16xf32>,
        %parallel_loop3A_800 = vector.shape_cast %parallel_loop3A_799 : vector<16xf32> to vector<16xf32>
        %parallel_loop3A_801 = arith.constant 30 : i32
        %parallel_loop3A_802 = arith.index_cast %parallel_loop3A_58 : i32 to index
        %parallel_loop3A_803 = arith.index_cast %parallel_loop3A_801 : i32 to index
        %parallel_loop3A_804 = arith.constant 0 : index
        %parallel_loop3A_805 = tpu.vector_load %arg8[%parallel_loop3A_802, %parallel_loop3A_803, %parallel_loop3A_804] {strides = array<i32>} : memref<4x50x32xf32, #tpu.memory_space<vmem>>, vector<1x1x16xf32>,
        %parallel_loop3A_806 = vector.shape_cast %parallel_loop3A_805 : vector<1x1x16xf32> to vector<16xf32>
        %parallel_loop3A_807 = vector.shape_cast %parallel_loop3A_800 : vector<16xf32> to vector<1x1x16xf32>
        tpu.vector_store %arg8[%parallel_loop3A_802, %parallel_loop3A_803, %parallel_loop3A_804], %parallel_loop3A_807 {strides = array<i32>} : memref<4x50x32xf32, #tpu.memory_space<vmem>>, vector<1x1x16xf32>,
        %parallel_loop3A_808 = arith.constant 16 : i32
        %parallel_loop3A_809 = arith.addi %parallel_loop3A_797, %parallel_loop3A_808 : i32
        %parallel_loop3A_810 = arith.index_cast %parallel_loop3A_809 : i32 to index
        %parallel_loop3A_811 = tpu.vector_load %arg5[%parallel_loop3A_810] {strides = array<i32>} : memref<704xf32, #tpu.memory_space<vmem>>, vector<16xf32>,
        %parallel_loop3A_812 = vector.shape_cast %parallel_loop3A_811 : vector<16xf32> to vector<16xf32>
        %parallel_loop3A_813 = arith.constant 30 : i32
        %parallel_loop3A_814 = arith.index_cast %parallel_loop3A_58 : i32 to index
        %parallel_loop3A_815 = arith.index_cast %parallel_loop3A_813 : i32 to index
        %parallel_loop3A_816 = arith.constant 16 : index
        %parallel_loop3A_817 = tpu.vector_load %arg8[%parallel_loop3A_814, %parallel_loop3A_815, %parallel_loop3A_816] {strides = array<i32>} : memref<4x50x32xf32, #tpu.memory_space<vmem>>, vector<1x1x16xf32>,
        %parallel_loop3A_818 = vector.shape_cast %parallel_loop3A_817 : vector<1x1x16xf32> to vector<16xf32>
        %parallel_loop3A_819 = vector.shape_cast %parallel_loop3A_812 : vector<16xf32> to vector<1x1x16xf32>
        tpu.vector_store %arg8[%parallel_loop3A_814, %parallel_loop3A_815, %parallel_loop3A_816], %parallel_loop3A_819 {strides = array<i32>} : memref<4x50x32xf32, #tpu.memory_space<vmem>>, vector<1x1x16xf32>,
        %parallel_loop3A_820 = vector.extract_strided_slice %parallel_loop3A_459 {offsets = [15], sizes = [1], strides = [1]} : vector<16xi32> to vector<1xi32>
        %parallel_loop3A_821 = vector.extract %parallel_loop3A_820[0] : i32 from vector<1xi32>
        %parallel_loop3A_822 = arith.index_cast %parallel_loop3A_821 : i32 to index
        %parallel_loop3A_823 = tpu.vector_load %arg5[%parallel_loop3A_822] {strides = array<i32>} : memref<704xf32, #tpu.memory_space<vmem>>, vector<16xf32>,
        %parallel_loop3A_824 = vector.shape_cast %parallel_loop3A_823 : vector<16xf32> to vector<16xf32>
        %parallel_loop3A_825 = arith.constant 31 : i32
        %parallel_loop3A_826 = arith.index_cast %parallel_loop3A_58 : i32 to index
        %parallel_loop3A_827 = arith.index_cast %parallel_loop3A_825 : i32 to index
        %parallel_loop3A_828 = arith.constant 0 : index
        %parallel_loop3A_829 = tpu.vector_load %arg8[%parallel_loop3A_826, %parallel_loop3A_827, %parallel_loop3A_828] {strides = array<i32>} : memref<4x50x32xf32, #tpu.memory_space<vmem>>, vector<1x1x16xf32>,
        %parallel_loop3A_830 = vector.shape_cast %parallel_loop3A_829 : vector<1x1x16xf32> to vector<16xf32>
        %parallel_loop3A_831 = vector.shape_cast %parallel_loop3A_824 : vector<16xf32> to vector<1x1x16xf32>
        tpu.vector_store %arg8[%parallel_loop3A_826, %parallel_loop3A_827, %parallel_loop3A_828], %parallel_loop3A_831 {strides = array<i32>} : memref<4x50x32xf32, #tpu.memory_space<vmem>>, vector<1x1x16xf32>,
        %parallel_loop3A_832 = arith.constant 16 : i32
        %parallel_loop3A_833 = arith.addi %parallel_loop3A_821, %parallel_loop3A_832 : i32
        %parallel_loop3A_834 = arith.index_cast %parallel_loop3A_833 : i32 to index
        %parallel_loop3A_835 = tpu.vector_load %arg5[%parallel_loop3A_834] {strides = array<i32>} : memref<704xf32, #tpu.memory_space<vmem>>, vector<16xf32>,
        %parallel_loop3A_836 = vector.shape_cast %parallel_loop3A_835 : vector<16xf32> to vector<16xf32>
        %parallel_loop3A_837 = arith.constant 31 : i32
        %parallel_loop3A_838 = arith.index_cast %parallel_loop3A_58 : i32 to index
        %parallel_loop3A_839 = arith.index_cast %parallel_loop3A_837 : i32 to index
        %parallel_loop3A_840 = arith.constant 16 : index
        %parallel_loop3A_841 = tpu.vector_load %arg8[%parallel_loop3A_838, %parallel_loop3A_839, %parallel_loop3A_840] {strides = array<i32>} : memref<4x50x32xf32, #tpu.memory_space<vmem>>, vector<1x1x16xf32>,
        %parallel_loop3A_842 = vector.shape_cast %parallel_loop3A_841 : vector<1x1x16xf32> to vector<16xf32>
        %parallel_loop3A_843 = vector.shape_cast %parallel_loop3A_836 : vector<16xf32> to vector<1x1x16xf32>
        tpu.vector_store %arg8[%parallel_loop3A_838, %parallel_loop3A_839, %parallel_loop3A_840], %parallel_loop3A_843 {strides = array<i32>} : memref<4x50x32xf32, #tpu.memory_space<vmem>>, vector<1x1x16xf32>,
        %parallel_loop3A_844 = arith.index_cast %parallel_loop3A_61 : i32 to index
        %parallel_loop3A_845 = arith.constant 32 : index
        %parallel_loop3A_846 = tpu.vector_load %arg6[%parallel_loop3A_844, %parallel_loop3A_845] {strides = array<i32>} : memref<512x50xi32, #tpu.memory_space<vmem>>, vector<1x16xi32>,
        %parallel_loop3A_847 = vector.shape_cast %parallel_loop3A_846 : vector<1x16xi32> to vector<16xi32>
        %parallel_loop3A_848 = arith.constant 32 : i32
        %parallel_loop3A_849 = vector.broadcast %parallel_loop3A_848 : i32 to vector<16xi32>
        %parallel_loop3A_850 = arith.muli %parallel_loop3A_847, %parallel_loop3A_849 : vector<16xi32>
        %parallel_loop3A_851 = vector.extract_strided_slice %parallel_loop3A_850 {offsets = [0], sizes = [1], strides = [1]} : vector<16xi32> to vector<1xi32>
        %parallel_loop3A_852 = vector.extract %parallel_loop3A_851[0] : i32 from vector<1xi32>
        %parallel_loop3A_853 = arith.index_cast %parallel_loop3A_852 : i32 to index
        %parallel_loop3A_854 = tpu.vector_load %arg5[%parallel_loop3A_853] {strides = array<i32>} : memref<704xf32, #tpu.memory_space<vmem>>, vector<16xf32>,
        %parallel_loop3A_855 = vector.shape_cast %parallel_loop3A_854 : vector<16xf32> to vector<16xf32>
        %parallel_loop3A_856 = arith.constant 32 : i32
        %parallel_loop3A_857 = arith.index_cast %parallel_loop3A_58 : i32 to index
        %parallel_loop3A_858 = arith.index_cast %parallel_loop3A_856 : i32 to index
        %parallel_loop3A_859 = arith.constant 0 : index
        %parallel_loop3A_860 = tpu.vector_load %arg8[%parallel_loop3A_857, %parallel_loop3A_858, %parallel_loop3A_859] {strides = array<i32>} : memref<4x50x32xf32, #tpu.memory_space<vmem>>, vector<1x1x16xf32>,
        %parallel_loop3A_861 = vector.shape_cast %parallel_loop3A_860 : vector<1x1x16xf32> to vector<16xf32>
        %parallel_loop3A_862 = vector.shape_cast %parallel_loop3A_855 : vector<16xf32> to vector<1x1x16xf32>
        tpu.vector_store %arg8[%parallel_loop3A_857, %parallel_loop3A_858, %parallel_loop3A_859], %parallel_loop3A_862 {strides = array<i32>} : memref<4x50x32xf32, #tpu.memory_space<vmem>>, vector<1x1x16xf32>,
        %parallel_loop3A_863 = arith.constant 16 : i32
        %parallel_loop3A_864 = arith.addi %parallel_loop3A_852, %parallel_loop3A_863 : i32
        %parallel_loop3A_865 = arith.index_cast %parallel_loop3A_864 : i32 to index
        %parallel_loop3A_866 = tpu.vector_load %arg5[%parallel_loop3A_865] {strides = array<i32>} : memref<704xf32, #tpu.memory_space<vmem>>, vector<16xf32>,
        %parallel_loop3A_867 = vector.shape_cast %parallel_loop3A_866 : vector<16xf32> to vector<16xf32>
        %parallel_loop3A_868 = arith.constant 32 : i32
        %parallel_loop3A_869 = arith.index_cast %parallel_loop3A_58 : i32 to index
        %parallel_loop3A_870 = arith.index_cast %parallel_loop3A_868 : i32 to index
        %parallel_loop3A_871 = arith.constant 16 : index
        %parallel_loop3A_872 = tpu.vector_load %arg8[%parallel_loop3A_869, %parallel_loop3A_870, %parallel_loop3A_871] {strides = array<i32>} : memref<4x50x32xf32, #tpu.memory_space<vmem>>, vector<1x1x16xf32>,
        %parallel_loop3A_873 = vector.shape_cast %parallel_loop3A_872 : vector<1x1x16xf32> to vector<16xf32>
        %parallel_loop3A_874 = vector.shape_cast %parallel_loop3A_867 : vector<16xf32> to vector<1x1x16xf32>
        tpu.vector_store %arg8[%parallel_loop3A_869, %parallel_loop3A_870, %parallel_loop3A_871], %parallel_loop3A_874 {strides = array<i32>} : memref<4x50x32xf32, #tpu.memory_space<vmem>>, vector<1x1x16xf32>,
        %parallel_loop3A_875 = vector.extract_strided_slice %parallel_loop3A_850 {offsets = [1], sizes = [1], strides = [1]} : vector<16xi32> to vector<1xi32>
        %parallel_loop3A_876 = vector.extract %parallel_loop3A_875[0] : i32 from vector<1xi32>
        %parallel_loop3A_877 = arith.index_cast %parallel_loop3A_876 : i32 to index
        %parallel_loop3A_878 = tpu.vector_load %arg5[%parallel_loop3A_877] {strides = array<i32>} : memref<704xf32, #tpu.memory_space<vmem>>, vector<16xf32>,
        %parallel_loop3A_879 = vector.shape_cast %parallel_loop3A_878 : vector<16xf32> to vector<16xf32>
        %parallel_loop3A_880 = arith.constant 33 : i32
        %parallel_loop3A_881 = arith.index_cast %parallel_loop3A_58 : i32 to index
        %parallel_loop3A_882 = arith.index_cast %parallel_loop3A_880 : i32 to index
        %parallel_loop3A_883 = arith.constant 0 : index
        %parallel_loop3A_884 = tpu.vector_load %arg8[%parallel_loop3A_881, %parallel_loop3A_882, %parallel_loop3A_883] {strides = array<i32>} : memref<4x50x32xf32, #tpu.memory_space<vmem>>, vector<1x1x16xf32>,
        %parallel_loop3A_885 = vector.shape_cast %parallel_loop3A_884 : vector<1x1x16xf32> to vector<16xf32>
        %parallel_loop3A_886 = vector.shape_cast %parallel_loop3A_879 : vector<16xf32> to vector<1x1x16xf32>
        tpu.vector_store %arg8[%parallel_loop3A_881, %parallel_loop3A_882, %parallel_loop3A_883], %parallel_loop3A_886 {strides = array<i32>} : memref<4x50x32xf32, #tpu.memory_space<vmem>>, vector<1x1x16xf32>,
        %parallel_loop3A_887 = arith.constant 16 : i32
        %parallel_loop3A_888 = arith.addi %parallel_loop3A_876, %parallel_loop3A_887 : i32
        %parallel_loop3A_889 = arith.index_cast %parallel_loop3A_888 : i32 to index
        %parallel_loop3A_890 = tpu.vector_load %arg5[%parallel_loop3A_889] {strides = array<i32>} : memref<704xf32, #tpu.memory_space<vmem>>, vector<16xf32>,
        %parallel_loop3A_891 = vector.shape_cast %parallel_loop3A_890 : vector<16xf32> to vector<16xf32>
        %parallel_loop3A_892 = arith.constant 33 : i32
        %parallel_loop3A_893 = arith.index_cast %parallel_loop3A_58 : i32 to index
        %parallel_loop3A_894 = arith.index_cast %parallel_loop3A_892 : i32 to index
        %parallel_loop3A_895 = arith.constant 16 : index
        %parallel_loop3A_896 = tpu.vector_load %arg8[%parallel_loop3A_893, %parallel_loop3A_894, %parallel_loop3A_895] {strides = array<i32>} : memref<4x50x32xf32, #tpu.memory_space<vmem>>, vector<1x1x16xf32>,
        %parallel_loop3A_897 = vector.shape_cast %parallel_loop3A_896 : vector<1x1x16xf32> to vector<16xf32>
        %parallel_loop3A_898 = vector.shape_cast %parallel_loop3A_891 : vector<16xf32> to vector<1x1x16xf32>
        tpu.vector_store %arg8[%parallel_loop3A_893, %parallel_loop3A_894, %parallel_loop3A_895], %parallel_loop3A_898 {strides = array<i32>} : memref<4x50x32xf32, #tpu.memory_space<vmem>>, vector<1x1x16xf32>,
        %parallel_loop3A_899 = vector.extract_strided_slice %parallel_loop3A_850 {offsets = [2], sizes = [1], strides = [1]} : vector<16xi32> to vector<1xi32>
        %parallel_loop3A_900 = vector.extract %parallel_loop3A_899[0] : i32 from vector<1xi32>
        %parallel_loop3A_901 = arith.index_cast %parallel_loop3A_900 : i32 to index
        %parallel_loop3A_902 = tpu.vector_load %arg5[%parallel_loop3A_901] {strides = array<i32>} : memref<704xf32, #tpu.memory_space<vmem>>, vector<16xf32>,
        %parallel_loop3A_903 = vector.shape_cast %parallel_loop3A_902 : vector<16xf32> to vector<16xf32>
        %parallel_loop3A_904 = arith.constant 34 : i32
        %parallel_loop3A_905 = arith.index_cast %parallel_loop3A_58 : i32 to index
        %parallel_loop3A_906 = arith.index_cast %parallel_loop3A_904 : i32 to index
        %parallel_loop3A_907 = arith.constant 0 : index
        %parallel_loop3A_908 = tpu.vector_load %arg8[%parallel_loop3A_905, %parallel_loop3A_906, %parallel_loop3A_907] {strides = array<i32>} : memref<4x50x32xf32, #tpu.memory_space<vmem>>, vector<1x1x16xf32>,
        %parallel_loop3A_909 = vector.shape_cast %parallel_loop3A_908 : vector<1x1x16xf32> to vector<16xf32>
        %parallel_loop3A_910 = vector.shape_cast %parallel_loop3A_903 : vector<16xf32> to vector<1x1x16xf32>
        tpu.vector_store %arg8[%parallel_loop3A_905, %parallel_loop3A_906, %parallel_loop3A_907], %parallel_loop3A_910 {strides = array<i32>} : memref<4x50x32xf32, #tpu.memory_space<vmem>>, vector<1x1x16xf32>,
        %parallel_loop3A_911 = arith.constant 16 : i32
        %parallel_loop3A_912 = arith.addi %parallel_loop3A_900, %parallel_loop3A_911 : i32
        %parallel_loop3A_913 = arith.index_cast %parallel_loop3A_912 : i32 to index
        %parallel_loop3A_914 = tpu.vector_load %arg5[%parallel_loop3A_913] {strides = array<i32>} : memref<704xf32, #tpu.memory_space<vmem>>, vector<16xf32>,
        %parallel_loop3A_915 = vector.shape_cast %parallel_loop3A_914 : vector<16xf32> to vector<16xf32>
        %parallel_loop3A_916 = arith.constant 34 : i32
        %parallel_loop3A_917 = arith.index_cast %parallel_loop3A_58 : i32 to index
        %parallel_loop3A_918 = arith.index_cast %parallel_loop3A_916 : i32 to index
        %parallel_loop3A_919 = arith.constant 16 : index
        %parallel_loop3A_920 = tpu.vector_load %arg8[%parallel_loop3A_917, %parallel_loop3A_918, %parallel_loop3A_919] {strides = array<i32>} : memref<4x50x32xf32, #tpu.memory_space<vmem>>, vector<1x1x16xf32>,
        %parallel_loop3A_921 = vector.shape_cast %parallel_loop3A_920 : vector<1x1x16xf32> to vector<16xf32>
        %parallel_loop3A_922 = vector.shape_cast %parallel_loop3A_915 : vector<16xf32> to vector<1x1x16xf32>
        tpu.vector_store %arg8[%parallel_loop3A_917, %parallel_loop3A_918, %parallel_loop3A_919], %parallel_loop3A_922 {strides = array<i32>} : memref<4x50x32xf32, #tpu.memory_space<vmem>>, vector<1x1x16xf32>,
        %parallel_loop3A_923 = vector.extract_strided_slice %parallel_loop3A_850 {offsets = [3], sizes = [1], strides = [1]} : vector<16xi32> to vector<1xi32>
        %parallel_loop3A_924 = vector.extract %parallel_loop3A_923[0] : i32 from vector<1xi32>
        %parallel_loop3A_925 = arith.index_cast %parallel_loop3A_924 : i32 to index
        %parallel_loop3A_926 = tpu.vector_load %arg5[%parallel_loop3A_925] {strides = array<i32>} : memref<704xf32, #tpu.memory_space<vmem>>, vector<16xf32>,
        %parallel_loop3A_927 = vector.shape_cast %parallel_loop3A_926 : vector<16xf32> to vector<16xf32>
        %parallel_loop3A_928 = arith.constant 35 : i32
        %parallel_loop3A_929 = arith.index_cast %parallel_loop3A_58 : i32 to index
        %parallel_loop3A_930 = arith.index_cast %parallel_loop3A_928 : i32 to index
        %parallel_loop3A_931 = arith.constant 0 : index
        %parallel_loop3A_932 = tpu.vector_load %arg8[%parallel_loop3A_929, %parallel_loop3A_930, %parallel_loop3A_931] {strides = array<i32>} : memref<4x50x32xf32, #tpu.memory_space<vmem>>, vector<1x1x16xf32>,
        %parallel_loop3A_933 = vector.shape_cast %parallel_loop3A_932 : vector<1x1x16xf32> to vector<16xf32>
        %parallel_loop3A_934 = vector.shape_cast %parallel_loop3A_927 : vector<16xf32> to vector<1x1x16xf32>
        tpu.vector_store %arg8[%parallel_loop3A_929, %parallel_loop3A_930, %parallel_loop3A_931], %parallel_loop3A_934 {strides = array<i32>} : memref<4x50x32xf32, #tpu.memory_space<vmem>>, vector<1x1x16xf32>,
        %parallel_loop3A_935 = arith.constant 16 : i32
        %parallel_loop3A_936 = arith.addi %parallel_loop3A_924, %parallel_loop3A_935 : i32
        %parallel_loop3A_937 = arith.index_cast %parallel_loop3A_936 : i32 to index
        %parallel_loop3A_938 = tpu.vector_load %arg5[%parallel_loop3A_937] {strides = array<i32>} : memref<704xf32, #tpu.memory_space<vmem>>, vector<16xf32>,
        %parallel_loop3A_939 = vector.shape_cast %parallel_loop3A_938 : vector<16xf32> to vector<16xf32>
        %parallel_loop3A_940 = arith.constant 35 : i32
        %parallel_loop3A_941 = arith.index_cast %parallel_loop3A_58 : i32 to index
        %parallel_loop3A_942 = arith.index_cast %parallel_loop3A_940 : i32 to index
        %parallel_loop3A_943 = arith.constant 16 : index
        %parallel_loop3A_944 = tpu.vector_load %arg8[%parallel_loop3A_941, %parallel_loop3A_942, %parallel_loop3A_943] {strides = array<i32>} : memref<4x50x32xf32, #tpu.memory_space<vmem>>, vector<1x1x16xf32>,
        %parallel_loop3A_945 = vector.shape_cast %parallel_loop3A_944 : vector<1x1x16xf32> to vector<16xf32>
        %parallel_loop3A_946 = vector.shape_cast %parallel_loop3A_939 : vector<16xf32> to vector<1x1x16xf32>
        tpu.vector_store %arg8[%parallel_loop3A_941, %parallel_loop3A_942, %parallel_loop3A_943], %parallel_loop3A_946 {strides = array<i32>} : memref<4x50x32xf32, #tpu.memory_space<vmem>>, vector<1x1x16xf32>,
        %parallel_loop3A_947 = vector.extract_strided_slice %parallel_loop3A_850 {offsets = [4], sizes = [1], strides = [1]} : vector<16xi32> to vector<1xi32>
        %parallel_loop3A_948 = vector.extract %parallel_loop3A_947[0] : i32 from vector<1xi32>
        %parallel_loop3A_949 = arith.index_cast %parallel_loop3A_948 : i32 to index
        %parallel_loop3A_950 = tpu.vector_load %arg5[%parallel_loop3A_949] {strides = array<i32>} : memref<704xf32, #tpu.memory_space<vmem>>, vector<16xf32>,
        %parallel_loop3A_951 = vector.shape_cast %parallel_loop3A_950 : vector<16xf32> to vector<16xf32>
        %parallel_loop3A_952 = arith.constant 36 : i32
        %parallel_loop3A_953 = arith.index_cast %parallel_loop3A_58 : i32 to index
        %parallel_loop3A_954 = arith.index_cast %parallel_loop3A_952 : i32 to index
        %parallel_loop3A_955 = arith.constant 0 : index
        %parallel_loop3A_956 = tpu.vector_load %arg8[%parallel_loop3A_953, %parallel_loop3A_954, %parallel_loop3A_955] {strides = array<i32>} : memref<4x50x32xf32, #tpu.memory_space<vmem>>, vector<1x1x16xf32>,
        %parallel_loop3A_957 = vector.shape_cast %parallel_loop3A_956 : vector<1x1x16xf32> to vector<16xf32>
        %parallel_loop3A_958 = vector.shape_cast %parallel_loop3A_951 : vector<16xf32> to vector<1x1x16xf32>
        tpu.vector_store %arg8[%parallel_loop3A_953, %parallel_loop3A_954, %parallel_loop3A_955], %parallel_loop3A_958 {strides = array<i32>} : memref<4x50x32xf32, #tpu.memory_space<vmem>>, vector<1x1x16xf32>,
        %parallel_loop3A_959 = arith.constant 16 : i32
        %parallel_loop3A_960 = arith.addi %parallel_loop3A_948, %parallel_loop3A_959 : i32
        %parallel_loop3A_961 = arith.index_cast %parallel_loop3A_960 : i32 to index
        %parallel_loop3A_962 = tpu.vector_load %arg5[%parallel_loop3A_961] {strides = array<i32>} : memref<704xf32, #tpu.memory_space<vmem>>, vector<16xf32>,
        %parallel_loop3A_963 = vector.shape_cast %parallel_loop3A_962 : vector<16xf32> to vector<16xf32>
        %parallel_loop3A_964 = arith.constant 36 : i32
        %parallel_loop3A_965 = arith.index_cast %parallel_loop3A_58 : i32 to index
        %parallel_loop3A_966 = arith.index_cast %parallel_loop3A_964 : i32 to index
        %parallel_loop3A_967 = arith.constant 16 : index
        %parallel_loop3A_968 = tpu.vector_load %arg8[%parallel_loop3A_965, %parallel_loop3A_966, %parallel_loop3A_967] {strides = array<i32>} : memref<4x50x32xf32, #tpu.memory_space<vmem>>, vector<1x1x16xf32>,
        %parallel_loop3A_969 = vector.shape_cast %parallel_loop3A_968 : vector<1x1x16xf32> to vector<16xf32>
        %parallel_loop3A_970 = vector.shape_cast %parallel_loop3A_963 : vector<16xf32> to vector<1x1x16xf32>
        tpu.vector_store %arg8[%parallel_loop3A_965, %parallel_loop3A_966, %parallel_loop3A_967], %parallel_loop3A_970 {strides = array<i32>} : memref<4x50x32xf32, #tpu.memory_space<vmem>>, vector<1x1x16xf32>,
        %parallel_loop3A_971 = vector.extract_strided_slice %parallel_loop3A_850 {offsets = [5], sizes = [1], strides = [1]} : vector<16xi32> to vector<1xi32>
        %parallel_loop3A_972 = vector.extract %parallel_loop3A_971[0] : i32 from vector<1xi32>
        %parallel_loop3A_973 = arith.index_cast %parallel_loop3A_972 : i32 to index
        %parallel_loop3A_974 = tpu.vector_load %arg5[%parallel_loop3A_973] {strides = array<i32>} : memref<704xf32, #tpu.memory_space<vmem>>, vector<16xf32>,
        %parallel_loop3A_975 = vector.shape_cast %parallel_loop3A_974 : vector<16xf32> to vector<16xf32>
        %parallel_loop3A_976 = arith.constant 37 : i32
        %parallel_loop3A_977 = arith.index_cast %parallel_loop3A_58 : i32 to index
        %parallel_loop3A_978 = arith.index_cast %parallel_loop3A_976 : i32 to index
        %parallel_loop3A_979 = arith.constant 0 : index
        %parallel_loop3A_980 = tpu.vector_load %arg8[%parallel_loop3A_977, %parallel_loop3A_978, %parallel_loop3A_979] {strides = array<i32>} : memref<4x50x32xf32, #tpu.memory_space<vmem>>, vector<1x1x16xf32>,
        %parallel_loop3A_981 = vector.shape_cast %parallel_loop3A_980 : vector<1x1x16xf32> to vector<16xf32>
        %parallel_loop3A_982 = vector.shape_cast %parallel_loop3A_975 : vector<16xf32> to vector<1x1x16xf32>
        tpu.vector_store %arg8[%parallel_loop3A_977, %parallel_loop3A_978, %parallel_loop3A_979], %parallel_loop3A_982 {strides = array<i32>} : memref<4x50x32xf32, #tpu.memory_space<vmem>>, vector<1x1x16xf32>,
        %parallel_loop3A_983 = arith.constant 16 : i32
        %parallel_loop3A_984 = arith.addi %parallel_loop3A_972, %parallel_loop3A_983 : i32
        %parallel_loop3A_985 = arith.index_cast %parallel_loop3A_984 : i32 to index
        %parallel_loop3A_986 = tpu.vector_load %arg5[%parallel_loop3A_985] {strides = array<i32>} : memref<704xf32, #tpu.memory_space<vmem>>, vector<16xf32>,
        %parallel_loop3A_987 = vector.shape_cast %parallel_loop3A_986 : vector<16xf32> to vector<16xf32>
        %parallel_loop3A_988 = arith.constant 37 : i32
        %parallel_loop3A_989 = arith.index_cast %parallel_loop3A_58 : i32 to index
        %parallel_loop3A_990 = arith.index_cast %parallel_loop3A_988 : i32 to index
        %parallel_loop3A_991 = arith.constant 16 : index
        %parallel_loop3A_992 = tpu.vector_load %arg8[%parallel_loop3A_989, %parallel_loop3A_990, %parallel_loop3A_991] {strides = array<i32>} : memref<4x50x32xf32, #tpu.memory_space<vmem>>, vector<1x1x16xf32>,
        %parallel_loop3A_993 = vector.shape_cast %parallel_loop3A_992 : vector<1x1x16xf32> to vector<16xf32>
        %parallel_loop3A_994 = vector.shape_cast %parallel_loop3A_987 : vector<16xf32> to vector<1x1x16xf32>
        tpu.vector_store %arg8[%parallel_loop3A_989, %parallel_loop3A_990, %parallel_loop3A_991], %parallel_loop3A_994 {strides = array<i32>} : memref<4x50x32xf32, #tpu.memory_space<vmem>>, vector<1x1x16xf32>,
        %parallel_loop3A_995 = vector.extract_strided_slice %parallel_loop3A_850 {offsets = [6], sizes = [1], strides = [1]} : vector<16xi32> to vector<1xi32>
        %parallel_loop3A_996 = vector.extract %parallel_loop3A_995[0] : i32 from vector<1xi32>
        %parallel_loop3A_997 = arith.index_cast %parallel_loop3A_996 : i32 to index
        %parallel_loop3A_998 = tpu.vector_load %arg5[%parallel_loop3A_997] {strides = array<i32>} : memref<704xf32, #tpu.memory_space<vmem>>, vector<16xf32>,
        %parallel_loop3A_999 = vector.shape_cast %parallel_loop3A_998 : vector<16xf32> to vector<16xf32>
        %parallel_loop3A_1000 = arith.constant 38 : i32
        %parallel_loop3A_1001 = arith.index_cast %parallel_loop3A_58 : i32 to index
        %parallel_loop3A_1002 = arith.index_cast %parallel_loop3A_1000 : i32 to index
        %parallel_loop3A_1003 = arith.constant 0 : index
        %parallel_loop3A_1004 = tpu.vector_load %arg8[%parallel_loop3A_1001, %parallel_loop3A_1002, %parallel_loop3A_1003] {strides = array<i32>} : memref<4x50x32xf32, #tpu.memory_space<vmem>>, vector<1x1x16xf32>,
        %parallel_loop3A_1005 = vector.shape_cast %parallel_loop3A_1004 : vector<1x1x16xf32> to vector<16xf32>
        %parallel_loop3A_1006 = vector.shape_cast %parallel_loop3A_999 : vector<16xf32> to vector<1x1x16xf32>
        tpu.vector_store %arg8[%parallel_loop3A_1001, %parallel_loop3A_1002, %parallel_loop3A_1003], %parallel_loop3A_1006 {strides = array<i32>} : memref<4x50x32xf32, #tpu.memory_space<vmem>>, vector<1x1x16xf32>,
        %parallel_loop3A_1007 = arith.constant 16 : i32
        %parallel_loop3A_1008 = arith.addi %parallel_loop3A_996, %parallel_loop3A_1007 : i32
        %parallel_loop3A_1009 = arith.index_cast %parallel_loop3A_1008 : i32 to index
        %parallel_loop3A_1010 = tpu.vector_load %arg5[%parallel_loop3A_1009] {strides = array<i32>} : memref<704xf32, #tpu.memory_space<vmem>>, vector<16xf32>,
        %parallel_loop3A_1011 = vector.shape_cast %parallel_loop3A_1010 : vector<16xf32> to vector<16xf32>
        %parallel_loop3A_1012 = arith.constant 38 : i32
        %parallel_loop3A_1013 = arith.index_cast %parallel_loop3A_58 : i32 to index
        %parallel_loop3A_1014 = arith.index_cast %parallel_loop3A_1012 : i32 to index
        %parallel_loop3A_1015 = arith.constant 16 : index
        %parallel_loop3A_1016 = tpu.vector_load %arg8[%parallel_loop3A_1013, %parallel_loop3A_1014, %parallel_loop3A_1015] {strides = array<i32>} : memref<4x50x32xf32, #tpu.memory_space<vmem>>, vector<1x1x16xf32>,
        %parallel_loop3A_1017 = vector.shape_cast %parallel_loop3A_1016 : vector<1x1x16xf32> to vector<16xf32>
        %parallel_loop3A_1018 = vector.shape_cast %parallel_loop3A_1011 : vector<16xf32> to vector<1x1x16xf32>
        tpu.vector_store %arg8[%parallel_loop3A_1013, %parallel_loop3A_1014, %parallel_loop3A_1015], %parallel_loop3A_1018 {strides = array<i32>} : memref<4x50x32xf32, #tpu.memory_space<vmem>>, vector<1x1x16xf32>,
        %parallel_loop3A_1019 = vector.extract_strided_slice %parallel_loop3A_850 {offsets = [7], sizes = [1], strides = [1]} : vector<16xi32> to vector<1xi32>
        %parallel_loop3A_1020 = vector.extract %parallel_loop3A_1019[0] : i32 from vector<1xi32>
        %parallel_loop3A_1021 = arith.index_cast %parallel_loop3A_1020 : i32 to index
        %parallel_loop3A_1022 = tpu.vector_load %arg5[%parallel_loop3A_1021] {strides = array<i32>} : memref<704xf32, #tpu.memory_space<vmem>>, vector<16xf32>,
        %parallel_loop3A_1023 = vector.shape_cast %parallel_loop3A_1022 : vector<16xf32> to vector<16xf32>
        %parallel_loop3A_1024 = arith.constant 39 : i32
        %parallel_loop3A_1025 = arith.index_cast %parallel_loop3A_58 : i32 to index
        %parallel_loop3A_1026 = arith.index_cast %parallel_loop3A_1024 : i32 to index
        %parallel_loop3A_1027 = arith.constant 0 : index
        %parallel_loop3A_1028 = tpu.vector_load %arg8[%parallel_loop3A_1025, %parallel_loop3A_1026, %parallel_loop3A_1027] {strides = array<i32>} : memref<4x50x32xf32, #tpu.memory_space<vmem>>, vector<1x1x16xf32>,
        %parallel_loop3A_1029 = vector.shape_cast %parallel_loop3A_1028 : vector<1x1x16xf32> to vector<16xf32>
        %parallel_loop3A_1030 = vector.shape_cast %parallel_loop3A_1023 : vector<16xf32> to vector<1x1x16xf32>
        tpu.vector_store %arg8[%parallel_loop3A_1025, %parallel_loop3A_1026, %parallel_loop3A_1027], %parallel_loop3A_1030 {strides = array<i32>} : memref<4x50x32xf32, #tpu.memory_space<vmem>>, vector<1x1x16xf32>,
        %parallel_loop3A_1031 = arith.constant 16 : i32
        %parallel_loop3A_1032 = arith.addi %parallel_loop3A_1020, %parallel_loop3A_1031 : i32
        %parallel_loop3A_1033 = arith.index_cast %parallel_loop3A_1032 : i32 to index
        %parallel_loop3A_1034 = tpu.vector_load %arg5[%parallel_loop3A_1033] {strides = array<i32>} : memref<704xf32, #tpu.memory_space<vmem>>, vector<16xf32>,
        %parallel_loop3A_1035 = vector.shape_cast %parallel_loop3A_1034 : vector<16xf32> to vector<16xf32>
        %parallel_loop3A_1036 = arith.constant 39 : i32
        %parallel_loop3A_1037 = arith.index_cast %parallel_loop3A_58 : i32 to index
        %parallel_loop3A_1038 = arith.index_cast %parallel_loop3A_1036 : i32 to index
        %parallel_loop3A_1039 = arith.constant 16 : index
        %parallel_loop3A_1040 = tpu.vector_load %arg8[%parallel_loop3A_1037, %parallel_loop3A_1038, %parallel_loop3A_1039] {strides = array<i32>} : memref<4x50x32xf32, #tpu.memory_space<vmem>>, vector<1x1x16xf32>,
        %parallel_loop3A_1041 = vector.shape_cast %parallel_loop3A_1040 : vector<1x1x16xf32> to vector<16xf32>
        %parallel_loop3A_1042 = vector.shape_cast %parallel_loop3A_1035 : vector<16xf32> to vector<1x1x16xf32>
        tpu.vector_store %arg8[%parallel_loop3A_1037, %parallel_loop3A_1038, %parallel_loop3A_1039], %parallel_loop3A_1042 {strides = array<i32>} : memref<4x50x32xf32, #tpu.memory_space<vmem>>, vector<1x1x16xf32>,
        %parallel_loop3A_1043 = vector.extract_strided_slice %parallel_loop3A_850 {offsets = [8], sizes = [1], strides = [1]} : vector<16xi32> to vector<1xi32>
        %parallel_loop3A_1044 = vector.extract %parallel_loop3A_1043[0] : i32 from vector<1xi32>
        %parallel_loop3A_1045 = arith.index_cast %parallel_loop3A_1044 : i32 to index
        %parallel_loop3A_1046 = tpu.vector_load %arg5[%parallel_loop3A_1045] {strides = array<i32>} : memref<704xf32, #tpu.memory_space<vmem>>, vector<16xf32>,
        %parallel_loop3A_1047 = vector.shape_cast %parallel_loop3A_1046 : vector<16xf32> to vector<16xf32>
        %parallel_loop3A_1048 = arith.constant 40 : i32
        %parallel_loop3A_1049 = arith.index_cast %parallel_loop3A_58 : i32 to index
        %parallel_loop3A_1050 = arith.index_cast %parallel_loop3A_1048 : i32 to index
        %parallel_loop3A_1051 = arith.constant 0 : index
        %parallel_loop3A_1052 = tpu.vector_load %arg8[%parallel_loop3A_1049, %parallel_loop3A_1050, %parallel_loop3A_1051] {strides = array<i32>} : memref<4x50x32xf32, #tpu.memory_space<vmem>>, vector<1x1x16xf32>,
        %parallel_loop3A_1053 = vector.shape_cast %parallel_loop3A_1052 : vector<1x1x16xf32> to vector<16xf32>
        %parallel_loop3A_1054 = vector.shape_cast %parallel_loop3A_1047 : vector<16xf32> to vector<1x1x16xf32>
        tpu.vector_store %arg8[%parallel_loop3A_1049, %parallel_loop3A_1050, %parallel_loop3A_1051], %parallel_loop3A_1054 {strides = array<i32>} : memref<4x50x32xf32, #tpu.memory_space<vmem>>, vector<1x1x16xf32>,
        %parallel_loop3A_1055 = arith.constant 16 : i32
        %parallel_loop3A_1056 = arith.addi %parallel_loop3A_1044, %parallel_loop3A_1055 : i32
        %parallel_loop3A_1057 = arith.index_cast %parallel_loop3A_1056 : i32 to index
        %parallel_loop3A_1058 = tpu.vector_load %arg5[%parallel_loop3A_1057] {strides = array<i32>} : memref<704xf32, #tpu.memory_space<vmem>>, vector<16xf32>,
        %parallel_loop3A_1059 = vector.shape_cast %parallel_loop3A_1058 : vector<16xf32> to vector<16xf32>
        %parallel_loop3A_1060 = arith.constant 40 : i32
        %parallel_loop3A_1061 = arith.index_cast %parallel_loop3A_58 : i32 to index
        %parallel_loop3A_1062 = arith.index_cast %parallel_loop3A_1060 : i32 to index
        %parallel_loop3A_1063 = arith.constant 16 : index
        %parallel_loop3A_1064 = tpu.vector_load %arg8[%parallel_loop3A_1061, %parallel_loop3A_1062, %parallel_loop3A_1063] {strides = array<i32>} : memref<4x50x32xf32, #tpu.memory_space<vmem>>, vector<1x1x16xf32>,
        %parallel_loop3A_1065 = vector.shape_cast %parallel_loop3A_1064 : vector<1x1x16xf32> to vector<16xf32>
        %parallel_loop3A_1066 = vector.shape_cast %parallel_loop3A_1059 : vector<16xf32> to vector<1x1x16xf32>
        tpu.vector_store %arg8[%parallel_loop3A_1061, %parallel_loop3A_1062, %parallel_loop3A_1063], %parallel_loop3A_1066 {strides = array<i32>} : memref<4x50x32xf32, #tpu.memory_space<vmem>>, vector<1x1x16xf32>,
        %parallel_loop3A_1067 = vector.extract_strided_slice %parallel_loop3A_850 {offsets = [9], sizes = [1], strides = [1]} : vector<16xi32> to vector<1xi32>
        %parallel_loop3A_1068 = vector.extract %parallel_loop3A_1067[0] : i32 from vector<1xi32>
        %parallel_loop3A_1069 = arith.index_cast %parallel_loop3A_1068 : i32 to index
        %parallel_loop3A_1070 = tpu.vector_load %arg5[%parallel_loop3A_1069] {strides = array<i32>} : memref<704xf32, #tpu.memory_space<vmem>>, vector<16xf32>,
        %parallel_loop3A_1071 = vector.shape_cast %parallel_loop3A_1070 : vector<16xf32> to vector<16xf32>
        %parallel_loop3A_1072 = arith.constant 41 : i32
        %parallel_loop3A_1073 = arith.index_cast %parallel_loop3A_58 : i32 to index
        %parallel_loop3A_1074 = arith.index_cast %parallel_loop3A_1072 : i32 to index
        %parallel_loop3A_1075 = arith.constant 0 : index
        %parallel_loop3A_1076 = tpu.vector_load %arg8[%parallel_loop3A_1073, %parallel_loop3A_1074, %parallel_loop3A_1075] {strides = array<i32>} : memref<4x50x32xf32, #tpu.memory_space<vmem>>, vector<1x1x16xf32>,
        %parallel_loop3A_1077 = vector.shape_cast %parallel_loop3A_1076 : vector<1x1x16xf32> to vector<16xf32>
        %parallel_loop3A_1078 = vector.shape_cast %parallel_loop3A_1071 : vector<16xf32> to vector<1x1x16xf32>
        tpu.vector_store %arg8[%parallel_loop3A_1073, %parallel_loop3A_1074, %parallel_loop3A_1075], %parallel_loop3A_1078 {strides = array<i32>} : memref<4x50x32xf32, #tpu.memory_space<vmem>>, vector<1x1x16xf32>,
        %parallel_loop3A_1079 = arith.constant 16 : i32
        %parallel_loop3A_1080 = arith.addi %parallel_loop3A_1068, %parallel_loop3A_1079 : i32
        %parallel_loop3A_1081 = arith.index_cast %parallel_loop3A_1080 : i32 to index
        %parallel_loop3A_1082 = tpu.vector_load %arg5[%parallel_loop3A_1081] {strides = array<i32>} : memref<704xf32, #tpu.memory_space<vmem>>, vector<16xf32>,
        %parallel_loop3A_1083 = vector.shape_cast %parallel_loop3A_1082 : vector<16xf32> to vector<16xf32>
        %parallel_loop3A_1084 = arith.constant 41 : i32
        %parallel_loop3A_1085 = arith.index_cast %parallel_loop3A_58 : i32 to index
        %parallel_loop3A_1086 = arith.index_cast %parallel_loop3A_1084 : i32 to index
        %parallel_loop3A_1087 = arith.constant 16 : index
        %parallel_loop3A_1088 = tpu.vector_load %arg8[%parallel_loop3A_1085, %parallel_loop3A_1086, %parallel_loop3A_1087] {strides = array<i32>} : memref<4x50x32xf32, #tpu.memory_space<vmem>>, vector<1x1x16xf32>,
        %parallel_loop3A_1089 = vector.shape_cast %parallel_loop3A_1088 : vector<1x1x16xf32> to vector<16xf32>
        %parallel_loop3A_1090 = vector.shape_cast %parallel_loop3A_1083 : vector<16xf32> to vector<1x1x16xf32>
        tpu.vector_store %arg8[%parallel_loop3A_1085, %parallel_loop3A_1086, %parallel_loop3A_1087], %parallel_loop3A_1090 {strides = array<i32>} : memref<4x50x32xf32, #tpu.memory_space<vmem>>, vector<1x1x16xf32>,
        %parallel_loop3A_1091 = vector.extract_strided_slice %parallel_loop3A_850 {offsets = [10], sizes = [1], strides = [1]} : vector<16xi32> to vector<1xi32>
        %parallel_loop3A_1092 = vector.extract %parallel_loop3A_1091[0] : i32 from vector<1xi32>
        %parallel_loop3A_1093 = arith.index_cast %parallel_loop3A_1092 : i32 to index
        %parallel_loop3A_1094 = tpu.vector_load %arg5[%parallel_loop3A_1093] {strides = array<i32>} : memref<704xf32, #tpu.memory_space<vmem>>, vector<16xf32>,
        %parallel_loop3A_1095 = vector.shape_cast %parallel_loop3A_1094 : vector<16xf32> to vector<16xf32>
        %parallel_loop3A_1096 = arith.constant 42 : i32
        %parallel_loop3A_1097 = arith.index_cast %parallel_loop3A_58 : i32 to index
        %parallel_loop3A_1098 = arith.index_cast %parallel_loop3A_1096 : i32 to index
        %parallel_loop3A_1099 = arith.constant 0 : index
        %parallel_loop3A_1100 = tpu.vector_load %arg8[%parallel_loop3A_1097, %parallel_loop3A_1098, %parallel_loop3A_1099] {strides = array<i32>} : memref<4x50x32xf32, #tpu.memory_space<vmem>>, vector<1x1x16xf32>,
        %parallel_loop3A_1101 = vector.shape_cast %parallel_loop3A_1100 : vector<1x1x16xf32> to vector<16xf32>
        %parallel_loop3A_1102 = vector.shape_cast %parallel_loop3A_1095 : vector<16xf32> to vector<1x1x16xf32>
        tpu.vector_store %arg8[%parallel_loop3A_1097, %parallel_loop3A_1098, %parallel_loop3A_1099], %parallel_loop3A_1102 {strides = array<i32>} : memref<4x50x32xf32, #tpu.memory_space<vmem>>, vector<1x1x16xf32>,
        %parallel_loop3A_1103 = arith.constant 16 : i32
        %parallel_loop3A_1104 = arith.addi %parallel_loop3A_1092, %parallel_loop3A_1103 : i32
        %parallel_loop3A_1105 = arith.index_cast %parallel_loop3A_1104 : i32 to index
        %parallel_loop3A_1106 = tpu.vector_load %arg5[%parallel_loop3A_1105] {strides = array<i32>} : memref<704xf32, #tpu.memory_space<vmem>>, vector<16xf32>,
        %parallel_loop3A_1107 = vector.shape_cast %parallel_loop3A_1106 : vector<16xf32> to vector<16xf32>
        %parallel_loop3A_1108 = arith.constant 42 : i32
        %parallel_loop3A_1109 = arith.index_cast %parallel_loop3A_58 : i32 to index
        %parallel_loop3A_1110 = arith.index_cast %parallel_loop3A_1108 : i32 to index
        %parallel_loop3A_1111 = arith.constant 16 : index
        %parallel_loop3A_1112 = tpu.vector_load %arg8[%parallel_loop3A_1109, %parallel_loop3A_1110, %parallel_loop3A_1111] {strides = array<i32>} : memref<4x50x32xf32, #tpu.memory_space<vmem>>, vector<1x1x16xf32>,
        %parallel_loop3A_1113 = vector.shape_cast %parallel_loop3A_1112 : vector<1x1x16xf32> to vector<16xf32>
        %parallel_loop3A_1114 = vector.shape_cast %parallel_loop3A_1107 : vector<16xf32> to vector<1x1x16xf32>
        tpu.vector_store %arg8[%parallel_loop3A_1109, %parallel_loop3A_1110, %parallel_loop3A_1111], %parallel_loop3A_1114 {strides = array<i32>} : memref<4x50x32xf32, #tpu.memory_space<vmem>>, vector<1x1x16xf32>,
        %parallel_loop3A_1115 = vector.extract_strided_slice %parallel_loop3A_850 {offsets = [11], sizes = [1], strides = [1]} : vector<16xi32> to vector<1xi32>
        %parallel_loop3A_1116 = vector.extract %parallel_loop3A_1115[0] : i32 from vector<1xi32>
        %parallel_loop3A_1117 = arith.index_cast %parallel_loop3A_1116 : i32 to index
        %parallel_loop3A_1118 = tpu.vector_load %arg5[%parallel_loop3A_1117] {strides = array<i32>} : memref<704xf32, #tpu.memory_space<vmem>>, vector<16xf32>,
        %parallel_loop3A_1119 = vector.shape_cast %parallel_loop3A_1118 : vector<16xf32> to vector<16xf32>
        %parallel_loop3A_1120 = arith.constant 43 : i32
        %parallel_loop3A_1121 = arith.index_cast %parallel_loop3A_58 : i32 to index
        %parallel_loop3A_1122 = arith.index_cast %parallel_loop3A_1120 : i32 to index
        %parallel_loop3A_1123 = arith.constant 0 : index
        %parallel_loop3A_1124 = tpu.vector_load %arg8[%parallel_loop3A_1121, %parallel_loop3A_1122, %parallel_loop3A_1123] {strides = array<i32>} : memref<4x50x32xf32, #tpu.memory_space<vmem>>, vector<1x1x16xf32>,
        %parallel_loop3A_1125 = vector.shape_cast %parallel_loop3A_1124 : vector<1x1x16xf32> to vector<16xf32>
        %parallel_loop3A_1126 = vector.shape_cast %parallel_loop3A_1119 : vector<16xf32> to vector<1x1x16xf32>
        tpu.vector_store %arg8[%parallel_loop3A_1121, %parallel_loop3A_1122, %parallel_loop3A_1123], %parallel_loop3A_1126 {strides = array<i32>} : memref<4x50x32xf32, #tpu.memory_space<vmem>>, vector<1x1x16xf32>,
        %parallel_loop3A_1127 = arith.constant 16 : i32
        %parallel_loop3A_1128 = arith.addi %parallel_loop3A_1116, %parallel_loop3A_1127 : i32
        %parallel_loop3A_1129 = arith.index_cast %parallel_loop3A_1128 : i32 to index
        %parallel_loop3A_1130 = tpu.vector_load %arg5[%parallel_loop3A_1129] {strides = array<i32>} : memref<704xf32, #tpu.memory_space<vmem>>, vector<16xf32>,
        %parallel_loop3A_1131 = vector.shape_cast %parallel_loop3A_1130 : vector<16xf32> to vector<16xf32>
        %parallel_loop3A_1132 = arith.constant 43 : i32
        %parallel_loop3A_1133 = arith.index_cast %parallel_loop3A_58 : i32 to index
        %parallel_loop3A_1134 = arith.index_cast %parallel_loop3A_1132 : i32 to index
        %parallel_loop3A_1135 = arith.constant 16 : index
        %parallel_loop3A_1136 = tpu.vector_load %arg8[%parallel_loop3A_1133, %parallel_loop3A_1134, %parallel_loop3A_1135] {strides = array<i32>} : memref<4x50x32xf32, #tpu.memory_space<vmem>>, vector<1x1x16xf32>,
        %parallel_loop3A_1137 = vector.shape_cast %parallel_loop3A_1136 : vector<1x1x16xf32> to vector<16xf32>
        %parallel_loop3A_1138 = vector.shape_cast %parallel_loop3A_1131 : vector<16xf32> to vector<1x1x16xf32>
        tpu.vector_store %arg8[%parallel_loop3A_1133, %parallel_loop3A_1134, %parallel_loop3A_1135], %parallel_loop3A_1138 {strides = array<i32>} : memref<4x50x32xf32, #tpu.memory_space<vmem>>, vector<1x1x16xf32>,
        %parallel_loop3A_1139 = vector.extract_strided_slice %parallel_loop3A_850 {offsets = [12], sizes = [1], strides = [1]} : vector<16xi32> to vector<1xi32>
        %parallel_loop3A_1140 = vector.extract %parallel_loop3A_1139[0] : i32 from vector<1xi32>
        %parallel_loop3A_1141 = arith.index_cast %parallel_loop3A_1140 : i32 to index
        %parallel_loop3A_1142 = tpu.vector_load %arg5[%parallel_loop3A_1141] {strides = array<i32>} : memref<704xf32, #tpu.memory_space<vmem>>, vector<16xf32>,
        %parallel_loop3A_1143 = vector.shape_cast %parallel_loop3A_1142 : vector<16xf32> to vector<16xf32>
        %parallel_loop3A_1144 = arith.constant 44 : i32
        %parallel_loop3A_1145 = arith.index_cast %parallel_loop3A_58 : i32 to index
        %parallel_loop3A_1146 = arith.index_cast %parallel_loop3A_1144 : i32 to index
        %parallel_loop3A_1147 = arith.constant 0 : index
        %parallel_loop3A_1148 = tpu.vector_load %arg8[%parallel_loop3A_1145, %parallel_loop3A_1146, %parallel_loop3A_1147] {strides = array<i32>} : memref<4x50x32xf32, #tpu.memory_space<vmem>>, vector<1x1x16xf32>,
        %parallel_loop3A_1149 = vector.shape_cast %parallel_loop3A_1148 : vector<1x1x16xf32> to vector<16xf32>
        %parallel_loop3A_1150 = vector.shape_cast %parallel_loop3A_1143 : vector<16xf32> to vector<1x1x16xf32>
        tpu.vector_store %arg8[%parallel_loop3A_1145, %parallel_loop3A_1146, %parallel_loop3A_1147], %parallel_loop3A_1150 {strides = array<i32>} : memref<4x50x32xf32, #tpu.memory_space<vmem>>, vector<1x1x16xf32>,
        %parallel_loop3A_1151 = arith.constant 16 : i32
        %parallel_loop3A_1152 = arith.addi %parallel_loop3A_1140, %parallel_loop3A_1151 : i32
        %parallel_loop3A_1153 = arith.index_cast %parallel_loop3A_1152 : i32 to index
        %parallel_loop3A_1154 = tpu.vector_load %arg5[%parallel_loop3A_1153] {strides = array<i32>} : memref<704xf32, #tpu.memory_space<vmem>>, vector<16xf32>,
        %parallel_loop3A_1155 = vector.shape_cast %parallel_loop3A_1154 : vector<16xf32> to vector<16xf32>
        %parallel_loop3A_1156 = arith.constant 44 : i32
        %parallel_loop3A_1157 = arith.index_cast %parallel_loop3A_58 : i32 to index
        %parallel_loop3A_1158 = arith.index_cast %parallel_loop3A_1156 : i32 to index
        %parallel_loop3A_1159 = arith.constant 16 : index
        %parallel_loop3A_1160 = tpu.vector_load %arg8[%parallel_loop3A_1157, %parallel_loop3A_1158, %parallel_loop3A_1159] {strides = array<i32>} : memref<4x50x32xf32, #tpu.memory_space<vmem>>, vector<1x1x16xf32>,
        %parallel_loop3A_1161 = vector.shape_cast %parallel_loop3A_1160 : vector<1x1x16xf32> to vector<16xf32>
        %parallel_loop3A_1162 = vector.shape_cast %parallel_loop3A_1155 : vector<16xf32> to vector<1x1x16xf32>
        tpu.vector_store %arg8[%parallel_loop3A_1157, %parallel_loop3A_1158, %parallel_loop3A_1159], %parallel_loop3A_1162 {strides = array<i32>} : memref<4x50x32xf32, #tpu.memory_space<vmem>>, vector<1x1x16xf32>,
        %parallel_loop3A_1163 = vector.extract_strided_slice %parallel_loop3A_850 {offsets = [13], sizes = [1], strides = [1]} : vector<16xi32> to vector<1xi32>
        %parallel_loop3A_1164 = vector.extract %parallel_loop3A_1163[0] : i32 from vector<1xi32>
        %parallel_loop3A_1165 = arith.index_cast %parallel_loop3A_1164 : i32 to index
        %parallel_loop3A_1166 = tpu.vector_load %arg5[%parallel_loop3A_1165] {strides = array<i32>} : memref<704xf32, #tpu.memory_space<vmem>>, vector<16xf32>,
        %parallel_loop3A_1167 = vector.shape_cast %parallel_loop3A_1166 : vector<16xf32> to vector<16xf32>
        %parallel_loop3A_1168 = arith.constant 45 : i32
        %parallel_loop3A_1169 = arith.index_cast %parallel_loop3A_58 : i32 to index
        %parallel_loop3A_1170 = arith.index_cast %parallel_loop3A_1168 : i32 to index
        %parallel_loop3A_1171 = arith.constant 0 : index
        %parallel_loop3A_1172 = tpu.vector_load %arg8[%parallel_loop3A_1169, %parallel_loop3A_1170, %parallel_loop3A_1171] {strides = array<i32>} : memref<4x50x32xf32, #tpu.memory_space<vmem>>, vector<1x1x16xf32>,
        %parallel_loop3A_1173 = vector.shape_cast %parallel_loop3A_1172 : vector<1x1x16xf32> to vector<16xf32>
        %parallel_loop3A_1174 = vector.shape_cast %parallel_loop3A_1167 : vector<16xf32> to vector<1x1x16xf32>
        tpu.vector_store %arg8[%parallel_loop3A_1169, %parallel_loop3A_1170, %parallel_loop3A_1171], %parallel_loop3A_1174 {strides = array<i32>} : memref<4x50x32xf32, #tpu.memory_space<vmem>>, vector<1x1x16xf32>,
        %parallel_loop3A_1175 = arith.constant 16 : i32
        %parallel_loop3A_1176 = arith.addi %parallel_loop3A_1164, %parallel_loop3A_1175 : i32
        %parallel_loop3A_1177 = arith.index_cast %parallel_loop3A_1176 : i32 to index
        %parallel_loop3A_1178 = tpu.vector_load %arg5[%parallel_loop3A_1177] {strides = array<i32>} : memref<704xf32, #tpu.memory_space<vmem>>, vector<16xf32>,
        %parallel_loop3A_1179 = vector.shape_cast %parallel_loop3A_1178 : vector<16xf32> to vector<16xf32>
        %parallel_loop3A_1180 = arith.constant 45 : i32
        %parallel_loop3A_1181 = arith.index_cast %parallel_loop3A_58 : i32 to index
        %parallel_loop3A_1182 = arith.index_cast %parallel_loop3A_1180 : i32 to index
        %parallel_loop3A_1183 = arith.constant 16 : index
        %parallel_loop3A_1184 = tpu.vector_load %arg8[%parallel_loop3A_1181, %parallel_loop3A_1182, %parallel_loop3A_1183] {strides = array<i32>} : memref<4x50x32xf32, #tpu.memory_space<vmem>>, vector<1x1x16xf32>,
        %parallel_loop3A_1185 = vector.shape_cast %parallel_loop3A_1184 : vector<1x1x16xf32> to vector<16xf32>
        %parallel_loop3A_1186 = vector.shape_cast %parallel_loop3A_1179 : vector<16xf32> to vector<1x1x16xf32>
        tpu.vector_store %arg8[%parallel_loop3A_1181, %parallel_loop3A_1182, %parallel_loop3A_1183], %parallel_loop3A_1186 {strides = array<i32>} : memref<4x50x32xf32, #tpu.memory_space<vmem>>, vector<1x1x16xf32>,
        %parallel_loop3A_1187 = vector.extract_strided_slice %parallel_loop3A_850 {offsets = [14], sizes = [1], strides = [1]} : vector<16xi32> to vector<1xi32>
        %parallel_loop3A_1188 = vector.extract %parallel_loop3A_1187[0] : i32 from vector<1xi32>
        %parallel_loop3A_1189 = arith.index_cast %parallel_loop3A_1188 : i32 to index
        %parallel_loop3A_1190 = tpu.vector_load %arg5[%parallel_loop3A_1189] {strides = array<i32>} : memref<704xf32, #tpu.memory_space<vmem>>, vector<16xf32>,
        %parallel_loop3A_1191 = vector.shape_cast %parallel_loop3A_1190 : vector<16xf32> to vector<16xf32>
        %parallel_loop3A_1192 = arith.constant 46 : i32
        %parallel_loop3A_1193 = arith.index_cast %parallel_loop3A_58 : i32 to index
        %parallel_loop3A_1194 = arith.index_cast %parallel_loop3A_1192 : i32 to index
        %parallel_loop3A_1195 = arith.constant 0 : index
        %parallel_loop3A_1196 = tpu.vector_load %arg8[%parallel_loop3A_1193, %parallel_loop3A_1194, %parallel_loop3A_1195] {strides = array<i32>} : memref<4x50x32xf32, #tpu.memory_space<vmem>>, vector<1x1x16xf32>,
        %parallel_loop3A_1197 = vector.shape_cast %parallel_loop3A_1196 : vector<1x1x16xf32> to vector<16xf32>
        %parallel_loop3A_1198 = vector.shape_cast %parallel_loop3A_1191 : vector<16xf32> to vector<1x1x16xf32>
        tpu.vector_store %arg8[%parallel_loop3A_1193, %parallel_loop3A_1194, %parallel_loop3A_1195], %parallel_loop3A_1198 {strides = array<i32>} : memref<4x50x32xf32, #tpu.memory_space<vmem>>, vector<1x1x16xf32>,
        %parallel_loop3A_1199 = arith.constant 16 : i32
        %parallel_loop3A_1200 = arith.addi %parallel_loop3A_1188, %parallel_loop3A_1199 : i32
        %parallel_loop3A_1201 = arith.index_cast %parallel_loop3A_1200 : i32 to index
        %parallel_loop3A_1202 = tpu.vector_load %arg5[%parallel_loop3A_1201] {strides = array<i32>} : memref<704xf32, #tpu.memory_space<vmem>>, vector<16xf32>,
        %parallel_loop3A_1203 = vector.shape_cast %parallel_loop3A_1202 : vector<16xf32> to vector<16xf32>
        %parallel_loop3A_1204 = arith.constant 46 : i32
        %parallel_loop3A_1205 = arith.index_cast %parallel_loop3A_58 : i32 to index
        %parallel_loop3A_1206 = arith.index_cast %parallel_loop3A_1204 : i32 to index
        %parallel_loop3A_1207 = arith.constant 16 : index
        %parallel_loop3A_1208 = tpu.vector_load %arg8[%parallel_loop3A_1205, %parallel_loop3A_1206, %parallel_loop3A_1207] {strides = array<i32>} : memref<4x50x32xf32, #tpu.memory_space<vmem>>, vector<1x1x16xf32>,
        %parallel_loop3A_1209 = vector.shape_cast %parallel_loop3A_1208 : vector<1x1x16xf32> to vector<16xf32>
        %parallel_loop3A_1210 = vector.shape_cast %parallel_loop3A_1203 : vector<16xf32> to vector<1x1x16xf32>
        tpu.vector_store %arg8[%parallel_loop3A_1205, %parallel_loop3A_1206, %parallel_loop3A_1207], %parallel_loop3A_1210 {strides = array<i32>} : memref<4x50x32xf32, #tpu.memory_space<vmem>>, vector<1x1x16xf32>,
        %parallel_loop3A_1211 = vector.extract_strided_slice %parallel_loop3A_850 {offsets = [15], sizes = [1], strides = [1]} : vector<16xi32> to vector<1xi32>
        %parallel_loop3A_1212 = vector.extract %parallel_loop3A_1211[0] : i32 from vector<1xi32>
        %parallel_loop3A_1213 = arith.index_cast %parallel_loop3A_1212 : i32 to index
        %parallel_loop3A_1214 = tpu.vector_load %arg5[%parallel_loop3A_1213] {strides = array<i32>} : memref<704xf32, #tpu.memory_space<vmem>>, vector<16xf32>,
        %parallel_loop3A_1215 = vector.shape_cast %parallel_loop3A_1214 : vector<16xf32> to vector<16xf32>
        %parallel_loop3A_1216 = arith.constant 47 : i32
        %parallel_loop3A_1217 = arith.index_cast %parallel_loop3A_58 : i32 to index
        %parallel_loop3A_1218 = arith.index_cast %parallel_loop3A_1216 : i32 to index
        %parallel_loop3A_1219 = arith.constant 0 : index
        %parallel_loop3A_1220 = tpu.vector_load %arg8[%parallel_loop3A_1217, %parallel_loop3A_1218, %parallel_loop3A_1219] {strides = array<i32>} : memref<4x50x32xf32, #tpu.memory_space<vmem>>, vector<1x1x16xf32>,
        %parallel_loop3A_1221 = vector.shape_cast %parallel_loop3A_1220 : vector<1x1x16xf32> to vector<16xf32>
        %parallel_loop3A_1222 = vector.shape_cast %parallel_loop3A_1215 : vector<16xf32> to vector<1x1x16xf32>
        tpu.vector_store %arg8[%parallel_loop3A_1217, %parallel_loop3A_1218, %parallel_loop3A_1219], %parallel_loop3A_1222 {strides = array<i32>} : memref<4x50x32xf32, #tpu.memory_space<vmem>>, vector<1x1x16xf32>,
        %parallel_loop3A_1223 = arith.constant 16 : i32
        %parallel_loop3A_1224 = arith.addi %parallel_loop3A_1212, %parallel_loop3A_1223 : i32
        %parallel_loop3A_1225 = arith.index_cast %parallel_loop3A_1224 : i32 to index
        %parallel_loop3A_1226 = tpu.vector_load %arg5[%parallel_loop3A_1225] {strides = array<i32>} : memref<704xf32, #tpu.memory_space<vmem>>, vector<16xf32>,
        %parallel_loop3A_1227 = vector.shape_cast %parallel_loop3A_1226 : vector<16xf32> to vector<16xf32>
        %parallel_loop3A_1228 = arith.constant 47 : i32
        %parallel_loop3A_1229 = arith.index_cast %parallel_loop3A_58 : i32 to index
        %parallel_loop3A_1230 = arith.index_cast %parallel_loop3A_1228 : i32 to index
        %parallel_loop3A_1231 = arith.constant 16 : index
        %parallel_loop3A_1232 = tpu.vector_load %arg8[%parallel_loop3A_1229, %parallel_loop3A_1230, %parallel_loop3A_1231] {strides = array<i32>} : memref<4x50x32xf32, #tpu.memory_space<vmem>>, vector<1x1x16xf32>,
        %parallel_loop3A_1233 = vector.shape_cast %parallel_loop3A_1232 : vector<1x1x16xf32> to vector<16xf32>
        %parallel_loop3A_1234 = vector.shape_cast %parallel_loop3A_1227 : vector<16xf32> to vector<1x1x16xf32>
        tpu.vector_store %arg8[%parallel_loop3A_1229, %parallel_loop3A_1230, %parallel_loop3A_1231], %parallel_loop3A_1234 {strides = array<i32>} : memref<4x50x32xf32, #tpu.memory_space<vmem>>, vector<1x1x16xf32>,
        %parallel_loop3A_1235 = arith.index_cast %parallel_loop3A_61 : i32 to index
        %parallel_loop3A_1236 = arith.constant 34 : index
        %parallel_loop3A_1237 = tpu.vector_load %arg6[%parallel_loop3A_1235, %parallel_loop3A_1236] {strides = array<i32>} : memref<512x50xi32, #tpu.memory_space<vmem>>, vector<1x16xi32>,
        %parallel_loop3A_1238 = vector.shape_cast %parallel_loop3A_1237 : vector<1x16xi32> to vector<16xi32>
        %parallel_loop3A_1239 = arith.constant 32 : i32
        %parallel_loop3A_1240 = vector.broadcast %parallel_loop3A_1239 : i32 to vector<16xi32>
        %parallel_loop3A_1241 = arith.muli %parallel_loop3A_1238, %parallel_loop3A_1240 : vector<16xi32>
        %parallel_loop3A_1242 = vector.extract_strided_slice %parallel_loop3A_1241 {offsets = [14], sizes = [1], strides = [1]} : vector<16xi32> to vector<1xi32>
        %parallel_loop3A_1243 = vector.extract %parallel_loop3A_1242[0] : i32 from vector<1xi32>
        %parallel_loop3A_1244 = arith.index_cast %parallel_loop3A_1243 : i32 to index
        %parallel_loop3A_1245 = tpu.vector_load %arg5[%parallel_loop3A_1244] {strides = array<i32>} : memref<704xf32, #tpu.memory_space<vmem>>, vector<16xf32>,
        %parallel_loop3A_1246 = vector.shape_cast %parallel_loop3A_1245 : vector<16xf32> to vector<16xf32>
        %parallel_loop3A_1247 = arith.constant 48 : i32
        %parallel_loop3A_1248 = arith.index_cast %parallel_loop3A_58 : i32 to index
        %parallel_loop3A_1249 = arith.index_cast %parallel_loop3A_1247 : i32 to index
        %parallel_loop3A_1250 = arith.constant 0 : index
        %parallel_loop3A_1251 = tpu.vector_load %arg8[%parallel_loop3A_1248, %parallel_loop3A_1249, %parallel_loop3A_1250] {strides = array<i32>} : memref<4x50x32xf32, #tpu.memory_space<vmem>>, vector<1x1x16xf32>,
        %parallel_loop3A_1252 = vector.shape_cast %parallel_loop3A_1251 : vector<1x1x16xf32> to vector<16xf32>
        %parallel_loop3A_1253 = vector.shape_cast %parallel_loop3A_1246 : vector<16xf32> to vector<1x1x16xf32>
        tpu.vector_store %arg8[%parallel_loop3A_1248, %parallel_loop3A_1249, %parallel_loop3A_1250], %parallel_loop3A_1253 {strides = array<i32>} : memref<4x50x32xf32, #tpu.memory_space<vmem>>, vector<1x1x16xf32>,
        %parallel_loop3A_1254 = arith.constant 16 : i32
        %parallel_loop3A_1255 = arith.addi %parallel_loop3A_1243, %parallel_loop3A_1254 : i32
        %parallel_loop3A_1256 = arith.index_cast %parallel_loop3A_1255 : i32 to index
        %parallel_loop3A_1257 = tpu.vector_load %arg5[%parallel_loop3A_1256] {strides = array<i32>} : memref<704xf32, #tpu.memory_space<vmem>>, vector<16xf32>,
        %parallel_loop3A_1258 = vector.shape_cast %parallel_loop3A_1257 : vector<16xf32> to vector<16xf32>
        %parallel_loop3A_1259 = arith.constant 48 : i32
        %parallel_loop3A_1260 = arith.index_cast %parallel_loop3A_58 : i32 to index
        %parallel_loop3A_1261 = arith.index_cast %parallel_loop3A_1259 : i32 to index
        %parallel_loop3A_1262 = arith.constant 16 : index
        %parallel_loop3A_1263 = tpu.vector_load %arg8[%parallel_loop3A_1260, %parallel_loop3A_1261, %parallel_loop3A_1262] {strides = array<i32>} : memref<4x50x32xf32, #tpu.memory_space<vmem>>, vector<1x1x16xf32>,
        %parallel_loop3A_1264 = vector.shape_cast %parallel_loop3A_1263 : vector<1x1x16xf32> to vector<16xf32>
        %parallel_loop3A_1265 = vector.shape_cast %parallel_loop3A_1258 : vector<16xf32> to vector<1x1x16xf32>
        tpu.vector_store %arg8[%parallel_loop3A_1260, %parallel_loop3A_1261, %parallel_loop3A_1262], %parallel_loop3A_1265 {strides = array<i32>} : memref<4x50x32xf32, #tpu.memory_space<vmem>>, vector<1x1x16xf32>,
        %parallel_loop3A_1266 = vector.extract_strided_slice %parallel_loop3A_1241 {offsets = [15], sizes = [1], strides = [1]} : vector<16xi32> to vector<1xi32>
        %parallel_loop3A_1267 = vector.extract %parallel_loop3A_1266[0] : i32 from vector<1xi32>
        %parallel_loop3A_1268 = arith.index_cast %parallel_loop3A_1267 : i32 to index
        %parallel_loop3A_1269 = tpu.vector_load %arg5[%parallel_loop3A_1268] {strides = array<i32>} : memref<704xf32, #tpu.memory_space<vmem>>, vector<16xf32>,
        %parallel_loop3A_1270 = vector.shape_cast %parallel_loop3A_1269 : vector<16xf32> to vector<16xf32>
        %parallel_loop3A_1271 = arith.constant 49 : i32
        %parallel_loop3A_1272 = arith.index_cast %parallel_loop3A_58 : i32 to index
        %parallel_loop3A_1273 = arith.index_cast %parallel_loop3A_1271 : i32 to index
        %parallel_loop3A_1274 = arith.constant 0 : index
        %parallel_loop3A_1275 = tpu.vector_load %arg8[%parallel_loop3A_1272, %parallel_loop3A_1273, %parallel_loop3A_1274] {strides = array<i32>} : memref<4x50x32xf32, #tpu.memory_space<vmem>>, vector<1x1x16xf32>,
        %parallel_loop3A_1276 = vector.shape_cast %parallel_loop3A_1275 : vector<1x1x16xf32> to vector<16xf32>
        %parallel_loop3A_1277 = vector.shape_cast %parallel_loop3A_1270 : vector<16xf32> to vector<1x1x16xf32>
        tpu.vector_store %arg8[%parallel_loop3A_1272, %parallel_loop3A_1273, %parallel_loop3A_1274], %parallel_loop3A_1277 {strides = array<i32>} : memref<4x50x32xf32, #tpu.memory_space<vmem>>, vector<1x1x16xf32>,
        %parallel_loop3A_1278 = arith.constant 16 : i32
        %parallel_loop3A_1279 = arith.addi %parallel_loop3A_1267, %parallel_loop3A_1278 : i32
        %parallel_loop3A_1280 = arith.index_cast %parallel_loop3A_1279 : i32 to index
        %parallel_loop3A_1281 = tpu.vector_load %arg5[%parallel_loop3A_1280] {strides = array<i32>} : memref<704xf32, #tpu.memory_space<vmem>>, vector<16xf32>,
        %parallel_loop3A_1282 = vector.shape_cast %parallel_loop3A_1281 : vector<16xf32> to vector<16xf32>
        %parallel_loop3A_1283 = arith.constant 49 : i32
        %parallel_loop3A_1284 = arith.index_cast %parallel_loop3A_58 : i32 to index
        %parallel_loop3A_1285 = arith.index_cast %parallel_loop3A_1283 : i32 to index
        %parallel_loop3A_1286 = arith.constant 16 : index
        %parallel_loop3A_1287 = tpu.vector_load %arg8[%parallel_loop3A_1284, %parallel_loop3A_1285, %parallel_loop3A_1286] {strides = array<i32>} : memref<4x50x32xf32, #tpu.memory_space<vmem>>, vector<1x1x16xf32>,
        %parallel_loop3A_1288 = vector.shape_cast %parallel_loop3A_1287 : vector<1x1x16xf32> to vector<16xf32>
        %parallel_loop3A_1289 = vector.shape_cast %parallel_loop3A_1282 : vector<16xf32> to vector<1x1x16xf32>
        tpu.vector_store %arg8[%parallel_loop3A_1284, %parallel_loop3A_1285, %parallel_loop3A_1286], %parallel_loop3A_1289 {strides = array<i32>} : memref<4x50x32xf32, #tpu.memory_space<vmem>>, vector<1x1x16xf32>,
      } {sc.loop_unroll_factor = 2 : i64, sc.parallel_access}
      %mul3A_49 = arith.constant 4 : i32
      %mul3A_50 = arith.muli %add3A_40, %mul3A_49 : i32
      %add3A_51 = arith.addi %mul3A_2, %mul3A_50 : i32
      %dma_start3A_52 = arith.constant 0 : i32
      %dma_start3A_53 = arith.constant 0 : i32
      %dma_start3A_54 = tpu.memref_slice %arg4[%add3A_51, %dma_start3A_52, %dma_start3A_53] : memref<16384x50x32xf32, #tpu.memory_space<hbm>> -> memref<4x50x32xf32, #tpu.memory_space<hbm>>
      %dma_start3A_55 = arith.constant 0 : i32
      %dma_start3A_56 = arith.constant 0 : i32
      %dma_start3A_57 = tpu.memref_slice %arg4[%add3A_51, %dma_start3A_55, %dma_start3A_56] : memref<16384x50x32xf32, #tpu.memory_space<hbm>> -> memref<4x50x32xf32, #tpu.memory_space<hbm>>
      tpu.enqueue_dma source(%arg8 : memref<4x50x32xf32, #tpu.memory_space<vmem>>) target(%dma_start3A_57 : memref<4x50x32xf32, #tpu.memory_space<hbm>>) target_semaphore(%arg10 : memref<!tpu.dma_semaphore, #tpu.memory_space<semaphore_mem>>)
    }
    %scan3A_6 = arith.constant 64 : i32
    %dma_wait3A = arith.constant 0 : i32
    %dma_wait3A_7 = arith.constant 0 : i32
    %dma_wait3A_8 = arith.constant 0 : i32
    %dma_wait3A_9 = tpu.memref_slice %arg4[%dma_wait3A, %dma_wait3A_7, %dma_wait3A_8] : memref<16384x50x32xf32, #tpu.memory_space<hbm>> -> memref<4x50x32xf32, #tpu.memory_space<hbm>>
    %dma_wait3A_10 = arith.constant 0 : i32
    %dma_wait3A_11 = arith.constant 0 : i32
    %dma_wait3A_12 = arith.constant 0 : i32
    %dma_wait3A_13 = tpu.memref_slice %arg4[%dma_wait3A_10, %dma_wait3A_11, %dma_wait3A_12] : memref<16384x50x32xf32, #tpu.memory_space<hbm>> -> memref<4x50x32xf32, #tpu.memory_space<hbm>>
    tpu.wait_dma2 semaphore(%arg9 : memref<!tpu.dma_semaphore, #tpu.memory_space<semaphore_mem>>) src(%arg7 : memref<4x50x32xf32, #tpu.memory_space<vmem>>) dst(%dma_wait3A_13 : memref<4x50x32xf32, #tpu.memory_space<hbm>>)
    %dma_wait3A_14 = arith.constant 0 : i32
    %dma_wait3A_15 = arith.constant 0 : i32
    %dma_wait3A_16 = arith.constant 0 : i32
    %dma_wait3A_17 = tpu.memref_slice %arg4[%dma_wait3A_14, %dma_wait3A_15, %dma_wait3A_16] : memref<16384x50x32xf32, #tpu.memory_space<hbm>> -> memref<4x50x32xf32, #tpu.memory_space<hbm>>
    %dma_wait3A_18 = arith.constant 0 : i32
    %dma_wait3A_19 = arith.constant 0 : i32
    %dma_wait3A_20 = arith.constant 0 : i32
    %dma_wait3A_21 = tpu.memref_slice %arg4[%dma_wait3A_18, %dma_wait3A_19, %dma_wait3A_20] : memref<16384x50x32xf32, #tpu.memory_space<hbm>> -> memref<4x50x32xf32, #tpu.memory_space<hbm>>
    tpu.wait_dma2 semaphore(%arg10 : memref<!tpu.dma_semaphore, #tpu.memory_space<semaphore_mem>>) src(%arg8 : memref<4x50x32xf32, #tpu.memory_space<vmem>>) dst(%dma_wait3A_21 : memref<4x50x32xf32, #tpu.memory_space<hbm>>)
    return
  }
}

</mosaic_0001>

<sc_bundles>
// kernel: kernel.3.cloned.1.call-start
scs
__scs_entry_jumppad:
0x0: {  	(pc) =	sbr.rel $0x88, $3  }
0x1: {  	(tag) =	ssettag $0x0;
	lr =	simm.s32 $0x1  }
0x2: {  	[smem:$0x3F9F] =	sst lr;
	_ =	strace $0xD0000000  }
0x3: {  	_ = 	snop  }
0x4: {  	_ = 	snop  }
0x5: {  	_ = 	snop  }
0x6: {  	_ = 	snop  }
0x7: {  	_ = 	snop  }
__scs_overlays_trampoline_lowered:
0x8: {  	[smem:$0x3FAE] =	sst s0  }
0x9: {  	[smem:$0x3FAF] =	sst s1  }
0xa: {  	[smem:$0x3FB0] =	sst s2  }
0xb: {  	[smem:$0x3FB1] =	sst s3  }
0xc: {  	[smem:$0x3FB2] =	sst s4  }
0xd: {  	[smem:$0x3FB3] =	sst s5  }
0xe: {  	[smem:$0x3FB4] =	sst s6  }
0xf: {  	[smem:$0x3FB5] =	sst s7  }
0x10: {  	[smem:$0x3FB6] =	sst s8  }
0x11: {  	[smem:$0x3FB7] =	sst s9;
	s0 =	simm.s32 @!p0 $0x0  }
0x12: {  	s1 =	sld [smem:$0x3F9D];
	s0 =	simm.s32 @p0 $0x1  }
0x13: {  	[smem:$0x3FB8] =	sst s0;
	s0 =	simm.s32 @!p1 $0x0  }
0x14: {  	s2 =	sld [smem:$0x3F9C];
	s0 =	simm.s32 @p1 $0x1  }
0x15: {  	[smem:$0x3FB9] =	sst s0;
	s0 =	simm.s32 @!p2 $0x0  }
0x16: {  	s3 =	sld [smem:$0x3FDB];
	s0 =	simm.s32 @p2 $0x1  }
0x17: {  	s4 =	simm.s32 $0x1BF5;
	[smem:$0x3FBB] =	sst s0  }
0x18: {  	s0 =	sld [smem:$0x3F9E];
	_ =	swait.ge [sflag:s4], $0x0  }
0x19: {  	s7 =	sld [smem:$0x3F9F]  }
0x1a: {  	s8 =	sadd.s32 $0xFFFFE003, lr  }
0x1b: {  	s9 =	sadd.s32 $0xFFFFFEF7, lr;
	s5 =	simm.s32 $0xFFFFFFFF;
	p2 =	slt.u32 s8, $0xFFFFF086  }
0x1c: {  	p1 =	slt.u32 s9, $0xF7A;
	s5 =	simm.s32 @!p2 $0x0  }
0x1d: {  	s5 =	simm.s32 @p1 $0x1;
	p0 =	seq.s32 s7, s2  }
0x1e: {  	s7 =	smul.u32 @!p0 $0xF7A, s2;
	p2 =	seq.s32 @!p0 s5, $0x0  }
0x1f: {  	s9 =	smul.u32 $0xF7A, s1;
	s8 =	simm.s32 @!p0 $0x1BF5;
	p2 =	por !p2, p0  }
0x20: {  	[sflag:s8] =	ssyncset.s32 @!p0 $0xFFFFF086;
	s6 =	sadd.s32 @!p0 s3, s7;
	s7 =	simm.s32 @!p0 $0x108  }
0x21: {  	s3 =	sadd.s32 s3, s9;
	s6 =	sadd.s32 @!p0 $0x88, s6;
	s7 =	simm.s32 @p2 $0x1082  }
0x22: {  	[simem:s7], [sflag:s8] =	dma.local @!p0 [hbm:s6], $0xF7A  }
0x23: {  	s9 =	sor.u32 $0xD0000000, s2;
	s6 =	simm.s32 $0x108;
	_ =	swait.ge @!p0 [sflag:s8], $0x0  }
0x24: {  	s3 =	sadd.s32 $0x88, s3;
	s6 =	simm.s32 @!p1 $0x1082;
	[sflag:s4] =	ssyncset.s32 $0xFFFFF086  }
0x25: {  	[simem:s6], [sflag:s4] =	dma.local [hbm:s3], $0xF7A  }
0x26: {  	[smem:$0x3F9F] =	sst s1;
	(tag) =	ssettag s2;
	_ =	strace s9  }
0x27: {  	s1 =	sld [smem:$0x3FAF]  }
0x28: {  	s2 =	sld [smem:$0x3FB0]  }
0x29: {  	s4 =	sld [smem:$0x3FB2]  }
0x2a: {  	p0 =	seq.s32 s5, $0x0;
	s5 =	sld [smem:$0x3FB3]  }
0x2b: {  	s6 =	sld [smem:$0x3FB4]  }
0x2c: {  	s7 =	sld [smem:$0x3FB5]  }
0x2d: {  	s3 =	simm.s32 $0x108;
	s8 =	sld [smem:$0x3FB6]  }
0x2e: {  	s3 =	simm.s32 @!p0 $0x1082;
	s9 =	sld [smem:$0x3FB7]  }
0x2f: {  	lr =	sadd.s32 s0, s3;
	s0 =	sld [smem:$0x3FAE]  }
0x30: {  	s3 =	sld [smem:$0x3FB1]  }
0x31: {  	[smem:$0x3FBA] =	sst s10  }
0x32: {  	s10 =	sld [smem:$0x3FB8];
	_ =	sdelay $0x3  }
0x33: {  	p0 =	seq.s32 s10, $0x1;
	s10 =	sld [smem:$0x3FBA];
	_ =	sdelay $0x3  }
0x34: {  	[smem:$0x3FBA] =	sst s10  }
0x35: {  	s10 =	sld [smem:$0x3FB9];
	_ =	sdelay $0x3  }
0x36: {  	p1 =	seq.s32 s10, $0x1;
	s10 =	sld [smem:$0x3FBA];
	_ =	sdelay $0x3  }
0x37: {  	[smem:$0x3FBA] =	sst s10  }
0x38: {  	s10 =	sld [smem:$0x3FBB]  }
0x39: {  	_ = 	snop;
	(pc) =	sbr.ind lr, $3  }
0x3a: {  	_ = 	snop  }
0x3b: {  	_ = 	snop  }
0x3c: {  	p2 =	seq.s32 s10, $0x1;
	s10 =	sld [smem:$0x3FBA]  }
0x3d: {  	_ =	shalt  }
0x3e: {  	_ =	shalt  }
0x3f: {  	_ =	shalt  }
0x40: {  	_ =	shalt  }
0x41: {  	_ =	shalt  }
0x42: {  	_ =	shalt  }
0x43: {  	_ =	shalt  }
0x44: {  	_ =	shalt  }
0x45: {  	_ =	shalt  }
0x46: {  	_ =	shalt  }
0x47: {  	_ =	shalt  }
0x48: {  	_ =	shalt  }
0x49: {  	_ =	shalt  }
0x4a: {  	_ =	shalt  }
0x4b: {  	_ =	shalt  }
0x4c: {  	_ =	shalt  }
0x4d: {  	_ =	shalt  }
0x4e: {  	_ =	shalt  }
0x4f: {  	_ =	shalt  }
0x50: {  	_ =	shalt  }
0x51: {  	_ =	shalt  }
0x52: {  	_ =	shalt  }
0x53: {  	_ =	shalt  }
0x54: {  	_ =	shalt  }
0x55: {  	_ =	shalt  }
0x56: {  	_ =	shalt  }
0x57: {  	_ =	shalt  }
0x58: {  	_ =	shalt  }
0x59: {  	_ =	shalt  }
0x5a: {  	_ =	shalt  }
0x5b: {  	_ =	shalt  }
0x5c: {  	_ =	shalt  }
0x5d: {  	_ =	shalt  }
0x5e: {  	_ =	shalt  }
0x5f: {  	_ =	shalt  }
0x60: {  	_ =	shalt  }
0x61: {  	_ =	shalt  }
0x62: {  	_ =	shalt  }
0x63: {  	_ =	shalt  }
0x64: {  	_ =	shalt  }
0x65: {  	_ =	shalt  }
0x66: {  	_ =	shalt  }
0x67: {  	_ =	shalt  }
0x68: {  	_ =	shalt  }
0x69: {  	_ =	shalt  }
0x6a: {  	_ =	shalt  }
0x6b: {  	_ =	shalt  }
0x6c: {  	_ =	shalt  }
0x6d: {  	_ =	shalt  }
0x6e: {  	_ =	shalt  }
0x6f: {  	_ =	shalt  }
0x70: {  	_ =	shalt  }
0x71: {  	_ =	shalt  }
0x72: {  	_ =	shalt  }
0x73: {  	_ =	shalt  }
0x74: {  	_ =	shalt  }
0x75: {  	_ =	shalt  }
0x76: {  	_ =	shalt  }
0x77: {  	_ =	shalt  }
0x78: {  	_ =	shalt  }
0x79: {  	_ =	shalt  }
0x7a: {  	_ =	shalt  }
0x7b: {  	_ =	shalt  }
0x7c: {  	_ =	shalt  }
0x7d: {  	_ =	shalt  }
0x7e: {  	_ =	shalt  }
0x7f: {  	_ =	shalt  }
0x80: {  	_ =	shalt  }
0x81: {  	_ =	shalt  }
0x82: {  	_ =	shalt  }
0x83: {  	_ =	shalt  }
0x84: {  	_ =	shalt  }
0x85: {  	_ =	shalt  }
0x86: {  	_ =	shalt  }
0x87: {  	_ =	shalt  }
.Lfunc_end0:
.L_simem_size_0:
called_computation_lowered:
.L_overlay_start_0:
0x88: {  	s2 =	sld [smem:$0x3FD9]  }
0x89: {  	s3 =	sld [smem:$0x3FFE];
	_ =	sdelay $0x1  }
0x8a: {  	s1 =	srdreg.scid  }
0x8b: {  	s0 =	sand.u32 $0x1, s1  }
0x8c: {  	s17 =	sshll.u32 s0, $0xA;
	s2 =	sadd.s32 s3, s2  }
0x8d: {  	s2 =	sadd.s32 s2, s17  }
0x8e: {  	[smem:$0x3FC6] =	sst s2  }
0x8f: {  	_ = 	snop  }
0x90: {  	s2 =	sld [smem:$0x3FD0];
	(tm) =	ssettm $0x1  }
0x91: {  	s18 =	sld [smem:$0x3FFB];
	_ =	sdelay $0x3  }
0x92: {  	_ =	strace s18  }
0x93: {  	s3 =	sld [smem:$0x3FFC];
	_ =	sdelay $0x3  }
0x94: {  	_ =	strace s3  }
0x95: {  	s3 =	sld [smem:$0x3FFD];
	_ =	sdelay $0x3  }
0x96: {  	_ =	strace s3  }
0x97: {  	_ =	strace $0x8FFFFFFF  }
0x98: {  	s19 =	sld [smem:$0x3FDB];
	_ =	sdelay $0x1  }
0x99: {  	s4 =	simm.s32 $_scs_section_size  }
0x9a: {  	s5 =	simm.s32 $_size__tile_overlayer_lowered;
	s6 =	simm.s32 $_tile_overlayer_lowered  }
0x9b: {  	s22 =	simm.s32 $0x1BFF;
	s21 =	sshll.u32 s6, $0x1;
	s3 =	sadd.s32 s4, s19  }
0x9c: {  	s7 =	simm.s32 $0x0;
	s20 =	sshll.u32 s5, $0x1;
	s5 =	sadd.s32 s21, s3  }
0x9d: {  	[timem:s7], [sflag:s22] =	dma.local [hbm:s5], s20  }
0x9e: {  	_ =	swait.ge [sflag:s22], s20  }
0x9f: {  	s4 =	ssub.s32 $0x0, s20;
	[sflag:s22] =	ssyncset.done $0x0  }
0xa0: {  	[sflag:s22] =	ssyncadd.s32 s4;
	_ =	sdelay $0x1  }
0xa1: {  	s23 =	simm.s32 $0x1B8B  }
0xa2: {  	_ =	swait.ge [sflag:s23], $0x1  }
0xa3: {  	[sflag:s23] =	ssyncset.done $0x0  }
0xa4: {  	s25 =	simm.s32 $0x1B8E;
	s24 =	sld [smem:$0x3FFE];
	[sflag:s23] =	ssyncadd.s32 $0xFFFFFFFF  }
0xa5: {  	s26 =	simm.s32 $execute0_lowered;
	[smem:$0x3FD2] =	sst s25  }
0xa6: {  	s5 =	sshll.u32 s26, $0x1;
	_ =	strace $0x80000046;
	[dreg:$0x1] =	wrdreg $0xFFFFFFFF  }
0xa7: {  	s28 =	simm.s32 $_size_execute0_lowered;
	s3 =	sadd.s32 s3, s5;
	[dreg:$0x0] =	wrdreg $0x0  }
0xa8: {  	s5 =	sshll.u32 s28, $0x1;
	[dreg:$0x2] =	wrdreg s3  }
0xa9: {  	[dreg:$0x3] =	wrdreg s5  }
0xaa: {  	[dreg:$0x4] =	wrdreg $0xC0  }
0xab: {  	_ =	task [dreg:s7], $0x5FFFF  }
0xac: {  	[dreg:$0x1] =	wrdreg $0xFFFFFFFF  }
0xad: {  	[dreg:$0x0] =	wrdreg $0x60  }
0xae: {  	[dreg:$0x2] =	wrdreg s24  }
0xaf: {  	[dreg:$0x3] =	wrdreg s2  }
0xb0: {  	[dreg:$0x4] =	wrdreg $0x9  }
0xb1: {  	_ =	task.clear_ibuf [dreg:s7], $0x5FFFF;
	_ =	strace $0x90000046  }
0xb2: {  	s29 =	simm.s32 $0x9;
	_ =	strace $0x80000048  }
0xb3: {  	_ =	swait.ge [sflag:s29], $0x1  }
0xb4: {  	[sflag:s29] =	ssyncadd.s32 $0xFFFFFFFF  }
0xb5: {  	_ =	strace $0x90000048  }
0xb6: {  	_ =	sfence  }
0xb7: {  	s30 =	sld [smem:$0x0];
	_ =	sdelay $0x2  }
0xb8: {  	s31 =	sshll.u32 s1, $0xD;
	s1 =	sshrl.u32 s1, $0x2  }
0xb9: {  	s3 =	sand.u32 $0x4000, s31;
	s1 =	sadd.s32 s1, s30  }
0xba: {  	s0 =	sor.u32 s3, s0;
	s1 =	sshll.u32 s1, $0x11  }
0xbb: {  	s0 =	sor.u32 s1, s0  }
0xbc: {  	s0 =	sadd.s32 $0x8F2B, s0  }
0xbd: {  	[sflag:s0] =	ssyncadd.remote.s32 $0x1  }
0xbe: {  	_ =	sfence.sel $0xFFFF  }
0xbf: {  	[dreg:$0x0] =	wrdreg $0xFFFFFFFF;
	(pc) =	sbr.abs _section_cstart, $3  }
0xc0: {  	[dreg:$0x1] =	wrdreg $0xFFFFFFFF  }
0xc1: {  	_ =	task.clear_ibuf [dreg:s7], $0x2FFFF;
	_ =	strace $0x9FFFFFFF  }
0xc2: {  	(tm) =	ssettm $0x7FFFFFFF  }
0xc3: {  	_ =	shalt  }
tec
execute0_lowered:
.L_overlay_start_1:
0x0: {  	(tag) =	ssettag $0x1  }
0x1: {  	s5 =	rddreg [dreg:$0x0]  }
0x2: {  	s6 =	rddreg [dreg:$0x1]  }
0x3: {  	s0 =	rddreg [dreg:$0x2]  }
0x4: {  	s2 =	simm.s32 $0x0;
	s3 =	srdreg.scid;
	s1 =	stileid.u32  }
0x5: {  	s10 =	simm.s32 $0x10300;
	s11 =	simm.s32 $0x11F00;
	s12 =	simm.s32 $0x13B00  }
0x6: {  	s13 =	simm.s32 $0x15700;
	s14 =	simm.s32 $0x17300;
	s15 =	simm.s32 $0x18F00  }
0x7: {  	s16 =	simm.s32 $0x1AB00;
	s17 =	simm.s32 $0x1C700;
	s18 =	simm.s32 $0x1  }
0x8: {  	s19 =	simm.s32 $0x2;
	s20 =	simm.s32 $0x0;
	[smem:$0x7FF] =	sst s2  }
0x9: {  	s3 =	sand.u32 $0x1, s3;
	s4 =	sshll.u32 s1, $0xA;
	_ =	strace $0x80000047  }
0xa: {  	s7 =	ssub.s32 $0x2, s3;
	s8 =	sshll.u32 s3, $0x9;
	s3 =	sadd.s32 $0x400, s5  }
0xb: {  	s5 =	sadd.s32 $0x600, s5;
	s9 =	sshrl.u32 s7, $0x1;
	s4 =	sor.u32 s8, s4  }
0xc: {  	s7 =	ssub.s32 s7, s9;
	s8 =	sshll.u32 s4, $0x4;
	s9 =	simm.s32 $0x300  }
0xd: {  	s6 =	sadd.s32 s6, s8;
	s7 =	smax.u32 s7, $0x1;
	s8 =	simm.s32 $0x3  }
.LBB2_1:
0xe: {  	[tilespmem:s2], [sflag:$0x3] =	stream.linear.gather [hbm4b:s3+s2], $0x300, $0x38;
	[tilespmem:$0x1E300] =	vst v63  }
0xf: {  	_ =	swait.ge [sflag:s8], $0x300  }
0x10: {  	[sflag:s8] =	ssyncset.done $0x0  }
0x11: {  	[sflag:s8] =	ssyncadd.s32 $0xFFFFFD00  }
0x12: {  	[tilespmem:s9], [sflag:$0x3] =	stream.linear.gather [hbm4b:s6+s2], $0x10000, $0x38;
	[tilespmem:$0x1E300] =	vst v63  }
0x13: {  	_ =	swait.ge [sflag:s8], $0x10000  }
0x14: {  	[sflag:s8] =	ssyncset.done $0x0  }
0x15: {  	s21 =	simm.s32 $0x0;
	[sflag:s8] =	ssyncadd.s32 $0xFFFF0000  }
.LBB2_2:
0x16: {  	p0 =	seq.s32 s21, $0x0  }
0x17: {  	s23 =	simm.s32 @!p0 $0x1  }
0x18: {  	_ =	swait.ge @!p0 [sflag:s23], $0x6400  }
0x19: {  	s22 =	sshll.u32 s21, $0x3;
	[sflag:s23] =	ssyncset.done @!p0 $0x0  }
0x1a: {  	s24 =	simm.s32 $0x0;
	p1 =	por $0x1, $0x1;
	[sflag:s23] =	ssyncadd.s32 @!p0 $0xFFFF9C00  }
.LBB2_3:
0x1b: {  	s23 =	sor.u32 s22, s24  }
0x1c: {  	s23 =	sshll.u32 s23, $0x7  }
0x1d: {  	s25 =	sand.u32 $0x3FFFFF80, s23  }
0x1e: {  	v0 =	vld [tilespmem:s25+$0x300];
	_ =	sdelay $0x4  }
0x1f: {  	v0 =	vshll.u32 v0, $0x5  }
0x20: {  	(v2sf) =	vpush v0, $0x0;
	_ =	sdelay $0xb  }
0x21: {  	(v2sf) =	vpush v0, $0x1;
	_ =	sdelay $0x2  }
0x22: {  	s26 =	spop (v2sf)  }
0x23: {  	v1 =	vld [tilespmem:s26+$0x0];
	_ =	sdelay $0x1  }
0x24: {  	s28 =	smul.u32 $0x7000, s24;
	_ =	sdelay $0x1  }
0x25: {  	s23 =	sshra.s32 s28, $0x2  }
0x26: {  	[tilespmem:s23+$0x10300] =	vst v1  }
0x27: {  	v1 =	vld [tilespmem:s26+$0x10];
	_ =	sdelay $0x1  }
0x28: {  	(v2sf) =	vpush v0, $0x2;
	_ =	sdelay $0x2  }
0x29: {  	s29 =	spop (v2sf);
	[tilespmem:s23+$0x10310] =	vst v1  }
0x2a: {  	v1 =	vld [tilespmem:s29+$0x0];
	_ =	sdelay $0x4  }
0x2b: {  	[tilespmem:s23+$0x10380] =	vst v1  }
0x2c: {  	v1 =	vld [tilespmem:s29+$0x10];
	_ =	sdelay $0x1  }
0x2d: {  	(v2sf) =	vpush v0, $0x3;
	_ =	sdelay $0x2  }
0x2e: {  	s30 =	spop (v2sf);
	[tilespmem:s23+$0x10390] =	vst v1  }
0x2f: {  	v1 =	vld [tilespmem:s30+$0x0];
	_ =	sdelay $0x4  }
0x30: {  	[tilespmem:s23+$0x10400] =	vst v1  }
0x31: {  	v1 =	vld [tilespmem:s30+$0x10];
	_ =	sdelay $0x1  }
0x32: {  	(v2sf) =	vpush v0, $0x4;
	_ =	sdelay $0x2  }
0x33: {  	s31 =	spop (v2sf);
	[tilespmem:s23+$0x10410] =	vst v1  }
0x34: {  	v1 =	vld [tilespmem:s31+$0x0];
	_ =	sdelay $0x4  }
0x35: {  	[tilespmem:s23+$0x10480] =	vst v1  }
0x36: {  	v1 =	vld [tilespmem:s31+$0x10];
	_ =	sdelay $0x1  }
0x37: {  	(v2sf) =	vpush v0, $0x5;
	_ =	sdelay $0x2  }
0x38: {  	s28 =	spop (v2sf);
	[tilespmem:s23+$0x10490] =	vst v1  }
0x39: {  	v1 =	vld [tilespmem:s28+$0x0];
	_ =	sdelay $0x4  }
0x3a: {  	[tilespmem:s23+$0x10500] =	vst v1  }
0x3b: {  	v1 =	vld [tilespmem:s28+$0x10];
	_ =	sdelay $0x1  }
0x3c: {  	(v2sf) =	vpush v0, $0x6;
	_ =	sdelay $0x2  }
0x3d: {  	s29 =	spop (v2sf);
	[tilespmem:s23+$0x10510] =	vst v1  }
0x3e: {  	v1 =	vld [tilespmem:s29+$0x0];
	_ =	sdelay $0x4  }
0x3f: {  	[tilespmem:s23+$0x10580] =	vst v1  }
0x40: {  	v1 =	vld [tilespmem:s29+$0x10];
	_ =	sdelay $0x1  }
0x41: {  	(v2sf) =	vpush v0, $0x7;
	_ =	sdelay $0x2  }
0x42: {  	s30 =	spop (v2sf);
	[tilespmem:s23+$0x10590] =	vst v1  }
0x43: {  	v1 =	vld [tilespmem:s30+$0x0];
	_ =	sdelay $0x4  }
0x44: {  	[tilespmem:s23+$0x10600] =	vst v1  }
0x45: {  	v1 =	vld [tilespmem:s30+$0x10];
	_ =	sdelay $0x1  }
0x46: {  	(v2sf) =	vpush v0, $0x8;
	_ =	sdelay $0x2  }
0x47: {  	s31 =	spop (v2sf);
	[tilespmem:s23+$0x10610] =	vst v1  }
0x48: {  	v1 =	vld [tilespmem:s31+$0x0];
	_ =	sdelay $0x4  }
0x49: {  	[tilespmem:s23+$0x10680] =	vst v1  }
0x4a: {  	v1 =	vld [tilespmem:s31+$0x10];
	_ =	sdelay $0x1  }
0x4b: {  	(v2sf) =	vpush v0, $0x9;
	_ =	sdelay $0x2  }
0x4c: {  	s28 =	spop (v2sf);
	[tilespmem:s23+$0x10690] =	vst v1  }
0x4d: {  	v1 =	vld [tilespmem:s28+$0x0];
	_ =	sdelay $0x4  }
0x4e: {  	[tilespmem:s23+$0x10700] =	vst v1  }
0x4f: {  	v1 =	vld [tilespmem:s28+$0x10];
	_ =	sdelay $0x1  }
0x50: {  	(v2sf) =	vpush v0, $0xA;
	_ =	sdelay $0x2  }
0x51: {  	s29 =	spop (v2sf);
	[tilespmem:s23+$0x10710] =	vst v1  }
0x52: {  	v1 =	vld [tilespmem:s29+$0x0];
	_ =	sdelay $0x4  }
0x53: {  	[tilespmem:s23+$0x10780] =	vst v1  }
0x54: {  	v1 =	vld [tilespmem:s29+$0x10];
	_ =	sdelay $0x1  }
0x55: {  	(v2sf) =	vpush v0, $0xB;
	_ =	sdelay $0x2  }
0x56: {  	s30 =	spop (v2sf);
	[tilespmem:s23+$0x10790] =	vst v1  }
0x57: {  	v1 =	vld [tilespmem:s30+$0x0];
	_ =	sdelay $0x4  }
0x58: {  	[tilespmem:s23+$0x10800] =	vst v1  }
0x59: {  	v1 =	vld [tilespmem:s30+$0x10];
	_ =	sdelay $0x1  }
0x5a: {  	(v2sf) =	vpush v0, $0xC;
	_ =	sdelay $0x2  }
0x5b: {  	s31 =	spop (v2sf);
	[tilespmem:s23+$0x10810] =	vst v1  }
0x5c: {  	v1 =	vld [tilespmem:s31+$0x0];
	_ =	sdelay $0x4  }
0x5d: {  	[tilespmem:s23+$0x10880] =	vst v1  }
0x5e: {  	v1 =	vld [tilespmem:s31+$0x10];
	_ =	sdelay $0x1  }
0x5f: {  	(v2sf) =	vpush v0, $0xD;
	_ =	sdelay $0x2  }
0x60: {  	s28 =	spop (v2sf);
	[tilespmem:s23+$0x10890] =	vst v1  }
0x61: {  	v1 =	vld [tilespmem:s28+$0x0];
	_ =	sdelay $0x4  }
0x62: {  	[tilespmem:s23+$0x10900] =	vst v1  }
0x63: {  	v1 =	vld [tilespmem:s28+$0x10];
	_ =	sdelay $0x1  }
0x64: {  	(v2sf) =	vpush v0, $0xE;
	_ =	sdelay $0x2  }
0x65: {  	s29 =	spop (v2sf);
	[tilespmem:s23+$0x10910] =	vst v1  }
0x66: {  	v1 =	vld [tilespmem:s29+$0x0];
	_ =	sdelay $0x4  }
0x67: {  	[tilespmem:s23+$0x10980] =	vst v1  }
0x68: {  	v1 =	vld [tilespmem:s29+$0x10];
	_ =	sdelay $0x1  }
0x69: {  	(v2sf) =	vpush v0, $0xF;
	_ =	sdelay $0x2  }
0x6a: {  	s30 =	spop (v2sf);
	[tilespmem:s23+$0x10990] =	vst v1  }
0x6b: {  	v54 =	vld [tilespmem:s30+$0x0];
	_ =	sdelay $0x4  }
0x6c: {  	[tilespmem:s23+$0x10A00] =	vst v54  }
0x6d: {  	v0 =	vld [tilespmem:s30+$0x10];
	_ =	sdelay $0x4  }
0x6e: {  	s31 =	spop (v2sf);
	[tilespmem:s23+$0x10A10] =	vst v0  }
0x6f: {  	v0 =	vld [tilespmem:s31+$0x0];
	_ =	sdelay $0x4  }
0x70: {  	[tilespmem:s23+$0x10A80] =	vst v0  }
0x71: {  	v0 =	vld [tilespmem:s31+$0x10];
	_ =	sdelay $0x4  }
0x72: {  	[tilespmem:s23+$0x10A90] =	vst v0  }
0x73: {  	v0 =	vld [tilespmem:s25+$0x310];
	_ =	sdelay $0x4  }
0x74: {  	v0 =	vshll.u32 v0, $0x5  }
0x75: {  	(v2sf) =	vpush v0, $0x0;
	_ =	sdelay $0xb  }
0x76: {  	(v2sf) =	vpush v0, $0x1;
	_ =	sdelay $0x2  }
0x77: {  	s28 =	spop (v2sf)  }
0x78: {  	v1 =	vld [tilespmem:s28+$0x0];
	_ =	sdelay $0x4  }
0x79: {  	[tilespmem:s23+$0x10B00] =	vst v1  }
0x7a: {  	v1 =	vld [tilespmem:s28+$0x10];
	_ =	sdelay $0x4  }
0x7b: {  	s29 =	spop (v2sf);
	[tilespmem:s23+$0x10B10] =	vst v1  }
0x7c: {  	v1 =	vld [tilespmem:s29+$0x0];
	_ =	sdelay $0x4  }
0x7d: {  	[tilespmem:s23+$0x10B80] =	vst v1  }
0x7e: {  	v1 =	vld [tilespmem:s29+$0x10];
	(v2sf) =	vpush v0, $0x2;
	_ =	sdelay $0xb  }
0x7f: {  	(v2sf) =	vpush v0, $0x3;
	_ =	sdelay $0x2  }
0x80: {  	[tilespmem:s23+$0x10B90] =	vst v1;
	s26 =	spop (v2sf)  }
0x81: {  	v1 =	vld [tilespmem:s26+$0x0];
	_ =	sdelay $0x4  }
0x82: {  	[tilespmem:s23+$0x10C00] =	vst v1  }
0x83: {  	v1 =	vld [tilespmem:s26+$0x10];
	_ =	sdelay $0x1  }
0x84: {  	(v2sf) =	vpush v0, $0x4;
	_ =	sdelay $0x2  }
0x85: {  	s30 =	spop (v2sf);
	[tilespmem:s23+$0x10C10] =	vst v1  }
0x86: {  	v1 =	vld [tilespmem:s30+$0x0];
	_ =	sdelay $0x4  }
0x87: {  	[tilespmem:s23+$0x10C80] =	vst v1  }
0x88: {  	v1 =	vld [tilespmem:s30+$0x10];
	_ =	sdelay $0x1  }
0x89: {  	(v2sf) =	vpush v0, $0x5;
	_ =	sdelay $0x2  }
0x8a: {  	s31 =	spop (v2sf);
	[tilespmem:s23+$0x10C90] =	vst v1  }
0x8b: {  	v1 =	vld [tilespmem:s31+$0x0];
	_ =	sdelay $0x4  }
0x8c: {  	[tilespmem:s23+$0x10D00] =	vst v1  }
0x8d: {  	v1 =	vld [tilespmem:s31+$0x10];
	_ =	sdelay $0x1  }
0x8e: {  	(v2sf) =	vpush v0, $0x6;
	_ =	sdelay $0x2  }
0x8f: {  	s28 =	spop (v2sf);
	[tilespmem:s23+$0x10D10] =	vst v1  }
0x90: {  	v1 =	vld [tilespmem:s28+$0x0];
	_ =	sdelay $0x4  }
0x91: {  	[tilespmem:s23+$0x10D80] =	vst v1  }
0x92: {  	v1 =	vld [tilespmem:s28+$0x10];
	_ =	sdelay $0x1  }
0x93: {  	(v2sf) =	vpush v0, $0x7;
	_ =	sdelay $0x2  }
0x94: {  	s29 =	spop (v2sf);
	[tilespmem:s23+$0x10D90] =	vst v1  }
0x95: {  	v1 =	vld [tilespmem:s29+$0x0];
	_ =	sdelay $0x4  }
0x96: {  	[tilespmem:s23+$0x10E00] =	vst v1  }
0x97: {  	v1 =	vld [tilespmem:s29+$0x10];
	_ =	sdelay $0x1  }
0x98: {  	(v2sf) =	vpush v0, $0x8;
	_ =	sdelay $0x2  }
0x99: {  	s30 =	spop (v2sf);
	[tilespmem:s23+$0x10E10] =	vst v1  }
0x9a: {  	v1 =	vld [tilespmem:s30+$0x0];
	_ =	sdelay $0x4  }
0x9b: {  	[tilespmem:s23+$0x10E80] =	vst v1  }
0x9c: {  	v1 =	vld [tilespmem:s30+$0x10];
	_ =	sdelay $0x1  }
0x9d: {  	(v2sf) =	vpush v0, $0x9;
	_ =	sdelay $0x2  }
0x9e: {  	s31 =	spop (v2sf);
	[tilespmem:s23+$0x10E90] =	vst v1  }
0x9f: {  	v1 =	vld [tilespmem:s31+$0x0];
	_ =	sdelay $0x4  }
0xa0: {  	[tilespmem:s23+$0x10F00] =	vst v1  }
0xa1: {  	v1 =	vld [tilespmem:s31+$0x10];
	_ =	sdelay $0x1  }
0xa2: {  	(v2sf) =	vpush v0, $0xA;
	_ =	sdelay $0x2  }
0xa3: {  	s28 =	spop (v2sf);
	[tilespmem:s23+$0x10F10] =	vst v1  }
0xa4: {  	v1 =	vld [tilespmem:s28+$0x0];
	_ =	sdelay $0x4  }
0xa5: {  	[tilespmem:s23+$0x10F80] =	vst v1  }
0xa6: {  	v1 =	vld [tilespmem:s28+$0x10];
	_ =	sdelay $0x1  }
0xa7: {  	(v2sf) =	vpush v0, $0xB;
	_ =	sdelay $0x2  }
0xa8: {  	s29 =	spop (v2sf);
	[tilespmem:s23+$0x10F90] =	vst v1  }
0xa9: {  	v1 =	vld [tilespmem:s29+$0x0];
	_ =	sdelay $0x4  }
0xaa: {  	[tilespmem:s23+$0x11000] =	vst v1  }
0xab: {  	v1 =	vld [tilespmem:s29+$0x10];
	_ =	sdelay $0x1  }
0xac: {  	(v2sf) =	vpush v0, $0xC;
	_ =	sdelay $0x2  }
0xad: {  	s30 =	spop (v2sf);
	[tilespmem:s23+$0x11010] =	vst v1  }
0xae: {  	v1 =	vld [tilespmem:s30+$0x0];
	_ =	sdelay $0x4  }
0xaf: {  	[tilespmem:s23+$0x11080] =	vst v1  }
0xb0: {  	v1 =	vld [tilespmem:s30+$0x10];
	_ =	sdelay $0x1  }
0xb1: {  	(v2sf) =	vpush v0, $0xD;
	_ =	sdelay $0x2  }
0xb2: {  	s31 =	spop (v2sf);
	[tilespmem:s23+$0x11090] =	vst v1  }
0xb3: {  	v1 =	vld [tilespmem:s31+$0x0];
	_ =	sdelay $0x4  }
0xb4: {  	[tilespmem:s23+$0x11100] =	vst v1  }
0xb5: {  	v1 =	vld [tilespmem:s31+$0x10];
	_ =	sdelay $0x1  }
0xb6: {  	(v2sf) =	vpush v0, $0xE;
	_ =	sdelay $0x2  }
0xb7: {  	s28 =	spop (v2sf);
	[tilespmem:s23+$0x11110] =	vst v1  }
0xb8: {  	v1 =	vld [tilespmem:s28+$0x0];
	_ =	sdelay $0x4  }
0xb9: {  	[tilespmem:s23+$0x11180] =	vst v1  }
0xba: {  	v1 =	vld [tilespmem:s28+$0x10];
	_ =	sdelay $0x1  }
0xbb: {  	(v2sf) =	vpush v0, $0xF;
	_ =	sdelay $0x2  }
0xbc: {  	s29 =	spop (v2sf);
	[tilespmem:s23+$0x11190] =	vst v1  }
0xbd: {  	v55 =	vld [tilespmem:s29+$0x0];
	_ =	sdelay $0x4  }
0xbe: {  	[tilespmem:s23+$0x11200] =	vst v55  }
0xbf: {  	v0 =	vld [tilespmem:s29+$0x10];
	_ =	sdelay $0x4  }
0xc0: {  	s30 =	spop (v2sf);
	[tilespmem:s23+$0x11210] =	vst v0  }
0xc1: {  	v0 =	vld [tilespmem:s30+$0x0];
	_ =	sdelay $0x4  }
0xc2: {  	[tilespmem:s23+$0x11280] =	vst v0  }
0xc3: {  	v0 =	vld [tilespmem:s30+$0x10];
	_ =	sdelay $0x4  }
0xc4: {  	[tilespmem:s23+$0x11290] =	vst v0  }
0xc5: {  	v0 =	vld [tilespmem:s25+$0x320];
	_ =	sdelay $0x4  }
0xc6: {  	v0 =	vshll.u32 v0, $0x5  }
0xc7: {  	(v2sf) =	vpush v0, $0x0;
	_ =	sdelay $0xb  }
0xc8: {  	(v2sf) =	vpush v0, $0x1;
	_ =	sdelay $0x2  }
0xc9: {  	s31 =	spop (v2sf)  }
0xca: {  	v1 =	vld [tilespmem:s31+$0x0];
	_ =	sdelay $0x4  }
0xcb: {  	[tilespmem:s23+$0x11300] =	vst v1  }
0xcc: {  	v1 =	vld [tilespmem:s31+$0x10];
	_ =	sdelay $0x1  }
0xcd: {  	(v2sf) =	vpush v0, $0x2;
	_ =	sdelay $0x2  }
0xce: {  	s28 =	spop (v2sf);
	[tilespmem:s23+$0x11310] =	vst v1  }
0xcf: {  	v1 =	vld [tilespmem:s28+$0x0];
	_ =	sdelay $0x4  }
0xd0: {  	[tilespmem:s23+$0x11380] =	vst v1  }
0xd1: {  	v1 =	vld [tilespmem:s28+$0x10];
	_ =	sdelay $0x1  }
0xd2: {  	(v2sf) =	vpush v0, $0x3;
	_ =	sdelay $0x2  }
0xd3: {  	s29 =	spop (v2sf);
	[tilespmem:s23+$0x11390] =	vst v1  }
0xd4: {  	v1 =	vld [tilespmem:s29+$0x0];
	_ =	sdelay $0x4  }
0xd5: {  	[tilespmem:s23+$0x11400] =	vst v1  }
0xd6: {  	v1 =	vld [tilespmem:s29+$0x10];
	_ =	sdelay $0x1  }
0xd7: {  	(v2sf) =	vpush v0, $0x4;
	_ =	sdelay $0x2  }
0xd8: {  	s30 =	spop (v2sf);
	[tilespmem:s23+$0x11410] =	vst v1  }
0xd9: {  	v1 =	vld [tilespmem:s30+$0x0];
	_ =	sdelay $0x4  }
0xda: {  	[tilespmem:s23+$0x11480] =	vst v1  }
0xdb: {  	v1 =	vld [tilespmem:s30+$0x10];
	_ =	sdelay $0x1  }
0xdc: {  	(v2sf) =	vpush v0, $0x5;
	_ =	sdelay $0x2  }
0xdd: {  	s31 =	spop (v2sf);
	[tilespmem:s23+$0x11490] =	vst v1  }
0xde: {  	v1 =	vld [tilespmem:s31+$0x0];
	_ =	sdelay $0x4  }
0xdf: {  	[tilespmem:s23+$0x11500] =	vst v1  }
0xe0: {  	v1 =	vld [tilespmem:s31+$0x10];
	_ =	sdelay $0x1  }
0xe1: {  	(v2sf) =	vpush v0, $0x6;
	_ =	sdelay $0x2  }
0xe2: {  	s28 =	spop (v2sf);
	[tilespmem:s23+$0x11510] =	vst v1  }
0xe3: {  	v1 =	vld [tilespmem:s28+$0x0];
	_ =	sdelay $0x4  }
0xe4: {  	[tilespmem:s23+$0x11580] =	vst v1  }
0xe5: {  	v1 =	vld [tilespmem:s28+$0x10];
	_ =	sdelay $0x1  }
0xe6: {  	(v2sf) =	vpush v0, $0x7;
	_ =	sdelay $0x2  }
0xe7: {  	s29 =	spop (v2sf);
	[tilespmem:s23+$0x11590] =	vst v1  }
0xe8: {  	v1 =	vld [tilespmem:s29+$0x0];
	_ =	sdelay $0x4  }
0xe9: {  	[tilespmem:s23+$0x11600] =	vst v1  }
0xea: {  	v1 =	vld [tilespmem:s29+$0x10];
	_ =	sdelay $0x1  }
0xeb: {  	(v2sf) =	vpush v0, $0x8;
	_ =	sdelay $0x2  }
0xec: {  	s30 =	spop (v2sf);
	[tilespmem:s23+$0x11610] =	vst v1  }
0xed: {  	v1 =	vld [tilespmem:s30+$0x0];
	_ =	sdelay $0x4  }
0xee: {  	[tilespmem:s23+$0x11680] =	vst v1  }
0xef: {  	v1 =	vld [tilespmem:s30+$0x10];
	_ =	sdelay $0x1  }
0xf0: {  	(v2sf) =	vpush v0, $0x9;
	_ =	sdelay $0x2  }
0xf1: {  	s31 =	spop (v2sf);
	[tilespmem:s23+$0x11690] =	vst v1  }
0xf2: {  	v1 =	vld [tilespmem:s31+$0x0];
	_ =	sdelay $0x4  }
0xf3: {  	[tilespmem:s23+$0x11700] =	vst v1  }
0xf4: {  	v1 =	vld [tilespmem:s31+$0x10];
	_ =	sdelay $0x1  }
0xf5: {  	(v2sf) =	vpush v0, $0xA;
	_ =	sdelay $0x2  }
0xf6: {  	s28 =	spop (v2sf);
	[tilespmem:s23+$0x11710] =	vst v1  }
0xf7: {  	v1 =	vld [tilespmem:s28+$0x0];
	_ =	sdelay $0x4  }
0xf8: {  	[tilespmem:s23+$0x11780] =	vst v1  }
0xf9: {  	v1 =	vld [tilespmem:s28+$0x10];
	_ =	sdelay $0x1  }
0xfa: {  	(v2sf) =	vpush v0, $0xB;
	_ =	sdelay $0x2  }
0xfb: {  	s29 =	spop (v2sf);
	[tilespmem:s23+$0x11790] =	vst v1  }
0xfc: {  	v1 =	vld [tilespmem:s29+$0x0];
	_ =	sdelay $0x4  }
0xfd: {  	[tilespmem:s23+$0x11800] =	vst v1  }
0xfe: {  	v1 =	vld [tilespmem:s29+$0x10];
	_ =	sdelay $0x1  }
0xff: {  	(v2sf) =	vpush v0, $0xC;
	_ =	sdelay $0x2  }
0x100: {  	s30 =	spop (v2sf);
	[tilespmem:s23+$0x11810] =	vst v1  }
0x101: {  	v1 =	vld [tilespmem:s30+$0x0];
	_ =	sdelay $0x4  }
0x102: {  	[tilespmem:s23+$0x11880] =	vst v1  }
0x103: {  	v1 =	vld [tilespmem:s30+$0x10];
	_ =	sdelay $0x1  }
0x104: {  	(v2sf) =	vpush v0, $0xD;
	_ =	sdelay $0x2  }
0x105: {  	s31 =	spop (v2sf);
	[tilespmem:s23+$0x11890] =	vst v1  }
0x106: {  	v1 =	vld [tilespmem:s31+$0x0];
	_ =	sdelay $0x4  }
0x107: {  	[tilespmem:s23+$0x11900] =	vst v1  }
0x108: {  	v1 =	vld [tilespmem:s31+$0x10];
	_ =	sdelay $0x1  }
0x109: {  	(v2sf) =	vpush v0, $0xE;
	_ =	sdelay $0x2  }
0x10a: {  	s28 =	spop (v2sf);
	[tilespmem:s23+$0x11910] =	vst v1  }
0x10b: {  	v1 =	vld [tilespmem:s28+$0x0];
	_ =	sdelay $0x4  }
0x10c: {  	[tilespmem:s23+$0x11980] =	vst v1  }
0x10d: {  	v1 =	vld [tilespmem:s28+$0x10];
	_ =	sdelay $0x1  }
0x10e: {  	(v2sf) =	vpush v0, $0xF;
	_ =	sdelay $0x2  }
0x10f: {  	s29 =	spop (v2sf);
	[tilespmem:s23+$0x11990] =	vst v1  }
0x110: {  	v56 =	vld [tilespmem:s29+$0x0];
	_ =	sdelay $0x4  }
0x111: {  	[tilespmem:s23+$0x11A00] =	vst v56  }
0x112: {  	v0 =	vld [tilespmem:s29+$0x10];
	_ =	sdelay $0x4  }
0x113: {  	s30 =	spop (v2sf);
	[tilespmem:s23+$0x11A10] =	vst v0  }
0x114: {  	v0 =	vld [tilespmem:s30+$0x0];
	_ =	sdelay $0x4  }
0x115: {  	[tilespmem:s23+$0x11A80] =	vst v0  }
0x116: {  	v0 =	vld [tilespmem:s30+$0x10];
	_ =	sdelay $0x3  }
0x117: {  	s31 =	sor.u32 $0x1, s24  }
0x118: {  	s29 =	sor.u32 s22, s31;
	[tilespmem:s23+$0x11A90] =	vst v0  }
0x119: {  	s30 =	sshll.u32 s29, $0x7;
	v0 =	vld [tilespmem:s25+$0x322]  }
0x11a: {  	s28 =	sand.u32 $0x3FFFFF80, s30  }
0x11b: {  	v57 =	vld [tilespmem:s28+$0x300];
	_ =	sdelay $0x2  }
0x11c: {  	v0 =	vshll.u32 v0, $0x5  }
0x11d: {  	(v2sf) =	vpush v0, $0xE  }
0x11e: {  	v58 =	vshll.u32 v57, $0x5;
	(v2sf) =	vpush v0, $0xF  }
0x11f: {  	(v2sf) =	vpush v58, $0x0;
	_ =	sdelay $0xb  }
0x120: {  	(v2sf) =	vpush v58, $0x1  }
0x121: {  	s26 =	spop (v2sf)  }
0x122: {  	s25 =	spop (v2sf)  }
0x123: {  	s29 =	spop (v2sf)  }
0x124: {  	v59 =	vld [tilespmem:s29+$0x0];
	_ =	sdelay $0x1  }
0x125: {  	s24 =	smul.u32 $0x7000, s31;
	_ =	sdelay $0x1  }
0x126: {  	s24 =	sshra.s32 s24, $0x2  }
0x127: {  	[tilespmem:s24+$0x10300] =	vst v59  }
0x128: {  	v1 =	vld [tilespmem:s29+$0x10];
	_ =	sdelay $0x1  }
0x129: {  	(v2sf) =	vpush v58, $0x2;
	_ =	sdelay $0x2  }
0x12a: {  	s31 =	spop (v2sf);
	[tilespmem:s24+$0x10310] =	vst v1  }
0x12b: {  	v1 =	vld [tilespmem:s31+$0x0];
	_ =	sdelay $0x4  }
0x12c: {  	[tilespmem:s24+$0x10380] =	vst v1  }
0x12d: {  	v1 =	vld [tilespmem:s31+$0x10];
	_ =	sdelay $0x1  }
0x12e: {  	(v2sf) =	vpush v58, $0x3;
	_ =	sdelay $0x2  }
0x12f: {  	s30 =	spop (v2sf);
	[tilespmem:s24+$0x10390] =	vst v1  }
0x130: {  	v1 =	vld [tilespmem:s30+$0x0];
	_ =	sdelay $0x4  }
0x131: {  	[tilespmem:s24+$0x10400] =	vst v1  }
0x132: {  	v1 =	vld [tilespmem:s30+$0x10];
	_ =	sdelay $0x1  }
0x133: {  	(v2sf) =	vpush v58, $0x4;
	_ =	sdelay $0x2  }
0x134: {  	s31 =	spop (v2sf);
	[tilespmem:s24+$0x10410] =	vst v1  }
0x135: {  	v1 =	vld [tilespmem:s31+$0x0];
	_ =	sdelay $0x4  }
0x136: {  	[tilespmem:s24+$0x10480] =	vst v1  }
0x137: {  	v1 =	vld [tilespmem:s31+$0x10];
	_ =	sdelay $0x1  }
0x138: {  	(v2sf) =	vpush v58, $0x5;
	_ =	sdelay $0x2  }
0x139: {  	s30 =	spop (v2sf);
	[tilespmem:s24+$0x10490] =	vst v1  }
0x13a: {  	v1 =	vld [tilespmem:s30+$0x0];
	_ =	sdelay $0x4  }
0x13b: {  	[tilespmem:s24+$0x10500] =	vst v1  }
0x13c: {  	v1 =	vld [tilespmem:s30+$0x10];
	_ =	sdelay $0x1  }
0x13d: {  	(v2sf) =	vpush v58, $0x6;
	_ =	sdelay $0x2  }
0x13e: {  	s31 =	spop (v2sf);
	[tilespmem:s24+$0x10510] =	vst v1  }
0x13f: {  	v1 =	vld [tilespmem:s31+$0x0];
	_ =	sdelay $0x4  }
0x140: {  	[tilespmem:s24+$0x10580] =	vst v1  }
0x141: {  	v1 =	vld [tilespmem:s31+$0x10];
	_ =	sdelay $0x1  }
0x142: {  	(v2sf) =	vpush v58, $0x7;
	_ =	sdelay $0x2  }
0x143: {  	s30 =	spop (v2sf);
	[tilespmem:s24+$0x10590] =	vst v1  }
0x144: {  	v1 =	vld [tilespmem:s30+$0x0];
	_ =	sdelay $0x4  }
0x145: {  	[tilespmem:s24+$0x10600] =	vst v1  }
0x146: {  	v1 =	vld [tilespmem:s30+$0x10];
	_ =	sdelay $0x1  }
0x147: {  	(v2sf) =	vpush v58, $0x8;
	_ =	sdelay $0x2  }
0x148: {  	s31 =	spop (v2sf);
	[tilespmem:s24+$0x10610] =	vst v1  }
0x149: {  	v1 =	vld [tilespmem:s31+$0x0];
	_ =	sdelay $0x4  }
0x14a: {  	[tilespmem:s24+$0x10680] =	vst v1  }
0x14b: {  	v1 =	vld [tilespmem:s31+$0x10];
	_ =	sdelay $0x1  }
0x14c: {  	(v2sf) =	vpush v58, $0x9;
	_ =	sdelay $0x2  }
0x14d: {  	s30 =	spop (v2sf);
	[tilespmem:s24+$0x10690] =	vst v1  }
0x14e: {  	v1 =	vld [tilespmem:s30+$0x0];
	_ =	sdelay $0x4  }
0x14f: {  	[tilespmem:s24+$0x10700] =	vst v1  }
0x150: {  	v1 =	vld [tilespmem:s30+$0x10];
	_ =	sdelay $0x1  }
0x151: {  	(v2sf) =	vpush v58, $0xA;
	_ =	sdelay $0x2  }
0x152: {  	s31 =	spop (v2sf);
	[tilespmem:s24+$0x10710] =	vst v1  }
0x153: {  	v1 =	vld [tilespmem:s31+$0x0];
	_ =	sdelay $0x4  }
0x154: {  	[tilespmem:s24+$0x10780] =	vst v1  }
0x155: {  	v1 =	vld [tilespmem:s31+$0x10];
	_ =	sdelay $0x1  }
0x156: {  	(v2sf) =	vpush v58, $0xB;
	_ =	sdelay $0x2  }
0x157: {  	s30 =	spop (v2sf);
	[tilespmem:s24+$0x10790] =	vst v1  }
0x158: {  	v1 =	vld [tilespmem:s30+$0x0];
	_ =	sdelay $0x4  }
0x159: {  	[tilespmem:s24+$0x10800] =	vst v1  }
0x15a: {  	v1 =	vld [tilespmem:s30+$0x10];
	_ =	sdelay $0x1  }
0x15b: {  	(v2sf) =	vpush v58, $0xC;
	_ =	sdelay $0x2  }
0x15c: {  	s31 =	spop (v2sf);
	[tilespmem:s24+$0x10810] =	vst v1  }
0x15d: {  	v1 =	vld [tilespmem:s31+$0x0];
	_ =	sdelay $0x4  }
0x15e: {  	[tilespmem:s24+$0x10880] =	vst v1  }
0x15f: {  	v1 =	vld [tilespmem:s31+$0x10];
	_ =	sdelay $0x1  }
0x160: {  	(v2sf) =	vpush v58, $0xD;
	_ =	sdelay $0x2  }
0x161: {  	s30 =	spop (v2sf);
	[tilespmem:s24+$0x10890] =	vst v1  }
0x162: {  	v1 =	vld [tilespmem:s30+$0x0];
	_ =	sdelay $0x4  }
0x163: {  	[tilespmem:s24+$0x10900] =	vst v1  }
0x164: {  	v1 =	vld [tilespmem:s30+$0x10];
	_ =	sdelay $0x1  }
0x165: {  	(v2sf) =	vpush v58, $0xE;
	_ =	sdelay $0x2  }
0x166: {  	s31 =	spop (v2sf);
	[tilespmem:s24+$0x10910] =	vst v1  }
0x167: {  	v1 =	vld [tilespmem:s31+$0x0];
	_ =	sdelay $0x4  }
0x168: {  	[tilespmem:s24+$0x10980] =	vst v1  }
0x169: {  	v1 =	vld [tilespmem:s31+$0x10];
	_ =	sdelay $0x1  }
0x16a: {  	(v2sf) =	vpush v58, $0xF;
	_ =	sdelay $0x2  }
0x16b: {  	s30 =	spop (v2sf);
	[tilespmem:s24+$0x10990] =	vst v1  }
0x16c: {  	v60 =	vld [tilespmem:s30+$0x0];
	_ =	sdelay $0x4  }
0x16d: {  	[tilespmem:s24+$0x10A00] =	vst v60  }
0x16e: {  	v0 =	vld [tilespmem:s30+$0x10];
	_ =	sdelay $0x4  }
0x16f: {  	s31 =	spop (v2sf);
	[tilespmem:s24+$0x10A10] =	vst v0  }
0x170: {  	v0 =	vld [tilespmem:s31+$0x0];
	_ =	sdelay $0x4  }
0x171: {  	[tilespmem:s24+$0x10A80] =	vst v0  }
0x172: {  	v0 =	vld [tilespmem:s31+$0x10];
	_ =	sdelay $0x4  }
0x173: {  	[tilespmem:s24+$0x10A90] =	vst v0  }
0x174: {  	v0 =	vld [tilespmem:s28+$0x310];
	_ =	sdelay $0x4  }
0x175: {  	v0 =	vshll.u32 v0, $0x5  }
0x176: {  	(v2sf) =	vpush v0, $0x0;
	_ =	sdelay $0xb  }
0x177: {  	(v2sf) =	vpush v0, $0x1;
	_ =	sdelay $0x2  }
0x178: {  	s30 =	spop (v2sf)  }
0x179: {  	v1 =	vld [tilespmem:s30+$0x0];
	_ =	sdelay $0x4  }
0x17a: {  	[tilespmem:s24+$0x10B00] =	vst v1  }
0x17b: {  	v1 =	vld [tilespmem:s30+$0x10];
	_ =	sdelay $0x1  }
0x17c: {  	(v2sf) =	vpush v0, $0x2;
	_ =	sdelay $0x2  }
0x17d: {  	s31 =	spop (v2sf);
	[tilespmem:s24+$0x10B10] =	vst v1  }
0x17e: {  	v1 =	vld [tilespmem:s31+$0x0];
	_ =	sdelay $0x4  }
0x17f: {  	[tilespmem:s24+$0x10B80] =	vst v1  }
0x180: {  	v1 =	vld [tilespmem:s31+$0x10];
	_ =	sdelay $0x1  }
0x181: {  	(v2sf) =	vpush v0, $0x3;
	_ =	sdelay $0x2  }
0x182: {  	s30 =	spop (v2sf);
	[tilespmem:s24+$0x10B90] =	vst v1  }
0x183: {  	v1 =	vld [tilespmem:s30+$0x0];
	_ =	sdelay $0x4  }
0x184: {  	[tilespmem:s24+$0x10C00] =	vst v1  }
0x185: {  	v1 =	vld [tilespmem:s30+$0x10];
	_ =	sdelay $0x1  }
0x186: {  	(v2sf) =	vpush v0, $0x4;
	_ =	sdelay $0x2  }
0x187: {  	s31 =	spop (v2sf);
	[tilespmem:s24+$0x10C10] =	vst v1  }
0x188: {  	v1 =	vld [tilespmem:s31+$0x0];
	_ =	sdelay $0x4  }
0x189: {  	[tilespmem:s24+$0x10C80] =	vst v1  }
0x18a: {  	v1 =	vld [tilespmem:s31+$0x10];
	_ =	sdelay $0x1  }
0x18b: {  	(v2sf) =	vpush v0, $0x5;
	_ =	sdelay $0x2  }
0x18c: {  	s30 =	spop (v2sf);
	[tilespmem:s24+$0x10C90] =	vst v1  }
0x18d: {  	v1 =	vld [tilespmem:s30+$0x0];
	_ =	sdelay $0x4  }
0x18e: {  	[tilespmem:s24+$0x10D00] =	vst v1  }
0x18f: {  	v1 =	vld [tilespmem:s30+$0x10];
	_ =	sdelay $0x1  }
0x190: {  	(v2sf) =	vpush v0, $0x6;
	_ =	sdelay $0x2  }
0x191: {  	s31 =	spop (v2sf);
	[tilespmem:s24+$0x10D10] =	vst v1  }
0x192: {  	v1 =	vld [tilespmem:s31+$0x0];
	_ =	sdelay $0x4  }
0x193: {  	[tilespmem:s24+$0x10D80] =	vst v1  }
0x194: {  	v1 =	vld [tilespmem:s31+$0x10];
	_ =	sdelay $0x1  }
0x195: {  	(v2sf) =	vpush v0, $0x7;
	_ =	sdelay $0x2  }
0x196: {  	s30 =	spop (v2sf);
	[tilespmem:s24+$0x10D90] =	vst v1  }
0x197: {  	v1 =	vld [tilespmem:s30+$0x0];
	_ =	sdelay $0x4  }
0x198: {  	[tilespmem:s24+$0x10E00] =	vst v1  }
0x199: {  	v1 =	vld [tilespmem:s30+$0x10];
	_ =	sdelay $0x1  }
0x19a: {  	(v2sf) =	vpush v0, $0x8;
	_ =	sdelay $0x2  }
0x19b: {  	s31 =	spop (v2sf);
	[tilespmem:s24+$0x10E10] =	vst v1  }
0x19c: {  	v1 =	vld [tilespmem:s31+$0x0];
	_ =	sdelay $0x4  }
0x19d: {  	[tilespmem:s24+$0x10E80] =	vst v1  }
0x19e: {  	v1 =	vld [tilespmem:s31+$0x10];
	_ =	sdelay $0x1  }
0x19f: {  	(v2sf) =	vpush v0, $0x9;
	_ =	sdelay $0x2  }
0x1a0: {  	s30 =	spop (v2sf);
	[tilespmem:s24+$0x10E90] =	vst v1  }
0x1a1: {  	v1 =	vld [tilespmem:s30+$0x0];
	_ =	sdelay $0x4  }
0x1a2: {  	[tilespmem:s24+$0x10F00] =	vst v1  }
0x1a3: {  	v1 =	vld [tilespmem:s30+$0x10];
	_ =	sdelay $0x1  }
0x1a4: {  	(v2sf) =	vpush v0, $0xA;
	_ =	sdelay $0x2  }
0x1a5: {  	s31 =	spop (v2sf);
	[tilespmem:s24+$0x10F10] =	vst v1  }
0x1a6: {  	v1 =	vld [tilespmem:s31+$0x0];
	_ =	sdelay $0x4  }
0x1a7: {  	[tilespmem:s24+$0x10F80] =	vst v1  }
0x1a8: {  	v1 =	vld [tilespmem:s31+$0x10];
	_ =	sdelay $0x1  }
0x1a9: {  	(v2sf) =	vpush v0, $0xB;
	_ =	sdelay $0x2  }
0x1aa: {  	s30 =	spop (v2sf);
	[tilespmem:s24+$0x10F90] =	vst v1  }
0x1ab: {  	v1 =	vld [tilespmem:s30+$0x0];
	_ =	sdelay $0x4  }
0x1ac: {  	[tilespmem:s24+$0x11000] =	vst v1  }
0x1ad: {  	v1 =	vld [tilespmem:s30+$0x10];
	_ =	sdelay $0x1  }
0x1ae: {  	(v2sf) =	vpush v0, $0xC;
	_ =	sdelay $0x2  }
0x1af: {  	s31 =	spop (v2sf);
	[tilespmem:s24+$0x11010] =	vst v1  }
0x1b0: {  	v1 =	vld [tilespmem:s31+$0x0];
	_ =	sdelay $0x4  }
0x1b1: {  	[tilespmem:s24+$0x11080] =	vst v1  }
0x1b2: {  	v1 =	vld [tilespmem:s31+$0x10];
	_ =	sdelay $0x1  }
0x1b3: {  	(v2sf) =	vpush v0, $0xD;
	_ =	sdelay $0x2  }
0x1b4: {  	s30 =	spop (v2sf);
	[tilespmem:s24+$0x11090] =	vst v1  }
0x1b5: {  	v1 =	vld [tilespmem:s30+$0x0];
	_ =	sdelay $0x4  }
0x1b6: {  	[tilespmem:s24+$0x11100] =	vst v1  }
0x1b7: {  	v1 =	vld [tilespmem:s30+$0x10];
	_ =	sdelay $0x1  }
0x1b8: {  	(v2sf) =	vpush v0, $0xE;
	_ =	sdelay $0x2  }
0x1b9: {  	s31 =	spop (v2sf);
	[tilespmem:s24+$0x11110] =	vst v1  }
0x1ba: {  	v1 =	vld [tilespmem:s31+$0x0];
	_ =	sdelay $0x4  }
0x1bb: {  	[tilespmem:s24+$0x11180] =	vst v1  }
0x1bc: {  	v1 =	vld [tilespmem:s31+$0x10];
	_ =	sdelay $0x1  }
0x1bd: {  	(v2sf) =	vpush v0, $0xF;
	_ =	sdelay $0x2  }
0x1be: {  	s30 =	spop (v2sf);
	[tilespmem:s24+$0x11190] =	vst v1  }
0x1bf: {  	v61 =	vld [tilespmem:s30+$0x0];
	_ =	sdelay $0x4  }
0x1c0: {  	[tilespmem:s24+$0x11200] =	vst v61  }
0x1c1: {  	v0 =	vld [tilespmem:s30+$0x10];
	_ =	sdelay $0x4  }
0x1c2: {  	s31 =	spop (v2sf);
	[tilespmem:s24+$0x11210] =	vst v0  }
0x1c3: {  	v0 =	vld [tilespmem:s31+$0x0];
	_ =	sdelay $0x4  }
0x1c4: {  	[tilespmem:s24+$0x11280] =	vst v0  }
0x1c5: {  	v0 =	vld [tilespmem:s31+$0x10];
	_ =	sdelay $0x4  }
0x1c6: {  	[tilespmem:s24+$0x11290] =	vst v0  }
0x1c7: {  	v0 =	vld [tilespmem:s28+$0x320];
	_ =	sdelay $0x4  }
0x1c8: {  	v0 =	vshll.u32 v0, $0x5  }
0x1c9: {  	(v2sf) =	vpush v0, $0x0;
	_ =	sdelay $0xb  }
0x1ca: {  	(v2sf) =	vpush v0, $0x1;
	_ =	sdelay $0x2  }
0x1cb: {  	s30 =	spop (v2sf)  }
0x1cc: {  	v1 =	vld [tilespmem:s30+$0x0];
	_ =	sdelay $0x4  }
0x1cd: {  	[tilespmem:s24+$0x11300] =	vst v1  }
0x1ce: {  	v1 =	vld [tilespmem:s30+$0x10];
	_ =	sdelay $0x1  }
0x1cf: {  	(v2sf) =	vpush v0, $0x2;
	_ =	sdelay $0x2  }
0x1d0: {  	s31 =	spop (v2sf);
	[tilespmem:s24+$0x11310] =	vst v1  }
0x1d1: {  	v1 =	vld [tilespmem:s31+$0x0];
	_ =	sdelay $0x4  }
0x1d2: {  	[tilespmem:s24+$0x11380] =	vst v1  }
0x1d3: {  	v1 =	vld [tilespmem:s31+$0x10];
	_ =	sdelay $0x1  }
0x1d4: {  	(v2sf) =	vpush v0, $0x3;
	_ =	sdelay $0x2  }
0x1d5: {  	s30 =	spop (v2sf);
	[tilespmem:s24+$0x11390] =	vst v1  }
0x1d6: {  	v1 =	vld [tilespmem:s30+$0x0];
	_ =	sdelay $0x4  }
0x1d7: {  	[tilespmem:s24+$0x11400] =	vst v1  }
0x1d8: {  	v1 =	vld [tilespmem:s30+$0x10];
	_ =	sdelay $0x1  }
0x1d9: {  	(v2sf) =	vpush v0, $0x4;
	_ =	sdelay $0x2  }
0x1da: {  	s31 =	spop (v2sf);
	[tilespmem:s24+$0x11410] =	vst v1  }
0x1db: {  	v1 =	vld [tilespmem:s31+$0x0];
	_ =	sdelay $0x4  }
0x1dc: {  	[tilespmem:s24+$0x11480] =	vst v1  }
0x1dd: {  	v1 =	vld [tilespmem:s31+$0x10];
	_ =	sdelay $0x1  }
0x1de: {  	(v2sf) =	vpush v0, $0x5;
	_ =	sdelay $0x2  }
0x1df: {  	s30 =	spop (v2sf);
	[tilespmem:s24+$0x11490] =	vst v1  }
0x1e0: {  	v1 =	vld [tilespmem:s30+$0x0];
	_ =	sdelay $0x4  }
0x1e1: {  	[tilespmem:s24+$0x11500] =	vst v1  }
0x1e2: {  	v1 =	vld [tilespmem:s30+$0x10];
	_ =	sdelay $0x1  }
0x1e3: {  	(v2sf) =	vpush v0, $0x6;
	_ =	sdelay $0x2  }
0x1e4: {  	s31 =	spop (v2sf);
	[tilespmem:s24+$0x11510] =	vst v1  }
0x1e5: {  	v1 =	vld [tilespmem:s31+$0x0];
	_ =	sdelay $0x4  }
0x1e6: {  	[tilespmem:s24+$0x11580] =	vst v1  }
0x1e7: {  	v1 =	vld [tilespmem:s31+$0x10];
	_ =	sdelay $0x1  }
0x1e8: {  	(v2sf) =	vpush v0, $0x7;
	_ =	sdelay $0x2  }
0x1e9: {  	s30 =	spop (v2sf);
	[tilespmem:s24+$0x11590] =	vst v1  }
0x1ea: {  	v1 =	vld [tilespmem:s30+$0x0];
	_ =	sdelay $0x4  }
0x1eb: {  	[tilespmem:s24+$0x11600] =	vst v1  }
0x1ec: {  	v1 =	vld [tilespmem:s30+$0x10];
	_ =	sdelay $0x1  }
0x1ed: {  	(v2sf) =	vpush v0, $0x8;
	_ =	sdelay $0x2  }
0x1ee: {  	s31 =	spop (v2sf);
	[tilespmem:s24+$0x11610] =	vst v1  }
0x1ef: {  	v1 =	vld [tilespmem:s31+$0x0];
	_ =	sdelay $0x4  }
0x1f0: {  	[tilespmem:s24+$0x11680] =	vst v1  }
0x1f1: {  	v1 =	vld [tilespmem:s31+$0x10];
	_ =	sdelay $0x1  }
0x1f2: {  	(v2sf) =	vpush v0, $0x9;
	_ =	sdelay $0x2  }
0x1f3: {  	s30 =	spop (v2sf);
	[tilespmem:s24+$0x11690] =	vst v1  }
0x1f4: {  	v1 =	vld [tilespmem:s30+$0x0];
	_ =	sdelay $0x4  }
0x1f5: {  	[tilespmem:s24+$0x11700] =	vst v1  }
0x1f6: {  	v1 =	vld [tilespmem:s30+$0x10];
	_ =	sdelay $0x1  }
0x1f7: {  	(v2sf) =	vpush v0, $0xA;
	_ =	sdelay $0x2  }
0x1f8: {  	s31 =	spop (v2sf);
	[tilespmem:s24+$0x11710] =	vst v1  }
0x1f9: {  	v1 =	vld [tilespmem:s31+$0x0];
	_ =	sdelay $0x4  }
0x1fa: {  	[tilespmem:s24+$0x11780] =	vst v1  }
0x1fb: {  	v1 =	vld [tilespmem:s31+$0x10];
	_ =	sdelay $0x1  }
0x1fc: {  	(v2sf) =	vpush v0, $0xB;
	_ =	sdelay $0x2  }
0x1fd: {  	s30 =	spop (v2sf);
	[tilespmem:s24+$0x11790] =	vst v1  }
0x1fe: {  	v1 =	vld [tilespmem:s30+$0x0];
	_ =	sdelay $0x4  }
0x1ff: {  	[tilespmem:s24+$0x11800] =	vst v1  }
0x200: {  	v1 =	vld [tilespmem:s30+$0x10];
	_ =	sdelay $0x1  }
0x201: {  	(v2sf) =	vpush v0, $0xC;
	_ =	sdelay $0x2  }
0x202: {  	s31 =	spop (v2sf);
	[tilespmem:s24+$0x11810] =	vst v1  }
0x203: {  	v1 =	vld [tilespmem:s31+$0x0];
	_ =	sdelay $0x4  }
0x204: {  	[tilespmem:s24+$0x11880] =	vst v1  }
0x205: {  	v1 =	vld [tilespmem:s31+$0x10];
	_ =	sdelay $0x1  }
0x206: {  	(v2sf) =	vpush v0, $0xD;
	_ =	sdelay $0x2  }
0x207: {  	s30 =	spop (v2sf);
	[tilespmem:s24+$0x11890] =	vst v1  }
0x208: {  	v1 =	vld [tilespmem:s30+$0x0];
	_ =	sdelay $0x4  }
0x209: {  	[tilespmem:s24+$0x11900] =	vst v1  }
0x20a: {  	v1 =	vld [tilespmem:s30+$0x10];
	_ =	sdelay $0x1  }
0x20b: {  	(v2sf) =	vpush v0, $0xE;
	_ =	sdelay $0x2  }
0x20c: {  	s31 =	spop (v2sf);
	[tilespmem:s24+$0x11910] =	vst v1  }
0x20d: {  	v1 =	vld [tilespmem:s31+$0x0];
	_ =	sdelay $0x4  }
0x20e: {  	[tilespmem:s24+$0x11980] =	vst v1  }
0x20f: {  	v1 =	vld [tilespmem:s31+$0x10];
	_ =	sdelay $0x1  }
0x210: {  	(v2sf) =	vpush v0, $0xF;
	_ =	sdelay $0x2  }
0x211: {  	s30 =	spop (v2sf);
	[tilespmem:s24+$0x11990] =	vst v1  }
0x212: {  	v62 =	vld [tilespmem:s30+$0x0];
	_ =	sdelay $0x4  }
0x213: {  	[tilespmem:s24+$0x11A00] =	vst v62  }
0x214: {  	v0 =	vld [tilespmem:s30+$0x10];
	_ =	sdelay $0x4  }
0x215: {  	s31 =	spop (v2sf);
	[tilespmem:s24+$0x11A10] =	vst v0  }
0x216: {  	v0 =	vld [tilespmem:s31+$0x0];
	_ =	sdelay $0x4  }
0x217: {  	[tilespmem:s24+$0x11A80] =	vst v0  }
0x218: {  	v0 =	vld [tilespmem:s31+$0x10];
	_ =	sdelay $0x4  }
0x219: {  	[tilespmem:s24+$0x11A90] =	vst v0  }
0x21a: {  	v0 =	vld [tilespmem:s28+$0x322];
	_ =	sdelay $0x4  }
0x21b: {  	v0 =	vshll.u32 v0, $0x5  }
0x21c: {  	(v2sf) =	vpush v0, $0xE;
	_ =	sdelay $0xb  }
0x21d: {  	(v2sf) =	vpush v0, $0xF;
	_ =	sdelay $0x2  }
0x21e: {  	v63 =	vld [tilespmem:s26+$0x0];
	s30 =	spop (v2sf)  }
0x21f: {  	v1 =	vld [tilespmem:s30+$0x0];
	_ =	sdelay $0x3  }
0x220: {  	[tilespmem:s23+$0x11B00] =	vst v63  }
0x221: {  	v0 =	vld [tilespmem:s26+$0x10];
	[tilespmem:s24+$0x11B00] =	vst v1  }
0x222: {  	v1 =	vld [tilespmem:s30+$0x10];
	_ =	sdelay $0x3  }
0x223: {  	[tilespmem:s23+$0x11B10] =	vst v0  }
0x224: {  	v0 =	vld [tilespmem:s25+$0x0];
	s31 =	spop (v2sf);
	[tilespmem:s24+$0x11B10] =	vst v1  }
0x225: {  	v1 =	vld [tilespmem:s31+$0x0];
	_ =	sdelay $0x3  }
0x226: {  	[tilespmem:s23+$0x11B80] =	vst v0  }
0x227: {  	v0 =	vld [tilespmem:s25+$0x10];
	[tilespmem:s24+$0x11B80] =	vst v1  }
0x228: {  	p2 =	por p1, p1;
	v1 =	vld [tilespmem:s31+$0x10]  }
.Ltmp0:
0x229: {  	_ = 	snop;
	(pc) =	sbr.rel @p2 .LBB2_3-.Ltmp0, $3  }
0x22a: {  	_ =	sdelay $0x1  }
0x22b: {  	[tilespmem:s23+$0x11B90] =	vst v0  }
0x22c: {  	p1 =	por $0x0, $0x0;
	[tilespmem:s24+$0x11B90] =	vst v1;
	s24 =	simm.s32 $0x2  }
0x22d: {  	s23 =	sadd.s32 s4, s22  }
0x22e: {  	s23 =	smul.u32 $0x380, s23;
	_ =	sdelay $0x1  }
0x22f: {  	s23 =	sadd.s32 s5, s23  }
0x230: {  	[hbm4b:s23+s2] =	stream.linear.scatter [tilespmem:s10], [sflag:$0x1], $0x1900, $0x38;
	[tilespmem:$0x1E300] =	vst v63  }
0x231: {  	s24 =	sadd.s32 $0x380, s23  }
0x232: {  	[hbm4b:s24+s2] =	stream.linear.scatter [tilespmem:s11], [sflag:$0x1], $0x1900, $0x38;
	[tilespmem:$0x1E300] =	vst v63  }
0x233: {  	s31 =	sadd.s32 $0x700, s23  }
0x234: {  	[hbm4b:s31+s2] =	stream.linear.scatter [tilespmem:s12], [sflag:$0x1], $0x1900, $0x38;
	[tilespmem:$0x1E300] =	vst v63  }
0x235: {  	s23 =	sadd.s32 $0xA80, s23  }
0x236: {  	[hbm4b:s23+s2] =	stream.linear.scatter [tilespmem:s13], [sflag:$0x1], $0x1900, $0x38;
	[tilespmem:$0x1E300] =	vst v63  }
0x237: {  	s23 =	simm.s32 @!p0 $0x2  }
0x238: {  	_ =	swait.ge @!p0 [sflag:s23], $0x6400  }
0x239: {  	s22 =	sor.u32 $0x4, s22;
	[sflag:s23] =	ssyncset.done @!p0 $0x0  }
0x23a: {  	s24 =	simm.s32 $0x0;
	[sflag:s23] =	ssyncadd.s32 @!p0 $0xFFFF9C00;
	p0 =	por $0x1, $0x1  }
.LBB2_5:
0x23b: {  	s23 =	sor.u32 s22, s24  }
0x23c: {  	s23 =	sshll.u32 s23, $0x7  }
0x23d: {  	s25 =	sand.u32 $0x3FFFFF80, s23  }
0x23e: {  	v0 =	vld [tilespmem:s25+$0x300];
	_ =	sdelay $0x4  }
0x23f: {  	v0 =	vshll.u32 v0, $0x5  }
0x240: {  	(v2sf) =	vpush v0, $0x0;
	_ =	sdelay $0xb  }
0x241: {  	(v2sf) =	vpush v0, $0x1;
	_ =	sdelay $0x2  }
0x242: {  	s26 =	spop (v2sf)  }
0x243: {  	v1 =	vld [tilespmem:s26+$0x0];
	_ =	sdelay $0x1  }
0x244: {  	s28 =	smul.u32 $0x7000, s24;
	_ =	sdelay $0x1  }
0x245: {  	s23 =	sshra.s32 s28, $0x2  }
0x246: {  	[tilespmem:s23+$0x17300] =	vst v1  }
0x247: {  	v1 =	vld [tilespmem:s26+$0x10];
	_ =	sdelay $0x1  }
0x248: {  	(v2sf) =	vpush v0, $0x2;
	_ =	sdelay $0x2  }
0x249: {  	s29 =	spop (v2sf);
	[tilespmem:s23+$0x17310] =	vst v1  }
0x24a: {  	v1 =	vld [tilespmem:s29+$0x0];
	_ =	sdelay $0x4  }
0x24b: {  	[tilespmem:s23+$0x17380] =	vst v1  }
0x24c: {  	v1 =	vld [tilespmem:s29+$0x10];
	_ =	sdelay $0x1  }
0x24d: {  	(v2sf) =	vpush v0, $0x3;
	_ =	sdelay $0x2  }
0x24e: {  	s30 =	spop (v2sf);
	[tilespmem:s23+$0x17390] =	vst v1  }
0x24f: {  	v1 =	vld [tilespmem:s30+$0x0];
	_ =	sdelay $0x4  }
0x250: {  	[tilespmem:s23+$0x17400] =	vst v1  }
0x251: {  	v1 =	vld [tilespmem:s30+$0x10];
	_ =	sdelay $0x1  }
0x252: {  	(v2sf) =	vpush v0, $0x4;
	_ =	sdelay $0x2  }
0x253: {  	s31 =	spop (v2sf);
	[tilespmem:s23+$0x17410] =	vst v1  }
0x254: {  	v1 =	vld [tilespmem:s31+$0x0];
	_ =	sdelay $0x4  }
0x255: {  	[tilespmem:s23+$0x17480] =	vst v1  }
0x256: {  	v1 =	vld [tilespmem:s31+$0x10];
	_ =	sdelay $0x1  }
0x257: {  	(v2sf) =	vpush v0, $0x5;
	_ =	sdelay $0x2  }
0x258: {  	s28 =	spop (v2sf);
	[tilespmem:s23+$0x17490] =	vst v1  }
0x259: {  	v1 =	vld [tilespmem:s28+$0x0];
	_ =	sdelay $0x4  }
0x25a: {  	[tilespmem:s23+$0x17500] =	vst v1  }
0x25b: {  	v1 =	vld [tilespmem:s28+$0x10];
	_ =	sdelay $0x1  }
0x25c: {  	(v2sf) =	vpush v0, $0x6;
	_ =	sdelay $0x2  }
0x25d: {  	s29 =	spop (v2sf);
	[tilespmem:s23+$0x17510] =	vst v1  }
0x25e: {  	v1 =	vld [tilespmem:s29+$0x0];
	_ =	sdelay $0x4  }
0x25f: {  	[tilespmem:s23+$0x17580] =	vst v1  }
0x260: {  	v1 =	vld [tilespmem:s29+$0x10];
	_ =	sdelay $0x1  }
0x261: {  	(v2sf) =	vpush v0, $0x7;
	_ =	sdelay $0x2  }
0x262: {  	s30 =	spop (v2sf);
	[tilespmem:s23+$0x17590] =	vst v1  }
0x263: {  	v1 =	vld [tilespmem:s30+$0x0];
	_ =	sdelay $0x4  }
0x264: {  	[tilespmem:s23+$0x17600] =	vst v1  }
0x265: {  	v1 =	vld [tilespmem:s30+$0x10];
	_ =	sdelay $0x1  }
0x266: {  	(v2sf) =	vpush v0, $0x8;
	_ =	sdelay $0x2  }
0x267: {  	s31 =	spop (v2sf);
	[tilespmem:s23+$0x17610] =	vst v1  }
0x268: {  	v1 =	vld [tilespmem:s31+$0x0];
	_ =	sdelay $0x4  }
0x269: {  	[tilespmem:s23+$0x17680] =	vst v1  }
0x26a: {  	v1 =	vld [tilespmem:s31+$0x10];
	_ =	sdelay $0x1  }
0x26b: {  	(v2sf) =	vpush v0, $0x9;
	_ =	sdelay $0x2  }
0x26c: {  	s28 =	spop (v2sf);
	[tilespmem:s23+$0x17690] =	vst v1  }
0x26d: {  	v1 =	vld [tilespmem:s28+$0x0];
	_ =	sdelay $0x4  }
0x26e: {  	[tilespmem:s23+$0x17700] =	vst v1  }
0x26f: {  	v1 =	vld [tilespmem:s28+$0x10];
	_ =	sdelay $0x1  }
0x270: {  	(v2sf) =	vpush v0, $0xA;
	_ =	sdelay $0x2  }
0x271: {  	s29 =	spop (v2sf);
	[tilespmem:s23+$0x17710] =	vst v1  }
0x272: {  	v1 =	vld [tilespmem:s29+$0x0];
	_ =	sdelay $0x4  }
0x273: {  	[tilespmem:s23+$0x17780] =	vst v1  }
0x274: {  	v1 =	vld [tilespmem:s29+$0x10];
	_ =	sdelay $0x1  }
0x275: {  	(v2sf) =	vpush v0, $0xB;
	_ =	sdelay $0x2  }
0x276: {  	s30 =	spop (v2sf);
	[tilespmem:s23+$0x17790] =	vst v1  }
0x277: {  	v1 =	vld [tilespmem:s30+$0x0];
	_ =	sdelay $0x4  }
0x278: {  	[tilespmem:s23+$0x17800] =	vst v1  }
0x279: {  	v1 =	vld [tilespmem:s30+$0x10];
	_ =	sdelay $0x1  }
0x27a: {  	(v2sf) =	vpush v0, $0xC;
	_ =	sdelay $0x2  }
0x27b: {  	s31 =	spop (v2sf);
	[tilespmem:s23+$0x17810] =	vst v1  }
0x27c: {  	v1 =	vld [tilespmem:s31+$0x0];
	_ =	sdelay $0x4  }
0x27d: {  	[tilespmem:s23+$0x17880] =	vst v1  }
0x27e: {  	v1 =	vld [tilespmem:s31+$0x10];
	_ =	sdelay $0x1  }
0x27f: {  	(v2sf) =	vpush v0, $0xD;
	_ =	sdelay $0x2  }
0x280: {  	s28 =	spop (v2sf);
	[tilespmem:s23+$0x17890] =	vst v1  }
0x281: {  	v1 =	vld [tilespmem:s28+$0x0];
	_ =	sdelay $0x4  }
0x282: {  	[tilespmem:s23+$0x17900] =	vst v1  }
0x283: {  	v1 =	vld [tilespmem:s28+$0x10];
	_ =	sdelay $0x1  }
0x284: {  	(v2sf) =	vpush v0, $0xE;
	_ =	sdelay $0x2  }
0x285: {  	s29 =	spop (v2sf);
	[tilespmem:s23+$0x17910] =	vst v1  }
0x286: {  	v1 =	vld [tilespmem:s29+$0x0];
	_ =	sdelay $0x4  }
0x287: {  	[tilespmem:s23+$0x17980] =	vst v1  }
0x288: {  	v1 =	vld [tilespmem:s29+$0x10];
	_ =	sdelay $0x1  }
0x289: {  	(v2sf) =	vpush v0, $0xF;
	_ =	sdelay $0x2  }
0x28a: {  	s30 =	spop (v2sf);
	[tilespmem:s23+$0x17990] =	vst v1  }
0x28b: {  	v54 =	vld [tilespmem:s30+$0x0];
	_ =	sdelay $0x4  }
0x28c: {  	[tilespmem:s23+$0x17A00] =	vst v54  }
0x28d: {  	v0 =	vld [tilespmem:s30+$0x10];
	_ =	sdelay $0x4  }
0x28e: {  	s31 =	spop (v2sf);
	[tilespmem:s23+$0x17A10] =	vst v0  }
0x28f: {  	v0 =	vld [tilespmem:s31+$0x0];
	_ =	sdelay $0x4  }
0x290: {  	[tilespmem:s23+$0x17A80] =	vst v0  }
0x291: {  	v0 =	vld [tilespmem:s31+$0x10];
	_ =	sdelay $0x4  }
0x292: {  	[tilespmem:s23+$0x17A90] =	vst v0  }
0x293: {  	v0 =	vld [tilespmem:s25+$0x310];
	_ =	sdelay $0x4  }
0x294: {  	v0 =	vshll.u32 v0, $0x5  }
0x295: {  	(v2sf) =	vpush v0, $0x0;
	_ =	sdelay $0xb  }
0x296: {  	(v2sf) =	vpush v0, $0x1;
	_ =	sdelay $0x2  }
0x297: {  	s28 =	spop (v2sf)  }
0x298: {  	v1 =	vld [tilespmem:s28+$0x0];
	_ =	sdelay $0x4  }
0x299: {  	[tilespmem:s23+$0x17B00] =	vst v1  }
0x29a: {  	v1 =	vld [tilespmem:s28+$0x10];
	_ =	sdelay $0x4  }
0x29b: {  	s29 =	spop (v2sf);
	[tilespmem:s23+$0x17B10] =	vst v1  }
0x29c: {  	v1 =	vld [tilespmem:s29+$0x0];
	_ =	sdelay $0x4  }
0x29d: {  	[tilespmem:s23+$0x17B80] =	vst v1  }
0x29e: {  	v1 =	vld [tilespmem:s29+$0x10];
	(v2sf) =	vpush v0, $0x2;
	_ =	sdelay $0xb  }
0x29f: {  	(v2sf) =	vpush v0, $0x3;
	_ =	sdelay $0x2  }
0x2a0: {  	[tilespmem:s23+$0x17B90] =	vst v1;
	s26 =	spop (v2sf)  }
0x2a1: {  	v1 =	vld [tilespmem:s26+$0x0];
	_ =	sdelay $0x4  }
0x2a2: {  	[tilespmem:s23+$0x17C00] =	vst v1  }
0x2a3: {  	v1 =	vld [tilespmem:s26+$0x10];
	_ =	sdelay $0x1  }
0x2a4: {  	(v2sf) =	vpush v0, $0x4;
	_ =	sdelay $0x2  }
0x2a5: {  	s30 =	spop (v2sf);
	[tilespmem:s23+$0x17C10] =	vst v1  }
0x2a6: {  	v1 =	vld [tilespmem:s30+$0x0];
	_ =	sdelay $0x4  }
0x2a7: {  	[tilespmem:s23+$0x17C80] =	vst v1  }
0x2a8: {  	v1 =	vld [tilespmem:s30+$0x10];
	_ =	sdelay $0x1  }
0x2a9: {  	(v2sf) =	vpush v0, $0x5;
	_ =	sdelay $0x2  }
0x2aa: {  	s31 =	spop (v2sf);
	[tilespmem:s23+$0x17C90] =	vst v1  }
0x2ab: {  	v1 =	vld [tilespmem:s31+$0x0];
	_ =	sdelay $0x4  }
0x2ac: {  	[tilespmem:s23+$0x17D00] =	vst v1  }
0x2ad: {  	v1 =	vld [tilespmem:s31+$0x10];
	_ =	sdelay $0x1  }
0x2ae: {  	(v2sf) =	vpush v0, $0x6;
	_ =	sdelay $0x2  }
0x2af: {  	s28 =	spop (v2sf);
	[tilespmem:s23+$0x17D10] =	vst v1  }
0x2b0: {  	v1 =	vld [tilespmem:s28+$0x0];
	_ =	sdelay $0x4  }
0x2b1: {  	[tilespmem:s23+$0x17D80] =	vst v1  }
0x2b2: {  	v1 =	vld [tilespmem:s28+$0x10];
	_ =	sdelay $0x1  }
0x2b3: {  	(v2sf) =	vpush v0, $0x7;
	_ =	sdelay $0x2  }
0x2b4: {  	s29 =	spop (v2sf);
	[tilespmem:s23+$0x17D90] =	vst v1  }
0x2b5: {  	v1 =	vld [tilespmem:s29+$0x0];
	_ =	sdelay $0x4  }
0x2b6: {  	[tilespmem:s23+$0x17E00] =	vst v1  }
0x2b7: {  	v1 =	vld [tilespmem:s29+$0x10];
	_ =	sdelay $0x1  }
0x2b8: {  	(v2sf) =	vpush v0, $0x8;
	_ =	sdelay $0x2  }
0x2b9: {  	s30 =	spop (v2sf);
	[tilespmem:s23+$0x17E10] =	vst v1  }
0x2ba: {  	v1 =	vld [tilespmem:s30+$0x0];
	_ =	sdelay $0x4  }
0x2bb: {  	[tilespmem:s23+$0x17E80] =	vst v1  }
0x2bc: {  	v1 =	vld [tilespmem:s30+$0x10];
	_ =	sdelay $0x1  }
0x2bd: {  	(v2sf) =	vpush v0, $0x9;
	_ =	sdelay $0x2  }
0x2be: {  	s31 =	spop (v2sf);
	[tilespmem:s23+$0x17E90] =	vst v1  }
0x2bf: {  	v1 =	vld [tilespmem:s31+$0x0];
	_ =	sdelay $0x4  }
0x2c0: {  	[tilespmem:s23+$0x17F00] =	vst v1  }
0x2c1: {  	v1 =	vld [tilespmem:s31+$0x10];
	_ =	sdelay $0x1  }
0x2c2: {  	(v2sf) =	vpush v0, $0xA;
	_ =	sdelay $0x2  }
0x2c3: {  	s28 =	spop (v2sf);
	[tilespmem:s23+$0x17F10] =	vst v1  }
0x2c4: {  	v1 =	vld [tilespmem:s28+$0x0];
	_ =	sdelay $0x4  }
0x2c5: {  	[tilespmem:s23+$0x17F80] =	vst v1  }
0x2c6: {  	v1 =	vld [tilespmem:s28+$0x10];
	_ =	sdelay $0x1  }
0x2c7: {  	(v2sf) =	vpush v0, $0xB;
	_ =	sdelay $0x2  }
0x2c8: {  	s29 =	spop (v2sf);
	[tilespmem:s23+$0x17F90] =	vst v1  }
0x2c9: {  	v1 =	vld [tilespmem:s29+$0x0];
	_ =	sdelay $0x4  }
0x2ca: {  	[tilespmem:s23+$0x18000] =	vst v1  }
0x2cb: {  	v1 =	vld [tilespmem:s29+$0x10];
	_ =	sdelay $0x1  }
0x2cc: {  	(v2sf) =	vpush v0, $0xC;
	_ =	sdelay $0x2  }
0x2cd: {  	s30 =	spop (v2sf);
	[tilespmem:s23+$0x18010] =	vst v1  }
0x2ce: {  	v1 =	vld [tilespmem:s30+$0x0];
	_ =	sdelay $0x4  }
0x2cf: {  	[tilespmem:s23+$0x18080] =	vst v1  }
0x2d0: {  	v1 =	vld [tilespmem:s30+$0x10];
	_ =	sdelay $0x1  }
0x2d1: {  	(v2sf) =	vpush v0, $0xD;
	_ =	sdelay $0x2  }
0x2d2: {  	s31 =	spop (v2sf);
	[tilespmem:s23+$0x18090] =	vst v1  }
0x2d3: {  	v1 =	vld [tilespmem:s31+$0x0];
	_ =	sdelay $0x4  }
0x2d4: {  	[tilespmem:s23+$0x18100] =	vst v1  }
0x2d5: {  	v1 =	vld [tilespmem:s31+$0x10];
	_ =	sdelay $0x1  }
0x2d6: {  	(v2sf) =	vpush v0, $0xE;
	_ =	sdelay $0x2  }
0x2d7: {  	s28 =	spop (v2sf);
	[tilespmem:s23+$0x18110] =	vst v1  }
0x2d8: {  	v1 =	vld [tilespmem:s28+$0x0];
	_ =	sdelay $0x4  }
0x2d9: {  	[tilespmem:s23+$0x18180] =	vst v1  }
0x2da: {  	v1 =	vld [tilespmem:s28+$0x10];
	_ =	sdelay $0x1  }
0x2db: {  	(v2sf) =	vpush v0, $0xF;
	_ =	sdelay $0x2  }
0x2dc: {  	s29 =	spop (v2sf);
	[tilespmem:s23+$0x18190] =	vst v1  }
0x2dd: {  	v55 =	vld [tilespmem:s29+$0x0];
	_ =	sdelay $0x4  }
0x2de: {  	[tilespmem:s23+$0x18200] =	vst v55  }
0x2df: {  	v0 =	vld [tilespmem:s29+$0x10];
	_ =	sdelay $0x4  }
0x2e0: {  	s30 =	spop (v2sf);
	[tilespmem:s23+$0x18210] =	vst v0  }
0x2e1: {  	v0 =	vld [tilespmem:s30+$0x0];
	_ =	sdelay $0x4  }
0x2e2: {  	[tilespmem:s23+$0x18280] =	vst v0  }
0x2e3: {  	v0 =	vld [tilespmem:s30+$0x10];
	_ =	sdelay $0x4  }
0x2e4: {  	[tilespmem:s23+$0x18290] =	vst v0  }
0x2e5: {  	v0 =	vld [tilespmem:s25+$0x320];
	_ =	sdelay $0x4  }
0x2e6: {  	v0 =	vshll.u32 v0, $0x5  }
0x2e7: {  	(v2sf) =	vpush v0, $0x0;
	_ =	sdelay $0xb  }
0x2e8: {  	(v2sf) =	vpush v0, $0x1;
	_ =	sdelay $0x2  }
0x2e9: {  	s31 =	spop (v2sf)  }
0x2ea: {  	v1 =	vld [tilespmem:s31+$0x0];
	_ =	sdelay $0x4  }
0x2eb: {  	[tilespmem:s23+$0x18300] =	vst v1  }
0x2ec: {  	v1 =	vld [tilespmem:s31+$0x10];
	_ =	sdelay $0x1  }
0x2ed: {  	(v2sf) =	vpush v0, $0x2;
	_ =	sdelay $0x2  }
0x2ee: {  	s28 =	spop (v2sf);
	[tilespmem:s23+$0x18310] =	vst v1  }
0x2ef: {  	v1 =	vld [tilespmem:s28+$0x0];
	_ =	sdelay $0x4  }
0x2f0: {  	[tilespmem:s23+$0x18380] =	vst v1  }
0x2f1: {  	v1 =	vld [tilespmem:s28+$0x10];
	_ =	sdelay $0x1  }
0x2f2: {  	(v2sf) =	vpush v0, $0x3;
	_ =	sdelay $0x2  }
0x2f3: {  	s29 =	spop (v2sf);
	[tilespmem:s23+$0x18390] =	vst v1  }
0x2f4: {  	v1 =	vld [tilespmem:s29+$0x0];
	_ =	sdelay $0x4  }
0x2f5: {  	[tilespmem:s23+$0x18400] =	vst v1  }
0x2f6: {  	v1 =	vld [tilespmem:s29+$0x10];
	_ =	sdelay $0x1  }
0x2f7: {  	(v2sf) =	vpush v0, $0x4;
	_ =	sdelay $0x2  }
0x2f8: {  	s30 =	spop (v2sf);
	[tilespmem:s23+$0x18410] =	vst v1  }
0x2f9: {  	v1 =	vld [tilespmem:s30+$0x0];
	_ =	sdelay $0x4  }
0x2fa: {  	[tilespmem:s23+$0x18480] =	vst v1  }
0x2fb: {  	v1 =	vld [tilespmem:s30+$0x10];
	_ =	sdelay $0x1  }
0x2fc: {  	(v2sf) =	vpush v0, $0x5;
	_ =	sdelay $0x2  }
0x2fd: {  	s31 =	spop (v2sf);
	[tilespmem:s23+$0x18490] =	vst v1  }
0x2fe: {  	v1 =	vld [tilespmem:s31+$0x0];
	_ =	sdelay $0x4  }
0x2ff: {  	[tilespmem:s23+$0x18500] =	vst v1  }
0x300: {  	v1 =	vld [tilespmem:s31+$0x10];
	_ =	sdelay $0x1  }
0x301: {  	(v2sf) =	vpush v0, $0x6;
	_ =	sdelay $0x2  }
0x302: {  	s28 =	spop (v2sf);
	[tilespmem:s23+$0x18510] =	vst v1  }
0x303: {  	v1 =	vld [tilespmem:s28+$0x0];
	_ =	sdelay $0x4  }
0x304: {  	[tilespmem:s23+$0x18580] =	vst v1  }
0x305: {  	v1 =	vld [tilespmem:s28+$0x10];
	_ =	sdelay $0x1  }
0x306: {  	(v2sf) =	vpush v0, $0x7;
	_ =	sdelay $0x2  }
0x307: {  	s29 =	spop (v2sf);
	[tilespmem:s23+$0x18590] =	vst v1  }
0x308: {  	v1 =	vld [tilespmem:s29+$0x0];
	_ =	sdelay $0x4  }
0x309: {  	[tilespmem:s23+$0x18600] =	vst v1  }
0x30a: {  	v1 =	vld [tilespmem:s29+$0x10];
	_ =	sdelay $0x1  }
0x30b: {  	(v2sf) =	vpush v0, $0x8;
	_ =	sdelay $0x2  }
0x30c: {  	s30 =	spop (v2sf);
	[tilespmem:s23+$0x18610] =	vst v1  }
0x30d: {  	v1 =	vld [tilespmem:s30+$0x0];
	_ =	sdelay $0x4  }
0x30e: {  	[tilespmem:s23+$0x18680] =	vst v1  }
0x30f: {  	v1 =	vld [tilespmem:s30+$0x10];
	_ =	sdelay $0x1  }
0x310: {  	(v2sf) =	vpush v0, $0x9;
	_ =	sdelay $0x2  }
0x311: {  	s31 =	spop (v2sf);
	[tilespmem:s23+$0x18690] =	vst v1  }
0x312: {  	v1 =	vld [tilespmem:s31+$0x0];
	_ =	sdelay $0x4  }
0x313: {  	[tilespmem:s23+$0x18700] =	vst v1  }
0x314: {  	v1 =	vld [tilespmem:s31+$0x10];
	_ =	sdelay $0x1  }
0x315: {  	(v2sf) =	vpush v0, $0xA;
	_ =	sdelay $0x2  }
0x316: {  	s28 =	spop (v2sf);
	[tilespmem:s23+$0x18710] =	vst v1  }
0x317: {  	v1 =	vld [tilespmem:s28+$0x0];
	_ =	sdelay $0x4  }
0x318: {  	[tilespmem:s23+$0x18780] =	vst v1  }
0x319: {  	v1 =	vld [tilespmem:s28+$0x10];
	_ =	sdelay $0x1  }
0x31a: {  	(v2sf) =	vpush v0, $0xB;
	_ =	sdelay $0x2  }
0x31b: {  	s29 =	spop (v2sf);
	[tilespmem:s23+$0x18790] =	vst v1  }
0x31c: {  	v1 =	vld [tilespmem:s29+$0x0];
	_ =	sdelay $0x4  }
0x31d: {  	[tilespmem:s23+$0x18800] =	vst v1  }
0x31e: {  	v1 =	vld [tilespmem:s29+$0x10];
	_ =	sdelay $0x1  }
0x31f: {  	(v2sf) =	vpush v0, $0xC;
	_ =	sdelay $0x2  }
0x320: {  	s30 =	spop (v2sf);
	[tilespmem:s23+$0x18810] =	vst v1  }
0x321: {  	v1 =	vld [tilespmem:s30+$0x0];
	_ =	sdelay $0x4  }
0x322: {  	[tilespmem:s23+$0x18880] =	vst v1  }
0x323: {  	v1 =	vld [tilespmem:s30+$0x10];
	_ =	sdelay $0x1  }
0x324: {  	(v2sf) =	vpush v0, $0xD;
	_ =	sdelay $0x2  }
0x325: {  	s31 =	spop (v2sf);
	[tilespmem:s23+$0x18890] =	vst v1  }
0x326: {  	v1 =	vld [tilespmem:s31+$0x0];
	_ =	sdelay $0x4  }
0x327: {  	[tilespmem:s23+$0x18900] =	vst v1  }
0x328: {  	v1 =	vld [tilespmem:s31+$0x10];
	_ =	sdelay $0x1  }
0x329: {  	(v2sf) =	vpush v0, $0xE;
	_ =	sdelay $0x2  }
0x32a: {  	s28 =	spop (v2sf);
	[tilespmem:s23+$0x18910] =	vst v1  }
0x32b: {  	v1 =	vld [tilespmem:s28+$0x0];
	_ =	sdelay $0x4  }
0x32c: {  	[tilespmem:s23+$0x18980] =	vst v1  }
0x32d: {  	v1 =	vld [tilespmem:s28+$0x10];
	_ =	sdelay $0x1  }
0x32e: {  	(v2sf) =	vpush v0, $0xF;
	_ =	sdelay $0x2  }
0x32f: {  	s29 =	spop (v2sf);
	[tilespmem:s23+$0x18990] =	vst v1  }
0x330: {  	v56 =	vld [tilespmem:s29+$0x0];
	_ =	sdelay $0x4  }
0x331: {  	[tilespmem:s23+$0x18A00] =	vst v56  }
0x332: {  	v0 =	vld [tilespmem:s29+$0x10];
	_ =	sdelay $0x4  }
0x333: {  	s30 =	spop (v2sf);
	[tilespmem:s23+$0x18A10] =	vst v0  }
0x334: {  	v0 =	vld [tilespmem:s30+$0x0];
	_ =	sdelay $0x4  }
0x335: {  	[tilespmem:s23+$0x18A80] =	vst v0  }
0x336: {  	v0 =	vld [tilespmem:s30+$0x10];
	_ =	sdelay $0x3  }
0x337: {  	s31 =	sor.u32 $0x1, s24  }
0x338: {  	s29 =	sor.u32 s22, s31;
	[tilespmem:s23+$0x18A90] =	vst v0  }
0x339: {  	s30 =	sshll.u32 s29, $0x7;
	v0 =	vld [tilespmem:s25+$0x322]  }
0x33a: {  	s28 =	sand.u32 $0x3FFFFF80, s30  }
0x33b: {  	v57 =	vld [tilespmem:s28+$0x300];
	_ =	sdelay $0x2  }
0x33c: {  	v0 =	vshll.u32 v0, $0x5  }
0x33d: {  	(v2sf) =	vpush v0, $0xE  }
0x33e: {  	v58 =	vshll.u32 v57, $0x5;
	(v2sf) =	vpush v0, $0xF  }
0x33f: {  	(v2sf) =	vpush v58, $0x0;
	_ =	sdelay $0xb  }
0x340: {  	(v2sf) =	vpush v58, $0x1  }
0x341: {  	s26 =	spop (v2sf)  }
0x342: {  	s25 =	spop (v2sf)  }
0x343: {  	s29 =	spop (v2sf)  }
0x344: {  	v59 =	vld [tilespmem:s29+$0x0];
	_ =	sdelay $0x1  }
0x345: {  	s24 =	smul.u32 $0x7000, s31;
	_ =	sdelay $0x1  }
0x346: {  	s24 =	sshra.s32 s24, $0x2  }
0x347: {  	[tilespmem:s24+$0x17300] =	vst v59  }
0x348: {  	v1 =	vld [tilespmem:s29+$0x10];
	_ =	sdelay $0x1  }
0x349: {  	(v2sf) =	vpush v58, $0x2;
	_ =	sdelay $0x2  }
0x34a: {  	s31 =	spop (v2sf);
	[tilespmem:s24+$0x17310] =	vst v1  }
0x34b: {  	v1 =	vld [tilespmem:s31+$0x0];
	_ =	sdelay $0x4  }
0x34c: {  	[tilespmem:s24+$0x17380] =	vst v1  }
0x34d: {  	v1 =	vld [tilespmem:s31+$0x10];
	_ =	sdelay $0x1  }
0x34e: {  	(v2sf) =	vpush v58, $0x3;
	_ =	sdelay $0x2  }
0x34f: {  	s30 =	spop (v2sf);
	[tilespmem:s24+$0x17390] =	vst v1  }
0x350: {  	v1 =	vld [tilespmem:s30+$0x0];
	_ =	sdelay $0x4  }
0x351: {  	[tilespmem:s24+$0x17400] =	vst v1  }
0x352: {  	v1 =	vld [tilespmem:s30+$0x10];
	_ =	sdelay $0x1  }
0x353: {  	(v2sf) =	vpush v58, $0x4;
	_ =	sdelay $0x2  }
0x354: {  	s31 =	spop (v2sf);
	[tilespmem:s24+$0x17410] =	vst v1  }
0x355: {  	v1 =	vld [tilespmem:s31+$0x0];
	_ =	sdelay $0x4  }
0x356: {  	[tilespmem:s24+$0x17480] =	vst v1  }
0x357: {  	v1 =	vld [tilespmem:s31+$0x10];
	_ =	sdelay $0x1  }
0x358: {  	(v2sf) =	vpush v58, $0x5;
	_ =	sdelay $0x2  }
0x359: {  	s30 =	spop (v2sf);
	[tilespmem:s24+$0x17490] =	vst v1  }
0x35a: {  	v1 =	vld [tilespmem:s30+$0x0];
	_ =	sdelay $0x4  }
0x35b: {  	[tilespmem:s24+$0x17500] =	vst v1  }
0x35c: {  	v1 =	vld [tilespmem:s30+$0x10];
	_ =	sdelay $0x1  }
0x35d: {  	(v2sf) =	vpush v58, $0x6;
	_ =	sdelay $0x2  }
0x35e: {  	s31 =	spop (v2sf);
	[tilespmem:s24+$0x17510] =	vst v1  }
0x35f: {  	v1 =	vld [tilespmem:s31+$0x0];
	_ =	sdelay $0x4  }
0x360: {  	[tilespmem:s24+$0x17580] =	vst v1  }
0x361: {  	v1 =	vld [tilespmem:s31+$0x10];
	_ =	sdelay $0x1  }
0x362: {  	(v2sf) =	vpush v58, $0x7;
	_ =	sdelay $0x2  }
0x363: {  	s30 =	spop (v2sf);
	[tilespmem:s24+$0x17590] =	vst v1  }
0x364: {  	v1 =	vld [tilespmem:s30+$0x0];
	_ =	sdelay $0x4  }
0x365: {  	[tilespmem:s24+$0x17600] =	vst v1  }
0x366: {  	v1 =	vld [tilespmem:s30+$0x10];
	_ =	sdelay $0x1  }
0x367: {  	(v2sf) =	vpush v58, $0x8;
	_ =	sdelay $0x2  }
0x368: {  	s31 =	spop (v2sf);
	[tilespmem:s24+$0x17610] =	vst v1  }
0x369: {  	v1 =	vld [tilespmem:s31+$0x0];
	_ =	sdelay $0x4  }
0x36a: {  	[tilespmem:s24+$0x17680] =	vst v1  }
0x36b: {  	v1 =	vld [tilespmem:s31+$0x10];
	_ =	sdelay $0x1  }
0x36c: {  	(v2sf) =	vpush v58, $0x9;
	_ =	sdelay $0x2  }
0x36d: {  	s30 =	spop (v2sf);
	[tilespmem:s24+$0x17690] =	vst v1  }
0x36e: {  	v1 =	vld [tilespmem:s30+$0x0];
	_ =	sdelay $0x4  }
0x36f: {  	[tilespmem:s24+$0x17700] =	vst v1  }
0x370: {  	v1 =	vld [tilespmem:s30+$0x10];
	_ =	sdelay $0x1  }
0x371: {  	(v2sf) =	vpush v58, $0xA;
	_ =	sdelay $0x2  }
0x372: {  	s31 =	spop (v2sf);
	[tilespmem:s24+$0x17710] =	vst v1  }
0x373: {  	v1 =	vld [tilespmem:s31+$0x0];
	_ =	sdelay $0x4  }
0x374: {  	[tilespmem:s24+$0x17780] =	vst v1  }
0x375: {  	v1 =	vld [tilespmem:s31+$0x10];
	_ =	sdelay $0x1  }
0x376: {  	(v2sf) =	vpush v58, $0xB;
	_ =	sdelay $0x2  }
0x377: {  	s30 =	spop (v2sf);
	[tilespmem:s24+$0x17790] =	vst v1  }
0x378: {  	v1 =	vld [tilespmem:s30+$0x0];
	_ =	sdelay $0x4  }
0x379: {  	[tilespmem:s24+$0x17800] =	vst v1  }
0x37a: {  	v1 =	vld [tilespmem:s30+$0x10];
	_ =	sdelay $0x1  }
0x37b: {  	(v2sf) =	vpush v58, $0xC;
	_ =	sdelay $0x2  }
0x37c: {  	s31 =	spop (v2sf);
	[tilespmem:s24+$0x17810] =	vst v1  }
0x37d: {  	v1 =	vld [tilespmem:s31+$0x0];
	_ =	sdelay $0x4  }
0x37e: {  	[tilespmem:s24+$0x17880] =	vst v1  }
0x37f: {  	v1 =	vld [tilespmem:s31+$0x10];
	_ =	sdelay $0x1  }
0x380: {  	(v2sf) =	vpush v58, $0xD;
	_ =	sdelay $0x2  }
0x381: {  	s30 =	spop (v2sf);
	[tilespmem:s24+$0x17890] =	vst v1  }
0x382: {  	v1 =	vld [tilespmem:s30+$0x0];
	_ =	sdelay $0x4  }
0x383: {  	[tilespmem:s24+$0x17900] =	vst v1  }
0x384: {  	v1 =	vld [tilespmem:s30+$0x10];
	_ =	sdelay $0x1  }
0x385: {  	(v2sf) =	vpush v58, $0xE;
	_ =	sdelay $0x2  }
0x386: {  	s31 =	spop (v2sf);
	[tilespmem:s24+$0x17910] =	vst v1  }
0x387: {  	v1 =	vld [tilespmem:s31+$0x0];
	_ =	sdelay $0x4  }
0x388: {  	[tilespmem:s24+$0x17980] =	vst v1  }
0x389: {  	v1 =	vld [tilespmem:s31+$0x10];
	_ =	sdelay $0x1  }
0x38a: {  	(v2sf) =	vpush v58, $0xF;
	_ =	sdelay $0x2  }
0x38b: {  	s30 =	spop (v2sf);
	[tilespmem:s24+$0x17990] =	vst v1  }
0x38c: {  	v60 =	vld [tilespmem:s30+$0x0];
	_ =	sdelay $0x4  }
0x38d: {  	[tilespmem:s24+$0x17A00] =	vst v60  }
0x38e: {  	v0 =	vld [tilespmem:s30+$0x10];
	_ =	sdelay $0x4  }
0x38f: {  	s31 =	spop (v2sf);
	[tilespmem:s24+$0x17A10] =	vst v0  }
0x390: {  	v0 =	vld [tilespmem:s31+$0x0];
	_ =	sdelay $0x4  }
0x391: {  	[tilespmem:s24+$0x17A80] =	vst v0  }
0x392: {  	v0 =	vld [tilespmem:s31+$0x10];
	_ =	sdelay $0x4  }
0x393: {  	[tilespmem:s24+$0x17A90] =	vst v0  }
0x394: {  	v0 =	vld [tilespmem:s28+$0x310];
	_ =	sdelay $0x4  }
0x395: {  	v0 =	vshll.u32 v0, $0x5  }
0x396: {  	(v2sf) =	vpush v0, $0x0;
	_ =	sdelay $0xb  }
0x397: {  	(v2sf) =	vpush v0, $0x1;
	_ =	sdelay $0x2  }
0x398: {  	s30 =	spop (v2sf)  }
0x399: {  	v1 =	vld [tilespmem:s30+$0x0];
	_ =	sdelay $0x4  }
0x39a: {  	[tilespmem:s24+$0x17B00] =	vst v1  }
0x39b: {  	v1 =	vld [tilespmem:s30+$0x10];
	_ =	sdelay $0x1  }
0x39c: {  	(v2sf) =	vpush v0, $0x2;
	_ =	sdelay $0x2  }
0x39d: {  	s31 =	spop (v2sf);
	[tilespmem:s24+$0x17B10] =	vst v1  }
0x39e: {  	v1 =	vld [tilespmem:s31+$0x0];
	_ =	sdelay $0x4  }
0x39f: {  	[tilespmem:s24+$0x17B80] =	vst v1  }
0x3a0: {  	v1 =	vld [tilespmem:s31+$0x10];
	_ =	sdelay $0x1  }
0x3a1: {  	(v2sf) =	vpush v0, $0x3;
	_ =	sdelay $0x2  }
0x3a2: {  	s30 =	spop (v2sf);
	[tilespmem:s24+$0x17B90] =	vst v1  }
0x3a3: {  	v1 =	vld [tilespmem:s30+$0x0];
	_ =	sdelay $0x4  }
0x3a4: {  	[tilespmem:s24+$0x17C00] =	vst v1  }
0x3a5: {  	v1 =	vld [tilespmem:s30+$0x10];
	_ =	sdelay $0x1  }
0x3a6: {  	(v2sf) =	vpush v0, $0x4;
	_ =	sdelay $0x2  }
0x3a7: {  	s31 =	spop (v2sf);
	[tilespmem:s24+$0x17C10] =	vst v1  }
0x3a8: {  	v1 =	vld [tilespmem:s31+$0x0];
	_ =	sdelay $0x4  }
0x3a9: {  	[tilespmem:s24+$0x17C80] =	vst v1  }
0x3aa: {  	v1 =	vld [tilespmem:s31+$0x10];
	_ =	sdelay $0x1  }
0x3ab: {  	(v2sf) =	vpush v0, $0x5;
	_ =	sdelay $0x2  }
0x3ac: {  	s30 =	spop (v2sf);
	[tilespmem:s24+$0x17C90] =	vst v1  }
0x3ad: {  	v1 =	vld [tilespmem:s30+$0x0];
	_ =	sdelay $0x4  }
0x3ae: {  	[tilespmem:s24+$0x17D00] =	vst v1  }
0x3af: {  	v1 =	vld [tilespmem:s30+$0x10];
	_ =	sdelay $0x1  }
0x3b0: {  	(v2sf) =	vpush v0, $0x6;
	_ =	sdelay $0x2  }
0x3b1: {  	s31 =	spop (v2sf);
	[tilespmem:s24+$0x17D10] =	vst v1  }
0x3b2: {  	v1 =	vld [tilespmem:s31+$0x0];
	_ =	sdelay $0x4  }
0x3b3: {  	[tilespmem:s24+$0x17D80] =	vst v1  }
0x3b4: {  	v1 =	vld [tilespmem:s31+$0x10];
	_ =	sdelay $0x1  }
0x3b5: {  	(v2sf) =	vpush v0, $0x7;
	_ =	sdelay $0x2  }
0x3b6: {  	s30 =	spop (v2sf);
	[tilespmem:s24+$0x17D90] =	vst v1  }
0x3b7: {  	v1 =	vld [tilespmem:s30+$0x0];
	_ =	sdelay $0x4  }
0x3b8: {  	[tilespmem:s24+$0x17E00] =	vst v1  }
0x3b9: {  	v1 =	vld [tilespmem:s30+$0x10];
	_ =	sdelay $0x1  }
0x3ba: {  	(v2sf) =	vpush v0, $0x8;
	_ =	sdelay $0x2  }
0x3bb: {  	s31 =	spop (v2sf);
	[tilespmem:s24+$0x17E10] =	vst v1  }
0x3bc: {  	v1 =	vld [tilespmem:s31+$0x0];
	_ =	sdelay $0x4  }
0x3bd: {  	[tilespmem:s24+$0x17E80] =	vst v1  }
0x3be: {  	v1 =	vld [tilespmem:s31+$0x10];
	_ =	sdelay $0x1  }
0x3bf: {  	(v2sf) =	vpush v0, $0x9;
	_ =	sdelay $0x2  }
0x3c0: {  	s30 =	spop (v2sf);
	[tilespmem:s24+$0x17E90] =	vst v1  }
0x3c1: {  	v1 =	vld [tilespmem:s30+$0x0];
	_ =	sdelay $0x4  }
0x3c2: {  	[tilespmem:s24+$0x17F00] =	vst v1  }
0x3c3: {  	v1 =	vld [tilespmem:s30+$0x10];
	_ =	sdelay $0x1  }
0x3c4: {  	(v2sf) =	vpush v0, $0xA;
	_ =	sdelay $0x2  }
0x3c5: {  	s31 =	spop (v2sf);
	[tilespmem:s24+$0x17F10] =	vst v1  }
0x3c6: {  	v1 =	vld [tilespmem:s31+$0x0];
	_ =	sdelay $0x4  }
0x3c7: {  	[tilespmem:s24+$0x17F80] =	vst v1  }
0x3c8: {  	v1 =	vld [tilespmem:s31+$0x10];
	_ =	sdelay $0x1  }
0x3c9: {  	(v2sf) =	vpush v0, $0xB;
	_ =	sdelay $0x2  }
0x3ca: {  	s30 =	spop (v2sf);
	[tilespmem:s24+$0x17F90] =	vst v1  }
0x3cb: {  	v1 =	vld [tilespmem:s30+$0x0];
	_ =	sdelay $0x4  }
0x3cc: {  	[tilespmem:s24+$0x18000] =	vst v1  }
0x3cd: {  	v1 =	vld [tilespmem:s30+$0x10];
	_ =	sdelay $0x1  }
0x3ce: {  	(v2sf) =	vpush v0, $0xC;
	_ =	sdelay $0x2  }
0x3cf: {  	s31 =	spop (v2sf);
	[tilespmem:s24+$0x18010] =	vst v1  }
0x3d0: {  	v1 =	vld [tilespmem:s31+$0x0];
	_ =	sdelay $0x4  }
0x3d1: {  	[tilespmem:s24+$0x18080] =	vst v1  }
0x3d2: {  	v1 =	vld [tilespmem:s31+$0x10];
	_ =	sdelay $0x1  }
0x3d3: {  	(v2sf) =	vpush v0, $0xD;
	_ =	sdelay $0x2  }
0x3d4: {  	s30 =	spop (v2sf);
	[tilespmem:s24+$0x18090] =	vst v1  }
0x3d5: {  	v1 =	vld [tilespmem:s30+$0x0];
	_ =	sdelay $0x4  }
0x3d6: {  	[tilespmem:s24+$0x18100] =	vst v1  }
0x3d7: {  	v1 =	vld [tilespmem:s30+$0x10];
	_ =	sdelay $0x1  }
0x3d8: {  	(v2sf) =	vpush v0, $0xE;
	_ =	sdelay $0x2  }
0x3d9: {  	s31 =	spop (v2sf);
	[tilespmem:s24+$0x18110] =	vst v1  }
0x3da: {  	v1 =	vld [tilespmem:s31+$0x0];
	_ =	sdelay $0x4  }
0x3db: {  	[tilespmem:s24+$0x18180] =	vst v1  }
0x3dc: {  	v1 =	vld [tilespmem:s31+$0x10];
	_ =	sdelay $0x1  }
0x3dd: {  	(v2sf) =	vpush v0, $0xF;
	_ =	sdelay $0x2  }
0x3de: {  	s30 =	spop (v2sf);
	[tilespmem:s24+$0x18190] =	vst v1  }
0x3df: {  	v61 =	vld [tilespmem:s30+$0x0];
	_ =	sdelay $0x4  }
0x3e0: {  	[tilespmem:s24+$0x18200] =	vst v61  }
0x3e1: {  	v0 =	vld [tilespmem:s30+$0x10];
	_ =	sdelay $0x4  }
0x3e2: {  	s31 =	spop (v2sf);
	[tilespmem:s24+$0x18210] =	vst v0  }
0x3e3: {  	v0 =	vld [tilespmem:s31+$0x0];
	_ =	sdelay $0x4  }
0x3e4: {  	[tilespmem:s24+$0x18280] =	vst v0  }
0x3e5: {  	v0 =	vld [tilespmem:s31+$0x10];
	_ =	sdelay $0x4  }
0x3e6: {  	[tilespmem:s24+$0x18290] =	vst v0  }
0x3e7: {  	v0 =	vld [tilespmem:s28+$0x320];
	_ =	sdelay $0x4  }
0x3e8: {  	v0 =	vshll.u32 v0, $0x5  }
0x3e9: {  	(v2sf) =	vpush v0, $0x0;
	_ =	sdelay $0xb  }
0x3ea: {  	(v2sf) =	vpush v0, $0x1;
	_ =	sdelay $0x2  }
0x3eb: {  	s30 =	spop (v2sf)  }
0x3ec: {  	v1 =	vld [tilespmem:s30+$0x0];
	_ =	sdelay $0x4  }
0x3ed: {  	[tilespmem:s24+$0x18300] =	vst v1  }
0x3ee: {  	v1 =	vld [tilespmem:s30+$0x10];
	_ =	sdelay $0x1  }
0x3ef: {  	(v2sf) =	vpush v0, $0x2;
	_ =	sdelay $0x2  }
0x3f0: {  	s31 =	spop (v2sf);
	[tilespmem:s24+$0x18310] =	vst v1  }
0x3f1: {  	v1 =	vld [tilespmem:s31+$0x0];
	_ =	sdelay $0x4  }
0x3f2: {  	[tilespmem:s24+$0x18380] =	vst v1  }
0x3f3: {  	v1 =	vld [tilespmem:s31+$0x10];
	_ =	sdelay $0x1  }
0x3f4: {  	(v2sf) =	vpush v0, $0x3;
	_ =	sdelay $0x2  }
0x3f5: {  	s30 =	spop (v2sf);
	[tilespmem:s24+$0x18390] =	vst v1  }
0x3f6: {  	v1 =	vld [tilespmem:s30+$0x0];
	_ =	sdelay $0x4  }
0x3f7: {  	[tilespmem:s24+$0x18400] =	vst v1  }
0x3f8: {  	v1 =	vld [tilespmem:s30+$0x10];
	_ =	sdelay $0x1  }
0x3f9: {  	(v2sf) =	vpush v0, $0x4;
	_ =	sdelay $0x2  }
0x3fa: {  	s31 =	spop (v2sf);
	[tilespmem:s24+$0x18410] =	vst v1  }
0x3fb: {  	v1 =	vld [tilespmem:s31+$0x0];
	_ =	sdelay $0x4  }
0x3fc: {  	[tilespmem:s24+$0x18480] =	vst v1  }
0x3fd: {  	v1 =	vld [tilespmem:s31+$0x10];
	_ =	sdelay $0x1  }
0x3fe: {  	(v2sf) =	vpush v0, $0x5;
	_ =	sdelay $0x2  }
0x3ff: {  	s30 =	spop (v2sf);
	[tilespmem:s24+$0x18490] =	vst v1  }
0x400: {  	v1 =	vld [tilespmem:s30+$0x0];
	_ =	sdelay $0x4  }
0x401: {  	[tilespmem:s24+$0x18500] =	vst v1  }
0x402: {  	v1 =	vld [tilespmem:s30+$0x10];
	_ =	sdelay $0x1  }
0x403: {  	(v2sf) =	vpush v0, $0x6;
	_ =	sdelay $0x2  }
0x404: {  	s31 =	spop (v2sf);
	[tilespmem:s24+$0x18510] =	vst v1  }
0x405: {  	v1 =	vld [tilespmem:s31+$0x0];
	_ =	sdelay $0x4  }
0x406: {  	[tilespmem:s24+$0x18580] =	vst v1  }
0x407: {  	v1 =	vld [tilespmem:s31+$0x10];
	_ =	sdelay $0x1  }
0x408: {  	(v2sf) =	vpush v0, $0x7;
	_ =	sdelay $0x2  }
0x409: {  	s30 =	spop (v2sf);
	[tilespmem:s24+$0x18590] =	vst v1  }
0x40a: {  	v1 =	vld [tilespmem:s30+$0x0];
	_ =	sdelay $0x4  }
0x40b: {  	[tilespmem:s24+$0x18600] =	vst v1  }
0x40c: {  	v1 =	vld [tilespmem:s30+$0x10];
	_ =	sdelay $0x1  }
0x40d: {  	(v2sf) =	vpush v0, $0x8;
	_ =	sdelay $0x2  }
0x40e: {  	s31 =	spop (v2sf);
	[tilespmem:s24+$0x18610] =	vst v1  }
0x40f: {  	v1 =	vld [tilespmem:s31+$0x0];
	_ =	sdelay $0x4  }
0x410: {  	[tilespmem:s24+$0x18680] =	vst v1  }
0x411: {  	v1 =	vld [tilespmem:s31+$0x10];
	_ =	sdelay $0x1  }
0x412: {  	(v2sf) =	vpush v0, $0x9;
	_ =	sdelay $0x2  }
0x413: {  	s30 =	spop (v2sf);
	[tilespmem:s24+$0x18690] =	vst v1  }
0x414: {  	v1 =	vld [tilespmem:s30+$0x0];
	_ =	sdelay $0x4  }
0x415: {  	[tilespmem:s24+$0x18700] =	vst v1  }
0x416: {  	v1 =	vld [tilespmem:s30+$0x10];
	_ =	sdelay $0x1  }
0x417: {  	(v2sf) =	vpush v0, $0xA;
	_ =	sdelay $0x2  }
0x418: {  	s31 =	spop (v2sf);
	[tilespmem:s24+$0x18710] =	vst v1  }
0x419: {  	v1 =	vld [tilespmem:s31+$0x0];
	_ =	sdelay $0x4  }
0x41a: {  	[tilespmem:s24+$0x18780] =	vst v1  }
0x41b: {  	v1 =	vld [tilespmem:s31+$0x10];
	_ =	sdelay $0x1  }
0x41c: {  	(v2sf) =	vpush v0, $0xB;
	_ =	sdelay $0x2  }
0x41d: {  	s30 =	spop (v2sf);
	[tilespmem:s24+$0x18790] =	vst v1  }
0x41e: {  	v1 =	vld [tilespmem:s30+$0x0];
	_ =	sdelay $0x4  }
0x41f: {  	[tilespmem:s24+$0x18800] =	vst v1  }
0x420: {  	v1 =	vld [tilespmem:s30+$0x10];
	_ =	sdelay $0x1  }
0x421: {  	(v2sf) =	vpush v0, $0xC;
	_ =	sdelay $0x2  }
0x422: {  	s31 =	spop (v2sf);
	[tilespmem:s24+$0x18810] =	vst v1  }
0x423: {  	v1 =	vld [tilespmem:s31+$0x0];
	_ =	sdelay $0x4  }
0x424: {  	[tilespmem:s24+$0x18880] =	vst v1  }
0x425: {  	v1 =	vld [tilespmem:s31+$0x10];
	_ =	sdelay $0x1  }
0x426: {  	(v2sf) =	vpush v0, $0xD;
	_ =	sdelay $0x2  }
0x427: {  	s30 =	spop (v2sf);
	[tilespmem:s24+$0x18890] =	vst v1  }
0x428: {  	v1 =	vld [tilespmem:s30+$0x0];
	_ =	sdelay $0x4  }
0x429: {  	[tilespmem:s24+$0x18900] =	vst v1  }
0x42a: {  	v1 =	vld [tilespmem:s30+$0x10];
	_ =	sdelay $0x1  }
0x42b: {  	(v2sf) =	vpush v0, $0xE;
	_ =	sdelay $0x2  }
0x42c: {  	s31 =	spop (v2sf);
	[tilespmem:s24+$0x18910] =	vst v1  }
0x42d: {  	v1 =	vld [tilespmem:s31+$0x0];
	_ =	sdelay $0x4  }
0x42e: {  	[tilespmem:s24+$0x18980] =	vst v1  }
0x42f: {  	v1 =	vld [tilespmem:s31+$0x10];
	_ =	sdelay $0x1  }
0x430: {  	(v2sf) =	vpush v0, $0xF;
	_ =	sdelay $0x2  }
0x431: {  	s30 =	spop (v2sf);
	[tilespmem:s24+$0x18990] =	vst v1  }
0x432: {  	v62 =	vld [tilespmem:s30+$0x0];
	_ =	sdelay $0x4  }
0x433: {  	[tilespmem:s24+$0x18A00] =	vst v62  }
0x434: {  	v0 =	vld [tilespmem:s30+$0x10];
	_ =	sdelay $0x4  }
0x435: {  	s31 =	spop (v2sf);
	[tilespmem:s24+$0x18A10] =	vst v0  }
0x436: {  	v0 =	vld [tilespmem:s31+$0x0];
	_ =	sdelay $0x4  }
0x437: {  	[tilespmem:s24+$0x18A80] =	vst v0  }
0x438: {  	v0 =	vld [tilespmem:s31+$0x10];
	_ =	sdelay $0x4  }
0x439: {  	[tilespmem:s24+$0x18A90] =	vst v0  }
0x43a: {  	v0 =	vld [tilespmem:s28+$0x322];
	_ =	sdelay $0x4  }
0x43b: {  	v0 =	vshll.u32 v0, $0x5  }
0x43c: {  	(v2sf) =	vpush v0, $0xE;
	_ =	sdelay $0xb  }
0x43d: {  	(v2sf) =	vpush v0, $0xF;
	_ =	sdelay $0x2  }
0x43e: {  	v63 =	vld [tilespmem:s26+$0x0];
	s30 =	spop (v2sf)  }
0x43f: {  	v1 =	vld [tilespmem:s30+$0x0];
	_ =	sdelay $0x3  }
0x440: {  	[tilespmem:s23+$0x18B00] =	vst v63  }
0x441: {  	v0 =	vld [tilespmem:s26+$0x10];
	[tilespmem:s24+$0x18B00] =	vst v1  }
0x442: {  	v1 =	vld [tilespmem:s30+$0x10];
	_ =	sdelay $0x3  }
0x443: {  	[tilespmem:s23+$0x18B10] =	vst v0  }
0x444: {  	v0 =	vld [tilespmem:s25+$0x0];
	s31 =	spop (v2sf);
	[tilespmem:s24+$0x18B10] =	vst v1  }
0x445: {  	v1 =	vld [tilespmem:s31+$0x0];
	_ =	sdelay $0x3  }
0x446: {  	[tilespmem:s23+$0x18B80] =	vst v0  }
0x447: {  	v0 =	vld [tilespmem:s25+$0x10];
	[tilespmem:s24+$0x18B80] =	vst v1  }
0x448: {  	p1 =	por p0, p0;
	v1 =	vld [tilespmem:s31+$0x10]  }
.Ltmp1:
0x449: {  	_ = 	snop;
	(pc) =	sbr.rel @p1 .LBB2_5-.Ltmp1, $3  }
0x44a: {  	_ =	sdelay $0x1  }
0x44b: {  	[tilespmem:s23+$0x18B90] =	vst v0  }
0x44c: {  	p0 =	por $0x0, $0x0;
	[tilespmem:s24+$0x18B90] =	vst v1;
	s24 =	simm.s32 $0x2  }
0x44d: {  	s22 =	sadd.s32 s4, s22  }
0x44e: {  	s22 =	smul.u32 $0x380, s22;
	_ =	sdelay $0x1  }
0x44f: {  	s21 =	sadd.s32 $0x1, s21;
	s22 =	sadd.s32 s5, s22  }
0x450: {  	[hbm4b:s22+s2] =	stream.linear.scatter [tilespmem:s14], [sflag:$0x2], $0x1900, $0x38;
	[tilespmem:$0x1E300] =	vst v63  }
0x451: {  	p0 =	sne.s32 s21, $0x40;
	s23 =	sadd.s32 $0x380, s22  }
0x452: {  	[hbm4b:s23+s2] =	stream.linear.scatter [tilespmem:s15], [sflag:$0x2], $0x1900, $0x38;
	[tilespmem:$0x1E300] =	vst v63  }
.Ltmp2:
0x453: {  	_ = 	snop;
	(pc) =	sbr.rel @p0 .LBB2_2-.Ltmp2, $4  }
0x454: {  	s31 =	sadd.s32 $0x700, s22  }
0x455: {  	[hbm4b:s31+s2] =	stream.linear.scatter [tilespmem:s16], [sflag:$0x2], $0x1900, $0x38;
	[tilespmem:$0x1E300] =	vst v63  }
0x456: {  	s22 =	sadd.s32 $0xA80, s22  }
0x457: {  	[hbm4b:s22+s2] =	stream.linear.scatter [tilespmem:s17], [sflag:$0x2], $0x1900, $0x38;
	[tilespmem:$0x1E300] =	vst v63  }
0x458: {  	s20 =	sadd.s32 $0x1, s20  }
0x459: {  	_ =	swait.ge [sflag:s18], $0x6400;
	p0 =	sne.s32 s20, s7  }
.Ltmp3:
0x45a: {  	[sflag:s18] =	ssyncset.done $0x0;
	(pc) =	sbr.rel @p0 .LBB2_1-.Ltmp3, $4  }
0x45b: {  	[sflag:s18] =	ssyncadd.s32 $0xFFFF9C00  }
0x45c: {  	_ =	swait.ge [sflag:s19], $0x6400  }
0x45d: {  	[sflag:s19] =	ssyncset.done $0x0  }
0x45e: {  	[sflag:s19] =	ssyncadd.s32 $0xFFFF9C00  }
0x45f: {  	_ =	sfence.sel $0x180000  }
0x460: {  	[bflag:$0x0] =	sbarrier.arrive $0xFFFF  }
0x461: {  	p0 =	sne.s32 s1, $0x0;
	_ =	strace $0x90000047  }
0x462: {  	s0 =	sadd.s32 @!p0 $0x100000, s0;
	[bflag:$0x2] =	sbarrier.arrive $0xFFFF  }
0x463: {  	[sflag:s0] =	ssyncadd.tile.s32 @!p0 $0x1;
	_ =	shalt  }
.Lfunc_end2:
_tile_overlayer_lowered:
.L_overlay_start_2:
0x464: {  	(tag) =	ssettag $0x2  }
0x465: {  	s0 =	rddreg [dreg:$0x0];
	s2 =	stileid.u32  }
0x466: {  	s1 =	rddreg [dreg:$0x1];
	p0 =	sne.s32 s2, $0x0  }
0x467: {  	s3 =	rddreg [dreg:$0x2];
	[bflag:$0x3] =	sbarrier.arrive $0xFFFF;
	s2 =	simm.s32 @!p0 $0x1C03  }
0x468: {  	[timem:s3], [sflag:s2] =	dma.local @!p0 [hbm:s0], s1  }
0x469: {  	s0 =	simm.s32 @!p0 $0x3  }
0x46a: {  	_ =	swait.ge @!p0 [sflag:s0], s1  }
0x46b: {  	s1 =	ssub.s32 @!p0 $0x0, s1;
	[sflag:s0] =	ssyncset.done @!p0 $0x0  }
0x46c: {  	[sflag:s0] =	ssyncadd.s32 @!p0 s1  }
0x46d: {  	[bflag:$0x3] =	sbarrier.arrive $0xFFFF  }
0x46e: {  	_ =	shalt  }

</sc_bundles>
